<compile_context>
chip_gen: v7x
topology: tpu7x:2x2x1
jax: 0.10.2.dev20260603
libtpu: 0.0.44.dev20260713+nightly
codegen_flags: <defaults>
</compile_context>

<pallas_src>
import functools

import jax
import jax.numpy as jnp
from jax import lax
from jax.experimental import pallas as pl
from jax.experimental.pallas import tpu as pltpu, tpu_sc as plsc

N = 10000
NPAD = 10240
E = 320000
H = 8
D = 16
F = 128
FH = 64
CH = 128
NCH = 157
EPT = NCH * CH
NT = 16
ROWS_PT = NPAD // NT



def _expand_mat():
    col_h = lax.broadcasted_iota(jnp.int32, (16, F), 1) // D
    row = lax.broadcasted_iota(jnp.int32, (16, F), 0)
    return (col_h == row).astype(jnp.float32)


def _norm_relu(u, den):
    denx = jnp.dot(den, _expand_mat(), preferred_element_type=jnp.float32)
    return jnp.maximum(u / jnp.maximum(denx, 1e-16), 0.0)


def _proj_body(do_norm, u_ref, den_ref, w_ref, b_ref, ss_ref, sd_ref,
               h_ref, as_ref, ad_ref):
    u = jnp.concatenate([u_ref[0, 0], u_ref[0, 1]], axis=1)
    if do_norm:
        u = _norm_relu(u, den_ref[0])
    h = jnp.dot(u, w_ref[0], preferred_element_type=jnp.float32) + b_ref[0]
    h_ref[0, 0] = h[:, :FH]
    h_ref[0, 1] = h[:, FH:]
    as_ref[0] = jnp.dot(h, ss_ref[0], preferred_element_type=jnp.float32)
    ad_ref[0] = jnp.dot(h, sd_ref[0], preferred_element_type=jnp.float32)


def _proj(u4, den2, w2, b2, ss2, sd2, do_norm):
    R = 256
    if do_norm:
        umap = lambda t, r: (1 - t, 0, r, 0)
        dmap = lambda t, r: (1 - t, r, 0)
    else:
        umap = lambda t, r: (t, 0, r, 0)
        dmap = lambda t, r: (t, r, 0)
    return pl.pallas_call(
        functools.partial(_proj_body, do_norm),
        grid=(2, NPAD // R),
        in_specs=[
            pl.BlockSpec((1, 2, R, FH), umap),
            pl.BlockSpec((1, R, 16), dmap),
            pl.BlockSpec((1, F, F), lambda t, r: (t, 0, 0)),
            pl.BlockSpec((1, 1, F), lambda t, r: (t, 0, 0)),
            pl.BlockSpec((1, F, 16), lambda t, r: (t, 0, 0)),
            pl.BlockSpec((1, F, 16), lambda t, r: (t, 0, 0)),
        ],
        out_specs=[
            pl.BlockSpec((1, 2, R, FH), lambda t, r: (t, 0, r, 0)),
            pl.BlockSpec((1, R, 16), lambda t, r: (t, r, 0)),
            pl.BlockSpec((1, R, 16), lambda t, r: (t, r, 0)),
        ],
        out_shape=[
            jax.ShapeDtypeStruct((2, 2, NPAD, FH), jnp.float32),
            jax.ShapeDtypeStruct((2, NPAD, 16), jnp.float32),
            jax.ShapeDtypeStruct((2, NPAD, 16), jnp.float32),
        ],
    )(u4, den2, w2, b2, ss2, sd2)


def _finalize_body(u_ref, den_ref, x_ref):
    u = jnp.concatenate([u_ref[0, 0], u_ref[0, 1]], axis=1)
    x_ref[0] = _norm_relu(u, den_ref[0])


def _finalize(u4, den2):
    R = 256
    return pl.pallas_call(
        _finalize_body,
        grid=(2, NPAD // R),
        in_specs=[
            pl.BlockSpec((1, 2, R, FH), lambda t, r: (1 - t, 0, r, 0)),
            pl.BlockSpec((1, R, 16), lambda t, r: (1 - t, r, 0)),
        ],
        out_specs=pl.BlockSpec((1, R, F), lambda t, r: (t, r, 0)),
        out_shape=jax.ShapeDtypeStruct((2, NPAD, F), jnp.float32),
    )(u4, den2)



def _prop_pair(h4, as2, ad2, src0, dst0, src1, dst1):
    mesh = plsc.VectorSubcoreMesh(core_axis_name="c", subcore_axis_name="s")

    @functools.partial(
        pl.kernel,
        out_type=[
            jax.ShapeDtypeStruct((2, 2, NPAD, FH), jnp.float32),
            jax.ShapeDtypeStruct((2, NPAD, 16), jnp.float32),
        ],
        mesh=mesh,
        compiler_params=pltpu.CompilerParams(use_tc_tiling_on_sc=False),
        scratch_types=[
            pltpu.VMEM((NCH, CH), jnp.int32),
            pltpu.VMEM((NCH, CH), jnp.int32),
            pltpu.VMEM((CH, 16), jnp.float32),
            pltpu.VMEM((CH, 16), jnp.float32),
            pltpu.VMEM((CH, FH), jnp.float32),
            pltpu.VMEM((CH, 16), jnp.float32),
            pltpu.VMEM((CH, FH), jnp.float32),
            pltpu.VMEM((CH, 16), jnp.float32),
            pltpu.VMEM_SHARED((NPAD, FH), jnp.float32),
            pltpu.VMEM_SHARED((NPAD, 16), jnp.float32),
            pltpu.SemaphoreType.DMA,
        ],
    )
    def k(h_hbm, as_hbm, ad_hbm, s0_hbm, d0_hbm, s1_hbm, d1_hbm,
          u_hbm, den_hbm,
          sidx, didx, asg, adg, hg, ev, zbuf, zbufd, acc_u, acc_d, sem):
        c = lax.axis_index("c")
        s = lax.axis_index("s")
        base = s * ROWS_PT

        def _zero_row(i, _):
            z = jnp.zeros((16,), jnp.float32)
            for k8 in range(FH // 16):
                zbuf[i, pl.ds(k8 * 16, 16)] = z
            zbufd[i, :] = z
            return 0
        lax.fori_loop(0, CH, _zero_row, 0)

        def zero_acc(phase):
            for k5 in range(ROWS_PT // CH):
                pltpu.sync_copy(zbuf, acc_u.at[pl.ds(base + k5 * CH, CH), :])
                if phase == 0:
                    pltpu.sync_copy(zbufd,
                                    acc_d.at[pl.ds(base + k5 * CH, CH), :])

        def run(hsrc, asa, ada, src_e, dst_e, u_out, d_out):
            pltpu.sync_copy(src_e.at[s], sidx)
            pltpu.sync_copy(dst_e.at[s], didx)

            for phase in range(2):
                zero_acc(phase)
                plsc.subcore_barrier()

                def chunk(j, _):
                    si = sidx.at[j]
                    di = didx.at[j]
                    cp1 = pltpu.async_copy(asa.at[si], asg, sem)
                    cp2 = pltpu.async_copy(ada.at[di], adg, sem)
                    cp3 = pltpu.async_copy(hsrc.at[phase].at[si], hg, sem)
                    cp1.wait()
                    cp2.wait()
                    cp3.wait()

                    def edge(cc, _):
                        a = asg[cc, :] + adg[cc, :]
                        e = jnp.exp(jnp.maximum(a, 0.2 * a))
                        if phase == 0:
                            ev[cc, :] = e
                        for hh in range(FH // D):
                            sl = pl.ds(hh * D, D)
                            hg[cc, sl] = hg[cc, sl] * e[phase * (FH // D) + hh]
                        return 0
                    lax.fori_loop(0, CH, edge, 0)

                    if phase == 0:
                        pltpu.sync_copy(ev, acc_d.at[di], add=True)
                    pltpu.sync_copy(hg, acc_u.at[di], add=True)
                    return 0
                lax.fori_loop(0, NCH, chunk, 0)
                plsc.subcore_barrier()

                pltpu.sync_copy(acc_u.at[pl.ds(base, ROWS_PT), :],
                                u_out.at[phase].at[pl.ds(base, ROWS_PT), :])
                if phase == 0:
                    pltpu.sync_copy(acc_d.at[pl.ds(base, ROWS_PT), :],
                                    d_out.at[pl.ds(base, ROWS_PT), :])
                plsc.subcore_barrier()

        @pl.when(c == 0)
        def _():
            run(h_hbm.at[0], as_hbm.at[0], ad_hbm.at[1], s0_hbm, d0_hbm,
                u_hbm.at[0], den_hbm.at[0])

        @pl.when(c == 1)
        def _():
            run(h_hbm.at[1], as_hbm.at[1], ad_hbm.at[0], s1_hbm, d1_hbm,
                u_hbm.at[1], den_hbm.at[1])

    return k(h4, as2, ad2, src0, dst0, src1, dst1)



def _mk_s(a):
    s = jnp.zeros((F, 16), jnp.float32)
    rows = jnp.arange(F)
    return s.at[rows, rows // D].set(a.reshape(F))


def _prep_edges(ei):
    src = jnp.concatenate([ei[0], jnp.zeros((NT * EPT - E,), jnp.int32)])
    dst = jnp.concatenate([ei[1], jnp.full((NT * EPT - E,), N, jnp.int32)])
    return src.reshape(NT, NCH, CH), dst.reshape(NT, NCH, CH)


def _layer_weights(L):
    w2 = jnp.stack([L['Wp_a'], L['Wp_p']])
    b2 = jnp.stack([L['bp_a'], L['bp_p']])[:, None, :]
    ss2 = jnp.stack([_mk_s(L['as_e1']), _mk_s(L['as_e2'])])
    sd2 = jnp.stack([_mk_s(L['ad_e2']), _mk_s(L['ad_e1'])])
    return w2, b2, ss2, sd2


def kernel(x_author, x_paper, params, edge_writes, edge_rev):
    s0, d0 = _prep_edges(edge_writes)
    s1, d1 = _prep_edges(edge_rev)

    pad = ((0, NPAD - N), (0, 0))
    x2 = jnp.stack([jnp.pad(x_author, pad), jnp.pad(x_paper, pad)])
    u4 = x2.reshape(2, NPAD, 2, FH).transpose(0, 2, 1, 3)
    den2 = jnp.zeros((2, NPAD, 16), jnp.float32)

    for li in (1, 2):
        wts = _layer_weights(params['L%d' % li])
        h4, as2, ad2 = _proj(u4, den2, *wts, do_norm=(li == 2))
        u4, den2 = _prop_pair(h4, as2, ad2, s0, d0, s1, d1)

    x2 = _finalize(u4, den2)
    return x2[0, :N], x2[1, :N]

# --- scband reference (transcript-rebuilt; emitter-appended) ---
"""Pipeline reference for scband-han-31842887533242 (READ-ONLY COPY).

The authoritative reference and input builder live on the scoring server;
editing this copy changes nothing except your own understanding.
"""

import jax, jax.numpy as jnp
import numpy as np

N_A = 10000
N_P = 10000
E = 320000
F_IN = 128
HID = 128
H = 8
D = HID // H


def _lin_init(key, fan_in, shape):
    return jax.random.uniform(key, shape, jnp.float32, -1.0, 1.0) / np.sqrt(fan_in)


def make_params(key):
    P = {}
    for li in (1, 2):
        fin = F_IN if li == 1 else HID
        L = {}
        for i, nt in enumerate(('a', 'p')):
            L['Wp_' + nt] = _lin_init(jax.random.fold_in(key, li * 100 + i * 10), fin, (fin, HID))
            L['bp_' + nt] = _lin_init(jax.random.fold_in(key, li * 100 + i * 10 + 1), fin, (HID,))
        for i, et in enumerate(('e1', 'e2')):
            L['as_' + et] = jax.random.normal(jax.random.fold_in(key, li * 100 + 50 + i), (H, D), jnp.float32) * 0.1
            L['ad_' + et] = jax.random.normal(jax.random.fold_in(key, li * 100 + 60 + i), (H, D), jnp.float32) * 0.1
        L['q'] = jax.random.normal(jax.random.fold_in(key, li * 100 + 70), (HID,), jnp.float32) * 0.1
        L['Wk'] = _lin_init(jax.random.fold_in(key, li * 100 + 71), HID, (HID, HID))
        L['bk'] = _lin_init(jax.random.fold_in(key, li * 100 + 72), HID, (HID,))
        P['L%d' % li] = L
    return P


def setup_inputs(seed: int = 0):
    key = jax.random.key(seed)
    x_author = jax.random.normal(jax.random.fold_in(key, 1), (N_A, F_IN), jnp.float32)
    x_paper = jax.random.normal(jax.random.fold_in(key, 2), (N_P, F_IN), jnp.float32)
    edge_writes = jax.random.randint(jax.random.fold_in(key, 3), (2, E), 0, N_A, jnp.int32)
    edge_rev = jax.random.randint(jax.random.fold_in(key, 4), (2, E), 0, N_P, jnp.int32)
    params = make_params(jax.random.fold_in(key, 5))
    return {'x_author': x_author, 'x_paper': x_paper, 'params': params,
            'edge_writes': edge_writes, 'edge_rev': edge_rev}


def _propagate(h_src, h_dst, ei, a_src, a_dst, n_dst):
    # h_src: [N_src, H, D], ei: [2, E]; gather + edge softmax + scatter-add
    src, dst = ei[0], ei[1]
    alpha = (h_src * a_src).sum(-1)[src] + (h_dst * a_dst).sum(-1)[dst]  # [E, H]
    alpha = jax.nn.leaky_relu(alpha, 0.2)
    m = jax.ops.segment_max(alpha, dst, num_segments=n_dst)
    m = jnp.where(jnp.isfinite(m), m, 0.0)
    e = jnp.exp(alpha - m[dst])
    den = jax.ops.segment_sum(e, dst, num_segments=n_dst)
    attn = e / jnp.maximum(den[dst], 1e-16)
    out = jax.ops.segment_sum(h_src[src] * attn[..., None], dst, num_segments=n_dst)
    return jax.nn.relu(out.reshape(n_dst, H * D))


def _group(xs, q, Wk, bk):
    # semantic attention across edge types (PyG HANConv group)
    out = jnp.stack(xs)  # [T, N, F]
    score = (q * jnp.tanh(out @ Wk.T + bk).mean(axis=1)).sum(-1)  # [T]
    attn = jax.nn.softmax(score, axis=0)
    return (attn[:, None, None] * out).sum(0)


def _han_conv(xa, xp, ei1, ei2, L):
    ha = (xa @ L['Wp_a'] + L['bp_a']).reshape(-1, H, D)
    hp = (xp @ L['Wp_p'] + L['bp_p']).reshape(-1, H, D)
    out_p = _propagate(ha, hp, ei1, L['as_e1'], L['ad_e1'], N_P)  # author -> paper
    out_a = _propagate(hp, ha, ei2, L['as_e2'], L['ad_e2'], N_A)  # paper -> author
    out_a = _group([out_a], L['q'], L['Wk'], L['bk'])
    out_p = _group([out_p], L['q'], L['Wk'], L['bk'])
    return out_a, out_p


def reference(x_author, x_paper, params, edge_writes, edge_rev):
    # HAN, 2 layers, eval mode (dropout = 0); output_dim == hidden -> no final lin
    xa, xp = _han_conv(x_author, x_paper, edge_writes, edge_rev, params['L1'])
    xa, xp = _han_conv(xa, xp, edge_writes, edge_rev, params['L2'])
    return xa, xp

if __name__ == "__main__":
    import jax
    _d = setup_inputs()
    print(jax.jit(kernel)(*tuple(_d.values())))

</pallas_src>

<mosaic_0001>
#map = affine_map<(d0, d1) -> (0, 0, 0, 0)>
#map1 = affine_map<(d0, d1) -> (0, 0, 0)>
module attributes {stable_mosaic.version = 14 : i64} {
  func.func @k(%arg0: i32, %arg1: i32, %arg2: memref<2x2x10240x64xf32, #tpu.memory_space<hbm>>, %arg3: memref<2x10240x16xf32, #tpu.memory_space<hbm>>, %arg4: memref<2x10240x16xf32, #tpu.memory_space<hbm>>, %arg5: memref<16x157x128xi32, #tpu.memory_space<hbm>>, %arg6: memref<16x157x128xi32, #tpu.memory_space<hbm>>, %arg7: memref<16x157x128xi32, #tpu.memory_space<hbm>>, %arg8: memref<16x157x128xi32, #tpu.memory_space<hbm>>, %arg9: memref<2x2x10240x64xf32, #tpu.memory_space<hbm>>, %arg10: memref<2x10240x16xf32, #tpu.memory_space<hbm>>, %arg11: memref<157x128xi32, #tpu.memory_space<vmem>>, %arg12: memref<157x128xi32, #tpu.memory_space<vmem>>, %arg13: memref<128x16xf32, #tpu.memory_space<vmem>>, %arg14: memref<128x16xf32, #tpu.memory_space<vmem>>, %arg15: memref<128x64xf32, #tpu.memory_space<vmem>>, %arg16: memref<128x16xf32, #tpu.memory_space<vmem>>, %arg17: memref<128x64xf32, #tpu.memory_space<vmem>>, %arg18: memref<128x16xf32, #tpu.memory_space<vmem>>, %arg19: memref<10240x64xf32, #tpu.memory_space<vmem_shared>>, %arg20: memref<10240x16xf32, #tpu.memory_space<vmem_shared>>, %arg21: memref<!tpu.dma_semaphore, #tpu.memory_space<semaphore_mem>>) attributes {dimension_semantics = [#tpu.dimension_semantics<core_parallel>, #tpu.dimension_semantics<subcore_parallel>], iteration_bounds = array<i64: 2, 16>, scalar_prefetch = 0 : i64, scratch_operands = 11 : i64, tpu.core_type = #tpu.core_type<sc_vector_subcore>, window_params = [{transform_indices = #map}, {transform_indices = #map1}, {transform_indices = #map1}, {transform_indices = #map1}, {transform_indices = #map1}, {transform_indices = #map1}, {transform_indices = #map1}, {transform_indices = #map}, {transform_indices = #map1}]} {
    %mul3A = arith.constant 640 : i32
    %mul3A_0 = arith.muli %arg1, %mul3A : i32
    %scan3A = arith.constant 0 : i32
    %scan3A_1 = arith.constant 0 : i32
    %scan3A_2 = arith.constant 128 : i32
    %scan3A_3 = arith.addi %scan3A_1, %scan3A_2 : i32
    %scan3A_4 = arith.constant 1 : i32
    %scan3A_5 = scf.for %scan3A_14 = %scan3A_1 to %scan3A_3 step %scan3A_4 iter_args(%scan3A_15 = %scan3A) -> (i32)  : i32 {
      %broadcast_in_dim3A = arith.constant 0.000000e+00 : f32
      %broadcast_in_dim3A_16 = vector.broadcast %broadcast_in_dim3A : f32 to vector<16xf32>
      %swap3A = arith.index_cast %scan3A_14 : i32 to index
      %swap3A_17 = arith.constant 0 : index
      %swap3A_18 = tpu.vector_load %arg17[%swap3A, %swap3A_17] {strides = array<i32>} : memref<128x64xf32, #tpu.memory_space<vmem>>, vector<1x16xf32>,
      %swap3A_19 = vector.shape_cast %swap3A_18 : vector<1x16xf32> to vector<16xf32>
      %swap3A_20 = vector.shape_cast %broadcast_in_dim3A_16 : vector<16xf32> to vector<1x16xf32>
      tpu.vector_store %arg17[%swap3A, %swap3A_17], %swap3A_20 {strides = array<i32>} : memref<128x64xf32, #tpu.memory_space<vmem>>, vector<1x16xf32>,
      %swap3A_21 = arith.index_cast %scan3A_14 : i32 to index
      %swap3A_22 = arith.constant 16 : index
      %swap3A_23 = tpu.vector_load %arg17[%swap3A_21, %swap3A_22] {strides = array<i32>} : memref<128x64xf32, #tpu.memory_space<vmem>>, vector<1x16xf32>,
      %swap3A_24 = vector.shape_cast %swap3A_23 : vector<1x16xf32> to vector<16xf32>
      %swap3A_25 = vector.shape_cast %broadcast_in_dim3A_16 : vector<16xf32> to vector<1x16xf32>
      tpu.vector_store %arg17[%swap3A_21, %swap3A_22], %swap3A_25 {strides = array<i32>} : memref<128x64xf32, #tpu.memory_space<vmem>>, vector<1x16xf32>,
      %swap3A_26 = arith.index_cast %scan3A_14 : i32 to index
      %swap3A_27 = arith.constant 32 : index
      %swap3A_28 = tpu.vector_load %arg17[%swap3A_26, %swap3A_27] {strides = array<i32>} : memref<128x64xf32, #tpu.memory_space<vmem>>, vector<1x16xf32>,
      %swap3A_29 = vector.shape_cast %swap3A_28 : vector<1x16xf32> to vector<16xf32>
      %swap3A_30 = vector.shape_cast %broadcast_in_dim3A_16 : vector<16xf32> to vector<1x16xf32>
      tpu.vector_store %arg17[%swap3A_26, %swap3A_27], %swap3A_30 {strides = array<i32>} : memref<128x64xf32, #tpu.memory_space<vmem>>, vector<1x16xf32>,
      %swap3A_31 = arith.index_cast %scan3A_14 : i32 to index
      %swap3A_32 = arith.constant 48 : index
      %swap3A_33 = tpu.vector_load %arg17[%swap3A_31, %swap3A_32] {strides = array<i32>} : memref<128x64xf32, #tpu.memory_space<vmem>>, vector<1x16xf32>,
      %swap3A_34 = vector.shape_cast %swap3A_33 : vector<1x16xf32> to vector<16xf32>
      %swap3A_35 = vector.shape_cast %broadcast_in_dim3A_16 : vector<16xf32> to vector<1x16xf32>
      tpu.vector_store %arg17[%swap3A_31, %swap3A_32], %swap3A_35 {strides = array<i32>} : memref<128x64xf32, #tpu.memory_space<vmem>>, vector<1x16xf32>,
      %swap3A_36 = arith.index_cast %scan3A_14 : i32 to index
      %swap3A_37 = arith.constant 0 : index
      %swap3A_38 = tpu.vector_load %arg18[%swap3A_36, %swap3A_37] {strides = array<i32>} : memref<128x16xf32, #tpu.memory_space<vmem>>, vector<1x16xf32>,
      %swap3A_39 = vector.shape_cast %swap3A_38 : vector<1x16xf32> to vector<16xf32>
      %swap3A_40 = vector.shape_cast %broadcast_in_dim3A_16 : vector<16xf32> to vector<1x16xf32>
      tpu.vector_store %arg18[%swap3A_36, %swap3A_37], %swap3A_40 {strides = array<i32>} : memref<128x16xf32, #tpu.memory_space<vmem>>, vector<1x16xf32>,
      %scan3A_41 = arith.constant 0 : i32
      scf.yield %scan3A_41 : i32
    }
    %scan3A_6 = arith.constant 128 : i32
    %eq3A = arith.constant 0 : i32
    %eq3A_7 = arith.cmpi eq, %arg0, %eq3A : i32
    %convert_element_type3A = arith.extui %eq3A_7 : i1 to i32
    %cond3A = arith.constant 0 : i32
    %cond3A_8 = arith.cmpi ne, %convert_element_type3A, %cond3A : i32
    scf.if %cond3A_8 {
      "tpu.region"() ({
        %run_scoped3A_72 = tpu.sem_alloc : memref<!tpu.dma_semaphore, #tpu.memory_space<semaphore_mem>>
        %dma_start3A = arith.constant 0 : i32
        %dma_start3A_73 = arith.constant 0 : i32
        %dma_start3A_74 = tpu.memref_slice %arg5[%arg1, %dma_start3A, %dma_start3A_73] : memref<16x157x128xi32, #tpu.memory_space<hbm>> -> memref<1x157x128xi32, #tpu.memory_space<hbm>>
        %dma_start3A_75 = tpu.memref_squeeze %dma_start3A_74 : memref<1x157x128xi32, #tpu.memory_space<hbm>> -> memref<157x128xi32, #tpu.memory_space<hbm>>
        %dma_start3A_76 = arith.constant 0 : i32
        %dma_start3A_77 = arith.constant 0 : i32
        %dma_start3A_78 = tpu.memref_slice %arg5[%arg1, %dma_start3A_76, %dma_start3A_77] : memref<16x157x128xi32, #tpu.memory_space<hbm>> -> memref<1x157x128xi32, #tpu.memory_space<hbm>>
        %dma_start3A_79 = tpu.memref_squeeze %dma_start3A_78 : memref<1x157x128xi32, #tpu.memory_space<hbm>> -> memref<157x128xi32, #tpu.memory_space<hbm>>
        tpu.enqueue_dma source(%dma_start3A_79 : memref<157x128xi32, #tpu.memory_space<hbm>>) target(%arg11 : memref<157x128xi32, #tpu.memory_space<vmem>>) target_semaphore(%run_scoped3A_72 : memref<!tpu.dma_semaphore, #tpu.memory_space<semaphore_mem>>)
        %dma_wait3A = arith.constant 0 : i32
        %dma_wait3A_80 = arith.constant 0 : i32
        %dma_wait3A_81 = tpu.memref_slice %arg5[%arg1, %dma_wait3A, %dma_wait3A_80] : memref<16x157x128xi32, #tpu.memory_space<hbm>> -> memref<1x157x128xi32, #tpu.memory_space<hbm>>
        %dma_wait3A_82 = tpu.memref_squeeze %dma_wait3A_81 : memref<1x157x128xi32, #tpu.memory_space<hbm>> -> memref<157x128xi32, #tpu.memory_space<hbm>>
        %dma_wait3A_83 = arith.constant 0 : i32
        %dma_wait3A_84 = arith.constant 0 : i32
        %dma_wait3A_85 = tpu.memref_slice %arg5[%arg1, %dma_wait3A_83, %dma_wait3A_84] : memref<16x157x128xi32, #tpu.memory_space<hbm>> -> memref<1x157x128xi32, #tpu.memory_space<hbm>>
        %dma_wait3A_86 = tpu.memref_squeeze %dma_wait3A_85 : memref<1x157x128xi32, #tpu.memory_space<hbm>> -> memref<157x128xi32, #tpu.memory_space<hbm>>
        tpu.wait_dma2 semaphore(%run_scoped3A_72 : memref<!tpu.dma_semaphore, #tpu.memory_space<semaphore_mem>>) src(%dma_wait3A_86 : memref<157x128xi32, #tpu.memory_space<hbm>>) dst(%arg11 : memref<157x128xi32, #tpu.memory_space<vmem>>)
        tpu.yield
      }) : () -> ()
      "tpu.region"() ({
        %run_scoped3A_72 = tpu.sem_alloc : memref<!tpu.dma_semaphore, #tpu.memory_space<semaphore_mem>>
        %dma_start3A = arith.constant 0 : i32
        %dma_start3A_73 = arith.constant 0 : i32
        %dma_start3A_74 = tpu.memref_slice %arg6[%arg1, %dma_start3A, %dma_start3A_73] : memref<16x157x128xi32, #tpu.memory_space<hbm>> -> memref<1x157x128xi32, #tpu.memory_space<hbm>>
        %dma_start3A_75 = tpu.memref_squeeze %dma_start3A_74 : memref<1x157x128xi32, #tpu.memory_space<hbm>> -> memref<157x128xi32, #tpu.memory_space<hbm>>
        %dma_start3A_76 = arith.constant 0 : i32
        %dma_start3A_77 = arith.constant 0 : i32
        %dma_start3A_78 = tpu.memref_slice %arg6[%arg1, %dma_start3A_76, %dma_start3A_77] : memref<16x157x128xi32, #tpu.memory_space<hbm>> -> memref<1x157x128xi32, #tpu.memory_space<hbm>>
        %dma_start3A_79 = tpu.memref_squeeze %dma_start3A_78 : memref<1x157x128xi32, #tpu.memory_space<hbm>> -> memref<157x128xi32, #tpu.memory_space<hbm>>
        tpu.enqueue_dma source(%dma_start3A_79 : memref<157x128xi32, #tpu.memory_space<hbm>>) target(%arg12 : memref<157x128xi32, #tpu.memory_space<vmem>>) target_semaphore(%run_scoped3A_72 : memref<!tpu.dma_semaphore, #tpu.memory_space<semaphore_mem>>)
        %dma_wait3A = arith.constant 0 : i32
        %dma_wait3A_80 = arith.constant 0 : i32
        %dma_wait3A_81 = tpu.memref_slice %arg6[%arg1, %dma_wait3A, %dma_wait3A_80] : memref<16x157x128xi32, #tpu.memory_space<hbm>> -> memref<1x157x128xi32, #tpu.memory_space<hbm>>
        %dma_wait3A_82 = tpu.memref_squeeze %dma_wait3A_81 : memref<1x157x128xi32, #tpu.memory_space<hbm>> -> memref<157x128xi32, #tpu.memory_space<hbm>>
        %dma_wait3A_83 = arith.constant 0 : i32
        %dma_wait3A_84 = arith.constant 0 : i32
        %dma_wait3A_85 = tpu.memref_slice %arg6[%arg1, %dma_wait3A_83, %dma_wait3A_84] : memref<16x157x128xi32, #tpu.memory_space<hbm>> -> memref<1x157x128xi32, #tpu.memory_space<hbm>>
        %dma_wait3A_86 = tpu.memref_squeeze %dma_wait3A_85 : memref<1x157x128xi32, #tpu.memory_space<hbm>> -> memref<157x128xi32, #tpu.memory_space<hbm>>
        tpu.wait_dma2 semaphore(%run_scoped3A_72 : memref<!tpu.dma_semaphore, #tpu.memory_space<semaphore_mem>>) src(%dma_wait3A_86 : memref<157x128xi32, #tpu.memory_space<hbm>>) dst(%arg12 : memref<157x128xi32, #tpu.memory_space<vmem>>)
        tpu.yield
      }) : () -> ()
      %add3A = arith.constant 0 : i32
      %add3A_14 = arith.addi %mul3A_0, %add3A : i32
      "tpu.region"() ({
        %run_scoped3A_72 = tpu.sem_alloc : memref<!tpu.dma_semaphore, #tpu.memory_space<semaphore_mem>>
        %dma_start3A = arith.constant 0 : i32
        %dma_start3A_73 = tpu.memref_slice %arg19[%add3A_14, %dma_start3A] : memref<10240x64xf32, #tpu.memory_space<vmem_shared>> -> memref<128x64xf32, #tpu.memory_space<vmem_shared>>
        %dma_start3A_74 = arith.constant 0 : i32
        %dma_start3A_75 = tpu.memref_slice %arg19[%add3A_14, %dma_start3A_74] : memref<10240x64xf32, #tpu.memory_space<vmem_shared>> -> memref<128x64xf32, #tpu.memory_space<vmem_shared>>
        tpu.enqueue_dma source(%arg17 : memref<128x64xf32, #tpu.memory_space<vmem>>) target(%dma_start3A_75 : memref<128x64xf32, #tpu.memory_space<vmem_shared>>) target_semaphore(%run_scoped3A_72 : memref<!tpu.dma_semaphore, #tpu.memory_space<semaphore_mem>>)
        %dma_wait3A = arith.constant 0 : i32
        %dma_wait3A_76 = tpu.memref_slice %arg19[%add3A_14, %dma_wait3A] : memref<10240x64xf32, #tpu.memory_space<vmem_shared>> -> memref<128x64xf32, #tpu.memory_space<vmem_shared>>
        %dma_wait3A_77 = arith.constant 0 : i32
        %dma_wait3A_78 = tpu.memref_slice %arg19[%add3A_14, %dma_wait3A_77] : memref<10240x64xf32, #tpu.memory_space<vmem_shared>> -> memref<128x64xf32, #tpu.memory_space<vmem_shared>>
        tpu.wait_dma2 semaphore(%run_scoped3A_72 : memref<!tpu.dma_semaphore, #tpu.memory_space<semaphore_mem>>) src(%arg17 : memref<128x64xf32, #tpu.memory_space<vmem>>) dst(%dma_wait3A_78 : memref<128x64xf32, #tpu.memory_space<vmem_shared>>)
        tpu.yield
      }) : () -> ()
      %add3A_15 = arith.constant 0 : i32
      %add3A_16 = arith.addi %mul3A_0, %add3A_15 : i32
      "tpu.region"() ({
        %run_scoped3A_72 = tpu.sem_alloc : memref<!tpu.dma_semaphore, #tpu.memory_space<semaphore_mem>>
        %dma_start3A = arith.constant 0 : i32
        %dma_start3A_73 = tpu.memref_slice %arg20[%add3A_16, %dma_start3A] : memref<10240x16xf32, #tpu.memory_space<vmem_shared>> -> memref<128x16xf32, #tpu.memory_space<vmem_shared>>
        %dma_start3A_74 = arith.constant 0 : i32
        %dma_start3A_75 = tpu.memref_slice %arg20[%add3A_16, %dma_start3A_74] : memref<10240x16xf32, #tpu.memory_space<vmem_shared>> -> memref<128x16xf32, #tpu.memory_space<vmem_shared>>
        tpu.enqueue_dma source(%arg18 : memref<128x16xf32, #tpu.memory_space<vmem>>) target(%dma_start3A_75 : memref<128x16xf32, #tpu.memory_space<vmem_shared>>) target_semaphore(%run_scoped3A_72 : memref<!tpu.dma_semaphore, #tpu.memory_space<semaphore_mem>>)
        %dma_wait3A = arith.constant 0 : i32
        %dma_wait3A_76 = tpu.memref_slice %arg20[%add3A_16, %dma_wait3A] : memref<10240x16xf32, #tpu.memory_space<vmem_shared>> -> memref<128x16xf32, #tpu.memory_space<vmem_shared>>
        %dma_wait3A_77 = arith.constant 0 : i32
        %dma_wait3A_78 = tpu.memref_slice %arg20[%add3A_16, %dma_wait3A_77] : memref<10240x16xf32, #tpu.memory_space<vmem_shared>> -> memref<128x16xf32, #tpu.memory_space<vmem_shared>>
        tpu.wait_dma2 semaphore(%run_scoped3A_72 : memref<!tpu.dma_semaphore, #tpu.memory_space<semaphore_mem>>) src(%arg18 : memref<128x16xf32, #tpu.memory_space<vmem>>) dst(%dma_wait3A_78 : memref<128x16xf32, #tpu.memory_space<vmem_shared>>)
        tpu.yield
      }) : () -> ()
      %add3A_17 = arith.constant 128 : i32
      %add3A_18 = arith.addi %mul3A_0, %add3A_17 : i32
      "tpu.region"() ({
        %run_scoped3A_72 = tpu.sem_alloc : memref<!tpu.dma_semaphore, #tpu.memory_space<semaphore_mem>>
        %dma_start3A = arith.constant 0 : i32
        %dma_start3A_73 = tpu.memref_slice %arg19[%add3A_18, %dma_start3A] : memref<10240x64xf32, #tpu.memory_space<vmem_shared>> -> memref<128x64xf32, #tpu.memory_space<vmem_shared>>
        %dma_start3A_74 = arith.constant 0 : i32
        %dma_start3A_75 = tpu.memref_slice %arg19[%add3A_18, %dma_start3A_74] : memref<10240x64xf32, #tpu.memory_space<vmem_shared>> -> memref<128x64xf32, #tpu.memory_space<vmem_shared>>
        tpu.enqueue_dma source(%arg17 : memref<128x64xf32, #tpu.memory_space<vmem>>) target(%dma_start3A_75 : memref<128x64xf32, #tpu.memory_space<vmem_shared>>) target_semaphore(%run_scoped3A_72 : memref<!tpu.dma_semaphore, #tpu.memory_space<semaphore_mem>>)
        %dma_wait3A = arith.constant 0 : i32
        %dma_wait3A_76 = tpu.memref_slice %arg19[%add3A_18, %dma_wait3A] : memref<10240x64xf32, #tpu.memory_space<vmem_shared>> -> memref<128x64xf32, #tpu.memory_space<vmem_shared>>
        %dma_wait3A_77 = arith.constant 0 : i32
        %dma_wait3A_78 = tpu.memref_slice %arg19[%add3A_18, %dma_wait3A_77] : memref<10240x64xf32, #tpu.memory_space<vmem_shared>> -> memref<128x64xf32, #tpu.memory_space<vmem_shared>>
        tpu.wait_dma2 semaphore(%run_scoped3A_72 : memref<!tpu.dma_semaphore, #tpu.memory_space<semaphore_mem>>) src(%arg17 : memref<128x64xf32, #tpu.memory_space<vmem>>) dst(%dma_wait3A_78 : memref<128x64xf32, #tpu.memory_space<vmem_shared>>)
        tpu.yield
      }) : () -> ()
      %add3A_19 = arith.constant 128 : i32
      %add3A_20 = arith.addi %mul3A_0, %add3A_19 : i32
      "tpu.region"() ({
        %run_scoped3A_72 = tpu.sem_alloc : memref<!tpu.dma_semaphore, #tpu.memory_space<semaphore_mem>>
        %dma_start3A = arith.constant 0 : i32
        %dma_start3A_73 = tpu.memref_slice %arg20[%add3A_20, %dma_start3A] : memref<10240x16xf32, #tpu.memory_space<vmem_shared>> -> memref<128x16xf32, #tpu.memory_space<vmem_shared>>
        %dma_start3A_74 = arith.constant 0 : i32
        %dma_start3A_75 = tpu.memref_slice %arg20[%add3A_20, %dma_start3A_74] : memref<10240x16xf32, #tpu.memory_space<vmem_shared>> -> memref<128x16xf32, #tpu.memory_space<vmem_shared>>
        tpu.enqueue_dma source(%arg18 : memref<128x16xf32, #tpu.memory_space<vmem>>) target(%dma_start3A_75 : memref<128x16xf32, #tpu.memory_space<vmem_shared>>) target_semaphore(%run_scoped3A_72 : memref<!tpu.dma_semaphore, #tpu.memory_space<semaphore_mem>>)
        %dma_wait3A = arith.constant 0 : i32
        %dma_wait3A_76 = tpu.memref_slice %arg20[%add3A_20, %dma_wait3A] : memref<10240x16xf32, #tpu.memory_space<vmem_shared>> -> memref<128x16xf32, #tpu.memory_space<vmem_shared>>
        %dma_wait3A_77 = arith.constant 0 : i32
        %dma_wait3A_78 = tpu.memref_slice %arg20[%add3A_20, %dma_wait3A_77] : memref<10240x16xf32, #tpu.memory_space<vmem_shared>> -> memref<128x16xf32, #tpu.memory_space<vmem_shared>>
        tpu.wait_dma2 semaphore(%run_scoped3A_72 : memref<!tpu.dma_semaphore, #tpu.memory_space<semaphore_mem>>) src(%arg18 : memref<128x16xf32, #tpu.memory_space<vmem>>) dst(%dma_wait3A_78 : memref<128x16xf32, #tpu.memory_space<vmem_shared>>)
        tpu.yield
      }) : () -> ()
      %add3A_21 = arith.constant 256 : i32
      %add3A_22 = arith.addi %mul3A_0, %add3A_21 : i32
      "tpu.region"() ({
        %run_scoped3A_72 = tpu.sem_alloc : memref<!tpu.dma_semaphore, #tpu.memory_space<semaphore_mem>>
        %dma_start3A = arith.constant 0 : i32
        %dma_start3A_73 = tpu.memref_slice %arg19[%add3A_22, %dma_start3A] : memref<10240x64xf32, #tpu.memory_space<vmem_shared>> -> memref<128x64xf32, #tpu.memory_space<vmem_shared>>
        %dma_start3A_74 = arith.constant 0 : i32
        %dma_start3A_75 = tpu.memref_slice %arg19[%add3A_22, %dma_start3A_74] : memref<10240x64xf32, #tpu.memory_space<vmem_shared>> -> memref<128x64xf32, #tpu.memory_space<vmem_shared>>
        tpu.enqueue_dma source(%arg17 : memref<128x64xf32, #tpu.memory_space<vmem>>) target(%dma_start3A_75 : memref<128x64xf32, #tpu.memory_space<vmem_shared>>) target_semaphore(%run_scoped3A_72 : memref<!tpu.dma_semaphore, #tpu.memory_space<semaphore_mem>>)
        %dma_wait3A = arith.constant 0 : i32
        %dma_wait3A_76 = tpu.memref_slice %arg19[%add3A_22, %dma_wait3A] : memref<10240x64xf32, #tpu.memory_space<vmem_shared>> -> memref<128x64xf32, #tpu.memory_space<vmem_shared>>
        %dma_wait3A_77 = arith.constant 0 : i32
        %dma_wait3A_78 = tpu.memref_slice %arg19[%add3A_22, %dma_wait3A_77] : memref<10240x64xf32, #tpu.memory_space<vmem_shared>> -> memref<128x64xf32, #tpu.memory_space<vmem_shared>>
        tpu.wait_dma2 semaphore(%run_scoped3A_72 : memref<!tpu.dma_semaphore, #tpu.memory_space<semaphore_mem>>) src(%arg17 : memref<128x64xf32, #tpu.memory_space<vmem>>) dst(%dma_wait3A_78 : memref<128x64xf32, #tpu.memory_space<vmem_shared>>)
        tpu.yield
      }) : () -> ()
      %add3A_23 = arith.constant 256 : i32
      %add3A_24 = arith.addi %mul3A_0, %add3A_23 : i32
      "tpu.region"() ({
        %run_scoped3A_72 = tpu.sem_alloc : memref<!tpu.dma_semaphore, #tpu.memory_space<semaphore_mem>>
        %dma_start3A = arith.constant 0 : i32
        %dma_start3A_73 = tpu.memref_slice %arg20[%add3A_24, %dma_start3A] : memref<10240x16xf32, #tpu.memory_space<vmem_shared>> -> memref<128x16xf32, #tpu.memory_space<vmem_shared>>
        %dma_start3A_74 = arith.constant 0 : i32
        %dma_start3A_75 = tpu.memref_slice %arg20[%add3A_24, %dma_start3A_74] : memref<10240x16xf32, #tpu.memory_space<vmem_shared>> -> memref<128x16xf32, #tpu.memory_space<vmem_shared>>
        tpu.enqueue_dma source(%arg18 : memref<128x16xf32, #tpu.memory_space<vmem>>) target(%dma_start3A_75 : memref<128x16xf32, #tpu.memory_space<vmem_shared>>) target_semaphore(%run_scoped3A_72 : memref<!tpu.dma_semaphore, #tpu.memory_space<semaphore_mem>>)
        %dma_wait3A = arith.constant 0 : i32
        %dma_wait3A_76 = tpu.memref_slice %arg20[%add3A_24, %dma_wait3A] : memref<10240x16xf32, #tpu.memory_space<vmem_shared>> -> memref<128x16xf32, #tpu.memory_space<vmem_shared>>
        %dma_wait3A_77 = arith.constant 0 : i32
        %dma_wait3A_78 = tpu.memref_slice %arg20[%add3A_24, %dma_wait3A_77] : memref<10240x16xf32, #tpu.memory_space<vmem_shared>> -> memref<128x16xf32, #tpu.memory_space<vmem_shared>>
        tpu.wait_dma2 semaphore(%run_scoped3A_72 : memref<!tpu.dma_semaphore, #tpu.memory_space<semaphore_mem>>) src(%arg18 : memref<128x16xf32, #tpu.memory_space<vmem>>) dst(%dma_wait3A_78 : memref<128x16xf32, #tpu.memory_space<vmem_shared>>)
        tpu.yield
      }) : () -> ()
      %add3A_25 = arith.constant 384 : i32
      %add3A_26 = arith.addi %mul3A_0, %add3A_25 : i32
      "tpu.region"() ({
        %run_scoped3A_72 = tpu.sem_alloc : memref<!tpu.dma_semaphore, #tpu.memory_space<semaphore_mem>>
        %dma_start3A = arith.constant 0 : i32
        %dma_start3A_73 = tpu.memref_slice %arg19[%add3A_26, %dma_start3A] : memref<10240x64xf32, #tpu.memory_space<vmem_shared>> -> memref<128x64xf32, #tpu.memory_space<vmem_shared>>
        %dma_start3A_74 = arith.constant 0 : i32
        %dma_start3A_75 = tpu.memref_slice %arg19[%add3A_26, %dma_start3A_74] : memref<10240x64xf32, #tpu.memory_space<vmem_shared>> -> memref<128x64xf32, #tpu.memory_space<vmem_shared>>
        tpu.enqueue_dma source(%arg17 : memref<128x64xf32, #tpu.memory_space<vmem>>) target(%dma_start3A_75 : memref<128x64xf32, #tpu.memory_space<vmem_shared>>) target_semaphore(%run_scoped3A_72 : memref<!tpu.dma_semaphore, #tpu.memory_space<semaphore_mem>>)
        %dma_wait3A = arith.constant 0 : i32
        %dma_wait3A_76 = tpu.memref_slice %arg19[%add3A_26, %dma_wait3A] : memref<10240x64xf32, #tpu.memory_space<vmem_shared>> -> memref<128x64xf32, #tpu.memory_space<vmem_shared>>
        %dma_wait3A_77 = arith.constant 0 : i32
        %dma_wait3A_78 = tpu.memref_slice %arg19[%add3A_26, %dma_wait3A_77] : memref<10240x64xf32, #tpu.memory_space<vmem_shared>> -> memref<128x64xf32, #tpu.memory_space<vmem_shared>>
        tpu.wait_dma2 semaphore(%run_scoped3A_72 : memref<!tpu.dma_semaphore, #tpu.memory_space<semaphore_mem>>) src(%arg17 : memref<128x64xf32, #tpu.memory_space<vmem>>) dst(%dma_wait3A_78 : memref<128x64xf32, #tpu.memory_space<vmem_shared>>)
        tpu.yield
      }) : () -> ()
      %add3A_27 = arith.constant 384 : i32
      %add3A_28 = arith.addi %mul3A_0, %add3A_27 : i32
      "tpu.region"() ({
        %run_scoped3A_72 = tpu.sem_alloc : memref<!tpu.dma_semaphore, #tpu.memory_space<semaphore_mem>>
        %dma_start3A = arith.constant 0 : i32
        %dma_start3A_73 = tpu.memref_slice %arg20[%add3A_28, %dma_start3A] : memref<10240x16xf32, #tpu.memory_space<vmem_shared>> -> memref<128x16xf32, #tpu.memory_space<vmem_shared>>
        %dma_start3A_74 = arith.constant 0 : i32
        %dma_start3A_75 = tpu.memref_slice %arg20[%add3A_28, %dma_start3A_74] : memref<10240x16xf32, #tpu.memory_space<vmem_shared>> -> memref<128x16xf32, #tpu.memory_space<vmem_shared>>
        tpu.enqueue_dma source(%arg18 : memref<128x16xf32, #tpu.memory_space<vmem>>) target(%dma_start3A_75 : memref<128x16xf32, #tpu.memory_space<vmem_shared>>) target_semaphore(%run_scoped3A_72 : memref<!tpu.dma_semaphore, #tpu.memory_space<semaphore_mem>>)
        %dma_wait3A = arith.constant 0 : i32
        %dma_wait3A_76 = tpu.memref_slice %arg20[%add3A_28, %dma_wait3A] : memref<10240x16xf32, #tpu.memory_space<vmem_shared>> -> memref<128x16xf32, #tpu.memory_space<vmem_shared>>
        %dma_wait3A_77 = arith.constant 0 : i32
        %dma_wait3A_78 = tpu.memref_slice %arg20[%add3A_28, %dma_wait3A_77] : memref<10240x16xf32, #tpu.memory_space<vmem_shared>> -> memref<128x16xf32, #tpu.memory_space<vmem_shared>>
        tpu.wait_dma2 semaphore(%run_scoped3A_72 : memref<!tpu.dma_semaphore, #tpu.memory_space<semaphore_mem>>) src(%arg18 : memref<128x16xf32, #tpu.memory_space<vmem>>) dst(%dma_wait3A_78 : memref<128x16xf32, #tpu.memory_space<vmem_shared>>)
        tpu.yield
      }) : () -> ()
      %add3A_29 = arith.constant 512 : i32
      %add3A_30 = arith.addi %mul3A_0, %add3A_29 : i32
      "tpu.region"() ({
        %run_scoped3A_72 = tpu.sem_alloc : memref<!tpu.dma_semaphore, #tpu.memory_space<semaphore_mem>>
        %dma_start3A = arith.constant 0 : i32
        %dma_start3A_73 = tpu.memref_slice %arg19[%add3A_30, %dma_start3A] : memref<10240x64xf32, #tpu.memory_space<vmem_shared>> -> memref<128x64xf32, #tpu.memory_space<vmem_shared>>
        %dma_start3A_74 = arith.constant 0 : i32
        %dma_start3A_75 = tpu.memref_slice %arg19[%add3A_30, %dma_start3A_74] : memref<10240x64xf32, #tpu.memory_space<vmem_shared>> -> memref<128x64xf32, #tpu.memory_space<vmem_shared>>
        tpu.enqueue_dma source(%arg17 : memref<128x64xf32, #tpu.memory_space<vmem>>) target(%dma_start3A_75 : memref<128x64xf32, #tpu.memory_space<vmem_shared>>) target_semaphore(%run_scoped3A_72 : memref<!tpu.dma_semaphore, #tpu.memory_space<semaphore_mem>>)
        %dma_wait3A = arith.constant 0 : i32
        %dma_wait3A_76 = tpu.memref_slice %arg19[%add3A_30, %dma_wait3A] : memref<10240x64xf32, #tpu.memory_space<vmem_shared>> -> memref<128x64xf32, #tpu.memory_space<vmem_shared>>
        %dma_wait3A_77 = arith.constant 0 : i32
        %dma_wait3A_78 = tpu.memref_slice %arg19[%add3A_30, %dma_wait3A_77] : memref<10240x64xf32, #tpu.memory_space<vmem_shared>> -> memref<128x64xf32, #tpu.memory_space<vmem_shared>>
        tpu.wait_dma2 semaphore(%run_scoped3A_72 : memref<!tpu.dma_semaphore, #tpu.memory_space<semaphore_mem>>) src(%arg17 : memref<128x64xf32, #tpu.memory_space<vmem>>) dst(%dma_wait3A_78 : memref<128x64xf32, #tpu.memory_space<vmem_shared>>)
        tpu.yield
      }) : () -> ()
      %add3A_31 = arith.constant 512 : i32
      %add3A_32 = arith.addi %mul3A_0, %add3A_31 : i32
      "tpu.region"() ({
        %run_scoped3A_72 = tpu.sem_alloc : memref<!tpu.dma_semaphore, #tpu.memory_space<semaphore_mem>>
        %dma_start3A = arith.constant 0 : i32
        %dma_start3A_73 = tpu.memref_slice %arg20[%add3A_32, %dma_start3A] : memref<10240x16xf32, #tpu.memory_space<vmem_shared>> -> memref<128x16xf32, #tpu.memory_space<vmem_shared>>
        %dma_start3A_74 = arith.constant 0 : i32
        %dma_start3A_75 = tpu.memref_slice %arg20[%add3A_32, %dma_start3A_74] : memref<10240x16xf32, #tpu.memory_space<vmem_shared>> -> memref<128x16xf32, #tpu.memory_space<vmem_shared>>
        tpu.enqueue_dma source(%arg18 : memref<128x16xf32, #tpu.memory_space<vmem>>) target(%dma_start3A_75 : memref<128x16xf32, #tpu.memory_space<vmem_shared>>) target_semaphore(%run_scoped3A_72 : memref<!tpu.dma_semaphore, #tpu.memory_space<semaphore_mem>>)
        %dma_wait3A = arith.constant 0 : i32
        %dma_wait3A_76 = tpu.memref_slice %arg20[%add3A_32, %dma_wait3A] : memref<10240x16xf32, #tpu.memory_space<vmem_shared>> -> memref<128x16xf32, #tpu.memory_space<vmem_shared>>
        %dma_wait3A_77 = arith.constant 0 : i32
        %dma_wait3A_78 = tpu.memref_slice %arg20[%add3A_32, %dma_wait3A_77] : memref<10240x16xf32, #tpu.memory_space<vmem_shared>> -> memref<128x16xf32, #tpu.memory_space<vmem_shared>>
        tpu.wait_dma2 semaphore(%run_scoped3A_72 : memref<!tpu.dma_semaphore, #tpu.memory_space<semaphore_mem>>) src(%arg18 : memref<128x16xf32, #tpu.memory_space<vmem>>) dst(%dma_wait3A_78 : memref<128x16xf32, #tpu.memory_space<vmem_shared>>)
        tpu.yield
      }) : () -> ()
      %barrier3A = arith.constant 0 : index
      tpu.barrier barrier_id(%barrier3A)
      %scan3A_33 = arith.constant 0 : i32
      %scan3A_34 = arith.constant 1 : i32
      %scan3A_35 = arith.constant 0 : i32
      %scan3A_36 = arith.constant 0 : i32
      %scan3A_37 = arith.constant 0 : i32
      %scan3A_38 = arith.constant 157 : i32
      %scan3A_39 = arith.addi %scan3A_37, %scan3A_38 : i32
      %scan3A_40 = arith.constant 1 : i32
      %scan3A_41 = scf.for %scan3A_72 = %scan3A_37 to %scan3A_39 step %scan3A_40 iter_args(%scan3A_73 = %scan3A_36) -> (i32)  : i32 {
        %dma_start3A = arith.constant 0 : i32
        %dma_start3A_74 = tpu.memref_slice %arg11[%scan3A_72, %dma_start3A] : memref<157x128xi32, #tpu.memory_space<vmem>> -> memref<1x128xi32, #tpu.memory_space<vmem>>
        %dma_start3A_75 = tpu.memref_squeeze %dma_start3A_74 : memref<1x128xi32, #tpu.memory_space<vmem>> -> memref<128xi32, #tpu.memory_space<vmem>>
        %dma_start3A_76 = arith.constant 0 : i32
        %dma_start3A_77 = arith.constant 0 : i32
        %dma_start3A_78 = tpu.memref_slice %arg3[%scan3A_33, %dma_start3A_76, %dma_start3A_77] : memref<2x10240x16xf32, #tpu.memory_space<hbm>> -> memref<1x10240x16xf32, #tpu.memory_space<hbm>>
        %dma_start3A_79 = tpu.memref_squeeze %dma_start3A_78 : memref<1x10240x16xf32, #tpu.memory_space<hbm>> -> memref<10240x16xf32, #tpu.memory_space<hbm>>
        %dma_start3A_80 = arith.constant 0 : i32
        %dma_start3A_81 = arith.constant 0 : i32
        %dma_start3A_82 = tpu.memref_slice %dma_start3A_79[%dma_start3A_80, %dma_start3A_81] : memref<10240x16xf32, #tpu.memory_space<hbm>> -> memref<10240x16xf32, #tpu.memory_space<hbm>>
        tpu.enqueue_indirect_dma source(%dma_start3A_82 : memref<10240x16xf32, #tpu.memory_space<hbm>>) target(%arg13 : memref<128x16xf32, #tpu.memory_space<vmem>>) offsets(%dma_start3A_75 : memref<128xi32, #tpu.memory_space<vmem>>) semaphore(%arg21 : memref<!tpu.dma_semaphore, #tpu.memory_space<semaphore_mem>>)
        %dma_start3A_83 = arith.constant 0 : i32
        %dma_start3A_84 = tpu.memref_slice %arg12[%scan3A_72, %dma_start3A_83] : memref<157x128xi32, #tpu.memory_space<vmem>> -> memref<1x128xi32, #tpu.memory_space<vmem>>
        %dma_start3A_85 = tpu.memref_squeeze %dma_start3A_84 : memref<1x128xi32, #tpu.memory_space<vmem>> -> memref<128xi32, #tpu.memory_space<vmem>>
        %dma_start3A_86 = arith.constant 0 : i32
        %dma_start3A_87 = arith.constant 0 : i32
        %dma_start3A_88 = tpu.memref_slice %arg4[%scan3A_34, %dma_start3A_86, %dma_start3A_87] : memref<2x10240x16xf32, #tpu.memory_space<hbm>> -> memref<1x10240x16xf32, #tpu.memory_space<hbm>>
        %dma_start3A_89 = tpu.memref_squeeze %dma_start3A_88 : memref<1x10240x16xf32, #tpu.memory_space<hbm>> -> memref<10240x16xf32, #tpu.memory_space<hbm>>
        %dma_start3A_90 = arith.constant 0 : i32
        %dma_start3A_91 = arith.constant 0 : i32
        %dma_start3A_92 = tpu.memref_slice %dma_start3A_89[%dma_start3A_90, %dma_start3A_91] : memref<10240x16xf32, #tpu.memory_space<hbm>> -> memref<10240x16xf32, #tpu.memory_space<hbm>>
        tpu.enqueue_indirect_dma source(%dma_start3A_92 : memref<10240x16xf32, #tpu.memory_space<hbm>>) target(%arg14 : memref<128x16xf32, #tpu.memory_space<vmem>>) offsets(%dma_start3A_85 : memref<128xi32, #tpu.memory_space<vmem>>) semaphore(%arg21 : memref<!tpu.dma_semaphore, #tpu.memory_space<semaphore_mem>>)
        %dma_start3A_93 = arith.constant 0 : i32
        %dma_start3A_94 = arith.constant 0 : i32
        %dma_start3A_95 = tpu.memref_slice %arg11[%scan3A_72, %dma_start3A_94] : memref<157x128xi32, #tpu.memory_space<vmem>> -> memref<1x128xi32, #tpu.memory_space<vmem>>
        %dma_start3A_96 = tpu.memref_squeeze %dma_start3A_95 : memref<1x128xi32, #tpu.memory_space<vmem>> -> memref<128xi32, #tpu.memory_space<vmem>>
        %dma_start3A_97 = arith.constant 0 : i32
        %dma_start3A_98 = arith.constant 0 : i32
        %dma_start3A_99 = arith.constant 0 : i32
        %dma_start3A_100 = tpu.memref_slice %arg2[%scan3A_35, %dma_start3A_97, %dma_start3A_98, %dma_start3A_99] : memref<2x2x10240x64xf32, #tpu.memory_space<hbm>> -> memref<1x2x10240x64xf32, #tpu.memory_space<hbm>>
        %dma_start3A_101 = tpu.memref_squeeze %dma_start3A_100 : memref<1x2x10240x64xf32, #tpu.memory_space<hbm>> -> memref<2x10240x64xf32, #tpu.memory_space<hbm>>
        %dma_start3A_102 = arith.constant 0 : i32
        %dma_start3A_103 = arith.constant 0 : i32
        %dma_start3A_104 = tpu.memref_slice %dma_start3A_101[%dma_start3A_93, %dma_start3A_102, %dma_start3A_103] : memref<2x10240x64xf32, #tpu.memory_space<hbm>> -> memref<1x10240x64xf32, #tpu.memory_space<hbm>>
        %dma_start3A_105 = tpu.memref_squeeze %dma_start3A_104 : memref<1x10240x64xf32, #tpu.memory_space<hbm>> -> memref<10240x64xf32, #tpu.memory_space<hbm>>
        %dma_start3A_106 = arith.constant 0 : i32
        %dma_start3A_107 = arith.constant 0 : i32
        %dma_start3A_108 = tpu.memref_slice %dma_start3A_105[%dma_start3A_106, %dma_start3A_107] : memref<10240x64xf32, #tpu.memory_space<hbm>> -> memref<10240x64xf32, #tpu.memory_space<hbm>>
        tpu.enqueue_indirect_dma source(%dma_start3A_108 : memref<10240x64xf32, #tpu.memory_space<hbm>>) target(%arg15 : memref<128x64xf32, #tpu.memory_space<vmem>>) offsets(%dma_start3A_96 : memref<128xi32, #tpu.memory_space<vmem>>) semaphore(%arg21 : memref<!tpu.dma_semaphore, #tpu.memory_space<semaphore_mem>>)
        %dma_wait3A = arith.constant 0 : i32
        %dma_wait3A_109 = tpu.memref_slice %arg11[%scan3A_72, %dma_wait3A] : memref<157x128xi32, #tpu.memory_space<vmem>> -> memref<1x128xi32, #tpu.memory_space<vmem>>
        %dma_wait3A_110 = tpu.memref_squeeze %dma_wait3A_109 : memref<1x128xi32, #tpu.memory_space<vmem>> -> memref<128xi32, #tpu.memory_space<vmem>>
        %dma_wait3A_111 = arith.constant 0 : i32
        %dma_wait3A_112 = arith.constant 0 : i32
        %dma_wait3A_113 = tpu.memref_slice %arg3[%scan3A_33, %dma_wait3A_111, %dma_wait3A_112] : memref<2x10240x16xf32, #tpu.memory_space<hbm>> -> memref<1x10240x16xf32, #tpu.memory_space<hbm>>
        %dma_wait3A_114 = tpu.memref_squeeze %dma_wait3A_113 : memref<1x10240x16xf32, #tpu.memory_space<hbm>> -> memref<10240x16xf32, #tpu.memory_space<hbm>>
        %dma_wait3A_115 = arith.constant 0 : i32
        %dma_wait3A_116 = arith.constant 0 : i32
        %dma_wait3A_117 = tpu.memref_slice %dma_wait3A_114[%dma_wait3A_115, %dma_wait3A_116] : memref<10240x16xf32, #tpu.memory_space<hbm>> -> memref<10240x16xf32, #tpu.memory_space<hbm>>
        tpu.wait_indirect_dma semaphore(%arg21 : memref<!tpu.dma_semaphore, #tpu.memory_space<semaphore_mem>>) src(%dma_wait3A_117 : memref<10240x16xf32, #tpu.memory_space<hbm>>) dst(%arg13 : memref<128x16xf32, #tpu.memory_space<vmem>>)
        %dma_wait3A_118 = arith.constant 0 : i32
        %dma_wait3A_119 = tpu.memref_slice %arg12[%scan3A_72, %dma_wait3A_118] : memref<157x128xi32, #tpu.memory_space<vmem>> -> memref<1x128xi32, #tpu.memory_space<vmem>>
        %dma_wait3A_120 = tpu.memref_squeeze %dma_wait3A_119 : memref<1x128xi32, #tpu.memory_space<vmem>> -> memref<128xi32, #tpu.memory_space<vmem>>
        %dma_wait3A_121 = arith.constant 0 : i32
        %dma_wait3A_122 = arith.constant 0 : i32
        %dma_wait3A_123 = tpu.memref_slice %arg4[%scan3A_34, %dma_wait3A_121, %dma_wait3A_122] : memref<2x10240x16xf32, #tpu.memory_space<hbm>> -> memref<1x10240x16xf32, #tpu.memory_space<hbm>>
        %dma_wait3A_124 = tpu.memref_squeeze %dma_wait3A_123 : memref<1x10240x16xf32, #tpu.memory_space<hbm>> -> memref<10240x16xf32, #tpu.memory_space<hbm>>
        %dma_wait3A_125 = arith.constant 0 : i32
        %dma_wait3A_126 = arith.constant 0 : i32
        %dma_wait3A_127 = tpu.memref_slice %dma_wait3A_124[%dma_wait3A_125, %dma_wait3A_126] : memref<10240x16xf32, #tpu.memory_space<hbm>> -> memref<10240x16xf32, #tpu.memory_space<hbm>>
        tpu.wait_indirect_dma semaphore(%arg21 : memref<!tpu.dma_semaphore, #tpu.memory_space<semaphore_mem>>) src(%dma_wait3A_127 : memref<10240x16xf32, #tpu.memory_space<hbm>>) dst(%arg14 : memref<128x16xf32, #tpu.memory_space<vmem>>)
        %dma_wait3A_128 = arith.constant 0 : i32
        %dma_wait3A_129 = arith.constant 0 : i32
        %dma_wait3A_130 = tpu.memref_slice %arg11[%scan3A_72, %dma_wait3A_129] : memref<157x128xi32, #tpu.memory_space<vmem>> -> memref<1x128xi32, #tpu.memory_space<vmem>>
        %dma_wait3A_131 = tpu.memref_squeeze %dma_wait3A_130 : memref<1x128xi32, #tpu.memory_space<vmem>> -> memref<128xi32, #tpu.memory_space<vmem>>
        %dma_wait3A_132 = arith.constant 0 : i32
        %dma_wait3A_133 = arith.constant 0 : i32
        %dma_wait3A_134 = arith.constant 0 : i32
        %dma_wait3A_135 = tpu.memref_slice %arg2[%scan3A_35, %dma_wait3A_132, %dma_wait3A_133, %dma_wait3A_134] : memref<2x2x10240x64xf32, #tpu.memory_space<hbm>> -> memref<1x2x10240x64xf32, #tpu.memory_space<hbm>>
        %dma_wait3A_136 = tpu.memref_squeeze %dma_wait3A_135 : memref<1x2x10240x64xf32, #tpu.memory_space<hbm>> -> memref<2x10240x64xf32, #tpu.memory_space<hbm>>
        %dma_wait3A_137 = arith.constant 0 : i32
        %dma_wait3A_138 = arith.constant 0 : i32
        %dma_wait3A_139 = tpu.memref_slice %dma_wait3A_136[%dma_wait3A_128, %dma_wait3A_137, %dma_wait3A_138] : memref<2x10240x64xf32, #tpu.memory_space<hbm>> -> memref<1x10240x64xf32, #tpu.memory_space<hbm>>
        %dma_wait3A_140 = tpu.memref_squeeze %dma_wait3A_139 : memref<1x10240x64xf32, #tpu.memory_space<hbm>> -> memref<10240x64xf32, #tpu.memory_space<hbm>>
        %dma_wait3A_141 = arith.constant 0 : i32
        %dma_wait3A_142 = arith.constant 0 : i32
        %dma_wait3A_143 = tpu.memref_slice %dma_wait3A_140[%dma_wait3A_141, %dma_wait3A_142] : memref<10240x64xf32, #tpu.memory_space<hbm>> -> memref<10240x64xf32, #tpu.memory_space<hbm>>
        tpu.wait_indirect_dma semaphore(%arg21 : memref<!tpu.dma_semaphore, #tpu.memory_space<semaphore_mem>>) src(%dma_wait3A_143 : memref<10240x64xf32, #tpu.memory_space<hbm>>) dst(%arg15 : memref<128x64xf32, #tpu.memory_space<vmem>>)
        %scan3A_144 = arith.constant 0 : i32
        %scan3A_145 = arith.constant 0 : i32
        %scan3A_146 = arith.constant 128 : i32
        %scan3A_147 = arith.addi %scan3A_145, %scan3A_146 : i32
        %scan3A_148 = arith.constant 1 : i32
        %scan3A_149 = scf.for %scan3A_152 = %scan3A_145 to %scan3A_147 step %scan3A_148 iter_args(%scan3A_153 = %scan3A_144) -> (i32)  : i32 {
          %get3A = arith.index_cast %scan3A_152 : i32 to index
          %get3A_154 = arith.constant 0 : index
          %get3A_155 = tpu.vector_load %arg13[%get3A, %get3A_154] {strides = array<i32>} : memref<128x16xf32, #tpu.memory_space<vmem>>, vector<1x16xf32>,
          %get3A_156 = vector.shape_cast %get3A_155 : vector<1x16xf32> to vector<16xf32>
          %get3A_157 = arith.index_cast %scan3A_152 : i32 to index
          %get3A_158 = arith.constant 0 : index
          %get3A_159 = tpu.vector_load %arg14[%get3A_157, %get3A_158] {strides = array<i32>} : memref<128x16xf32, #tpu.memory_space<vmem>>, vector<1x16xf32>,
          %get3A_160 = vector.shape_cast %get3A_159 : vector<1x16xf32> to vector<16xf32>
          %add3A_161 = arith.addf %get3A_156, %get3A_160 : vector<16xf32>
          %mul3A_162 = arith.constant 2.000000e-01 : f32
          %mul3A_163 = vector.broadcast %mul3A_162 : f32 to vector<16xf32>
          %mul3A_164 = arith.mulf %mul3A_163, %add3A_161 : vector<16xf32>
          %max3A = arith.maximumf %add3A_161, %mul3A_164 : vector<16xf32>
          %exp3A = math.exp %max3A : vector<16xf32>
          %swap3A = arith.index_cast %scan3A_152 : i32 to index
          %swap3A_165 = arith.constant 0 : index
          %swap3A_166 = tpu.vector_load %arg16[%swap3A, %swap3A_165] {strides = array<i32>} : memref<128x16xf32, #tpu.memory_space<vmem>>, vector<1x16xf32>,
          %swap3A_167 = vector.shape_cast %swap3A_166 : vector<1x16xf32> to vector<16xf32>
          %swap3A_168 = vector.shape_cast %exp3A : vector<16xf32> to vector<1x16xf32>
          tpu.vector_store %arg16[%swap3A, %swap3A_165], %swap3A_168 {strides = array<i32>} : memref<128x16xf32, #tpu.memory_space<vmem>>, vector<1x16xf32>,
          %get3A_169 = arith.index_cast %scan3A_152 : i32 to index
          %get3A_170 = arith.constant 0 : index
          %get3A_171 = tpu.vector_load %arg15[%get3A_169, %get3A_170] {strides = array<i32>} : memref<128x64xf32, #tpu.memory_space<vmem>>, vector<1x16xf32>,
          %get3A_172 = vector.shape_cast %get3A_171 : vector<1x16xf32> to vector<16xf32>
          %slice3A = vector.extract_strided_slice %exp3A {offsets = [0], sizes = [1], strides = [1]} : vector<16xf32> to vector<1xf32>
          %squeeze3A = vector.extract %slice3A[0] : f32 from vector<1xf32>
          %mul3A_173 = vector.broadcast %squeeze3A : f32 to vector<16xf32>
          %mul3A_174 = arith.mulf %get3A_172, %mul3A_173 : vector<16xf32>
          %swap3A_175 = arith.index_cast %scan3A_152 : i32 to index
          %swap3A_176 = arith.constant 0 : index
          %swap3A_177 = tpu.vector_load %arg15[%swap3A_175, %swap3A_176] {strides = array<i32>} : memref<128x64xf32, #tpu.memory_space<vmem>>, vector<1x16xf32>,
          %swap3A_178 = vector.shape_cast %swap3A_177 : vector<1x16xf32> to vector<16xf32>
          %swap3A_179 = vector.shape_cast %mul3A_174 : vector<16xf32> to vector<1x16xf32>
          tpu.vector_store %arg15[%swap3A_175, %swap3A_176], %swap3A_179 {strides = array<i32>} : memref<128x64xf32, #tpu.memory_space<vmem>>, vector<1x16xf32>,
          %get3A_180 = arith.index_cast %scan3A_152 : i32 to index
          %get3A_181 = arith.constant 16 : index
          %get3A_182 = tpu.vector_load %arg15[%get3A_180, %get3A_181] {strides = array<i32>} : memref<128x64xf32, #tpu.memory_space<vmem>>, vector<1x16xf32>,
          %get3A_183 = vector.shape_cast %get3A_182 : vector<1x16xf32> to vector<16xf32>
          %slice3A_184 = vector.extract_strided_slice %exp3A {offsets = [1], sizes = [1], strides = [1]} : vector<16xf32> to vector<1xf32>
          %squeeze3A_185 = vector.extract %slice3A_184[0] : f32 from vector<1xf32>
          %mul3A_186 = vector.broadcast %squeeze3A_185 : f32 to vector<16xf32>
          %mul3A_187 = arith.mulf %get3A_183, %mul3A_186 : vector<16xf32>
          %swap3A_188 = arith.index_cast %scan3A_152 : i32 to index
          %swap3A_189 = arith.constant 16 : index
          %swap3A_190 = tpu.vector_load %arg15[%swap3A_188, %swap3A_189] {strides = array<i32>} : memref<128x64xf32, #tpu.memory_space<vmem>>, vector<1x16xf32>,
          %swap3A_191 = vector.shape_cast %swap3A_190 : vector<1x16xf32> to vector<16xf32>
          %swap3A_192 = vector.shape_cast %mul3A_187 : vector<16xf32> to vector<1x16xf32>
          tpu.vector_store %arg15[%swap3A_188, %swap3A_189], %swap3A_192 {strides = array<i32>} : memref<128x64xf32, #tpu.memory_space<vmem>>, vector<1x16xf32>,
          %get3A_193 = arith.index_cast %scan3A_152 : i32 to index
          %get3A_194 = arith.constant 32 : index
          %get3A_195 = tpu.vector_load %arg15[%get3A_193, %get3A_194] {strides = array<i32>} : memref<128x64xf32, #tpu.memory_space<vmem>>, vector<1x16xf32>,
          %get3A_196 = vector.shape_cast %get3A_195 : vector<1x16xf32> to vector<16xf32>
          %slice3A_197 = vector.extract_strided_slice %exp3A {offsets = [2], sizes = [1], strides = [1]} : vector<16xf32> to vector<1xf32>
          %squeeze3A_198 = vector.extract %slice3A_197[0] : f32 from vector<1xf32>
          %mul3A_199 = vector.broadcast %squeeze3A_198 : f32 to vector<16xf32>
          %mul3A_200 = arith.mulf %get3A_196, %mul3A_199 : vector<16xf32>
          %swap3A_201 = arith.index_cast %scan3A_152 : i32 to index
          %swap3A_202 = arith.constant 32 : index
          %swap3A_203 = tpu.vector_load %arg15[%swap3A_201, %swap3A_202] {strides = array<i32>} : memref<128x64xf32, #tpu.memory_space<vmem>>, vector<1x16xf32>,
          %swap3A_204 = vector.shape_cast %swap3A_203 : vector<1x16xf32> to vector<16xf32>
          %swap3A_205 = vector.shape_cast %mul3A_200 : vector<16xf32> to vector<1x16xf32>
          tpu.vector_store %arg15[%swap3A_201, %swap3A_202], %swap3A_205 {strides = array<i32>} : memref<128x64xf32, #tpu.memory_space<vmem>>, vector<1x16xf32>,
          %get3A_206 = arith.index_cast %scan3A_152 : i32 to index
          %get3A_207 = arith.constant 48 : index
          %get3A_208 = tpu.vector_load %arg15[%get3A_206, %get3A_207] {strides = array<i32>} : memref<128x64xf32, #tpu.memory_space<vmem>>, vector<1x16xf32>,
          %get3A_209 = vector.shape_cast %get3A_208 : vector<1x16xf32> to vector<16xf32>
          %slice3A_210 = vector.extract_strided_slice %exp3A {offsets = [3], sizes = [1], strides = [1]} : vector<16xf32> to vector<1xf32>
          %squeeze3A_211 = vector.extract %slice3A_210[0] : f32 from vector<1xf32>
          %mul3A_212 = vector.broadcast %squeeze3A_211 : f32 to vector<16xf32>
          %mul3A_213 = arith.mulf %get3A_209, %mul3A_212 : vector<16xf32>
          %swap3A_214 = arith.index_cast %scan3A_152 : i32 to index
          %swap3A_215 = arith.constant 48 : index
          %swap3A_216 = tpu.vector_load %arg15[%swap3A_214, %swap3A_215] {strides = array<i32>} : memref<128x64xf32, #tpu.memory_space<vmem>>, vector<1x16xf32>,
          %swap3A_217 = vector.shape_cast %swap3A_216 : vector<1x16xf32> to vector<16xf32>
          %swap3A_218 = vector.shape_cast %mul3A_213 : vector<16xf32> to vector<1x16xf32>
          tpu.vector_store %arg15[%swap3A_214, %swap3A_215], %swap3A_218 {strides = array<i32>} : memref<128x64xf32, #tpu.memory_space<vmem>>, vector<1x16xf32>,
          %scan3A_219 = arith.constant 0 : i32
          scf.yield %scan3A_219 : i32
        }
        %scan3A_150 = arith.constant 128 : i32
        "tpu.region"() ({
          %run_scoped3A_152 = tpu.sem_alloc : memref<!tpu.dma_semaphore, #tpu.memory_space<semaphore_mem>>
          %dma_start3A_153 = arith.constant 0 : i32
          %dma_start3A_154 = tpu.memref_slice %arg12[%scan3A_72, %dma_start3A_153] : memref<157x128xi32, #tpu.memory_space<vmem>> -> memref<1x128xi32, #tpu.memory_space<vmem>>
          %dma_start3A_155 = tpu.memref_squeeze %dma_start3A_154 : memref<1x128xi32, #tpu.memory_space<vmem>> -> memref<128xi32, #tpu.memory_space<vmem>>
          %dma_start3A_156 = arith.constant 0 : i32
          %dma_start3A_157 = arith.constant 0 : i32
          %dma_start3A_158 = tpu.memref_slice %arg20[%dma_start3A_156, %dma_start3A_157] : memref<10240x16xf32, #tpu.memory_space<vmem_shared>> -> memref<10240x16xf32, #tpu.memory_space<vmem_shared>>
          tpu.enqueue_indirect_dma source(%arg16 : memref<128x16xf32, #tpu.memory_space<vmem>>) target(%dma_start3A_158 : memref<10240x16xf32, #tpu.memory_space<vmem_shared>>) offsets(%dma_start3A_155 : memref<128xi32, #tpu.memory_space<vmem>>) semaphore(%run_scoped3A_152 : memref<!tpu.dma_semaphore, #tpu.memory_space<semaphore_mem>>) {add = true}
          %dma_wait3A_159 = arith.constant 0 : i32
          %dma_wait3A_160 = tpu.memref_slice %arg12[%scan3A_72, %dma_wait3A_159] : memref<157x128xi32, #tpu.memory_space<vmem>> -> memref<1x128xi32, #tpu.memory_space<vmem>>
          %dma_wait3A_161 = tpu.memref_squeeze %dma_wait3A_160 : memref<1x128xi32, #tpu.memory_space<vmem>> -> memref<128xi32, #tpu.memory_space<vmem>>
          %dma_wait3A_162 = arith.constant 0 : i32
          %dma_wait3A_163 = arith.constant 0 : i32
          %dma_wait3A_164 = tpu.memref_slice %arg20[%dma_wait3A_162, %dma_wait3A_163] : memref<10240x16xf32, #tpu.memory_space<vmem_shared>> -> memref<10240x16xf32, #tpu.memory_space<vmem_shared>>
          tpu.wait_indirect_dma semaphore(%run_scoped3A_152 : memref<!tpu.dma_semaphore, #tpu.memory_space<semaphore_mem>>) src(%arg16 : memref<128x16xf32, #tpu.memory_space<vmem>>) dst(%dma_wait3A_164 : memref<10240x16xf32, #tpu.memory_space<vmem_shared>>)
          tpu.yield
        }) : () -> ()
        "tpu.region"() ({
          %run_scoped3A_152 = tpu.sem_alloc : memref<!tpu.dma_semaphore, #tpu.memory_space<semaphore_mem>>
          %dma_start3A_153 = arith.constant 0 : i32
          %dma_start3A_154 = tpu.memref_slice %arg12[%scan3A_72, %dma_start3A_153] : memref<157x128xi32, #tpu.memory_space<vmem>> -> memref<1x128xi32, #tpu.memory_space<vmem>>
          %dma_start3A_155 = tpu.memref_squeeze %dma_start3A_154 : memref<1x128xi32, #tpu.memory_space<vmem>> -> memref<128xi32, #tpu.memory_space<vmem>>
          %dma_start3A_156 = arith.constant 0 : i32
          %dma_start3A_157 = arith.constant 0 : i32
          %dma_start3A_158 = tpu.memref_slice %arg19[%dma_start3A_156, %dma_start3A_157] : memref<10240x64xf32, #tpu.memory_space<vmem_shared>> -> memref<10240x64xf32, #tpu.memory_space<vmem_shared>>
          tpu.enqueue_indirect_dma source(%arg15 : memref<128x64xf32, #tpu.memory_space<vmem>>) target(%dma_start3A_158 : memref<10240x64xf32, #tpu.memory_space<vmem_shared>>) offsets(%dma_start3A_155 : memref<128xi32, #tpu.memory_space<vmem>>) semaphore(%run_scoped3A_152 : memref<!tpu.dma_semaphore, #tpu.memory_space<semaphore_mem>>) {add = true}
          %dma_wait3A_159 = arith.constant 0 : i32
          %dma_wait3A_160 = tpu.memref_slice %arg12[%scan3A_72, %dma_wait3A_159] : memref<157x128xi32, #tpu.memory_space<vmem>> -> memref<1x128xi32, #tpu.memory_space<vmem>>
          %dma_wait3A_161 = tpu.memref_squeeze %dma_wait3A_160 : memref<1x128xi32, #tpu.memory_space<vmem>> -> memref<128xi32, #tpu.memory_space<vmem>>
          %dma_wait3A_162 = arith.constant 0 : i32
          %dma_wait3A_163 = arith.constant 0 : i32
          %dma_wait3A_164 = tpu.memref_slice %arg19[%dma_wait3A_162, %dma_wait3A_163] : memref<10240x64xf32, #tpu.memory_space<vmem_shared>> -> memref<10240x64xf32, #tpu.memory_space<vmem_shared>>
          tpu.wait_indirect_dma semaphore(%run_scoped3A_152 : memref<!tpu.dma_semaphore, #tpu.memory_space<semaphore_mem>>) src(%arg15 : memref<128x64xf32, #tpu.memory_space<vmem>>) dst(%dma_wait3A_164 : memref<10240x64xf32, #tpu.memory_space<vmem_shared>>)
          tpu.yield
        }) : () -> ()
        %scan3A_151 = arith.constant 0 : i32
        scf.yield %scan3A_151 : i32
      }
      %scan3A_42 = arith.constant 157 : i32
      %barrier3A_43 = arith.constant 0 : index
      tpu.barrier barrier_id(%barrier3A_43)
      %run_scoped3A = arith.constant 0 : i32
      %run_scoped3A_44 = arith.constant 0 : i32
      "tpu.region"() ({
        %run_scoped3A_72 = tpu.sem_alloc : memref<!tpu.dma_semaphore, #tpu.memory_space<semaphore_mem>>
        %dma_start3A = arith.constant 0 : i32
        %dma_start3A_73 = arith.constant 0 : i32
        %dma_start3A_74 = arith.constant 0 : i32
        %dma_start3A_75 = tpu.memref_slice %arg9[%run_scoped3A, %dma_start3A, %dma_start3A_73, %dma_start3A_74] : memref<2x2x10240x64xf32, #tpu.memory_space<hbm>> -> memref<1x2x10240x64xf32, #tpu.memory_space<hbm>>
        %dma_start3A_76 = tpu.memref_squeeze %dma_start3A_75 : memref<1x2x10240x64xf32, #tpu.memory_space<hbm>> -> memref<2x10240x64xf32, #tpu.memory_space<hbm>>
        %dma_start3A_77 = arith.constant 0 : i32
        %dma_start3A_78 = arith.constant 0 : i32
        %dma_start3A_79 = tpu.memref_slice %dma_start3A_76[%run_scoped3A_44, %dma_start3A_77, %dma_start3A_78] : memref<2x10240x64xf32, #tpu.memory_space<hbm>> -> memref<1x10240x64xf32, #tpu.memory_space<hbm>>
        %dma_start3A_80 = tpu.memref_squeeze %dma_start3A_79 : memref<1x10240x64xf32, #tpu.memory_space<hbm>> -> memref<10240x64xf32, #tpu.memory_space<hbm>>
        %dma_start3A_81 = arith.constant 0 : i32
        %dma_start3A_82 = tpu.memref_slice %dma_start3A_80[%mul3A_0, %dma_start3A_81] : memref<10240x64xf32, #tpu.memory_space<hbm>> -> memref<640x64xf32, #tpu.memory_space<hbm>>
        %dma_start3A_83 = arith.constant 0 : i32
        %dma_start3A_84 = tpu.memref_slice %arg19[%mul3A_0, %dma_start3A_83] : memref<10240x64xf32, #tpu.memory_space<vmem_shared>> -> memref<640x64xf32, #tpu.memory_space<vmem_shared>>
        tpu.enqueue_dma source(%dma_start3A_84 : memref<640x64xf32, #tpu.memory_space<vmem_shared>>) target(%dma_start3A_82 : memref<640x64xf32, #tpu.memory_space<hbm>>) target_semaphore(%run_scoped3A_72 : memref<!tpu.dma_semaphore, #tpu.memory_space<semaphore_mem>>)
        %dma_wait3A = arith.constant 0 : i32
        %dma_wait3A_85 = arith.constant 0 : i32
        %dma_wait3A_86 = arith.constant 0 : i32
        %dma_wait3A_87 = tpu.memref_slice %arg9[%run_scoped3A, %dma_wait3A, %dma_wait3A_85, %dma_wait3A_86] : memref<2x2x10240x64xf32, #tpu.memory_space<hbm>> -> memref<1x2x10240x64xf32, #tpu.memory_space<hbm>>
        %dma_wait3A_88 = tpu.memref_squeeze %dma_wait3A_87 : memref<1x2x10240x64xf32, #tpu.memory_space<hbm>> -> memref<2x10240x64xf32, #tpu.memory_space<hbm>>
        %dma_wait3A_89 = arith.constant 0 : i32
        %dma_wait3A_90 = arith.constant 0 : i32
        %dma_wait3A_91 = tpu.memref_slice %dma_wait3A_88[%run_scoped3A_44, %dma_wait3A_89, %dma_wait3A_90] : memref<2x10240x64xf32, #tpu.memory_space<hbm>> -> memref<1x10240x64xf32, #tpu.memory_space<hbm>>
        %dma_wait3A_92 = tpu.memref_squeeze %dma_wait3A_91 : memref<1x10240x64xf32, #tpu.memory_space<hbm>> -> memref<10240x64xf32, #tpu.memory_space<hbm>>
        %dma_wait3A_93 = arith.constant 0 : i32
        %dma_wait3A_94 = tpu.memref_slice %dma_wait3A_92[%mul3A_0, %dma_wait3A_93] : memref<10240x64xf32, #tpu.memory_space<hbm>> -> memref<640x64xf32, #tpu.memory_space<hbm>>
        %dma_wait3A_95 = arith.constant 0 : i32
        %dma_wait3A_96 = tpu.memref_slice %arg19[%mul3A_0, %dma_wait3A_95] : memref<10240x64xf32, #tpu.memory_space<vmem_shared>> -> memref<640x64xf32, #tpu.memory_space<vmem_shared>>
        tpu.wait_dma2 semaphore(%run_scoped3A_72 : memref<!tpu.dma_semaphore, #tpu.memory_space<semaphore_mem>>) src(%dma_wait3A_96 : memref<640x64xf32, #tpu.memory_space<vmem_shared>>) dst(%dma_wait3A_94 : memref<640x64xf32, #tpu.memory_space<hbm>>)
        tpu.yield
      }) : () -> ()
      %run_scoped3A_45 = arith.constant 0 : i32
      "tpu.region"() ({
        %run_scoped3A_72 = tpu.sem_alloc : memref<!tpu.dma_semaphore, #tpu.memory_space<semaphore_mem>>
        %dma_start3A = arith.constant 0 : i32
        %dma_start3A_73 = arith.constant 0 : i32
        %dma_start3A_74 = tpu.memref_slice %arg10[%run_scoped3A_45, %dma_start3A, %dma_start3A_73] : memref<2x10240x16xf32, #tpu.memory_space<hbm>> -> memref<1x10240x16xf32, #tpu.memory_space<hbm>>
        %dma_start3A_75 = tpu.memref_squeeze %dma_start3A_74 : memref<1x10240x16xf32, #tpu.memory_space<hbm>> -> memref<10240x16xf32, #tpu.memory_space<hbm>>
        %dma_start3A_76 = arith.constant 0 : i32
        %dma_start3A_77 = tpu.memref_slice %dma_start3A_75[%mul3A_0, %dma_start3A_76] : memref<10240x16xf32, #tpu.memory_space<hbm>> -> memref<640x16xf32, #tpu.memory_space<hbm>>
        %dma_start3A_78 = arith.constant 0 : i32
        %dma_start3A_79 = tpu.memref_slice %arg20[%mul3A_0, %dma_start3A_78] : memref<10240x16xf32, #tpu.memory_space<vmem_shared>> -> memref<640x16xf32, #tpu.memory_space<vmem_shared>>
        tpu.enqueue_dma source(%dma_start3A_79 : memref<640x16xf32, #tpu.memory_space<vmem_shared>>) target(%dma_start3A_77 : memref<640x16xf32, #tpu.memory_space<hbm>>) target_semaphore(%run_scoped3A_72 : memref<!tpu.dma_semaphore, #tpu.memory_space<semaphore_mem>>)
        %dma_wait3A = arith.constant 0 : i32
        %dma_wait3A_80 = arith.constant 0 : i32
        %dma_wait3A_81 = tpu.memref_slice %arg10[%run_scoped3A_45, %dma_wait3A, %dma_wait3A_80] : memref<2x10240x16xf32, #tpu.memory_space<hbm>> -> memref<1x10240x16xf32, #tpu.memory_space<hbm>>
        %dma_wait3A_82 = tpu.memref_squeeze %dma_wait3A_81 : memref<1x10240x16xf32, #tpu.memory_space<hbm>> -> memref<10240x16xf32, #tpu.memory_space<hbm>>
        %dma_wait3A_83 = arith.constant 0 : i32
        %dma_wait3A_84 = tpu.memref_slice %dma_wait3A_82[%mul3A_0, %dma_wait3A_83] : memref<10240x16xf32, #tpu.memory_space<hbm>> -> memref<640x16xf32, #tpu.memory_space<hbm>>
        %dma_wait3A_85 = arith.constant 0 : i32
        %dma_wait3A_86 = tpu.memref_slice %arg20[%mul3A_0, %dma_wait3A_85] : memref<10240x16xf32, #tpu.memory_space<vmem_shared>> -> memref<640x16xf32, #tpu.memory_space<vmem_shared>>
        tpu.wait_dma2 semaphore(%run_scoped3A_72 : memref<!tpu.dma_semaphore, #tpu.memory_space<semaphore_mem>>) src(%dma_wait3A_86 : memref<640x16xf32, #tpu.memory_space<vmem_shared>>) dst(%dma_wait3A_84 : memref<640x16xf32, #tpu.memory_space<hbm>>)
        tpu.yield
      }) : () -> ()
      %barrier3A_46 = arith.constant 0 : index
      tpu.barrier barrier_id(%barrier3A_46)
      %add3A_47 = arith.constant 0 : i32
      %add3A_48 = arith.addi %mul3A_0, %add3A_47 : i32
      "tpu.region"() ({
        %run_scoped3A_72 = tpu.sem_alloc : memref<!tpu.dma_semaphore, #tpu.memory_space<semaphore_mem>>
        %dma_start3A = arith.constant 0 : i32
        %dma_start3A_73 = tpu.memref_slice %arg19[%add3A_48, %dma_start3A] : memref<10240x64xf32, #tpu.memory_space<vmem_shared>> -> memref<128x64xf32, #tpu.memory_space<vmem_shared>>
        %dma_start3A_74 = arith.constant 0 : i32
        %dma_start3A_75 = tpu.memref_slice %arg19[%add3A_48, %dma_start3A_74] : memref<10240x64xf32, #tpu.memory_space<vmem_shared>> -> memref<128x64xf32, #tpu.memory_space<vmem_shared>>
        tpu.enqueue_dma source(%arg17 : memref<128x64xf32, #tpu.memory_space<vmem>>) target(%dma_start3A_75 : memref<128x64xf32, #tpu.memory_space<vmem_shared>>) target_semaphore(%run_scoped3A_72 : memref<!tpu.dma_semaphore, #tpu.memory_space<semaphore_mem>>)
        %dma_wait3A = arith.constant 0 : i32
        %dma_wait3A_76 = tpu.memref_slice %arg19[%add3A_48, %dma_wait3A] : memref<10240x64xf32, #tpu.memory_space<vmem_shared>> -> memref<128x64xf32, #tpu.memory_space<vmem_shared>>
        %dma_wait3A_77 = arith.constant 0 : i32
        %dma_wait3A_78 = tpu.memref_slice %arg19[%add3A_48, %dma_wait3A_77] : memref<10240x64xf32, #tpu.memory_space<vmem_shared>> -> memref<128x64xf32, #tpu.memory_space<vmem_shared>>
        tpu.wait_dma2 semaphore(%run_scoped3A_72 : memref<!tpu.dma_semaphore, #tpu.memory_space<semaphore_mem>>) src(%arg17 : memref<128x64xf32, #tpu.memory_space<vmem>>) dst(%dma_wait3A_78 : memref<128x64xf32, #tpu.memory_space<vmem_shared>>)
        tpu.yield
      }) : () -> ()
      %add3A_49 = arith.constant 128 : i32
      %add3A_50 = arith.addi %mul3A_0, %add3A_49 : i32
      "tpu.region"() ({
        %run_scoped3A_72 = tpu.sem_alloc : memref<!tpu.dma_semaphore, #tpu.memory_space<semaphore_mem>>
        %dma_start3A = arith.constant 0 : i32
        %dma_start3A_73 = tpu.memref_slice %arg19[%add3A_50, %dma_start3A] : memref<10240x64xf32, #tpu.memory_space<vmem_shared>> -> memref<128x64xf32, #tpu.memory_space<vmem_shared>>
        %dma_start3A_74 = arith.constant 0 : i32
        %dma_start3A_75 = tpu.memref_slice %arg19[%add3A_50, %dma_start3A_74] : memref<10240x64xf32, #tpu.memory_space<vmem_shared>> -> memref<128x64xf32, #tpu.memory_space<vmem_shared>>
        tpu.enqueue_dma source(%arg17 : memref<128x64xf32, #tpu.memory_space<vmem>>) target(%dma_start3A_75 : memref<128x64xf32, #tpu.memory_space<vmem_shared>>) target_semaphore(%run_scoped3A_72 : memref<!tpu.dma_semaphore, #tpu.memory_space<semaphore_mem>>)
        %dma_wait3A = arith.constant 0 : i32
        %dma_wait3A_76 = tpu.memref_slice %arg19[%add3A_50, %dma_wait3A] : memref<10240x64xf32, #tpu.memory_space<vmem_shared>> -> memref<128x64xf32, #tpu.memory_space<vmem_shared>>
        %dma_wait3A_77 = arith.constant 0 : i32
        %dma_wait3A_78 = tpu.memref_slice %arg19[%add3A_50, %dma_wait3A_77] : memref<10240x64xf32, #tpu.memory_space<vmem_shared>> -> memref<128x64xf32, #tpu.memory_space<vmem_shared>>
        tpu.wait_dma2 semaphore(%run_scoped3A_72 : memref<!tpu.dma_semaphore, #tpu.memory_space<semaphore_mem>>) src(%arg17 : memref<128x64xf32, #tpu.memory_space<vmem>>) dst(%dma_wait3A_78 : memref<128x64xf32, #tpu.memory_space<vmem_shared>>)
        tpu.yield
      }) : () -> ()
      %add3A_51 = arith.constant 256 : i32
      %add3A_52 = arith.addi %mul3A_0, %add3A_51 : i32
      "tpu.region"() ({
        %run_scoped3A_72 = tpu.sem_alloc : memref<!tpu.dma_semaphore, #tpu.memory_space<semaphore_mem>>
        %dma_start3A = arith.constant 0 : i32
        %dma_start3A_73 = tpu.memref_slice %arg19[%add3A_52, %dma_start3A] : memref<10240x64xf32, #tpu.memory_space<vmem_shared>> -> memref<128x64xf32, #tpu.memory_space<vmem_shared>>
        %dma_start3A_74 = arith.constant 0 : i32
        %dma_start3A_75 = tpu.memref_slice %arg19[%add3A_52, %dma_start3A_74] : memref<10240x64xf32, #tpu.memory_space<vmem_shared>> -> memref<128x64xf32, #tpu.memory_space<vmem_shared>>
        tpu.enqueue_dma source(%arg17 : memref<128x64xf32, #tpu.memory_space<vmem>>) target(%dma_start3A_75 : memref<128x64xf32, #tpu.memory_space<vmem_shared>>) target_semaphore(%run_scoped3A_72 : memref<!tpu.dma_semaphore, #tpu.memory_space<semaphore_mem>>)
        %dma_wait3A = arith.constant 0 : i32
        %dma_wait3A_76 = tpu.memref_slice %arg19[%add3A_52, %dma_wait3A] : memref<10240x64xf32, #tpu.memory_space<vmem_shared>> -> memref<128x64xf32, #tpu.memory_space<vmem_shared>>
        %dma_wait3A_77 = arith.constant 0 : i32
        %dma_wait3A_78 = tpu.memref_slice %arg19[%add3A_52, %dma_wait3A_77] : memref<10240x64xf32, #tpu.memory_space<vmem_shared>> -> memref<128x64xf32, #tpu.memory_space<vmem_shared>>
        tpu.wait_dma2 semaphore(%run_scoped3A_72 : memref<!tpu.dma_semaphore, #tpu.memory_space<semaphore_mem>>) src(%arg17 : memref<128x64xf32, #tpu.memory_space<vmem>>) dst(%dma_wait3A_78 : memref<128x64xf32, #tpu.memory_space<vmem_shared>>)
        tpu.yield
      }) : () -> ()
      %add3A_53 = arith.constant 384 : i32
      %add3A_54 = arith.addi %mul3A_0, %add3A_53 : i32
      "tpu.region"() ({
        %run_scoped3A_72 = tpu.sem_alloc : memref<!tpu.dma_semaphore, #tpu.memory_space<semaphore_mem>>
        %dma_start3A = arith.constant 0 : i32
        %dma_start3A_73 = tpu.memref_slice %arg19[%add3A_54, %dma_start3A] : memref<10240x64xf32, #tpu.memory_space<vmem_shared>> -> memref<128x64xf32, #tpu.memory_space<vmem_shared>>
        %dma_start3A_74 = arith.constant 0 : i32
        %dma_start3A_75 = tpu.memref_slice %arg19[%add3A_54, %dma_start3A_74] : memref<10240x64xf32, #tpu.memory_space<vmem_shared>> -> memref<128x64xf32, #tpu.memory_space<vmem_shared>>
        tpu.enqueue_dma source(%arg17 : memref<128x64xf32, #tpu.memory_space<vmem>>) target(%dma_start3A_75 : memref<128x64xf32, #tpu.memory_space<vmem_shared>>) target_semaphore(%run_scoped3A_72 : memref<!tpu.dma_semaphore, #tpu.memory_space<semaphore_mem>>)
        %dma_wait3A = arith.constant 0 : i32
        %dma_wait3A_76 = tpu.memref_slice %arg19[%add3A_54, %dma_wait3A] : memref<10240x64xf32, #tpu.memory_space<vmem_shared>> -> memref<128x64xf32, #tpu.memory_space<vmem_shared>>
        %dma_wait3A_77 = arith.constant 0 : i32
        %dma_wait3A_78 = tpu.memref_slice %arg19[%add3A_54, %dma_wait3A_77] : memref<10240x64xf32, #tpu.memory_space<vmem_shared>> -> memref<128x64xf32, #tpu.memory_space<vmem_shared>>
        tpu.wait_dma2 semaphore(%run_scoped3A_72 : memref<!tpu.dma_semaphore, #tpu.memory_space<semaphore_mem>>) src(%arg17 : memref<128x64xf32, #tpu.memory_space<vmem>>) dst(%dma_wait3A_78 : memref<128x64xf32, #tpu.memory_space<vmem_shared>>)
        tpu.yield
      }) : () -> ()
      %add3A_55 = arith.constant 512 : i32
      %add3A_56 = arith.addi %mul3A_0, %add3A_55 : i32
      "tpu.region"() ({
        %run_scoped3A_72 = tpu.sem_alloc : memref<!tpu.dma_semaphore, #tpu.memory_space<semaphore_mem>>
        %dma_start3A = arith.constant 0 : i32
        %dma_start3A_73 = tpu.memref_slice %arg19[%add3A_56, %dma_start3A] : memref<10240x64xf32, #tpu.memory_space<vmem_shared>> -> memref<128x64xf32, #tpu.memory_space<vmem_shared>>
        %dma_start3A_74 = arith.constant 0 : i32
        %dma_start3A_75 = tpu.memref_slice %arg19[%add3A_56, %dma_start3A_74] : memref<10240x64xf32, #tpu.memory_space<vmem_shared>> -> memref<128x64xf32, #tpu.memory_space<vmem_shared>>
        tpu.enqueue_dma source(%arg17 : memref<128x64xf32, #tpu.memory_space<vmem>>) target(%dma_start3A_75 : memref<128x64xf32, #tpu.memory_space<vmem_shared>>) target_semaphore(%run_scoped3A_72 : memref<!tpu.dma_semaphore, #tpu.memory_space<semaphore_mem>>)
        %dma_wait3A = arith.constant 0 : i32
        %dma_wait3A_76 = tpu.memref_slice %arg19[%add3A_56, %dma_wait3A] : memref<10240x64xf32, #tpu.memory_space<vmem_shared>> -> memref<128x64xf32, #tpu.memory_space<vmem_shared>>
        %dma_wait3A_77 = arith.constant 0 : i32
        %dma_wait3A_78 = tpu.memref_slice %arg19[%add3A_56, %dma_wait3A_77] : memref<10240x64xf32, #tpu.memory_space<vmem_shared>> -> memref<128x64xf32, #tpu.memory_space<vmem_shared>>
        tpu.wait_dma2 semaphore(%run_scoped3A_72 : memref<!tpu.dma_semaphore, #tpu.memory_space<semaphore_mem>>) src(%arg17 : memref<128x64xf32, #tpu.memory_space<vmem>>) dst(%dma_wait3A_78 : memref<128x64xf32, #tpu.memory_space<vmem_shared>>)
        tpu.yield
      }) : () -> ()
      %barrier3A_57 = arith.constant 0 : index
      tpu.barrier barrier_id(%barrier3A_57)
      %scan3A_58 = arith.constant 0 : i32
      %scan3A_59 = arith.constant 1 : i32
      %scan3A_60 = arith.constant 0 : i32
      %scan3A_61 = arith.constant 0 : i32
      %scan3A_62 = arith.constant 0 : i32
      %scan3A_63 = arith.constant 157 : i32
      %scan3A_64 = arith.addi %scan3A_62, %scan3A_63 : i32
      %scan3A_65 = arith.constant 1 : i32
      %scan3A_66 = scf.for %scan3A_72 = %scan3A_62 to %scan3A_64 step %scan3A_65 iter_args(%scan3A_73 = %scan3A_61) -> (i32)  : i32 {
        %dma_start3A = arith.constant 0 : i32
        %dma_start3A_74 = tpu.memref_slice %arg11[%scan3A_72, %dma_start3A] : memref<157x128xi32, #tpu.memory_space<vmem>> -> memref<1x128xi32, #tpu.memory_space<vmem>>
        %dma_start3A_75 = tpu.memref_squeeze %dma_start3A_74 : memref<1x128xi32, #tpu.memory_space<vmem>> -> memref<128xi32, #tpu.memory_space<vmem>>
        %dma_start3A_76 = arith.constant 0 : i32
        %dma_start3A_77 = arith.constant 0 : i32
        %dma_start3A_78 = tpu.memref_slice %arg3[%scan3A_58, %dma_start3A_76, %dma_start3A_77] : memref<2x10240x16xf32, #tpu.memory_space<hbm>> -> memref<1x10240x16xf32, #tpu.memory_space<hbm>>
        %dma_start3A_79 = tpu.memref_squeeze %dma_start3A_78 : memref<1x10240x16xf32, #tpu.memory_space<hbm>> -> memref<10240x16xf32, #tpu.memory_space<hbm>>
        %dma_start3A_80 = arith.constant 0 : i32
        %dma_start3A_81 = arith.constant 0 : i32
        %dma_start3A_82 = tpu.memref_slice %dma_start3A_79[%dma_start3A_80, %dma_start3A_81] : memref<10240x16xf32, #tpu.memory_space<hbm>> -> memref<10240x16xf32, #tpu.memory_space<hbm>>
        tpu.enqueue_indirect_dma source(%dma_start3A_82 : memref<10240x16xf32, #tpu.memory_space<hbm>>) target(%arg13 : memref<128x16xf32, #tpu.memory_space<vmem>>) offsets(%dma_start3A_75 : memref<128xi32, #tpu.memory_space<vmem>>) semaphore(%arg21 : memref<!tpu.dma_semaphore, #tpu.memory_space<semaphore_mem>>)
        %dma_start3A_83 = arith.constant 0 : i32
        %dma_start3A_84 = tpu.memref_slice %arg12[%scan3A_72, %dma_start3A_83] : memref<157x128xi32, #tpu.memory_space<vmem>> -> memref<1x128xi32, #tpu.memory_space<vmem>>
        %dma_start3A_85 = tpu.memref_squeeze %dma_start3A_84 : memref<1x128xi32, #tpu.memory_space<vmem>> -> memref<128xi32, #tpu.memory_space<vmem>>
        %dma_start3A_86 = arith.constant 0 : i32
        %dma_start3A_87 = arith.constant 0 : i32
        %dma_start3A_88 = tpu.memref_slice %arg4[%scan3A_59, %dma_start3A_86, %dma_start3A_87] : memref<2x10240x16xf32, #tpu.memory_space<hbm>> -> memref<1x10240x16xf32, #tpu.memory_space<hbm>>
        %dma_start3A_89 = tpu.memref_squeeze %dma_start3A_88 : memref<1x10240x16xf32, #tpu.memory_space<hbm>> -> memref<10240x16xf32, #tpu.memory_space<hbm>>
        %dma_start3A_90 = arith.constant 0 : i32
        %dma_start3A_91 = arith.constant 0 : i32
        %dma_start3A_92 = tpu.memref_slice %dma_start3A_89[%dma_start3A_90, %dma_start3A_91] : memref<10240x16xf32, #tpu.memory_space<hbm>> -> memref<10240x16xf32, #tpu.memory_space<hbm>>
        tpu.enqueue_indirect_dma source(%dma_start3A_92 : memref<10240x16xf32, #tpu.memory_space<hbm>>) target(%arg14 : memref<128x16xf32, #tpu.memory_space<vmem>>) offsets(%dma_start3A_85 : memref<128xi32, #tpu.memory_space<vmem>>) semaphore(%arg21 : memref<!tpu.dma_semaphore, #tpu.memory_space<semaphore_mem>>)
        %dma_start3A_93 = arith.constant 1 : i32
        %dma_start3A_94 = arith.constant 0 : i32
        %dma_start3A_95 = tpu.memref_slice %arg11[%scan3A_72, %dma_start3A_94] : memref<157x128xi32, #tpu.memory_space<vmem>> -> memref<1x128xi32, #tpu.memory_space<vmem>>
        %dma_start3A_96 = tpu.memref_squeeze %dma_start3A_95 : memref<1x128xi32, #tpu.memory_space<vmem>> -> memref<128xi32, #tpu.memory_space<vmem>>
        %dma_start3A_97 = arith.constant 0 : i32
        %dma_start3A_98 = arith.constant 0 : i32
        %dma_start3A_99 = arith.constant 0 : i32
        %dma_start3A_100 = tpu.memref_slice %arg2[%scan3A_60, %dma_start3A_97, %dma_start3A_98, %dma_start3A_99] : memref<2x2x10240x64xf32, #tpu.memory_space<hbm>> -> memref<1x2x10240x64xf32, #tpu.memory_space<hbm>>
        %dma_start3A_101 = tpu.memref_squeeze %dma_start3A_100 : memref<1x2x10240x64xf32, #tpu.memory_space<hbm>> -> memref<2x10240x64xf32, #tpu.memory_space<hbm>>
        %dma_start3A_102 = arith.constant 0 : i32
        %dma_start3A_103 = arith.constant 0 : i32
        %dma_start3A_104 = tpu.memref_slice %dma_start3A_101[%dma_start3A_93, %dma_start3A_102, %dma_start3A_103] : memref<2x10240x64xf32, #tpu.memory_space<hbm>> -> memref<1x10240x64xf32, #tpu.memory_space<hbm>>
        %dma_start3A_105 = tpu.memref_squeeze %dma_start3A_104 : memref<1x10240x64xf32, #tpu.memory_space<hbm>> -> memref<10240x64xf32, #tpu.memory_space<hbm>>
        %dma_start3A_106 = arith.constant 0 : i32
        %dma_start3A_107 = arith.constant 0 : i32
        %dma_start3A_108 = tpu.memref_slice %dma_start3A_105[%dma_start3A_106, %dma_start3A_107] : memref<10240x64xf32, #tpu.memory_space<hbm>> -> memref<10240x64xf32, #tpu.memory_space<hbm>>
        tpu.enqueue_indirect_dma source(%dma_start3A_108 : memref<10240x64xf32, #tpu.memory_space<hbm>>) target(%arg15 : memref<128x64xf32, #tpu.memory_space<vmem>>) offsets(%dma_start3A_96 : memref<128xi32, #tpu.memory_space<vmem>>) semaphore(%arg21 : memref<!tpu.dma_semaphore, #tpu.memory_space<semaphore_mem>>)
        %dma_wait3A = arith.constant 0 : i32
        %dma_wait3A_109 = tpu.memref_slice %arg11[%scan3A_72, %dma_wait3A] : memref<157x128xi32, #tpu.memory_space<vmem>> -> memref<1x128xi32, #tpu.memory_space<vmem>>
        %dma_wait3A_110 = tpu.memref_squeeze %dma_wait3A_109 : memref<1x128xi32, #tpu.memory_space<vmem>> -> memref<128xi32, #tpu.memory_space<vmem>>
        %dma_wait3A_111 = arith.constant 0 : i32
        %dma_wait3A_112 = arith.constant 0 : i32
        %dma_wait3A_113 = tpu.memref_slice %arg3[%scan3A_58, %dma_wait3A_111, %dma_wait3A_112] : memref<2x10240x16xf32, #tpu.memory_space<hbm>> -> memref<1x10240x16xf32, #tpu.memory_space<hbm>>
        %dma_wait3A_114 = tpu.memref_squeeze %dma_wait3A_113 : memref<1x10240x16xf32, #tpu.memory_space<hbm>> -> memref<10240x16xf32, #tpu.memory_space<hbm>>
        %dma_wait3A_115 = arith.constant 0 : i32
        %dma_wait3A_116 = arith.constant 0 : i32
        %dma_wait3A_117 = tpu.memref_slice %dma_wait3A_114[%dma_wait3A_115, %dma_wait3A_116] : memref<10240x16xf32, #tpu.memory_space<hbm>> -> memref<10240x16xf32, #tpu.memory_space<hbm>>
        tpu.wait_indirect_dma semaphore(%arg21 : memref<!tpu.dma_semaphore, #tpu.memory_space<semaphore_mem>>) src(%dma_wait3A_117 : memref<10240x16xf32, #tpu.memory_space<hbm>>) dst(%arg13 : memref<128x16xf32, #tpu.memory_space<vmem>>)
        %dma_wait3A_118 = arith.constant 0 : i32
        %dma_wait3A_119 = tpu.memref_slice %arg12[%scan3A_72, %dma_wait3A_118] : memref<157x128xi32, #tpu.memory_space<vmem>> -> memref<1x128xi32, #tpu.memory_space<vmem>>
        %dma_wait3A_120 = tpu.memref_squeeze %dma_wait3A_119 : memref<1x128xi32, #tpu.memory_space<vmem>> -> memref<128xi32, #tpu.memory_space<vmem>>
        %dma_wait3A_121 = arith.constant 0 : i32
        %dma_wait3A_122 = arith.constant 0 : i32
        %dma_wait3A_123 = tpu.memref_slice %arg4[%scan3A_59, %dma_wait3A_121, %dma_wait3A_122] : memref<2x10240x16xf32, #tpu.memory_space<hbm>> -> memref<1x10240x16xf32, #tpu.memory_space<hbm>>
        %dma_wait3A_124 = tpu.memref_squeeze %dma_wait3A_123 : memref<1x10240x16xf32, #tpu.memory_space<hbm>> -> memref<10240x16xf32, #tpu.memory_space<hbm>>
        %dma_wait3A_125 = arith.constant 0 : i32
        %dma_wait3A_126 = arith.constant 0 : i32
        %dma_wait3A_127 = tpu.memref_slice %dma_wait3A_124[%dma_wait3A_125, %dma_wait3A_126] : memref<10240x16xf32, #tpu.memory_space<hbm>> -> memref<10240x16xf32, #tpu.memory_space<hbm>>
        tpu.wait_indirect_dma semaphore(%arg21 : memref<!tpu.dma_semaphore, #tpu.memory_space<semaphore_mem>>) src(%dma_wait3A_127 : memref<10240x16xf32, #tpu.memory_space<hbm>>) dst(%arg14 : memref<128x16xf32, #tpu.memory_space<vmem>>)
        %dma_wait3A_128 = arith.constant 1 : i32
        %dma_wait3A_129 = arith.constant 0 : i32
        %dma_wait3A_130 = tpu.memref_slice %arg11[%scan3A_72, %dma_wait3A_129] : memref<157x128xi32, #tpu.memory_space<vmem>> -> memref<1x128xi32, #tpu.memory_space<vmem>>
        %dma_wait3A_131 = tpu.memref_squeeze %dma_wait3A_130 : memref<1x128xi32, #tpu.memory_space<vmem>> -> memref<128xi32, #tpu.memory_space<vmem>>
        %dma_wait3A_132 = arith.constant 0 : i32
        %dma_wait3A_133 = arith.constant 0 : i32
        %dma_wait3A_134 = arith.constant 0 : i32
        %dma_wait3A_135 = tpu.memref_slice %arg2[%scan3A_60, %dma_wait3A_132, %dma_wait3A_133, %dma_wait3A_134] : memref<2x2x10240x64xf32, #tpu.memory_space<hbm>> -> memref<1x2x10240x64xf32, #tpu.memory_space<hbm>>
        %dma_wait3A_136 = tpu.memref_squeeze %dma_wait3A_135 : memref<1x2x10240x64xf32, #tpu.memory_space<hbm>> -> memref<2x10240x64xf32, #tpu.memory_space<hbm>>
        %dma_wait3A_137 = arith.constant 0 : i32
        %dma_wait3A_138 = arith.constant 0 : i32
        %dma_wait3A_139 = tpu.memref_slice %dma_wait3A_136[%dma_wait3A_128, %dma_wait3A_137, %dma_wait3A_138] : memref<2x10240x64xf32, #tpu.memory_space<hbm>> -> memref<1x10240x64xf32, #tpu.memory_space<hbm>>
        %dma_wait3A_140 = tpu.memref_squeeze %dma_wait3A_139 : memref<1x10240x64xf32, #tpu.memory_space<hbm>> -> memref<10240x64xf32, #tpu.memory_space<hbm>>
        %dma_wait3A_141 = arith.constant 0 : i32
        %dma_wait3A_142 = arith.constant 0 : i32
        %dma_wait3A_143 = tpu.memref_slice %dma_wait3A_140[%dma_wait3A_141, %dma_wait3A_142] : memref<10240x64xf32, #tpu.memory_space<hbm>> -> memref<10240x64xf32, #tpu.memory_space<hbm>>
        tpu.wait_indirect_dma semaphore(%arg21 : memref<!tpu.dma_semaphore, #tpu.memory_space<semaphore_mem>>) src(%dma_wait3A_143 : memref<10240x64xf32, #tpu.memory_space<hbm>>) dst(%arg15 : memref<128x64xf32, #tpu.memory_space<vmem>>)
        %scan3A_144 = arith.constant 0 : i32
        %scan3A_145 = arith.constant 0 : i32
        %scan3A_146 = arith.constant 128 : i32
        %scan3A_147 = arith.addi %scan3A_145, %scan3A_146 : i32
        %scan3A_148 = arith.constant 1 : i32
        %scan3A_149 = scf.for %scan3A_152 = %scan3A_145 to %scan3A_147 step %scan3A_148 iter_args(%scan3A_153 = %scan3A_144) -> (i32)  : i32 {
          %get3A = arith.index_cast %scan3A_152 : i32 to index
          %get3A_154 = arith.constant 0 : index
          %get3A_155 = tpu.vector_load %arg13[%get3A, %get3A_154] {strides = array<i32>} : memref<128x16xf32, #tpu.memory_space<vmem>>, vector<1x16xf32>,
          %get3A_156 = vector.shape_cast %get3A_155 : vector<1x16xf32> to vector<16xf32>
          %get3A_157 = arith.index_cast %scan3A_152 : i32 to index
          %get3A_158 = arith.constant 0 : index
          %get3A_159 = tpu.vector_load %arg14[%get3A_157, %get3A_158] {strides = array<i32>} : memref<128x16xf32, #tpu.memory_space<vmem>>, vector<1x16xf32>,
          %get3A_160 = vector.shape_cast %get3A_159 : vector<1x16xf32> to vector<16xf32>
          %add3A_161 = arith.addf %get3A_156, %get3A_160 : vector<16xf32>
          %mul3A_162 = arith.constant 2.000000e-01 : f32
          %mul3A_163 = vector.broadcast %mul3A_162 : f32 to vector<16xf32>
          %mul3A_164 = arith.mulf %mul3A_163, %add3A_161 : vector<16xf32>
          %max3A = arith.maximumf %add3A_161, %mul3A_164 : vector<16xf32>
          %exp3A = math.exp %max3A : vector<16xf32>
          %get3A_165 = arith.index_cast %scan3A_152 : i32 to index
          %get3A_166 = arith.constant 0 : index
          %get3A_167 = tpu.vector_load %arg15[%get3A_165, %get3A_166] {strides = array<i32>} : memref<128x64xf32, #tpu.memory_space<vmem>>, vector<1x16xf32>,
          %get3A_168 = vector.shape_cast %get3A_167 : vector<1x16xf32> to vector<16xf32>
          %slice3A = vector.extract_strided_slice %exp3A {offsets = [4], sizes = [1], strides = [1]} : vector<16xf32> to vector<1xf32>
          %squeeze3A = vector.extract %slice3A[0] : f32 from vector<1xf32>
          %mul3A_169 = vector.broadcast %squeeze3A : f32 to vector<16xf32>
          %mul3A_170 = arith.mulf %get3A_168, %mul3A_169 : vector<16xf32>
          %swap3A = arith.index_cast %scan3A_152 : i32 to index
          %swap3A_171 = arith.constant 0 : index
          %swap3A_172 = tpu.vector_load %arg15[%swap3A, %swap3A_171] {strides = array<i32>} : memref<128x64xf32, #tpu.memory_space<vmem>>, vector<1x16xf32>,
          %swap3A_173 = vector.shape_cast %swap3A_172 : vector<1x16xf32> to vector<16xf32>
          %swap3A_174 = vector.shape_cast %mul3A_170 : vector<16xf32> to vector<1x16xf32>
          tpu.vector_store %arg15[%swap3A, %swap3A_171], %swap3A_174 {strides = array<i32>} : memref<128x64xf32, #tpu.memory_space<vmem>>, vector<1x16xf32>,
          %get3A_175 = arith.index_cast %scan3A_152 : i32 to index
          %get3A_176 = arith.constant 16 : index
          %get3A_177 = tpu.vector_load %arg15[%get3A_175, %get3A_176] {strides = array<i32>} : memref<128x64xf32, #tpu.memory_space<vmem>>, vector<1x16xf32>,
          %get3A_178 = vector.shape_cast %get3A_177 : vector<1x16xf32> to vector<16xf32>
          %slice3A_179 = vector.extract_strided_slice %exp3A {offsets = [5], sizes = [1], strides = [1]} : vector<16xf32> to vector<1xf32>
          %squeeze3A_180 = vector.extract %slice3A_179[0] : f32 from vector<1xf32>
          %mul3A_181 = vector.broadcast %squeeze3A_180 : f32 to vector<16xf32>
          %mul3A_182 = arith.mulf %get3A_178, %mul3A_181 : vector<16xf32>
          %swap3A_183 = arith.index_cast %scan3A_152 : i32 to index
          %swap3A_184 = arith.constant 16 : index
          %swap3A_185 = tpu.vector_load %arg15[%swap3A_183, %swap3A_184] {strides = array<i32>} : memref<128x64xf32, #tpu.memory_space<vmem>>, vector<1x16xf32>,
          %swap3A_186 = vector.shape_cast %swap3A_185 : vector<1x16xf32> to vector<16xf32>
          %swap3A_187 = vector.shape_cast %mul3A_182 : vector<16xf32> to vector<1x16xf32>
          tpu.vector_store %arg15[%swap3A_183, %swap3A_184], %swap3A_187 {strides = array<i32>} : memref<128x64xf32, #tpu.memory_space<vmem>>, vector<1x16xf32>,
          %get3A_188 = arith.index_cast %scan3A_152 : i32 to index
          %get3A_189 = arith.constant 32 : index
          %get3A_190 = tpu.vector_load %arg15[%get3A_188, %get3A_189] {strides = array<i32>} : memref<128x64xf32, #tpu.memory_space<vmem>>, vector<1x16xf32>,
          %get3A_191 = vector.shape_cast %get3A_190 : vector<1x16xf32> to vector<16xf32>
          %slice3A_192 = vector.extract_strided_slice %exp3A {offsets = [6], sizes = [1], strides = [1]} : vector<16xf32> to vector<1xf32>
          %squeeze3A_193 = vector.extract %slice3A_192[0] : f32 from vector<1xf32>
          %mul3A_194 = vector.broadcast %squeeze3A_193 : f32 to vector<16xf32>
          %mul3A_195 = arith.mulf %get3A_191, %mul3A_194 : vector<16xf32>
          %swap3A_196 = arith.index_cast %scan3A_152 : i32 to index
          %swap3A_197 = arith.constant 32 : index
          %swap3A_198 = tpu.vector_load %arg15[%swap3A_196, %swap3A_197] {strides = array<i32>} : memref<128x64xf32, #tpu.memory_space<vmem>>, vector<1x16xf32>,
          %swap3A_199 = vector.shape_cast %swap3A_198 : vector<1x16xf32> to vector<16xf32>
          %swap3A_200 = vector.shape_cast %mul3A_195 : vector<16xf32> to vector<1x16xf32>
          tpu.vector_store %arg15[%swap3A_196, %swap3A_197], %swap3A_200 {strides = array<i32>} : memref<128x64xf32, #tpu.memory_space<vmem>>, vector<1x16xf32>,
          %get3A_201 = arith.index_cast %scan3A_152 : i32 to index
          %get3A_202 = arith.constant 48 : index
          %get3A_203 = tpu.vector_load %arg15[%get3A_201, %get3A_202] {strides = array<i32>} : memref<128x64xf32, #tpu.memory_space<vmem>>, vector<1x16xf32>,
          %get3A_204 = vector.shape_cast %get3A_203 : vector<1x16xf32> to vector<16xf32>
          %slice3A_205 = vector.extract_strided_slice %exp3A {offsets = [7], sizes = [1], strides = [1]} : vector<16xf32> to vector<1xf32>
          %squeeze3A_206 = vector.extract %slice3A_205[0] : f32 from vector<1xf32>
          %mul3A_207 = vector.broadcast %squeeze3A_206 : f32 to vector<16xf32>
          %mul3A_208 = arith.mulf %get3A_204, %mul3A_207 : vector<16xf32>
          %swap3A_209 = arith.index_cast %scan3A_152 : i32 to index
          %swap3A_210 = arith.constant 48 : index
          %swap3A_211 = tpu.vector_load %arg15[%swap3A_209, %swap3A_210] {strides = array<i32>} : memref<128x64xf32, #tpu.memory_space<vmem>>, vector<1x16xf32>,
          %swap3A_212 = vector.shape_cast %swap3A_211 : vector<1x16xf32> to vector<16xf32>
          %swap3A_213 = vector.shape_cast %mul3A_208 : vector<16xf32> to vector<1x16xf32>
          tpu.vector_store %arg15[%swap3A_209, %swap3A_210], %swap3A_213 {strides = array<i32>} : memref<128x64xf32, #tpu.memory_space<vmem>>, vector<1x16xf32>,
          %scan3A_214 = arith.constant 0 : i32
          scf.yield %scan3A_214 : i32
        }
        %scan3A_150 = arith.constant 128 : i32
        "tpu.region"() ({
          %run_scoped3A_152 = tpu.sem_alloc : memref<!tpu.dma_semaphore, #tpu.memory_space<semaphore_mem>>
          %dma_start3A_153 = arith.constant 0 : i32
          %dma_start3A_154 = tpu.memref_slice %arg12[%scan3A_72, %dma_start3A_153] : memref<157x128xi32, #tpu.memory_space<vmem>> -> memref<1x128xi32, #tpu.memory_space<vmem>>
          %dma_start3A_155 = tpu.memref_squeeze %dma_start3A_154 : memref<1x128xi32, #tpu.memory_space<vmem>> -> memref<128xi32, #tpu.memory_space<vmem>>
          %dma_start3A_156 = arith.constant 0 : i32
          %dma_start3A_157 = arith.constant 0 : i32
          %dma_start3A_158 = tpu.memref_slice %arg19[%dma_start3A_156, %dma_start3A_157] : memref<10240x64xf32, #tpu.memory_space<vmem_shared>> -> memref<10240x64xf32, #tpu.memory_space<vmem_shared>>
          tpu.enqueue_indirect_dma source(%arg15 : memref<128x64xf32, #tpu.memory_space<vmem>>) target(%dma_start3A_158 : memref<10240x64xf32, #tpu.memory_space<vmem_shared>>) offsets(%dma_start3A_155 : memref<128xi32, #tpu.memory_space<vmem>>) semaphore(%run_scoped3A_152 : memref<!tpu.dma_semaphore, #tpu.memory_space<semaphore_mem>>) {add = true}
          %dma_wait3A_159 = arith.constant 0 : i32
          %dma_wait3A_160 = tpu.memref_slice %arg12[%scan3A_72, %dma_wait3A_159] : memref<157x128xi32, #tpu.memory_space<vmem>> -> memref<1x128xi32, #tpu.memory_space<vmem>>
          %dma_wait3A_161 = tpu.memref_squeeze %dma_wait3A_160 : memref<1x128xi32, #tpu.memory_space<vmem>> -> memref<128xi32, #tpu.memory_space<vmem>>
          %dma_wait3A_162 = arith.constant 0 : i32
          %dma_wait3A_163 = arith.constant 0 : i32
          %dma_wait3A_164 = tpu.memref_slice %arg19[%dma_wait3A_162, %dma_wait3A_163] : memref<10240x64xf32, #tpu.memory_space<vmem_shared>> -> memref<10240x64xf32, #tpu.memory_space<vmem_shared>>
          tpu.wait_indirect_dma semaphore(%run_scoped3A_152 : memref<!tpu.dma_semaphore, #tpu.memory_space<semaphore_mem>>) src(%arg15 : memref<128x64xf32, #tpu.memory_space<vmem>>) dst(%dma_wait3A_164 : memref<10240x64xf32, #tpu.memory_space<vmem_shared>>)
          tpu.yield
        }) : () -> ()
        %scan3A_151 = arith.constant 0 : i32
        scf.yield %scan3A_151 : i32
      }
      %scan3A_67 = arith.constant 157 : i32
      %barrier3A_68 = arith.constant 0 : index
      tpu.barrier barrier_id(%barrier3A_68)
      %run_scoped3A_69 = arith.constant 0 : i32
      %run_scoped3A_70 = arith.constant 1 : i32
      "tpu.region"() ({
        %run_scoped3A_72 = tpu.sem_alloc : memref<!tpu.dma_semaphore, #tpu.memory_space<semaphore_mem>>
        %dma_start3A = arith.constant 0 : i32
        %dma_start3A_73 = arith.constant 0 : i32
        %dma_start3A_74 = arith.constant 0 : i32
        %dma_start3A_75 = tpu.memref_slice %arg9[%run_scoped3A_69, %dma_start3A, %dma_start3A_73, %dma_start3A_74] : memref<2x2x10240x64xf32, #tpu.memory_space<hbm>> -> memref<1x2x10240x64xf32, #tpu.memory_space<hbm>>
        %dma_start3A_76 = tpu.memref_squeeze %dma_start3A_75 : memref<1x2x10240x64xf32, #tpu.memory_space<hbm>> -> memref<2x10240x64xf32, #tpu.memory_space<hbm>>
        %dma_start3A_77 = arith.constant 0 : i32
        %dma_start3A_78 = arith.constant 0 : i32
        %dma_start3A_79 = tpu.memref_slice %dma_start3A_76[%run_scoped3A_70, %dma_start3A_77, %dma_start3A_78] : memref<2x10240x64xf32, #tpu.memory_space<hbm>> -> memref<1x10240x64xf32, #tpu.memory_space<hbm>>
        %dma_start3A_80 = tpu.memref_squeeze %dma_start3A_79 : memref<1x10240x64xf32, #tpu.memory_space<hbm>> -> memref<10240x64xf32, #tpu.memory_space<hbm>>
        %dma_start3A_81 = arith.constant 0 : i32
        %dma_start3A_82 = tpu.memref_slice %dma_start3A_80[%mul3A_0, %dma_start3A_81] : memref<10240x64xf32, #tpu.memory_space<hbm>> -> memref<640x64xf32, #tpu.memory_space<hbm>>
        %dma_start3A_83 = arith.constant 0 : i32
        %dma_start3A_84 = tpu.memref_slice %arg19[%mul3A_0, %dma_start3A_83] : memref<10240x64xf32, #tpu.memory_space<vmem_shared>> -> memref<640x64xf32, #tpu.memory_space<vmem_shared>>
        tpu.enqueue_dma source(%dma_start3A_84 : memref<640x64xf32, #tpu.memory_space<vmem_shared>>) target(%dma_start3A_82 : memref<640x64xf32, #tpu.memory_space<hbm>>) target_semaphore(%run_scoped3A_72 : memref<!tpu.dma_semaphore, #tpu.memory_space<semaphore_mem>>)
        %dma_wait3A = arith.constant 0 : i32
        %dma_wait3A_85 = arith.constant 0 : i32
        %dma_wait3A_86 = arith.constant 0 : i32
        %dma_wait3A_87 = tpu.memref_slice %arg9[%run_scoped3A_69, %dma_wait3A, %dma_wait3A_85, %dma_wait3A_86] : memref<2x2x10240x64xf32, #tpu.memory_space<hbm>> -> memref<1x2x10240x64xf32, #tpu.memory_space<hbm>>
        %dma_wait3A_88 = tpu.memref_squeeze %dma_wait3A_87 : memref<1x2x10240x64xf32, #tpu.memory_space<hbm>> -> memref<2x10240x64xf32, #tpu.memory_space<hbm>>
        %dma_wait3A_89 = arith.constant 0 : i32
        %dma_wait3A_90 = arith.constant 0 : i32
        %dma_wait3A_91 = tpu.memref_slice %dma_wait3A_88[%run_scoped3A_70, %dma_wait3A_89, %dma_wait3A_90] : memref<2x10240x64xf32, #tpu.memory_space<hbm>> -> memref<1x10240x64xf32, #tpu.memory_space<hbm>>
        %dma_wait3A_92 = tpu.memref_squeeze %dma_wait3A_91 : memref<1x10240x64xf32, #tpu.memory_space<hbm>> -> memref<10240x64xf32, #tpu.memory_space<hbm>>
        %dma_wait3A_93 = arith.constant 0 : i32
        %dma_wait3A_94 = tpu.memref_slice %dma_wait3A_92[%mul3A_0, %dma_wait3A_93] : memref<10240x64xf32, #tpu.memory_space<hbm>> -> memref<640x64xf32, #tpu.memory_space<hbm>>
        %dma_wait3A_95 = arith.constant 0 : i32
        %dma_wait3A_96 = tpu.memref_slice %arg19[%mul3A_0, %dma_wait3A_95] : memref<10240x64xf32, #tpu.memory_space<vmem_shared>> -> memref<640x64xf32, #tpu.memory_space<vmem_shared>>
        tpu.wait_dma2 semaphore(%run_scoped3A_72 : memref<!tpu.dma_semaphore, #tpu.memory_space<semaphore_mem>>) src(%dma_wait3A_96 : memref<640x64xf32, #tpu.memory_space<vmem_shared>>) dst(%dma_wait3A_94 : memref<640x64xf32, #tpu.memory_space<hbm>>)
        tpu.yield
      }) : () -> ()
      %barrier3A_71 = arith.constant 0 : index
      tpu.barrier barrier_id(%barrier3A_71)
    } else {
    }
    %eq3A_9 = arith.constant 1 : i32
    %eq3A_10 = arith.cmpi eq, %arg0, %eq3A_9 : i32
    %convert_element_type3A_11 = arith.extui %eq3A_10 : i1 to i32
    %cond3A_12 = arith.constant 0 : i32
    %cond3A_13 = arith.cmpi ne, %convert_element_type3A_11, %cond3A_12 : i32
    scf.if %cond3A_13 {
      "tpu.region"() ({
        %run_scoped3A_72 = tpu.sem_alloc : memref<!tpu.dma_semaphore, #tpu.memory_space<semaphore_mem>>
        %dma_start3A = arith.constant 0 : i32
        %dma_start3A_73 = arith.constant 0 : i32
        %dma_start3A_74 = tpu.memref_slice %arg7[%arg1, %dma_start3A, %dma_start3A_73] : memref<16x157x128xi32, #tpu.memory_space<hbm>> -> memref<1x157x128xi32, #tpu.memory_space<hbm>>
        %dma_start3A_75 = tpu.memref_squeeze %dma_start3A_74 : memref<1x157x128xi32, #tpu.memory_space<hbm>> -> memref<157x128xi32, #tpu.memory_space<hbm>>
        %dma_start3A_76 = arith.constant 0 : i32
        %dma_start3A_77 = arith.constant 0 : i32
        %dma_start3A_78 = tpu.memref_slice %arg7[%arg1, %dma_start3A_76, %dma_start3A_77] : memref<16x157x128xi32, #tpu.memory_space<hbm>> -> memref<1x157x128xi32, #tpu.memory_space<hbm>>
        %dma_start3A_79 = tpu.memref_squeeze %dma_start3A_78 : memref<1x157x128xi32, #tpu.memory_space<hbm>> -> memref<157x128xi32, #tpu.memory_space<hbm>>
        tpu.enqueue_dma source(%dma_start3A_79 : memref<157x128xi32, #tpu.memory_space<hbm>>) target(%arg11 : memref<157x128xi32, #tpu.memory_space<vmem>>) target_semaphore(%run_scoped3A_72 : memref<!tpu.dma_semaphore, #tpu.memory_space<semaphore_mem>>)
        %dma_wait3A = arith.constant 0 : i32
        %dma_wait3A_80 = arith.constant 0 : i32
        %dma_wait3A_81 = tpu.memref_slice %arg7[%arg1, %dma_wait3A, %dma_wait3A_80] : memref<16x157x128xi32, #tpu.memory_space<hbm>> -> memref<1x157x128xi32, #tpu.memory_space<hbm>>
        %dma_wait3A_82 = tpu.memref_squeeze %dma_wait3A_81 : memref<1x157x128xi32, #tpu.memory_space<hbm>> -> memref<157x128xi32, #tpu.memory_space<hbm>>
        %dma_wait3A_83 = arith.constant 0 : i32
        %dma_wait3A_84 = arith.constant 0 : i32
        %dma_wait3A_85 = tpu.memref_slice %arg7[%arg1, %dma_wait3A_83, %dma_wait3A_84] : memref<16x157x128xi32, #tpu.memory_space<hbm>> -> memref<1x157x128xi32, #tpu.memory_space<hbm>>
        %dma_wait3A_86 = tpu.memref_squeeze %dma_wait3A_85 : memref<1x157x128xi32, #tpu.memory_space<hbm>> -> memref<157x128xi32, #tpu.memory_space<hbm>>
        tpu.wait_dma2 semaphore(%run_scoped3A_72 : memref<!tpu.dma_semaphore, #tpu.memory_space<semaphore_mem>>) src(%dma_wait3A_86 : memref<157x128xi32, #tpu.memory_space<hbm>>) dst(%arg11 : memref<157x128xi32, #tpu.memory_space<vmem>>)
        tpu.yield
      }) : () -> ()
      "tpu.region"() ({
        %run_scoped3A_72 = tpu.sem_alloc : memref<!tpu.dma_semaphore, #tpu.memory_space<semaphore_mem>>
        %dma_start3A = arith.constant 0 : i32
        %dma_start3A_73 = arith.constant 0 : i32
        %dma_start3A_74 = tpu.memref_slice %arg8[%arg1, %dma_start3A, %dma_start3A_73] : memref<16x157x128xi32, #tpu.memory_space<hbm>> -> memref<1x157x128xi32, #tpu.memory_space<hbm>>
        %dma_start3A_75 = tpu.memref_squeeze %dma_start3A_74 : memref<1x157x128xi32, #tpu.memory_space<hbm>> -> memref<157x128xi32, #tpu.memory_space<hbm>>
        %dma_start3A_76 = arith.constant 0 : i32
        %dma_start3A_77 = arith.constant 0 : i32
        %dma_start3A_78 = tpu.memref_slice %arg8[%arg1, %dma_start3A_76, %dma_start3A_77] : memref<16x157x128xi32, #tpu.memory_space<hbm>> -> memref<1x157x128xi32, #tpu.memory_space<hbm>>
        %dma_start3A_79 = tpu.memref_squeeze %dma_start3A_78 : memref<1x157x128xi32, #tpu.memory_space<hbm>> -> memref<157x128xi32, #tpu.memory_space<hbm>>
        tpu.enqueue_dma source(%dma_start3A_79 : memref<157x128xi32, #tpu.memory_space<hbm>>) target(%arg12 : memref<157x128xi32, #tpu.memory_space<vmem>>) target_semaphore(%run_scoped3A_72 : memref<!tpu.dma_semaphore, #tpu.memory_space<semaphore_mem>>)
        %dma_wait3A = arith.constant 0 : i32
        %dma_wait3A_80 = arith.constant 0 : i32
        %dma_wait3A_81 = tpu.memref_slice %arg8[%arg1, %dma_wait3A, %dma_wait3A_80] : memref<16x157x128xi32, #tpu.memory_space<hbm>> -> memref<1x157x128xi32, #tpu.memory_space<hbm>>
        %dma_wait3A_82 = tpu.memref_squeeze %dma_wait3A_81 : memref<1x157x128xi32, #tpu.memory_space<hbm>> -> memref<157x128xi32, #tpu.memory_space<hbm>>
        %dma_wait3A_83 = arith.constant 0 : i32
        %dma_wait3A_84 = arith.constant 0 : i32
        %dma_wait3A_85 = tpu.memref_slice %arg8[%arg1, %dma_wait3A_83, %dma_wait3A_84] : memref<16x157x128xi32, #tpu.memory_space<hbm>> -> memref<1x157x128xi32, #tpu.memory_space<hbm>>
        %dma_wait3A_86 = tpu.memref_squeeze %dma_wait3A_85 : memref<1x157x128xi32, #tpu.memory_space<hbm>> -> memref<157x128xi32, #tpu.memory_space<hbm>>
        tpu.wait_dma2 semaphore(%run_scoped3A_72 : memref<!tpu.dma_semaphore, #tpu.memory_space<semaphore_mem>>) src(%dma_wait3A_86 : memref<157x128xi32, #tpu.memory_space<hbm>>) dst(%arg12 : memref<157x128xi32, #tpu.memory_space<vmem>>)
        tpu.yield
      }) : () -> ()
      %add3A = arith.constant 0 : i32
      %add3A_14 = arith.addi %mul3A_0, %add3A : i32
      "tpu.region"() ({
        %run_scoped3A_72 = tpu.sem_alloc : memref<!tpu.dma_semaphore, #tpu.memory_space<semaphore_mem>>
        %dma_start3A = arith.constant 0 : i32
        %dma_start3A_73 = tpu.memref_slice %arg19[%add3A_14, %dma_start3A] : memref<10240x64xf32, #tpu.memory_space<vmem_shared>> -> memref<128x64xf32, #tpu.memory_space<vmem_shared>>
        %dma_start3A_74 = arith.constant 0 : i32
        %dma_start3A_75 = tpu.memref_slice %arg19[%add3A_14, %dma_start3A_74] : memref<10240x64xf32, #tpu.memory_space<vmem_shared>> -> memref<128x64xf32, #tpu.memory_space<vmem_shared>>
        tpu.enqueue_dma source(%arg17 : memref<128x64xf32, #tpu.memory_space<vmem>>) target(%dma_start3A_75 : memref<128x64xf32, #tpu.memory_space<vmem_shared>>) target_semaphore(%run_scoped3A_72 : memref<!tpu.dma_semaphore, #tpu.memory_space<semaphore_mem>>)
        %dma_wait3A = arith.constant 0 : i32
        %dma_wait3A_76 = tpu.memref_slice %arg19[%add3A_14, %dma_wait3A] : memref<10240x64xf32, #tpu.memory_space<vmem_shared>> -> memref<128x64xf32, #tpu.memory_space<vmem_shared>>
        %dma_wait3A_77 = arith.constant 0 : i32
        %dma_wait3A_78 = tpu.memref_slice %arg19[%add3A_14, %dma_wait3A_77] : memref<10240x64xf32, #tpu.memory_space<vmem_shared>> -> memref<128x64xf32, #tpu.memory_space<vmem_shared>>
        tpu.wait_dma2 semaphore(%run_scoped3A_72 : memref<!tpu.dma_semaphore, #tpu.memory_space<semaphore_mem>>) src(%arg17 : memref<128x64xf32, #tpu.memory_space<vmem>>) dst(%dma_wait3A_78 : memref<128x64xf32, #tpu.memory_space<vmem_shared>>)
        tpu.yield
      }) : () -> ()
      %add3A_15 = arith.constant 0 : i32
      %add3A_16 = arith.addi %mul3A_0, %add3A_15 : i32
      "tpu.region"() ({
        %run_scoped3A_72 = tpu.sem_alloc : memref<!tpu.dma_semaphore, #tpu.memory_space<semaphore_mem>>
        %dma_start3A = arith.constant 0 : i32
        %dma_start3A_73 = tpu.memref_slice %arg20[%add3A_16, %dma_start3A] : memref<10240x16xf32, #tpu.memory_space<vmem_shared>> -> memref<128x16xf32, #tpu.memory_space<vmem_shared>>
        %dma_start3A_74 = arith.constant 0 : i32
        %dma_start3A_75 = tpu.memref_slice %arg20[%add3A_16, %dma_start3A_74] : memref<10240x16xf32, #tpu.memory_space<vmem_shared>> -> memref<128x16xf32, #tpu.memory_space<vmem_shared>>
        tpu.enqueue_dma source(%arg18 : memref<128x16xf32, #tpu.memory_space<vmem>>) target(%dma_start3A_75 : memref<128x16xf32, #tpu.memory_space<vmem_shared>>) target_semaphore(%run_scoped3A_72 : memref<!tpu.dma_semaphore, #tpu.memory_space<semaphore_mem>>)
        %dma_wait3A = arith.constant 0 : i32
        %dma_wait3A_76 = tpu.memref_slice %arg20[%add3A_16, %dma_wait3A] : memref<10240x16xf32, #tpu.memory_space<vmem_shared>> -> memref<128x16xf32, #tpu.memory_space<vmem_shared>>
        %dma_wait3A_77 = arith.constant 0 : i32
        %dma_wait3A_78 = tpu.memref_slice %arg20[%add3A_16, %dma_wait3A_77] : memref<10240x16xf32, #tpu.memory_space<vmem_shared>> -> memref<128x16xf32, #tpu.memory_space<vmem_shared>>
        tpu.wait_dma2 semaphore(%run_scoped3A_72 : memref<!tpu.dma_semaphore, #tpu.memory_space<semaphore_mem>>) src(%arg18 : memref<128x16xf32, #tpu.memory_space<vmem>>) dst(%dma_wait3A_78 : memref<128x16xf32, #tpu.memory_space<vmem_shared>>)
        tpu.yield
      }) : () -> ()
      %add3A_17 = arith.constant 128 : i32
      %add3A_18 = arith.addi %mul3A_0, %add3A_17 : i32
      "tpu.region"() ({
        %run_scoped3A_72 = tpu.sem_alloc : memref<!tpu.dma_semaphore, #tpu.memory_space<semaphore_mem>>
        %dma_start3A = arith.constant 0 : i32
        %dma_start3A_73 = tpu.memref_slice %arg19[%add3A_18, %dma_start3A] : memref<10240x64xf32, #tpu.memory_space<vmem_shared>> -> memref<128x64xf32, #tpu.memory_space<vmem_shared>>
        %dma_start3A_74 = arith.constant 0 : i32
        %dma_start3A_75 = tpu.memref_slice %arg19[%add3A_18, %dma_start3A_74] : memref<10240x64xf32, #tpu.memory_space<vmem_shared>> -> memref<128x64xf32, #tpu.memory_space<vmem_shared>>
        tpu.enqueue_dma source(%arg17 : memref<128x64xf32, #tpu.memory_space<vmem>>) target(%dma_start3A_75 : memref<128x64xf32, #tpu.memory_space<vmem_shared>>) target_semaphore(%run_scoped3A_72 : memref<!tpu.dma_semaphore, #tpu.memory_space<semaphore_mem>>)
        %dma_wait3A = arith.constant 0 : i32
        %dma_wait3A_76 = tpu.memref_slice %arg19[%add3A_18, %dma_wait3A] : memref<10240x64xf32, #tpu.memory_space<vmem_shared>> -> memref<128x64xf32, #tpu.memory_space<vmem_shared>>
        %dma_wait3A_77 = arith.constant 0 : i32
        %dma_wait3A_78 = tpu.memref_slice %arg19[%add3A_18, %dma_wait3A_77] : memref<10240x64xf32, #tpu.memory_space<vmem_shared>> -> memref<128x64xf32, #tpu.memory_space<vmem_shared>>
        tpu.wait_dma2 semaphore(%run_scoped3A_72 : memref<!tpu.dma_semaphore, #tpu.memory_space<semaphore_mem>>) src(%arg17 : memref<128x64xf32, #tpu.memory_space<vmem>>) dst(%dma_wait3A_78 : memref<128x64xf32, #tpu.memory_space<vmem_shared>>)
        tpu.yield
      }) : () -> ()
      %add3A_19 = arith.constant 128 : i32
      %add3A_20 = arith.addi %mul3A_0, %add3A_19 : i32
      "tpu.region"() ({
        %run_scoped3A_72 = tpu.sem_alloc : memref<!tpu.dma_semaphore, #tpu.memory_space<semaphore_mem>>
        %dma_start3A = arith.constant 0 : i32
        %dma_start3A_73 = tpu.memref_slice %arg20[%add3A_20, %dma_start3A] : memref<10240x16xf32, #tpu.memory_space<vmem_shared>> -> memref<128x16xf32, #tpu.memory_space<vmem_shared>>
        %dma_start3A_74 = arith.constant 0 : i32
        %dma_start3A_75 = tpu.memref_slice %arg20[%add3A_20, %dma_start3A_74] : memref<10240x16xf32, #tpu.memory_space<vmem_shared>> -> memref<128x16xf32, #tpu.memory_space<vmem_shared>>
        tpu.enqueue_dma source(%arg18 : memref<128x16xf32, #tpu.memory_space<vmem>>) target(%dma_start3A_75 : memref<128x16xf32, #tpu.memory_space<vmem_shared>>) target_semaphore(%run_scoped3A_72 : memref<!tpu.dma_semaphore, #tpu.memory_space<semaphore_mem>>)
        %dma_wait3A = arith.constant 0 : i32
        %dma_wait3A_76 = tpu.memref_slice %arg20[%add3A_20, %dma_wait3A] : memref<10240x16xf32, #tpu.memory_space<vmem_shared>> -> memref<128x16xf32, #tpu.memory_space<vmem_shared>>
        %dma_wait3A_77 = arith.constant 0 : i32
        %dma_wait3A_78 = tpu.memref_slice %arg20[%add3A_20, %dma_wait3A_77] : memref<10240x16xf32, #tpu.memory_space<vmem_shared>> -> memref<128x16xf32, #tpu.memory_space<vmem_shared>>
        tpu.wait_dma2 semaphore(%run_scoped3A_72 : memref<!tpu.dma_semaphore, #tpu.memory_space<semaphore_mem>>) src(%arg18 : memref<128x16xf32, #tpu.memory_space<vmem>>) dst(%dma_wait3A_78 : memref<128x16xf32, #tpu.memory_space<vmem_shared>>)
        tpu.yield
      }) : () -> ()
      %add3A_21 = arith.constant 256 : i32
      %add3A_22 = arith.addi %mul3A_0, %add3A_21 : i32
      "tpu.region"() ({
        %run_scoped3A_72 = tpu.sem_alloc : memref<!tpu.dma_semaphore, #tpu.memory_space<semaphore_mem>>
        %dma_start3A = arith.constant 0 : i32
        %dma_start3A_73 = tpu.memref_slice %arg19[%add3A_22, %dma_start3A] : memref<10240x64xf32, #tpu.memory_space<vmem_shared>> -> memref<128x64xf32, #tpu.memory_space<vmem_shared>>
        %dma_start3A_74 = arith.constant 0 : i32
        %dma_start3A_75 = tpu.memref_slice %arg19[%add3A_22, %dma_start3A_74] : memref<10240x64xf32, #tpu.memory_space<vmem_shared>> -> memref<128x64xf32, #tpu.memory_space<vmem_shared>>
        tpu.enqueue_dma source(%arg17 : memref<128x64xf32, #tpu.memory_space<vmem>>) target(%dma_start3A_75 : memref<128x64xf32, #tpu.memory_space<vmem_shared>>) target_semaphore(%run_scoped3A_72 : memref<!tpu.dma_semaphore, #tpu.memory_space<semaphore_mem>>)
        %dma_wait3A = arith.constant 0 : i32
        %dma_wait3A_76 = tpu.memref_slice %arg19[%add3A_22, %dma_wait3A] : memref<10240x64xf32, #tpu.memory_space<vmem_shared>> -> memref<128x64xf32, #tpu.memory_space<vmem_shared>>
        %dma_wait3A_77 = arith.constant 0 : i32
        %dma_wait3A_78 = tpu.memref_slice %arg19[%add3A_22, %dma_wait3A_77] : memref<10240x64xf32, #tpu.memory_space<vmem_shared>> -> memref<128x64xf32, #tpu.memory_space<vmem_shared>>
        tpu.wait_dma2 semaphore(%run_scoped3A_72 : memref<!tpu.dma_semaphore, #tpu.memory_space<semaphore_mem>>) src(%arg17 : memref<128x64xf32, #tpu.memory_space<vmem>>) dst(%dma_wait3A_78 : memref<128x64xf32, #tpu.memory_space<vmem_shared>>)
        tpu.yield
      }) : () -> ()
      %add3A_23 = arith.constant 256 : i32
      %add3A_24 = arith.addi %mul3A_0, %add3A_23 : i32
      "tpu.region"() ({
        %run_scoped3A_72 = tpu.sem_alloc : memref<!tpu.dma_semaphore, #tpu.memory_space<semaphore_mem>>
        %dma_start3A = arith.constant 0 : i32
        %dma_start3A_73 = tpu.memref_slice %arg20[%add3A_24, %dma_start3A] : memref<10240x16xf32, #tpu.memory_space<vmem_shared>> -> memref<128x16xf32, #tpu.memory_space<vmem_shared>>
        %dma_start3A_74 = arith.constant 0 : i32
        %dma_start3A_75 = tpu.memref_slice %arg20[%add3A_24, %dma_start3A_74] : memref<10240x16xf32, #tpu.memory_space<vmem_shared>> -> memref<128x16xf32, #tpu.memory_space<vmem_shared>>
        tpu.enqueue_dma source(%arg18 : memref<128x16xf32, #tpu.memory_space<vmem>>) target(%dma_start3A_75 : memref<128x16xf32, #tpu.memory_space<vmem_shared>>) target_semaphore(%run_scoped3A_72 : memref<!tpu.dma_semaphore, #tpu.memory_space<semaphore_mem>>)
        %dma_wait3A = arith.constant 0 : i32
        %dma_wait3A_76 = tpu.memref_slice %arg20[%add3A_24, %dma_wait3A] : memref<10240x16xf32, #tpu.memory_space<vmem_shared>> -> memref<128x16xf32, #tpu.memory_space<vmem_shared>>
        %dma_wait3A_77 = arith.constant 0 : i32
        %dma_wait3A_78 = tpu.memref_slice %arg20[%add3A_24, %dma_wait3A_77] : memref<10240x16xf32, #tpu.memory_space<vmem_shared>> -> memref<128x16xf32, #tpu.memory_space<vmem_shared>>
        tpu.wait_dma2 semaphore(%run_scoped3A_72 : memref<!tpu.dma_semaphore, #tpu.memory_space<semaphore_mem>>) src(%arg18 : memref<128x16xf32, #tpu.memory_space<vmem>>) dst(%dma_wait3A_78 : memref<128x16xf32, #tpu.memory_space<vmem_shared>>)
        tpu.yield
      }) : () -> ()
      %add3A_25 = arith.constant 384 : i32
      %add3A_26 = arith.addi %mul3A_0, %add3A_25 : i32
      "tpu.region"() ({
        %run_scoped3A_72 = tpu.sem_alloc : memref<!tpu.dma_semaphore, #tpu.memory_space<semaphore_mem>>
        %dma_start3A = arith.constant 0 : i32
        %dma_start3A_73 = tpu.memref_slice %arg19[%add3A_26, %dma_start3A] : memref<10240x64xf32, #tpu.memory_space<vmem_shared>> -> memref<128x64xf32, #tpu.memory_space<vmem_shared>>
        %dma_start3A_74 = arith.constant 0 : i32
        %dma_start3A_75 = tpu.memref_slice %arg19[%add3A_26, %dma_start3A_74] : memref<10240x64xf32, #tpu.memory_space<vmem_shared>> -> memref<128x64xf32, #tpu.memory_space<vmem_shared>>
        tpu.enqueue_dma source(%arg17 : memref<128x64xf32, #tpu.memory_space<vmem>>) target(%dma_start3A_75 : memref<128x64xf32, #tpu.memory_space<vmem_shared>>) target_semaphore(%run_scoped3A_72 : memref<!tpu.dma_semaphore, #tpu.memory_space<semaphore_mem>>)
        %dma_wait3A = arith.constant 0 : i32
        %dma_wait3A_76 = tpu.memref_slice %arg19[%add3A_26, %dma_wait3A] : memref<10240x64xf32, #tpu.memory_space<vmem_shared>> -> memref<128x64xf32, #tpu.memory_space<vmem_shared>>
        %dma_wait3A_77 = arith.constant 0 : i32
        %dma_wait3A_78 = tpu.memref_slice %arg19[%add3A_26, %dma_wait3A_77] : memref<10240x64xf32, #tpu.memory_space<vmem_shared>> -> memref<128x64xf32, #tpu.memory_space<vmem_shared>>
        tpu.wait_dma2 semaphore(%run_scoped3A_72 : memref<!tpu.dma_semaphore, #tpu.memory_space<semaphore_mem>>) src(%arg17 : memref<128x64xf32, #tpu.memory_space<vmem>>) dst(%dma_wait3A_78 : memref<128x64xf32, #tpu.memory_space<vmem_shared>>)
        tpu.yield
      }) : () -> ()
      %add3A_27 = arith.constant 384 : i32
      %add3A_28 = arith.addi %mul3A_0, %add3A_27 : i32
      "tpu.region"() ({
        %run_scoped3A_72 = tpu.sem_alloc : memref<!tpu.dma_semaphore, #tpu.memory_space<semaphore_mem>>
        %dma_start3A = arith.constant 0 : i32
        %dma_start3A_73 = tpu.memref_slice %arg20[%add3A_28, %dma_start3A] : memref<10240x16xf32, #tpu.memory_space<vmem_shared>> -> memref<128x16xf32, #tpu.memory_space<vmem_shared>>
        %dma_start3A_74 = arith.constant 0 : i32
        %dma_start3A_75 = tpu.memref_slice %arg20[%add3A_28, %dma_start3A_74] : memref<10240x16xf32, #tpu.memory_space<vmem_shared>> -> memref<128x16xf32, #tpu.memory_space<vmem_shared>>
        tpu.enqueue_dma source(%arg18 : memref<128x16xf32, #tpu.memory_space<vmem>>) target(%dma_start3A_75 : memref<128x16xf32, #tpu.memory_space<vmem_shared>>) target_semaphore(%run_scoped3A_72 : memref<!tpu.dma_semaphore, #tpu.memory_space<semaphore_mem>>)
        %dma_wait3A = arith.constant 0 : i32
        %dma_wait3A_76 = tpu.memref_slice %arg20[%add3A_28, %dma_wait3A] : memref<10240x16xf32, #tpu.memory_space<vmem_shared>> -> memref<128x16xf32, #tpu.memory_space<vmem_shared>>
        %dma_wait3A_77 = arith.constant 0 : i32
        %dma_wait3A_78 = tpu.memref_slice %arg20[%add3A_28, %dma_wait3A_77] : memref<10240x16xf32, #tpu.memory_space<vmem_shared>> -> memref<128x16xf32, #tpu.memory_space<vmem_shared>>
        tpu.wait_dma2 semaphore(%run_scoped3A_72 : memref<!tpu.dma_semaphore, #tpu.memory_space<semaphore_mem>>) src(%arg18 : memref<128x16xf32, #tpu.memory_space<vmem>>) dst(%dma_wait3A_78 : memref<128x16xf32, #tpu.memory_space<vmem_shared>>)
        tpu.yield
      }) : () -> ()
      %add3A_29 = arith.constant 512 : i32
      %add3A_30 = arith.addi %mul3A_0, %add3A_29 : i32
      "tpu.region"() ({
        %run_scoped3A_72 = tpu.sem_alloc : memref<!tpu.dma_semaphore, #tpu.memory_space<semaphore_mem>>
        %dma_start3A = arith.constant 0 : i32
        %dma_start3A_73 = tpu.memref_slice %arg19[%add3A_30, %dma_start3A] : memref<10240x64xf32, #tpu.memory_space<vmem_shared>> -> memref<128x64xf32, #tpu.memory_space<vmem_shared>>
        %dma_start3A_74 = arith.constant 0 : i32
        %dma_start3A_75 = tpu.memref_slice %arg19[%add3A_30, %dma_start3A_74] : memref<10240x64xf32, #tpu.memory_space<vmem_shared>> -> memref<128x64xf32, #tpu.memory_space<vmem_shared>>
        tpu.enqueue_dma source(%arg17 : memref<128x64xf32, #tpu.memory_space<vmem>>) target(%dma_start3A_75 : memref<128x64xf32, #tpu.memory_space<vmem_shared>>) target_semaphore(%run_scoped3A_72 : memref<!tpu.dma_semaphore, #tpu.memory_space<semaphore_mem>>)
        %dma_wait3A = arith.constant 0 : i32
        %dma_wait3A_76 = tpu.memref_slice %arg19[%add3A_30, %dma_wait3A] : memref<10240x64xf32, #tpu.memory_space<vmem_shared>> -> memref<128x64xf32, #tpu.memory_space<vmem_shared>>
        %dma_wait3A_77 = arith.constant 0 : i32
        %dma_wait3A_78 = tpu.memref_slice %arg19[%add3A_30, %dma_wait3A_77] : memref<10240x64xf32, #tpu.memory_space<vmem_shared>> -> memref<128x64xf32, #tpu.memory_space<vmem_shared>>
        tpu.wait_dma2 semaphore(%run_scoped3A_72 : memref<!tpu.dma_semaphore, #tpu.memory_space<semaphore_mem>>) src(%arg17 : memref<128x64xf32, #tpu.memory_space<vmem>>) dst(%dma_wait3A_78 : memref<128x64xf32, #tpu.memory_space<vmem_shared>>)
        tpu.yield
      }) : () -> ()
      %add3A_31 = arith.constant 512 : i32
      %add3A_32 = arith.addi %mul3A_0, %add3A_31 : i32
      "tpu.region"() ({
        %run_scoped3A_72 = tpu.sem_alloc : memref<!tpu.dma_semaphore, #tpu.memory_space<semaphore_mem>>
        %dma_start3A = arith.constant 0 : i32
        %dma_start3A_73 = tpu.memref_slice %arg20[%add3A_32, %dma_start3A] : memref<10240x16xf32, #tpu.memory_space<vmem_shared>> -> memref<128x16xf32, #tpu.memory_space<vmem_shared>>
        %dma_start3A_74 = arith.constant 0 : i32
        %dma_start3A_75 = tpu.memref_slice %arg20[%add3A_32, %dma_start3A_74] : memref<10240x16xf32, #tpu.memory_space<vmem_shared>> -> memref<128x16xf32, #tpu.memory_space<vmem_shared>>
        tpu.enqueue_dma source(%arg18 : memref<128x16xf32, #tpu.memory_space<vmem>>) target(%dma_start3A_75 : memref<128x16xf32, #tpu.memory_space<vmem_shared>>) target_semaphore(%run_scoped3A_72 : memref<!tpu.dma_semaphore, #tpu.memory_space<semaphore_mem>>)
        %dma_wait3A = arith.constant 0 : i32
        %dma_wait3A_76 = tpu.memref_slice %arg20[%add3A_32, %dma_wait3A] : memref<10240x16xf32, #tpu.memory_space<vmem_shared>> -> memref<128x16xf32, #tpu.memory_space<vmem_shared>>
        %dma_wait3A_77 = arith.constant 0 : i32
        %dma_wait3A_78 = tpu.memref_slice %arg20[%add3A_32, %dma_wait3A_77] : memref<10240x16xf32, #tpu.memory_space<vmem_shared>> -> memref<128x16xf32, #tpu.memory_space<vmem_shared>>
        tpu.wait_dma2 semaphore(%run_scoped3A_72 : memref<!tpu.dma_semaphore, #tpu.memory_space<semaphore_mem>>) src(%arg18 : memref<128x16xf32, #tpu.memory_space<vmem>>) dst(%dma_wait3A_78 : memref<128x16xf32, #tpu.memory_space<vmem_shared>>)
        tpu.yield
      }) : () -> ()
      %barrier3A = arith.constant 0 : index
      tpu.barrier barrier_id(%barrier3A)
      %scan3A_33 = arith.constant 1 : i32
      %scan3A_34 = arith.constant 0 : i32
      %scan3A_35 = arith.constant 1 : i32
      %scan3A_36 = arith.constant 0 : i32
      %scan3A_37 = arith.constant 0 : i32
      %scan3A_38 = arith.constant 157 : i32
      %scan3A_39 = arith.addi %scan3A_37, %scan3A_38 : i32
      %scan3A_40 = arith.constant 1 : i32
      %scan3A_41 = scf.for %scan3A_72 = %scan3A_37 to %scan3A_39 step %scan3A_40 iter_args(%scan3A_73 = %scan3A_36) -> (i32)  : i32 {
        %dma_start3A = arith.constant 0 : i32
        %dma_start3A_74 = tpu.memref_slice %arg11[%scan3A_72, %dma_start3A] : memref<157x128xi32, #tpu.memory_space<vmem>> -> memref<1x128xi32, #tpu.memory_space<vmem>>
        %dma_start3A_75 = tpu.memref_squeeze %dma_start3A_74 : memref<1x128xi32, #tpu.memory_space<vmem>> -> memref<128xi32, #tpu.memory_space<vmem>>
        %dma_start3A_76 = arith.constant 0 : i32
        %dma_start3A_77 = arith.constant 0 : i32
        %dma_start3A_78 = tpu.memref_slice %arg3[%scan3A_33, %dma_start3A_76, %dma_start3A_77] : memref<2x10240x16xf32, #tpu.memory_space<hbm>> -> memref<1x10240x16xf32, #tpu.memory_space<hbm>>
        %dma_start3A_79 = tpu.memref_squeeze %dma_start3A_78 : memref<1x10240x16xf32, #tpu.memory_space<hbm>> -> memref<10240x16xf32, #tpu.memory_space<hbm>>
        %dma_start3A_80 = arith.constant 0 : i32
        %dma_start3A_81 = arith.constant 0 : i32
        %dma_start3A_82 = tpu.memref_slice %dma_start3A_79[%dma_start3A_80, %dma_start3A_81] : memref<10240x16xf32, #tpu.memory_space<hbm>> -> memref<10240x16xf32, #tpu.memory_space<hbm>>
        tpu.enqueue_indirect_dma source(%dma_start3A_82 : memref<10240x16xf32, #tpu.memory_space<hbm>>) target(%arg13 : memref<128x16xf32, #tpu.memory_space<vmem>>) offsets(%dma_start3A_75 : memref<128xi32, #tpu.memory_space<vmem>>) semaphore(%arg21 : memref<!tpu.dma_semaphore, #tpu.memory_space<semaphore_mem>>)
        %dma_start3A_83 = arith.constant 0 : i32
        %dma_start3A_84 = tpu.memref_slice %arg12[%scan3A_72, %dma_start3A_83] : memref<157x128xi32, #tpu.memory_space<vmem>> -> memref<1x128xi32, #tpu.memory_space<vmem>>
        %dma_start3A_85 = tpu.memref_squeeze %dma_start3A_84 : memref<1x128xi32, #tpu.memory_space<vmem>> -> memref<128xi32, #tpu.memory_space<vmem>>
        %dma_start3A_86 = arith.constant 0 : i32
        %dma_start3A_87 = arith.constant 0 : i32
        %dma_start3A_88 = tpu.memref_slice %arg4[%scan3A_34, %dma_start3A_86, %dma_start3A_87] : memref<2x10240x16xf32, #tpu.memory_space<hbm>> -> memref<1x10240x16xf32, #tpu.memory_space<hbm>>
        %dma_start3A_89 = tpu.memref_squeeze %dma_start3A_88 : memref<1x10240x16xf32, #tpu.memory_space<hbm>> -> memref<10240x16xf32, #tpu.memory_space<hbm>>
        %dma_start3A_90 = arith.constant 0 : i32
        %dma_start3A_91 = arith.constant 0 : i32
        %dma_start3A_92 = tpu.memref_slice %dma_start3A_89[%dma_start3A_90, %dma_start3A_91] : memref<10240x16xf32, #tpu.memory_space<hbm>> -> memref<10240x16xf32, #tpu.memory_space<hbm>>
        tpu.enqueue_indirect_dma source(%dma_start3A_92 : memref<10240x16xf32, #tpu.memory_space<hbm>>) target(%arg14 : memref<128x16xf32, #tpu.memory_space<vmem>>) offsets(%dma_start3A_85 : memref<128xi32, #tpu.memory_space<vmem>>) semaphore(%arg21 : memref<!tpu.dma_semaphore, #tpu.memory_space<semaphore_mem>>)
        %dma_start3A_93 = arith.constant 0 : i32
        %dma_start3A_94 = arith.constant 0 : i32
        %dma_start3A_95 = tpu.memref_slice %arg11[%scan3A_72, %dma_start3A_94] : memref<157x128xi32, #tpu.memory_space<vmem>> -> memref<1x128xi32, #tpu.memory_space<vmem>>
        %dma_start3A_96 = tpu.memref_squeeze %dma_start3A_95 : memref<1x128xi32, #tpu.memory_space<vmem>> -> memref<128xi32, #tpu.memory_space<vmem>>
        %dma_start3A_97 = arith.constant 0 : i32
        %dma_start3A_98 = arith.constant 0 : i32
        %dma_start3A_99 = arith.constant 0 : i32
        %dma_start3A_100 = tpu.memref_slice %arg2[%scan3A_35, %dma_start3A_97, %dma_start3A_98, %dma_start3A_99] : memref<2x2x10240x64xf32, #tpu.memory_space<hbm>> -> memref<1x2x10240x64xf32, #tpu.memory_space<hbm>>
        %dma_start3A_101 = tpu.memref_squeeze %dma_start3A_100 : memref<1x2x10240x64xf32, #tpu.memory_space<hbm>> -> memref<2x10240x64xf32, #tpu.memory_space<hbm>>
        %dma_start3A_102 = arith.constant 0 : i32
        %dma_start3A_103 = arith.constant 0 : i32
        %dma_start3A_104 = tpu.memref_slice %dma_start3A_101[%dma_start3A_93, %dma_start3A_102, %dma_start3A_103] : memref<2x10240x64xf32, #tpu.memory_space<hbm>> -> memref<1x10240x64xf32, #tpu.memory_space<hbm>>
        %dma_start3A_105 = tpu.memref_squeeze %dma_start3A_104 : memref<1x10240x64xf32, #tpu.memory_space<hbm>> -> memref<10240x64xf32, #tpu.memory_space<hbm>>
        %dma_start3A_106 = arith.constant 0 : i32
        %dma_start3A_107 = arith.constant 0 : i32
        %dma_start3A_108 = tpu.memref_slice %dma_start3A_105[%dma_start3A_106, %dma_start3A_107] : memref<10240x64xf32, #tpu.memory_space<hbm>> -> memref<10240x64xf32, #tpu.memory_space<hbm>>
        tpu.enqueue_indirect_dma source(%dma_start3A_108 : memref<10240x64xf32, #tpu.memory_space<hbm>>) target(%arg15 : memref<128x64xf32, #tpu.memory_space<vmem>>) offsets(%dma_start3A_96 : memref<128xi32, #tpu.memory_space<vmem>>) semaphore(%arg21 : memref<!tpu.dma_semaphore, #tpu.memory_space<semaphore_mem>>)
        %dma_wait3A = arith.constant 0 : i32
        %dma_wait3A_109 = tpu.memref_slice %arg11[%scan3A_72, %dma_wait3A] : memref<157x128xi32, #tpu.memory_space<vmem>> -> memref<1x128xi32, #tpu.memory_space<vmem>>
        %dma_wait3A_110 = tpu.memref_squeeze %dma_wait3A_109 : memref<1x128xi32, #tpu.memory_space<vmem>> -> memref<128xi32, #tpu.memory_space<vmem>>
        %dma_wait3A_111 = arith.constant 0 : i32
        %dma_wait3A_112 = arith.constant 0 : i32
        %dma_wait3A_113 = tpu.memref_slice %arg3[%scan3A_33, %dma_wait3A_111, %dma_wait3A_112] : memref<2x10240x16xf32, #tpu.memory_space<hbm>> -> memref<1x10240x16xf32, #tpu.memory_space<hbm>>
        %dma_wait3A_114 = tpu.memref_squeeze %dma_wait3A_113 : memref<1x10240x16xf32, #tpu.memory_space<hbm>> -> memref<10240x16xf32, #tpu.memory_space<hbm>>
        %dma_wait3A_115 = arith.constant 0 : i32
        %dma_wait3A_116 = arith.constant 0 : i32
        %dma_wait3A_117 = tpu.memref_slice %dma_wait3A_114[%dma_wait3A_115, %dma_wait3A_116] : memref<10240x16xf32, #tpu.memory_space<hbm>> -> memref<10240x16xf32, #tpu.memory_space<hbm>>
        tpu.wait_indirect_dma semaphore(%arg21 : memref<!tpu.dma_semaphore, #tpu.memory_space<semaphore_mem>>) src(%dma_wait3A_117 : memref<10240x16xf32, #tpu.memory_space<hbm>>) dst(%arg13 : memref<128x16xf32, #tpu.memory_space<vmem>>)
        %dma_wait3A_118 = arith.constant 0 : i32
        %dma_wait3A_119 = tpu.memref_slice %arg12[%scan3A_72, %dma_wait3A_118] : memref<157x128xi32, #tpu.memory_space<vmem>> -> memref<1x128xi32, #tpu.memory_space<vmem>>
        %dma_wait3A_120 = tpu.memref_squeeze %dma_wait3A_119 : memref<1x128xi32, #tpu.memory_space<vmem>> -> memref<128xi32, #tpu.memory_space<vmem>>
        %dma_wait3A_121 = arith.constant 0 : i32
        %dma_wait3A_122 = arith.constant 0 : i32
        %dma_wait3A_123 = tpu.memref_slice %arg4[%scan3A_34, %dma_wait3A_121, %dma_wait3A_122] : memref<2x10240x16xf32, #tpu.memory_space<hbm>> -> memref<1x10240x16xf32, #tpu.memory_space<hbm>>
        %dma_wait3A_124 = tpu.memref_squeeze %dma_wait3A_123 : memref<1x10240x16xf32, #tpu.memory_space<hbm>> -> memref<10240x16xf32, #tpu.memory_space<hbm>>
        %dma_wait3A_125 = arith.constant 0 : i32
        %dma_wait3A_126 = arith.constant 0 : i32
        %dma_wait3A_127 = tpu.memref_slice %dma_wait3A_124[%dma_wait3A_125, %dma_wait3A_126] : memref<10240x16xf32, #tpu.memory_space<hbm>> -> memref<10240x16xf32, #tpu.memory_space<hbm>>
        tpu.wait_indirect_dma semaphore(%arg21 : memref<!tpu.dma_semaphore, #tpu.memory_space<semaphore_mem>>) src(%dma_wait3A_127 : memref<10240x16xf32, #tpu.memory_space<hbm>>) dst(%arg14 : memref<128x16xf32, #tpu.memory_space<vmem>>)
        %dma_wait3A_128 = arith.constant 0 : i32
        %dma_wait3A_129 = arith.constant 0 : i32
        %dma_wait3A_130 = tpu.memref_slice %arg11[%scan3A_72, %dma_wait3A_129] : memref<157x128xi32, #tpu.memory_space<vmem>> -> memref<1x128xi32, #tpu.memory_space<vmem>>
        %dma_wait3A_131 = tpu.memref_squeeze %dma_wait3A_130 : memref<1x128xi32, #tpu.memory_space<vmem>> -> memref<128xi32, #tpu.memory_space<vmem>>
        %dma_wait3A_132 = arith.constant 0 : i32
        %dma_wait3A_133 = arith.constant 0 : i32
        %dma_wait3A_134 = arith.constant 0 : i32
        %dma_wait3A_135 = tpu.memref_slice %arg2[%scan3A_35, %dma_wait3A_132, %dma_wait3A_133, %dma_wait3A_134] : memref<2x2x10240x64xf32, #tpu.memory_space<hbm>> -> memref<1x2x10240x64xf32, #tpu.memory_space<hbm>>
        %dma_wait3A_136 = tpu.memref_squeeze %dma_wait3A_135 : memref<1x2x10240x64xf32, #tpu.memory_space<hbm>> -> memref<2x10240x64xf32, #tpu.memory_space<hbm>>
        %dma_wait3A_137 = arith.constant 0 : i32
        %dma_wait3A_138 = arith.constant 0 : i32
        %dma_wait3A_139 = tpu.memref_slice %dma_wait3A_136[%dma_wait3A_128, %dma_wait3A_137, %dma_wait3A_138] : memref<2x10240x64xf32, #tpu.memory_space<hbm>> -> memref<1x10240x64xf32, #tpu.memory_space<hbm>>
        %dma_wait3A_140 = tpu.memref_squeeze %dma_wait3A_139 : memref<1x10240x64xf32, #tpu.memory_space<hbm>> -> memref<10240x64xf32, #tpu.memory_space<hbm>>
        %dma_wait3A_141 = arith.constant 0 : i32
        %dma_wait3A_142 = arith.constant 0 : i32
        %dma_wait3A_143 = tpu.memref_slice %dma_wait3A_140[%dma_wait3A_141, %dma_wait3A_142] : memref<10240x64xf32, #tpu.memory_space<hbm>> -> memref<10240x64xf32, #tpu.memory_space<hbm>>
        tpu.wait_indirect_dma semaphore(%arg21 : memref<!tpu.dma_semaphore, #tpu.memory_space<semaphore_mem>>) src(%dma_wait3A_143 : memref<10240x64xf32, #tpu.memory_space<hbm>>) dst(%arg15 : memref<128x64xf32, #tpu.memory_space<vmem>>)
        %scan3A_144 = arith.constant 0 : i32
        %scan3A_145 = arith.constant 0 : i32
        %scan3A_146 = arith.constant 128 : i32
        %scan3A_147 = arith.addi %scan3A_145, %scan3A_146 : i32
        %scan3A_148 = arith.constant 1 : i32
        %scan3A_149 = scf.for %scan3A_152 = %scan3A_145 to %scan3A_147 step %scan3A_148 iter_args(%scan3A_153 = %scan3A_144) -> (i32)  : i32 {
          %get3A = arith.index_cast %scan3A_152 : i32 to index
          %get3A_154 = arith.constant 0 : index
          %get3A_155 = tpu.vector_load %arg13[%get3A, %get3A_154] {strides = array<i32>} : memref<128x16xf32, #tpu.memory_space<vmem>>, vector<1x16xf32>,
          %get3A_156 = vector.shape_cast %get3A_155 : vector<1x16xf32> to vector<16xf32>
          %get3A_157 = arith.index_cast %scan3A_152 : i32 to index
          %get3A_158 = arith.constant 0 : index
          %get3A_159 = tpu.vector_load %arg14[%get3A_157, %get3A_158] {strides = array<i32>} : memref<128x16xf32, #tpu.memory_space<vmem>>, vector<1x16xf32>,
          %get3A_160 = vector.shape_cast %get3A_159 : vector<1x16xf32> to vector<16xf32>
          %add3A_161 = arith.addf %get3A_156, %get3A_160 : vector<16xf32>
          %mul3A_162 = arith.constant 2.000000e-01 : f32
          %mul3A_163 = vector.broadcast %mul3A_162 : f32 to vector<16xf32>
          %mul3A_164 = arith.mulf %mul3A_163, %add3A_161 : vector<16xf32>
          %max3A = arith.maximumf %add3A_161, %mul3A_164 : vector<16xf32>
          %exp3A = math.exp %max3A : vector<16xf32>
          %swap3A = arith.index_cast %scan3A_152 : i32 to index
          %swap3A_165 = arith.constant 0 : index
          %swap3A_166 = tpu.vector_load %arg16[%swap3A, %swap3A_165] {strides = array<i32>} : memref<128x16xf32, #tpu.memory_space<vmem>>, vector<1x16xf32>,
          %swap3A_167 = vector.shape_cast %swap3A_166 : vector<1x16xf32> to vector<16xf32>
          %swap3A_168 = vector.shape_cast %exp3A : vector<16xf32> to vector<1x16xf32>
          tpu.vector_store %arg16[%swap3A, %swap3A_165], %swap3A_168 {strides = array<i32>} : memref<128x16xf32, #tpu.memory_space<vmem>>, vector<1x16xf32>,
          %get3A_169 = arith.index_cast %scan3A_152 : i32 to index
          %get3A_170 = arith.constant 0 : index
          %get3A_171 = tpu.vector_load %arg15[%get3A_169, %get3A_170] {strides = array<i32>} : memref<128x64xf32, #tpu.memory_space<vmem>>, vector<1x16xf32>,
          %get3A_172 = vector.shape_cast %get3A_171 : vector<1x16xf32> to vector<16xf32>
          %slice3A = vector.extract_strided_slice %exp3A {offsets = [0], sizes = [1], strides = [1]} : vector<16xf32> to vector<1xf32>
          %squeeze3A = vector.extract %slice3A[0] : f32 from vector<1xf32>
          %mul3A_173 = vector.broadcast %squeeze3A : f32 to vector<16xf32>
          %mul3A_174 = arith.mulf %get3A_172, %mul3A_173 : vector<16xf32>
          %swap3A_175 = arith.index_cast %scan3A_152 : i32 to index
          %swap3A_176 = arith.constant 0 : index
          %swap3A_177 = tpu.vector_load %arg15[%swap3A_175, %swap3A_176] {strides = array<i32>} : memref<128x64xf32, #tpu.memory_space<vmem>>, vector<1x16xf32>,
          %swap3A_178 = vector.shape_cast %swap3A_177 : vector<1x16xf32> to vector<16xf32>
          %swap3A_179 = vector.shape_cast %mul3A_174 : vector<16xf32> to vector<1x16xf32>
          tpu.vector_store %arg15[%swap3A_175, %swap3A_176], %swap3A_179 {strides = array<i32>} : memref<128x64xf32, #tpu.memory_space<vmem>>, vector<1x16xf32>,
          %get3A_180 = arith.index_cast %scan3A_152 : i32 to index
          %get3A_181 = arith.constant 16 : index
          %get3A_182 = tpu.vector_load %arg15[%get3A_180, %get3A_181] {strides = array<i32>} : memref<128x64xf32, #tpu.memory_space<vmem>>, vector<1x16xf32>,
          %get3A_183 = vector.shape_cast %get3A_182 : vector<1x16xf32> to vector<16xf32>
          %slice3A_184 = vector.extract_strided_slice %exp3A {offsets = [1], sizes = [1], strides = [1]} : vector<16xf32> to vector<1xf32>
          %squeeze3A_185 = vector.extract %slice3A_184[0] : f32 from vector<1xf32>
          %mul3A_186 = vector.broadcast %squeeze3A_185 : f32 to vector<16xf32>
          %mul3A_187 = arith.mulf %get3A_183, %mul3A_186 : vector<16xf32>
          %swap3A_188 = arith.index_cast %scan3A_152 : i32 to index
          %swap3A_189 = arith.constant 16 : index
          %swap3A_190 = tpu.vector_load %arg15[%swap3A_188, %swap3A_189] {strides = array<i32>} : memref<128x64xf32, #tpu.memory_space<vmem>>, vector<1x16xf32>,
          %swap3A_191 = vector.shape_cast %swap3A_190 : vector<1x16xf32> to vector<16xf32>
          %swap3A_192 = vector.shape_cast %mul3A_187 : vector<16xf32> to vector<1x16xf32>
          tpu.vector_store %arg15[%swap3A_188, %swap3A_189], %swap3A_192 {strides = array<i32>} : memref<128x64xf32, #tpu.memory_space<vmem>>, vector<1x16xf32>,
          %get3A_193 = arith.index_cast %scan3A_152 : i32 to index
          %get3A_194 = arith.constant 32 : index
          %get3A_195 = tpu.vector_load %arg15[%get3A_193, %get3A_194] {strides = array<i32>} : memref<128x64xf32, #tpu.memory_space<vmem>>, vector<1x16xf32>,
          %get3A_196 = vector.shape_cast %get3A_195 : vector<1x16xf32> to vector<16xf32>
          %slice3A_197 = vector.extract_strided_slice %exp3A {offsets = [2], sizes = [1], strides = [1]} : vector<16xf32> to vector<1xf32>
          %squeeze3A_198 = vector.extract %slice3A_197[0] : f32 from vector<1xf32>
          %mul3A_199 = vector.broadcast %squeeze3A_198 : f32 to vector<16xf32>
          %mul3A_200 = arith.mulf %get3A_196, %mul3A_199 : vector<16xf32>
          %swap3A_201 = arith.index_cast %scan3A_152 : i32 to index
          %swap3A_202 = arith.constant 32 : index
          %swap3A_203 = tpu.vector_load %arg15[%swap3A_201, %swap3A_202] {strides = array<i32>} : memref<128x64xf32, #tpu.memory_space<vmem>>, vector<1x16xf32>,
          %swap3A_204 = vector.shape_cast %swap3A_203 : vector<1x16xf32> to vector<16xf32>
          %swap3A_205 = vector.shape_cast %mul3A_200 : vector<16xf32> to vector<1x16xf32>
          tpu.vector_store %arg15[%swap3A_201, %swap3A_202], %swap3A_205 {strides = array<i32>} : memref<128x64xf32, #tpu.memory_space<vmem>>, vector<1x16xf32>,
          %get3A_206 = arith.index_cast %scan3A_152 : i32 to index
          %get3A_207 = arith.constant 48 : index
          %get3A_208 = tpu.vector_load %arg15[%get3A_206, %get3A_207] {strides = array<i32>} : memref<128x64xf32, #tpu.memory_space<vmem>>, vector<1x16xf32>,
          %get3A_209 = vector.shape_cast %get3A_208 : vector<1x16xf32> to vector<16xf32>
          %slice3A_210 = vector.extract_strided_slice %exp3A {offsets = [3], sizes = [1], strides = [1]} : vector<16xf32> to vector<1xf32>
          %squeeze3A_211 = vector.extract %slice3A_210[0] : f32 from vector<1xf32>
          %mul3A_212 = vector.broadcast %squeeze3A_211 : f32 to vector<16xf32>
          %mul3A_213 = arith.mulf %get3A_209, %mul3A_212 : vector<16xf32>
          %swap3A_214 = arith.index_cast %scan3A_152 : i32 to index
          %swap3A_215 = arith.constant 48 : index
          %swap3A_216 = tpu.vector_load %arg15[%swap3A_214, %swap3A_215] {strides = array<i32>} : memref<128x64xf32, #tpu.memory_space<vmem>>, vector<1x16xf32>,
          %swap3A_217 = vector.shape_cast %swap3A_216 : vector<1x16xf32> to vector<16xf32>
          %swap3A_218 = vector.shape_cast %mul3A_213 : vector<16xf32> to vector<1x16xf32>
          tpu.vector_store %arg15[%swap3A_214, %swap3A_215], %swap3A_218 {strides = array<i32>} : memref<128x64xf32, #tpu.memory_space<vmem>>, vector<1x16xf32>,
          %scan3A_219 = arith.constant 0 : i32
          scf.yield %scan3A_219 : i32
        }
        %scan3A_150 = arith.constant 128 : i32
        "tpu.region"() ({
          %run_scoped3A_152 = tpu.sem_alloc : memref<!tpu.dma_semaphore, #tpu.memory_space<semaphore_mem>>
          %dma_start3A_153 = arith.constant 0 : i32
          %dma_start3A_154 = tpu.memref_slice %arg12[%scan3A_72, %dma_start3A_153] : memref<157x128xi32, #tpu.memory_space<vmem>> -> memref<1x128xi32, #tpu.memory_space<vmem>>
          %dma_start3A_155 = tpu.memref_squeeze %dma_start3A_154 : memref<1x128xi32, #tpu.memory_space<vmem>> -> memref<128xi32, #tpu.memory_space<vmem>>
          %dma_start3A_156 = arith.constant 0 : i32
          %dma_start3A_157 = arith.constant 0 : i32
          %dma_start3A_158 = tpu.memref_slice %arg20[%dma_start3A_156, %dma_start3A_157] : memref<10240x16xf32, #tpu.memory_space<vmem_shared>> -> memref<10240x16xf32, #tpu.memory_space<vmem_shared>>
          tpu.enqueue_indirect_dma source(%arg16 : memref<128x16xf32, #tpu.memory_space<vmem>>) target(%dma_start3A_158 : memref<10240x16xf32, #tpu.memory_space<vmem_shared>>) offsets(%dma_start3A_155 : memref<128xi32, #tpu.memory_space<vmem>>) semaphore(%run_scoped3A_152 : memref<!tpu.dma_semaphore, #tpu.memory_space<semaphore_mem>>) {add = true}
          %dma_wait3A_159 = arith.constant 0 : i32
          %dma_wait3A_160 = tpu.memref_slice %arg12[%scan3A_72, %dma_wait3A_159] : memref<157x128xi32, #tpu.memory_space<vmem>> -> memref<1x128xi32, #tpu.memory_space<vmem>>
          %dma_wait3A_161 = tpu.memref_squeeze %dma_wait3A_160 : memref<1x128xi32, #tpu.memory_space<vmem>> -> memref<128xi32, #tpu.memory_space<vmem>>
          %dma_wait3A_162 = arith.constant 0 : i32
          %dma_wait3A_163 = arith.constant 0 : i32
          %dma_wait3A_164 = tpu.memref_slice %arg20[%dma_wait3A_162, %dma_wait3A_163] : memref<10240x16xf32, #tpu.memory_space<vmem_shared>> -> memref<10240x16xf32, #tpu.memory_space<vmem_shared>>
          tpu.wait_indirect_dma semaphore(%run_scoped3A_152 : memref<!tpu.dma_semaphore, #tpu.memory_space<semaphore_mem>>) src(%arg16 : memref<128x16xf32, #tpu.memory_space<vmem>>) dst(%dma_wait3A_164 : memref<10240x16xf32, #tpu.memory_space<vmem_shared>>)
          tpu.yield
        }) : () -> ()
        "tpu.region"() ({
          %run_scoped3A_152 = tpu.sem_alloc : memref<!tpu.dma_semaphore, #tpu.memory_space<semaphore_mem>>
          %dma_start3A_153 = arith.constant 0 : i32
          %dma_start3A_154 = tpu.memref_slice %arg12[%scan3A_72, %dma_start3A_153] : memref<157x128xi32, #tpu.memory_space<vmem>> -> memref<1x128xi32, #tpu.memory_space<vmem>>
          %dma_start3A_155 = tpu.memref_squeeze %dma_start3A_154 : memref<1x128xi32, #tpu.memory_space<vmem>> -> memref<128xi32, #tpu.memory_space<vmem>>
          %dma_start3A_156 = arith.constant 0 : i32
          %dma_start3A_157 = arith.constant 0 : i32
          %dma_start3A_158 = tpu.memref_slice %arg19[%dma_start3A_156, %dma_start3A_157] : memref<10240x64xf32, #tpu.memory_space<vmem_shared>> -> memref<10240x64xf32, #tpu.memory_space<vmem_shared>>
          tpu.enqueue_indirect_dma source(%arg15 : memref<128x64xf32, #tpu.memory_space<vmem>>) target(%dma_start3A_158 : memref<10240x64xf32, #tpu.memory_space<vmem_shared>>) offsets(%dma_start3A_155 : memref<128xi32, #tpu.memory_space<vmem>>) semaphore(%run_scoped3A_152 : memref<!tpu.dma_semaphore, #tpu.memory_space<semaphore_mem>>) {add = true}
          %dma_wait3A_159 = arith.constant 0 : i32
          %dma_wait3A_160 = tpu.memref_slice %arg12[%scan3A_72, %dma_wait3A_159] : memref<157x128xi32, #tpu.memory_space<vmem>> -> memref<1x128xi32, #tpu.memory_space<vmem>>
          %dma_wait3A_161 = tpu.memref_squeeze %dma_wait3A_160 : memref<1x128xi32, #tpu.memory_space<vmem>> -> memref<128xi32, #tpu.memory_space<vmem>>
          %dma_wait3A_162 = arith.constant 0 : i32
          %dma_wait3A_163 = arith.constant 0 : i32
          %dma_wait3A_164 = tpu.memref_slice %arg19[%dma_wait3A_162, %dma_wait3A_163] : memref<10240x64xf32, #tpu.memory_space<vmem_shared>> -> memref<10240x64xf32, #tpu.memory_space<vmem_shared>>
          tpu.wait_indirect_dma semaphore(%run_scoped3A_152 : memref<!tpu.dma_semaphore, #tpu.memory_space<semaphore_mem>>) src(%arg15 : memref<128x64xf32, #tpu.memory_space<vmem>>) dst(%dma_wait3A_164 : memref<10240x64xf32, #tpu.memory_space<vmem_shared>>)
          tpu.yield
        }) : () -> ()
        %scan3A_151 = arith.constant 0 : i32
        scf.yield %scan3A_151 : i32
      }
      %scan3A_42 = arith.constant 157 : i32
      %barrier3A_43 = arith.constant 0 : index
      tpu.barrier barrier_id(%barrier3A_43)
      %run_scoped3A = arith.constant 1 : i32
      %run_scoped3A_44 = arith.constant 0 : i32
      "tpu.region"() ({
        %run_scoped3A_72 = tpu.sem_alloc : memref<!tpu.dma_semaphore, #tpu.memory_space<semaphore_mem>>
        %dma_start3A = arith.constant 0 : i32
        %dma_start3A_73 = arith.constant 0 : i32
        %dma_start3A_74 = arith.constant 0 : i32
        %dma_start3A_75 = tpu.memref_slice %arg9[%run_scoped3A, %dma_start3A, %dma_start3A_73, %dma_start3A_74] : memref<2x2x10240x64xf32, #tpu.memory_space<hbm>> -> memref<1x2x10240x64xf32, #tpu.memory_space<hbm>>
        %dma_start3A_76 = tpu.memref_squeeze %dma_start3A_75 : memref<1x2x10240x64xf32, #tpu.memory_space<hbm>> -> memref<2x10240x64xf32, #tpu.memory_space<hbm>>
        %dma_start3A_77 = arith.constant 0 : i32
        %dma_start3A_78 = arith.constant 0 : i32
        %dma_start3A_79 = tpu.memref_slice %dma_start3A_76[%run_scoped3A_44, %dma_start3A_77, %dma_start3A_78] : memref<2x10240x64xf32, #tpu.memory_space<hbm>> -> memref<1x10240x64xf32, #tpu.memory_space<hbm>>
        %dma_start3A_80 = tpu.memref_squeeze %dma_start3A_79 : memref<1x10240x64xf32, #tpu.memory_space<hbm>> -> memref<10240x64xf32, #tpu.memory_space<hbm>>
        %dma_start3A_81 = arith.constant 0 : i32
        %dma_start3A_82 = tpu.memref_slice %dma_start3A_80[%mul3A_0, %dma_start3A_81] : memref<10240x64xf32, #tpu.memory_space<hbm>> -> memref<640x64xf32, #tpu.memory_space<hbm>>
        %dma_start3A_83 = arith.constant 0 : i32
        %dma_start3A_84 = tpu.memref_slice %arg19[%mul3A_0, %dma_start3A_83] : memref<10240x64xf32, #tpu.memory_space<vmem_shared>> -> memref<640x64xf32, #tpu.memory_space<vmem_shared>>
        tpu.enqueue_dma source(%dma_start3A_84 : memref<640x64xf32, #tpu.memory_space<vmem_shared>>) target(%dma_start3A_82 : memref<640x64xf32, #tpu.memory_space<hbm>>) target_semaphore(%run_scoped3A_72 : memref<!tpu.dma_semaphore, #tpu.memory_space<semaphore_mem>>)
        %dma_wait3A = arith.constant 0 : i32
        %dma_wait3A_85 = arith.constant 0 : i32
        %dma_wait3A_86 = arith.constant 0 : i32
        %dma_wait3A_87 = tpu.memref_slice %arg9[%run_scoped3A, %dma_wait3A, %dma_wait3A_85, %dma_wait3A_86] : memref<2x2x10240x64xf32, #tpu.memory_space<hbm>> -> memref<1x2x10240x64xf32, #tpu.memory_space<hbm>>
        %dma_wait3A_88 = tpu.memref_squeeze %dma_wait3A_87 : memref<1x2x10240x64xf32, #tpu.memory_space<hbm>> -> memref<2x10240x64xf32, #tpu.memory_space<hbm>>
        %dma_wait3A_89 = arith.constant 0 : i32
        %dma_wait3A_90 = arith.constant 0 : i32
        %dma_wait3A_91 = tpu.memref_slice %dma_wait3A_88[%run_scoped3A_44, %dma_wait3A_89, %dma_wait3A_90] : memref<2x10240x64xf32, #tpu.memory_space<hbm>> -> memref<1x10240x64xf32, #tpu.memory_space<hbm>>
        %dma_wait3A_92 = tpu.memref_squeeze %dma_wait3A_91 : memref<1x10240x64xf32, #tpu.memory_space<hbm>> -> memref<10240x64xf32, #tpu.memory_space<hbm>>
        %dma_wait3A_93 = arith.constant 0 : i32
        %dma_wait3A_94 = tpu.memref_slice %dma_wait3A_92[%mul3A_0, %dma_wait3A_93] : memref<10240x64xf32, #tpu.memory_space<hbm>> -> memref<640x64xf32, #tpu.memory_space<hbm>>
        %dma_wait3A_95 = arith.constant 0 : i32
        %dma_wait3A_96 = tpu.memref_slice %arg19[%mul3A_0, %dma_wait3A_95] : memref<10240x64xf32, #tpu.memory_space<vmem_shared>> -> memref<640x64xf32, #tpu.memory_space<vmem_shared>>
        tpu.wait_dma2 semaphore(%run_scoped3A_72 : memref<!tpu.dma_semaphore, #tpu.memory_space<semaphore_mem>>) src(%dma_wait3A_96 : memref<640x64xf32, #tpu.memory_space<vmem_shared>>) dst(%dma_wait3A_94 : memref<640x64xf32, #tpu.memory_space<hbm>>)
        tpu.yield
      }) : () -> ()
      %run_scoped3A_45 = arith.constant 1 : i32
      "tpu.region"() ({
        %run_scoped3A_72 = tpu.sem_alloc : memref<!tpu.dma_semaphore, #tpu.memory_space<semaphore_mem>>
        %dma_start3A = arith.constant 0 : i32
        %dma_start3A_73 = arith.constant 0 : i32
        %dma_start3A_74 = tpu.memref_slice %arg10[%run_scoped3A_45, %dma_start3A, %dma_start3A_73] : memref<2x10240x16xf32, #tpu.memory_space<hbm>> -> memref<1x10240x16xf32, #tpu.memory_space<hbm>>
        %dma_start3A_75 = tpu.memref_squeeze %dma_start3A_74 : memref<1x10240x16xf32, #tpu.memory_space<hbm>> -> memref<10240x16xf32, #tpu.memory_space<hbm>>
        %dma_start3A_76 = arith.constant 0 : i32
        %dma_start3A_77 = tpu.memref_slice %dma_start3A_75[%mul3A_0, %dma_start3A_76] : memref<10240x16xf32, #tpu.memory_space<hbm>> -> memref<640x16xf32, #tpu.memory_space<hbm>>
        %dma_start3A_78 = arith.constant 0 : i32
        %dma_start3A_79 = tpu.memref_slice %arg20[%mul3A_0, %dma_start3A_78] : memref<10240x16xf32, #tpu.memory_space<vmem_shared>> -> memref<640x16xf32, #tpu.memory_space<vmem_shared>>
        tpu.enqueue_dma source(%dma_start3A_79 : memref<640x16xf32, #tpu.memory_space<vmem_shared>>) target(%dma_start3A_77 : memref<640x16xf32, #tpu.memory_space<hbm>>) target_semaphore(%run_scoped3A_72 : memref<!tpu.dma_semaphore, #tpu.memory_space<semaphore_mem>>)
        %dma_wait3A = arith.constant 0 : i32
        %dma_wait3A_80 = arith.constant 0 : i32
        %dma_wait3A_81 = tpu.memref_slice %arg10[%run_scoped3A_45, %dma_wait3A, %dma_wait3A_80] : memref<2x10240x16xf32, #tpu.memory_space<hbm>> -> memref<1x10240x16xf32, #tpu.memory_space<hbm>>
        %dma_wait3A_82 = tpu.memref_squeeze %dma_wait3A_81 : memref<1x10240x16xf32, #tpu.memory_space<hbm>> -> memref<10240x16xf32, #tpu.memory_space<hbm>>
        %dma_wait3A_83 = arith.constant 0 : i32
        %dma_wait3A_84 = tpu.memref_slice %dma_wait3A_82[%mul3A_0, %dma_wait3A_83] : memref<10240x16xf32, #tpu.memory_space<hbm>> -> memref<640x16xf32, #tpu.memory_space<hbm>>
        %dma_wait3A_85 = arith.constant 0 : i32
        %dma_wait3A_86 = tpu.memref_slice %arg20[%mul3A_0, %dma_wait3A_85] : memref<10240x16xf32, #tpu.memory_space<vmem_shared>> -> memref<640x16xf32, #tpu.memory_space<vmem_shared>>
        tpu.wait_dma2 semaphore(%run_scoped3A_72 : memref<!tpu.dma_semaphore, #tpu.memory_space<semaphore_mem>>) src(%dma_wait3A_86 : memref<640x16xf32, #tpu.memory_space<vmem_shared>>) dst(%dma_wait3A_84 : memref<640x16xf32, #tpu.memory_space<hbm>>)
        tpu.yield
      }) : () -> ()
      %barrier3A_46 = arith.constant 0 : index
      tpu.barrier barrier_id(%barrier3A_46)
      %add3A_47 = arith.constant 0 : i32
      %add3A_48 = arith.addi %mul3A_0, %add3A_47 : i32
      "tpu.region"() ({
        %run_scoped3A_72 = tpu.sem_alloc : memref<!tpu.dma_semaphore, #tpu.memory_space<semaphore_mem>>
        %dma_start3A = arith.constant 0 : i32
        %dma_start3A_73 = tpu.memref_slice %arg19[%add3A_48, %dma_start3A] : memref<10240x64xf32, #tpu.memory_space<vmem_shared>> -> memref<128x64xf32, #tpu.memory_space<vmem_shared>>
        %dma_start3A_74 = arith.constant 0 : i32
        %dma_start3A_75 = tpu.memref_slice %arg19[%add3A_48, %dma_start3A_74] : memref<10240x64xf32, #tpu.memory_space<vmem_shared>> -> memref<128x64xf32, #tpu.memory_space<vmem_shared>>
        tpu.enqueue_dma source(%arg17 : memref<128x64xf32, #tpu.memory_space<vmem>>) target(%dma_start3A_75 : memref<128x64xf32, #tpu.memory_space<vmem_shared>>) target_semaphore(%run_scoped3A_72 : memref<!tpu.dma_semaphore, #tpu.memory_space<semaphore_mem>>)
        %dma_wait3A = arith.constant 0 : i32
        %dma_wait3A_76 = tpu.memref_slice %arg19[%add3A_48, %dma_wait3A] : memref<10240x64xf32, #tpu.memory_space<vmem_shared>> -> memref<128x64xf32, #tpu.memory_space<vmem_shared>>
        %dma_wait3A_77 = arith.constant 0 : i32
        %dma_wait3A_78 = tpu.memref_slice %arg19[%add3A_48, %dma_wait3A_77] : memref<10240x64xf32, #tpu.memory_space<vmem_shared>> -> memref<128x64xf32, #tpu.memory_space<vmem_shared>>
        tpu.wait_dma2 semaphore(%run_scoped3A_72 : memref<!tpu.dma_semaphore, #tpu.memory_space<semaphore_mem>>) src(%arg17 : memref<128x64xf32, #tpu.memory_space<vmem>>) dst(%dma_wait3A_78 : memref<128x64xf32, #tpu.memory_space<vmem_shared>>)
        tpu.yield
      }) : () -> ()
      %add3A_49 = arith.constant 128 : i32
      %add3A_50 = arith.addi %mul3A_0, %add3A_49 : i32
      "tpu.region"() ({
        %run_scoped3A_72 = tpu.sem_alloc : memref<!tpu.dma_semaphore, #tpu.memory_space<semaphore_mem>>
        %dma_start3A = arith.constant 0 : i32
        %dma_start3A_73 = tpu.memref_slice %arg19[%add3A_50, %dma_start3A] : memref<10240x64xf32, #tpu.memory_space<vmem_shared>> -> memref<128x64xf32, #tpu.memory_space<vmem_shared>>
        %dma_start3A_74 = arith.constant 0 : i32
        %dma_start3A_75 = tpu.memref_slice %arg19[%add3A_50, %dma_start3A_74] : memref<10240x64xf32, #tpu.memory_space<vmem_shared>> -> memref<128x64xf32, #tpu.memory_space<vmem_shared>>
        tpu.enqueue_dma source(%arg17 : memref<128x64xf32, #tpu.memory_space<vmem>>) target(%dma_start3A_75 : memref<128x64xf32, #tpu.memory_space<vmem_shared>>) target_semaphore(%run_scoped3A_72 : memref<!tpu.dma_semaphore, #tpu.memory_space<semaphore_mem>>)
        %dma_wait3A = arith.constant 0 : i32
        %dma_wait3A_76 = tpu.memref_slice %arg19[%add3A_50, %dma_wait3A] : memref<10240x64xf32, #tpu.memory_space<vmem_shared>> -> memref<128x64xf32, #tpu.memory_space<vmem_shared>>
        %dma_wait3A_77 = arith.constant 0 : i32
        %dma_wait3A_78 = tpu.memref_slice %arg19[%add3A_50, %dma_wait3A_77] : memref<10240x64xf32, #tpu.memory_space<vmem_shared>> -> memref<128x64xf32, #tpu.memory_space<vmem_shared>>
        tpu.wait_dma2 semaphore(%run_scoped3A_72 : memref<!tpu.dma_semaphore, #tpu.memory_space<semaphore_mem>>) src(%arg17 : memref<128x64xf32, #tpu.memory_space<vmem>>) dst(%dma_wait3A_78 : memref<128x64xf32, #tpu.memory_space<vmem_shared>>)
        tpu.yield
      }) : () -> ()
      %add3A_51 = arith.constant 256 : i32
      %add3A_52 = arith.addi %mul3A_0, %add3A_51 : i32
      "tpu.region"() ({
        %run_scoped3A_72 = tpu.sem_alloc : memref<!tpu.dma_semaphore, #tpu.memory_space<semaphore_mem>>
        %dma_start3A = arith.constant 0 : i32
        %dma_start3A_73 = tpu.memref_slice %arg19[%add3A_52, %dma_start3A] : memref<10240x64xf32, #tpu.memory_space<vmem_shared>> -> memref<128x64xf32, #tpu.memory_space<vmem_shared>>
        %dma_start3A_74 = arith.constant 0 : i32
        %dma_start3A_75 = tpu.memref_slice %arg19[%add3A_52, %dma_start3A_74] : memref<10240x64xf32, #tpu.memory_space<vmem_shared>> -> memref<128x64xf32, #tpu.memory_space<vmem_shared>>
        tpu.enqueue_dma source(%arg17 : memref<128x64xf32, #tpu.memory_space<vmem>>) target(%dma_start3A_75 : memref<128x64xf32, #tpu.memory_space<vmem_shared>>) target_semaphore(%run_scoped3A_72 : memref<!tpu.dma_semaphore, #tpu.memory_space<semaphore_mem>>)
        %dma_wait3A = arith.constant 0 : i32
        %dma_wait3A_76 = tpu.memref_slice %arg19[%add3A_52, %dma_wait3A] : memref<10240x64xf32, #tpu.memory_space<vmem_shared>> -> memref<128x64xf32, #tpu.memory_space<vmem_shared>>
        %dma_wait3A_77 = arith.constant 0 : i32
        %dma_wait3A_78 = tpu.memref_slice %arg19[%add3A_52, %dma_wait3A_77] : memref<10240x64xf32, #tpu.memory_space<vmem_shared>> -> memref<128x64xf32, #tpu.memory_space<vmem_shared>>
        tpu.wait_dma2 semaphore(%run_scoped3A_72 : memref<!tpu.dma_semaphore, #tpu.memory_space<semaphore_mem>>) src(%arg17 : memref<128x64xf32, #tpu.memory_space<vmem>>) dst(%dma_wait3A_78 : memref<128x64xf32, #tpu.memory_space<vmem_shared>>)
        tpu.yield
      }) : () -> ()
      %add3A_53 = arith.constant 384 : i32
      %add3A_54 = arith.addi %mul3A_0, %add3A_53 : i32
      "tpu.region"() ({
        %run_scoped3A_72 = tpu.sem_alloc : memref<!tpu.dma_semaphore, #tpu.memory_space<semaphore_mem>>
        %dma_start3A = arith.constant 0 : i32
        %dma_start3A_73 = tpu.memref_slice %arg19[%add3A_54, %dma_start3A] : memref<10240x64xf32, #tpu.memory_space<vmem_shared>> -> memref<128x64xf32, #tpu.memory_space<vmem_shared>>
        %dma_start3A_74 = arith.constant 0 : i32
        %dma_start3A_75 = tpu.memref_slice %arg19[%add3A_54, %dma_start3A_74] : memref<10240x64xf32, #tpu.memory_space<vmem_shared>> -> memref<128x64xf32, #tpu.memory_space<vmem_shared>>
        tpu.enqueue_dma source(%arg17 : memref<128x64xf32, #tpu.memory_space<vmem>>) target(%dma_start3A_75 : memref<128x64xf32, #tpu.memory_space<vmem_shared>>) target_semaphore(%run_scoped3A_72 : memref<!tpu.dma_semaphore, #tpu.memory_space<semaphore_mem>>)
        %dma_wait3A = arith.constant 0 : i32
        %dma_wait3A_76 = tpu.memref_slice %arg19[%add3A_54, %dma_wait3A] : memref<10240x64xf32, #tpu.memory_space<vmem_shared>> -> memref<128x64xf32, #tpu.memory_space<vmem_shared>>
        %dma_wait3A_77 = arith.constant 0 : i32
        %dma_wait3A_78 = tpu.memref_slice %arg19[%add3A_54, %dma_wait3A_77] : memref<10240x64xf32, #tpu.memory_space<vmem_shared>> -> memref<128x64xf32, #tpu.memory_space<vmem_shared>>
        tpu.wait_dma2 semaphore(%run_scoped3A_72 : memref<!tpu.dma_semaphore, #tpu.memory_space<semaphore_mem>>) src(%arg17 : memref<128x64xf32, #tpu.memory_space<vmem>>) dst(%dma_wait3A_78 : memref<128x64xf32, #tpu.memory_space<vmem_shared>>)
        tpu.yield
      }) : () -> ()
      %add3A_55 = arith.constant 512 : i32
      %add3A_56 = arith.addi %mul3A_0, %add3A_55 : i32
      "tpu.region"() ({
        %run_scoped3A_72 = tpu.sem_alloc : memref<!tpu.dma_semaphore, #tpu.memory_space<semaphore_mem>>
        %dma_start3A = arith.constant 0 : i32
        %dma_start3A_73 = tpu.memref_slice %arg19[%add3A_56, %dma_start3A] : memref<10240x64xf32, #tpu.memory_space<vmem_shared>> -> memref<128x64xf32, #tpu.memory_space<vmem_shared>>
        %dma_start3A_74 = arith.constant 0 : i32
        %dma_start3A_75 = tpu.memref_slice %arg19[%add3A_56, %dma_start3A_74] : memref<10240x64xf32, #tpu.memory_space<vmem_shared>> -> memref<128x64xf32, #tpu.memory_space<vmem_shared>>
        tpu.enqueue_dma source(%arg17 : memref<128x64xf32, #tpu.memory_space<vmem>>) target(%dma_start3A_75 : memref<128x64xf32, #tpu.memory_space<vmem_shared>>) target_semaphore(%run_scoped3A_72 : memref<!tpu.dma_semaphore, #tpu.memory_space<semaphore_mem>>)
        %dma_wait3A = arith.constant 0 : i32
        %dma_wait3A_76 = tpu.memref_slice %arg19[%add3A_56, %dma_wait3A] : memref<10240x64xf32, #tpu.memory_space<vmem_shared>> -> memref<128x64xf32, #tpu.memory_space<vmem_shared>>
        %dma_wait3A_77 = arith.constant 0 : i32
        %dma_wait3A_78 = tpu.memref_slice %arg19[%add3A_56, %dma_wait3A_77] : memref<10240x64xf32, #tpu.memory_space<vmem_shared>> -> memref<128x64xf32, #tpu.memory_space<vmem_shared>>
        tpu.wait_dma2 semaphore(%run_scoped3A_72 : memref<!tpu.dma_semaphore, #tpu.memory_space<semaphore_mem>>) src(%arg17 : memref<128x64xf32, #tpu.memory_space<vmem>>) dst(%dma_wait3A_78 : memref<128x64xf32, #tpu.memory_space<vmem_shared>>)
        tpu.yield
      }) : () -> ()
      %barrier3A_57 = arith.constant 0 : index
      tpu.barrier barrier_id(%barrier3A_57)
      %scan3A_58 = arith.constant 1 : i32
      %scan3A_59 = arith.constant 0 : i32
      %scan3A_60 = arith.constant 1 : i32
      %scan3A_61 = arith.constant 0 : i32
      %scan3A_62 = arith.constant 0 : i32
      %scan3A_63 = arith.constant 157 : i32
      %scan3A_64 = arith.addi %scan3A_62, %scan3A_63 : i32
      %scan3A_65 = arith.constant 1 : i32
      %scan3A_66 = scf.for %scan3A_72 = %scan3A_62 to %scan3A_64 step %scan3A_65 iter_args(%scan3A_73 = %scan3A_61) -> (i32)  : i32 {
        %dma_start3A = arith.constant 0 : i32
        %dma_start3A_74 = tpu.memref_slice %arg11[%scan3A_72, %dma_start3A] : memref<157x128xi32, #tpu.memory_space<vmem>> -> memref<1x128xi32, #tpu.memory_space<vmem>>
        %dma_start3A_75 = tpu.memref_squeeze %dma_start3A_74 : memref<1x128xi32, #tpu.memory_space<vmem>> -> memref<128xi32, #tpu.memory_space<vmem>>
        %dma_start3A_76 = arith.constant 0 : i32
        %dma_start3A_77 = arith.constant 0 : i32
        %dma_start3A_78 = tpu.memref_slice %arg3[%scan3A_58, %dma_start3A_76, %dma_start3A_77] : memref<2x10240x16xf32, #tpu.memory_space<hbm>> -> memref<1x10240x16xf32, #tpu.memory_space<hbm>>
        %dma_start3A_79 = tpu.memref_squeeze %dma_start3A_78 : memref<1x10240x16xf32, #tpu.memory_space<hbm>> -> memref<10240x16xf32, #tpu.memory_space<hbm>>
        %dma_start3A_80 = arith.constant 0 : i32
        %dma_start3A_81 = arith.constant 0 : i32
        %dma_start3A_82 = tpu.memref_slice %dma_start3A_79[%dma_start3A_80, %dma_start3A_81] : memref<10240x16xf32, #tpu.memory_space<hbm>> -> memref<10240x16xf32, #tpu.memory_space<hbm>>
        tpu.enqueue_indirect_dma source(%dma_start3A_82 : memref<10240x16xf32, #tpu.memory_space<hbm>>) target(%arg13 : memref<128x16xf32, #tpu.memory_space<vmem>>) offsets(%dma_start3A_75 : memref<128xi32, #tpu.memory_space<vmem>>) semaphore(%arg21 : memref<!tpu.dma_semaphore, #tpu.memory_space<semaphore_mem>>)
        %dma_start3A_83 = arith.constant 0 : i32
        %dma_start3A_84 = tpu.memref_slice %arg12[%scan3A_72, %dma_start3A_83] : memref<157x128xi32, #tpu.memory_space<vmem>> -> memref<1x128xi32, #tpu.memory_space<vmem>>
        %dma_start3A_85 = tpu.memref_squeeze %dma_start3A_84 : memref<1x128xi32, #tpu.memory_space<vmem>> -> memref<128xi32, #tpu.memory_space<vmem>>
        %dma_start3A_86 = arith.constant 0 : i32
        %dma_start3A_87 = arith.constant 0 : i32
        %dma_start3A_88 = tpu.memref_slice %arg4[%scan3A_59, %dma_start3A_86, %dma_start3A_87] : memref<2x10240x16xf32, #tpu.memory_space<hbm>> -> memref<1x10240x16xf32, #tpu.memory_space<hbm>>
        %dma_start3A_89 = tpu.memref_squeeze %dma_start3A_88 : memref<1x10240x16xf32, #tpu.memory_space<hbm>> -> memref<10240x16xf32, #tpu.memory_space<hbm>>
        %dma_start3A_90 = arith.constant 0 : i32
        %dma_start3A_91 = arith.constant 0 : i32
        %dma_start3A_92 = tpu.memref_slice %dma_start3A_89[%dma_start3A_90, %dma_start3A_91] : memref<10240x16xf32, #tpu.memory_space<hbm>> -> memref<10240x16xf32, #tpu.memory_space<hbm>>
        tpu.enqueue_indirect_dma source(%dma_start3A_92 : memref<10240x16xf32, #tpu.memory_space<hbm>>) target(%arg14 : memref<128x16xf32, #tpu.memory_space<vmem>>) offsets(%dma_start3A_85 : memref<128xi32, #tpu.memory_space<vmem>>) semaphore(%arg21 : memref<!tpu.dma_semaphore, #tpu.memory_space<semaphore_mem>>)
        %dma_start3A_93 = arith.constant 1 : i32
        %dma_start3A_94 = arith.constant 0 : i32
        %dma_start3A_95 = tpu.memref_slice %arg11[%scan3A_72, %dma_start3A_94] : memref<157x128xi32, #tpu.memory_space<vmem>> -> memref<1x128xi32, #tpu.memory_space<vmem>>
        %dma_start3A_96 = tpu.memref_squeeze %dma_start3A_95 : memref<1x128xi32, #tpu.memory_space<vmem>> -> memref<128xi32, #tpu.memory_space<vmem>>
        %dma_start3A_97 = arith.constant 0 : i32
        %dma_start3A_98 = arith.constant 0 : i32
        %dma_start3A_99 = arith.constant 0 : i32
        %dma_start3A_100 = tpu.memref_slice %arg2[%scan3A_60, %dma_start3A_97, %dma_start3A_98, %dma_start3A_99] : memref<2x2x10240x64xf32, #tpu.memory_space<hbm>> -> memref<1x2x10240x64xf32, #tpu.memory_space<hbm>>
        %dma_start3A_101 = tpu.memref_squeeze %dma_start3A_100 : memref<1x2x10240x64xf32, #tpu.memory_space<hbm>> -> memref<2x10240x64xf32, #tpu.memory_space<hbm>>
        %dma_start3A_102 = arith.constant 0 : i32
        %dma_start3A_103 = arith.constant 0 : i32
        %dma_start3A_104 = tpu.memref_slice %dma_start3A_101[%dma_start3A_93, %dma_start3A_102, %dma_start3A_103] : memref<2x10240x64xf32, #tpu.memory_space<hbm>> -> memref<1x10240x64xf32, #tpu.memory_space<hbm>>
        %dma_start3A_105 = tpu.memref_squeeze %dma_start3A_104 : memref<1x10240x64xf32, #tpu.memory_space<hbm>> -> memref<10240x64xf32, #tpu.memory_space<hbm>>
        %dma_start3A_106 = arith.constant 0 : i32
        %dma_start3A_107 = arith.constant 0 : i32
        %dma_start3A_108 = tpu.memref_slice %dma_start3A_105[%dma_start3A_106, %dma_start3A_107] : memref<10240x64xf32, #tpu.memory_space<hbm>> -> memref<10240x64xf32, #tpu.memory_space<hbm>>
        tpu.enqueue_indirect_dma source(%dma_start3A_108 : memref<10240x64xf32, #tpu.memory_space<hbm>>) target(%arg15 : memref<128x64xf32, #tpu.memory_space<vmem>>) offsets(%dma_start3A_96 : memref<128xi32, #tpu.memory_space<vmem>>) semaphore(%arg21 : memref<!tpu.dma_semaphore, #tpu.memory_space<semaphore_mem>>)
        %dma_wait3A = arith.constant 0 : i32
        %dma_wait3A_109 = tpu.memref_slice %arg11[%scan3A_72, %dma_wait3A] : memref<157x128xi32, #tpu.memory_space<vmem>> -> memref<1x128xi32, #tpu.memory_space<vmem>>
        %dma_wait3A_110 = tpu.memref_squeeze %dma_wait3A_109 : memref<1x128xi32, #tpu.memory_space<vmem>> -> memref<128xi32, #tpu.memory_space<vmem>>
        %dma_wait3A_111 = arith.constant 0 : i32
        %dma_wait3A_112 = arith.constant 0 : i32
        %dma_wait3A_113 = tpu.memref_slice %arg3[%scan3A_58, %dma_wait3A_111, %dma_wait3A_112] : memref<2x10240x16xf32, #tpu.memory_space<hbm>> -> memref<1x10240x16xf32, #tpu.memory_space<hbm>>
        %dma_wait3A_114 = tpu.memref_squeeze %dma_wait3A_113 : memref<1x10240x16xf32, #tpu.memory_space<hbm>> -> memref<10240x16xf32, #tpu.memory_space<hbm>>
        %dma_wait3A_115 = arith.constant 0 : i32
        %dma_wait3A_116 = arith.constant 0 : i32
        %dma_wait3A_117 = tpu.memref_slice %dma_wait3A_114[%dma_wait3A_115, %dma_wait3A_116] : memref<10240x16xf32, #tpu.memory_space<hbm>> -> memref<10240x16xf32, #tpu.memory_space<hbm>>
        tpu.wait_indirect_dma semaphore(%arg21 : memref<!tpu.dma_semaphore, #tpu.memory_space<semaphore_mem>>) src(%dma_wait3A_117 : memref<10240x16xf32, #tpu.memory_space<hbm>>) dst(%arg13 : memref<128x16xf32, #tpu.memory_space<vmem>>)
        %dma_wait3A_118 = arith.constant 0 : i32
        %dma_wait3A_119 = tpu.memref_slice %arg12[%scan3A_72, %dma_wait3A_118] : memref<157x128xi32, #tpu.memory_space<vmem>> -> memref<1x128xi32, #tpu.memory_space<vmem>>
        %dma_wait3A_120 = tpu.memref_squeeze %dma_wait3A_119 : memref<1x128xi32, #tpu.memory_space<vmem>> -> memref<128xi32, #tpu.memory_space<vmem>>
        %dma_wait3A_121 = arith.constant 0 : i32
        %dma_wait3A_122 = arith.constant 0 : i32
        %dma_wait3A_123 = tpu.memref_slice %arg4[%scan3A_59, %dma_wait3A_121, %dma_wait3A_122] : memref<2x10240x16xf32, #tpu.memory_space<hbm>> -> memref<1x10240x16xf32, #tpu.memory_space<hbm>>
        %dma_wait3A_124 = tpu.memref_squeeze %dma_wait3A_123 : memref<1x10240x16xf32, #tpu.memory_space<hbm>> -> memref<10240x16xf32, #tpu.memory_space<hbm>>
        %dma_wait3A_125 = arith.constant 0 : i32
        %dma_wait3A_126 = arith.constant 0 : i32
        %dma_wait3A_127 = tpu.memref_slice %dma_wait3A_124[%dma_wait3A_125, %dma_wait3A_126] : memref<10240x16xf32, #tpu.memory_space<hbm>> -> memref<10240x16xf32, #tpu.memory_space<hbm>>
        tpu.wait_indirect_dma semaphore(%arg21 : memref<!tpu.dma_semaphore, #tpu.memory_space<semaphore_mem>>) src(%dma_wait3A_127 : memref<10240x16xf32, #tpu.memory_space<hbm>>) dst(%arg14 : memref<128x16xf32, #tpu.memory_space<vmem>>)
        %dma_wait3A_128 = arith.constant 1 : i32
        %dma_wait3A_129 = arith.constant 0 : i32
        %dma_wait3A_130 = tpu.memref_slice %arg11[%scan3A_72, %dma_wait3A_129] : memref<157x128xi32, #tpu.memory_space<vmem>> -> memref<1x128xi32, #tpu.memory_space<vmem>>
        %dma_wait3A_131 = tpu.memref_squeeze %dma_wait3A_130 : memref<1x128xi32, #tpu.memory_space<vmem>> -> memref<128xi32, #tpu.memory_space<vmem>>
        %dma_wait3A_132 = arith.constant 0 : i32
        %dma_wait3A_133 = arith.constant 0 : i32
        %dma_wait3A_134 = arith.constant 0 : i32
        %dma_wait3A_135 = tpu.memref_slice %arg2[%scan3A_60, %dma_wait3A_132, %dma_wait3A_133, %dma_wait3A_134] : memref<2x2x10240x64xf32, #tpu.memory_space<hbm>> -> memref<1x2x10240x64xf32, #tpu.memory_space<hbm>>
        %dma_wait3A_136 = tpu.memref_squeeze %dma_wait3A_135 : memref<1x2x10240x64xf32, #tpu.memory_space<hbm>> -> memref<2x10240x64xf32, #tpu.memory_space<hbm>>
        %dma_wait3A_137 = arith.constant 0 : i32
        %dma_wait3A_138 = arith.constant 0 : i32
        %dma_wait3A_139 = tpu.memref_slice %dma_wait3A_136[%dma_wait3A_128, %dma_wait3A_137, %dma_wait3A_138] : memref<2x10240x64xf32, #tpu.memory_space<hbm>> -> memref<1x10240x64xf32, #tpu.memory_space<hbm>>
        %dma_wait3A_140 = tpu.memref_squeeze %dma_wait3A_139 : memref<1x10240x64xf32, #tpu.memory_space<hbm>> -> memref<10240x64xf32, #tpu.memory_space<hbm>>
        %dma_wait3A_141 = arith.constant 0 : i32
        %dma_wait3A_142 = arith.constant 0 : i32
        %dma_wait3A_143 = tpu.memref_slice %dma_wait3A_140[%dma_wait3A_141, %dma_wait3A_142] : memref<10240x64xf32, #tpu.memory_space<hbm>> -> memref<10240x64xf32, #tpu.memory_space<hbm>>
        tpu.wait_indirect_dma semaphore(%arg21 : memref<!tpu.dma_semaphore, #tpu.memory_space<semaphore_mem>>) src(%dma_wait3A_143 : memref<10240x64xf32, #tpu.memory_space<hbm>>) dst(%arg15 : memref<128x64xf32, #tpu.memory_space<vmem>>)
        %scan3A_144 = arith.constant 0 : i32
        %scan3A_145 = arith.constant 0 : i32
        %scan3A_146 = arith.constant 128 : i32
        %scan3A_147 = arith.addi %scan3A_145, %scan3A_146 : i32
        %scan3A_148 = arith.constant 1 : i32
        %scan3A_149 = scf.for %scan3A_152 = %scan3A_145 to %scan3A_147 step %scan3A_148 iter_args(%scan3A_153 = %scan3A_144) -> (i32)  : i32 {
          %get3A = arith.index_cast %scan3A_152 : i32 to index
          %get3A_154 = arith.constant 0 : index
          %get3A_155 = tpu.vector_load %arg13[%get3A, %get3A_154] {strides = array<i32>} : memref<128x16xf32, #tpu.memory_space<vmem>>, vector<1x16xf32>,
          %get3A_156 = vector.shape_cast %get3A_155 : vector<1x16xf32> to vector<16xf32>
          %get3A_157 = arith.index_cast %scan3A_152 : i32 to index
          %get3A_158 = arith.constant 0 : index
          %get3A_159 = tpu.vector_load %arg14[%get3A_157, %get3A_158] {strides = array<i32>} : memref<128x16xf32, #tpu.memory_space<vmem>>, vector<1x16xf32>,
          %get3A_160 = vector.shape_cast %get3A_159 : vector<1x16xf32> to vector<16xf32>
          %add3A_161 = arith.addf %get3A_156, %get3A_160 : vector<16xf32>
          %mul3A_162 = arith.constant 2.000000e-01 : f32
          %mul3A_163 = vector.broadcast %mul3A_162 : f32 to vector<16xf32>
          %mul3A_164 = arith.mulf %mul3A_163, %add3A_161 : vector<16xf32>
          %max3A = arith.maximumf %add3A_161, %mul3A_164 : vector<16xf32>
          %exp3A = math.exp %max3A : vector<16xf32>
          %get3A_165 = arith.index_cast %scan3A_152 : i32 to index
          %get3A_166 = arith.constant 0 : index
          %get3A_167 = tpu.vector_load %arg15[%get3A_165, %get3A_166] {strides = array<i32>} : memref<128x64xf32, #tpu.memory_space<vmem>>, vector<1x16xf32>,
          %get3A_168 = vector.shape_cast %get3A_167 : vector<1x16xf32> to vector<16xf32>
          %slice3A = vector.extract_strided_slice %exp3A {offsets = [4], sizes = [1], strides = [1]} : vector<16xf32> to vector<1xf32>
          %squeeze3A = vector.extract %slice3A[0] : f32 from vector<1xf32>
          %mul3A_169 = vector.broadcast %squeeze3A : f32 to vector<16xf32>
          %mul3A_170 = arith.mulf %get3A_168, %mul3A_169 : vector<16xf32>
          %swap3A = arith.index_cast %scan3A_152 : i32 to index
          %swap3A_171 = arith.constant 0 : index
          %swap3A_172 = tpu.vector_load %arg15[%swap3A, %swap3A_171] {strides = array<i32>} : memref<128x64xf32, #tpu.memory_space<vmem>>, vector<1x16xf32>,
          %swap3A_173 = vector.shape_cast %swap3A_172 : vector<1x16xf32> to vector<16xf32>
          %swap3A_174 = vector.shape_cast %mul3A_170 : vector<16xf32> to vector<1x16xf32>
          tpu.vector_store %arg15[%swap3A, %swap3A_171], %swap3A_174 {strides = array<i32>} : memref<128x64xf32, #tpu.memory_space<vmem>>, vector<1x16xf32>,
          %get3A_175 = arith.index_cast %scan3A_152 : i32 to index
          %get3A_176 = arith.constant 16 : index
          %get3A_177 = tpu.vector_load %arg15[%get3A_175, %get3A_176] {strides = array<i32>} : memref<128x64xf32, #tpu.memory_space<vmem>>, vector<1x16xf32>,
          %get3A_178 = vector.shape_cast %get3A_177 : vector<1x16xf32> to vector<16xf32>
          %slice3A_179 = vector.extract_strided_slice %exp3A {offsets = [5], sizes = [1], strides = [1]} : vector<16xf32> to vector<1xf32>
          %squeeze3A_180 = vector.extract %slice3A_179[0] : f32 from vector<1xf32>
          %mul3A_181 = vector.broadcast %squeeze3A_180 : f32 to vector<16xf32>
          %mul3A_182 = arith.mulf %get3A_178, %mul3A_181 : vector<16xf32>
          %swap3A_183 = arith.index_cast %scan3A_152 : i32 to index
          %swap3A_184 = arith.constant 16 : index
          %swap3A_185 = tpu.vector_load %arg15[%swap3A_183, %swap3A_184] {strides = array<i32>} : memref<128x64xf32, #tpu.memory_space<vmem>>, vector<1x16xf32>,
          %swap3A_186 = vector.shape_cast %swap3A_185 : vector<1x16xf32> to vector<16xf32>
          %swap3A_187 = vector.shape_cast %mul3A_182 : vector<16xf32> to vector<1x16xf32>
          tpu.vector_store %arg15[%swap3A_183, %swap3A_184], %swap3A_187 {strides = array<i32>} : memref<128x64xf32, #tpu.memory_space<vmem>>, vector<1x16xf32>,
          %get3A_188 = arith.index_cast %scan3A_152 : i32 to index
          %get3A_189 = arith.constant 32 : index
          %get3A_190 = tpu.vector_load %arg15[%get3A_188, %get3A_189] {strides = array<i32>} : memref<128x64xf32, #tpu.memory_space<vmem>>, vector<1x16xf32>,
          %get3A_191 = vector.shape_cast %get3A_190 : vector<1x16xf32> to vector<16xf32>
          %slice3A_192 = vector.extract_strided_slice %exp3A {offsets = [6], sizes = [1], strides = [1]} : vector<16xf32> to vector<1xf32>
          %squeeze3A_193 = vector.extract %slice3A_192[0] : f32 from vector<1xf32>
          %mul3A_194 = vector.broadcast %squeeze3A_193 : f32 to vector<16xf32>
          %mul3A_195 = arith.mulf %get3A_191, %mul3A_194 : vector<16xf32>
          %swap3A_196 = arith.index_cast %scan3A_152 : i32 to index
          %swap3A_197 = arith.constant 32 : index
          %swap3A_198 = tpu.vector_load %arg15[%swap3A_196, %swap3A_197] {strides = array<i32>} : memref<128x64xf32, #tpu.memory_space<vmem>>, vector<1x16xf32>,
          %swap3A_199 = vector.shape_cast %swap3A_198 : vector<1x16xf32> to vector<16xf32>
          %swap3A_200 = vector.shape_cast %mul3A_195 : vector<16xf32> to vector<1x16xf32>
          tpu.vector_store %arg15[%swap3A_196, %swap3A_197], %swap3A_200 {strides = array<i32>} : memref<128x64xf32, #tpu.memory_space<vmem>>, vector<1x16xf32>,
          %get3A_201 = arith.index_cast %scan3A_152 : i32 to index
          %get3A_202 = arith.constant 48 : index
          %get3A_203 = tpu.vector_load %arg15[%get3A_201, %get3A_202] {strides = array<i32>} : memref<128x64xf32, #tpu.memory_space<vmem>>, vector<1x16xf32>,
          %get3A_204 = vector.shape_cast %get3A_203 : vector<1x16xf32> to vector<16xf32>
          %slice3A_205 = vector.extract_strided_slice %exp3A {offsets = [7], sizes = [1], strides = [1]} : vector<16xf32> to vector<1xf32>
          %squeeze3A_206 = vector.extract %slice3A_205[0] : f32 from vector<1xf32>
          %mul3A_207 = vector.broadcast %squeeze3A_206 : f32 to vector<16xf32>
          %mul3A_208 = arith.mulf %get3A_204, %mul3A_207 : vector<16xf32>
          %swap3A_209 = arith.index_cast %scan3A_152 : i32 to index
          %swap3A_210 = arith.constant 48 : index
          %swap3A_211 = tpu.vector_load %arg15[%swap3A_209, %swap3A_210] {strides = array<i32>} : memref<128x64xf32, #tpu.memory_space<vmem>>, vector<1x16xf32>,
          %swap3A_212 = vector.shape_cast %swap3A_211 : vector<1x16xf32> to vector<16xf32>
          %swap3A_213 = vector.shape_cast %mul3A_208 : vector<16xf32> to vector<1x16xf32>
          tpu.vector_store %arg15[%swap3A_209, %swap3A_210], %swap3A_213 {strides = array<i32>} : memref<128x64xf32, #tpu.memory_space<vmem>>, vector<1x16xf32>,
          %scan3A_214 = arith.constant 0 : i32
          scf.yield %scan3A_214 : i32
        }
        %scan3A_150 = arith.constant 128 : i32
        "tpu.region"() ({
          %run_scoped3A_152 = tpu.sem_alloc : memref<!tpu.dma_semaphore, #tpu.memory_space<semaphore_mem>>
          %dma_start3A_153 = arith.constant 0 : i32
          %dma_start3A_154 = tpu.memref_slice %arg12[%scan3A_72, %dma_start3A_153] : memref<157x128xi32, #tpu.memory_space<vmem>> -> memref<1x128xi32, #tpu.memory_space<vmem>>
          %dma_start3A_155 = tpu.memref_squeeze %dma_start3A_154 : memref<1x128xi32, #tpu.memory_space<vmem>> -> memref<128xi32, #tpu.memory_space<vmem>>
          %dma_start3A_156 = arith.constant 0 : i32
          %dma_start3A_157 = arith.constant 0 : i32
          %dma_start3A_158 = tpu.memref_slice %arg19[%dma_start3A_156, %dma_start3A_157] : memref<10240x64xf32, #tpu.memory_space<vmem_shared>> -> memref<10240x64xf32, #tpu.memory_space<vmem_shared>>
          tpu.enqueue_indirect_dma source(%arg15 : memref<128x64xf32, #tpu.memory_space<vmem>>) target(%dma_start3A_158 : memref<10240x64xf32, #tpu.memory_space<vmem_shared>>) offsets(%dma_start3A_155 : memref<128xi32, #tpu.memory_space<vmem>>) semaphore(%run_scoped3A_152 : memref<!tpu.dma_semaphore, #tpu.memory_space<semaphore_mem>>) {add = true}
          %dma_wait3A_159 = arith.constant 0 : i32
          %dma_wait3A_160 = tpu.memref_slice %arg12[%scan3A_72, %dma_wait3A_159] : memref<157x128xi32, #tpu.memory_space<vmem>> -> memref<1x128xi32, #tpu.memory_space<vmem>>
          %dma_wait3A_161 = tpu.memref_squeeze %dma_wait3A_160 : memref<1x128xi32, #tpu.memory_space<vmem>> -> memref<128xi32, #tpu.memory_space<vmem>>
          %dma_wait3A_162 = arith.constant 0 : i32
          %dma_wait3A_163 = arith.constant 0 : i32
          %dma_wait3A_164 = tpu.memref_slice %arg19[%dma_wait3A_162, %dma_wait3A_163] : memref<10240x64xf32, #tpu.memory_space<vmem_shared>> -> memref<10240x64xf32, #tpu.memory_space<vmem_shared>>
          tpu.wait_indirect_dma semaphore(%run_scoped3A_152 : memref<!tpu.dma_semaphore, #tpu.memory_space<semaphore_mem>>) src(%arg15 : memref<128x64xf32, #tpu.memory_space<vmem>>) dst(%dma_wait3A_164 : memref<10240x64xf32, #tpu.memory_space<vmem_shared>>)
          tpu.yield
        }) : () -> ()
        %scan3A_151 = arith.constant 0 : i32
        scf.yield %scan3A_151 : i32
      }
      %scan3A_67 = arith.constant 157 : i32
      %barrier3A_68 = arith.constant 0 : index
      tpu.barrier barrier_id(%barrier3A_68)
      %run_scoped3A_69 = arith.constant 1 : i32
      %run_scoped3A_70 = arith.constant 1 : i32
      "tpu.region"() ({
        %run_scoped3A_72 = tpu.sem_alloc : memref<!tpu.dma_semaphore, #tpu.memory_space<semaphore_mem>>
        %dma_start3A = arith.constant 0 : i32
        %dma_start3A_73 = arith.constant 0 : i32
        %dma_start3A_74 = arith.constant 0 : i32
        %dma_start3A_75 = tpu.memref_slice %arg9[%run_scoped3A_69, %dma_start3A, %dma_start3A_73, %dma_start3A_74] : memref<2x2x10240x64xf32, #tpu.memory_space<hbm>> -> memref<1x2x10240x64xf32, #tpu.memory_space<hbm>>
        %dma_start3A_76 = tpu.memref_squeeze %dma_start3A_75 : memref<1x2x10240x64xf32, #tpu.memory_space<hbm>> -> memref<2x10240x64xf32, #tpu.memory_space<hbm>>
        %dma_start3A_77 = arith.constant 0 : i32
        %dma_start3A_78 = arith.constant 0 : i32
        %dma_start3A_79 = tpu.memref_slice %dma_start3A_76[%run_scoped3A_70, %dma_start3A_77, %dma_start3A_78] : memref<2x10240x64xf32, #tpu.memory_space<hbm>> -> memref<1x10240x64xf32, #tpu.memory_space<hbm>>
        %dma_start3A_80 = tpu.memref_squeeze %dma_start3A_79 : memref<1x10240x64xf32, #tpu.memory_space<hbm>> -> memref<10240x64xf32, #tpu.memory_space<hbm>>
        %dma_start3A_81 = arith.constant 0 : i32
        %dma_start3A_82 = tpu.memref_slice %dma_start3A_80[%mul3A_0, %dma_start3A_81] : memref<10240x64xf32, #tpu.memory_space<hbm>> -> memref<640x64xf32, #tpu.memory_space<hbm>>
        %dma_start3A_83 = arith.constant 0 : i32
        %dma_start3A_84 = tpu.memref_slice %arg19[%mul3A_0, %dma_start3A_83] : memref<10240x64xf32, #tpu.memory_space<vmem_shared>> -> memref<640x64xf32, #tpu.memory_space<vmem_shared>>
        tpu.enqueue_dma source(%dma_start3A_84 : memref<640x64xf32, #tpu.memory_space<vmem_shared>>) target(%dma_start3A_82 : memref<640x64xf32, #tpu.memory_space<hbm>>) target_semaphore(%run_scoped3A_72 : memref<!tpu.dma_semaphore, #tpu.memory_space<semaphore_mem>>)
        %dma_wait3A = arith.constant 0 : i32
        %dma_wait3A_85 = arith.constant 0 : i32
        %dma_wait3A_86 = arith.constant 0 : i32
        %dma_wait3A_87 = tpu.memref_slice %arg9[%run_scoped3A_69, %dma_wait3A, %dma_wait3A_85, %dma_wait3A_86] : memref<2x2x10240x64xf32, #tpu.memory_space<hbm>> -> memref<1x2x10240x64xf32, #tpu.memory_space<hbm>>
        %dma_wait3A_88 = tpu.memref_squeeze %dma_wait3A_87 : memref<1x2x10240x64xf32, #tpu.memory_space<hbm>> -> memref<2x10240x64xf32, #tpu.memory_space<hbm>>
        %dma_wait3A_89 = arith.constant 0 : i32
        %dma_wait3A_90 = arith.constant 0 : i32
        %dma_wait3A_91 = tpu.memref_slice %dma_wait3A_88[%run_scoped3A_70, %dma_wait3A_89, %dma_wait3A_90] : memref<2x10240x64xf32, #tpu.memory_space<hbm>> -> memref<1x10240x64xf32, #tpu.memory_space<hbm>>
        %dma_wait3A_92 = tpu.memref_squeeze %dma_wait3A_91 : memref<1x10240x64xf32, #tpu.memory_space<hbm>> -> memref<10240x64xf32, #tpu.memory_space<hbm>>
        %dma_wait3A_93 = arith.constant 0 : i32
        %dma_wait3A_94 = tpu.memref_slice %dma_wait3A_92[%mul3A_0, %dma_wait3A_93] : memref<10240x64xf32, #tpu.memory_space<hbm>> -> memref<640x64xf32, #tpu.memory_space<hbm>>
        %dma_wait3A_95 = arith.constant 0 : i32
        %dma_wait3A_96 = tpu.memref_slice %arg19[%mul3A_0, %dma_wait3A_95] : memref<10240x64xf32, #tpu.memory_space<vmem_shared>> -> memref<640x64xf32, #tpu.memory_space<vmem_shared>>
        tpu.wait_dma2 semaphore(%run_scoped3A_72 : memref<!tpu.dma_semaphore, #tpu.memory_space<semaphore_mem>>) src(%dma_wait3A_96 : memref<640x64xf32, #tpu.memory_space<vmem_shared>>) dst(%dma_wait3A_94 : memref<640x64xf32, #tpu.memory_space<hbm>>)
        tpu.yield
      }) : () -> ()
      %barrier3A_71 = arith.constant 0 : index
      tpu.barrier barrier_id(%barrier3A_71)
    } else {
    }
    return
  }
}

#map = affine_map<(d0, d1) -> (0, 0, 0, 0)>
#map1 = affine_map<(d0, d1) -> (0, 0, 0)>
module attributes {stable_mosaic.version = 14 : i64} {
  func.func @k(%arg0: i32, %arg1: i32, %arg2: memref<2x2x10240x64xf32, #tpu.memory_space<hbm>>, %arg3: memref<2x10240x16xf32, #tpu.memory_space<hbm>>, %arg4: memref<2x10240x16xf32, #tpu.memory_space<hbm>>, %arg5: memref<16x157x128xi32, #tpu.memory_space<hbm>>, %arg6: memref<16x157x128xi32, #tpu.memory_space<hbm>>, %arg7: memref<16x157x128xi32, #tpu.memory_space<hbm>>, %arg8: memref<16x157x128xi32, #tpu.memory_space<hbm>>, %arg9: memref<2x2x10240x64xf32, #tpu.memory_space<hbm>>, %arg10: memref<2x10240x16xf32, #tpu.memory_space<hbm>>, %arg11: memref<157x128xi32, #tpu.memory_space<vmem>>, %arg12: memref<157x128xi32, #tpu.memory_space<vmem>>, %arg13: memref<128x16xf32, #tpu.memory_space<vmem>>, %arg14: memref<128x16xf32, #tpu.memory_space<vmem>>, %arg15: memref<128x64xf32, #tpu.memory_space<vmem>>, %arg16: memref<128x16xf32, #tpu.memory_space<vmem>>, %arg17: memref<128x64xf32, #tpu.memory_space<vmem>>, %arg18: memref<128x16xf32, #tpu.memory_space<vmem>>, %arg19: memref<10240x64xf32, #tpu.memory_space<vmem_shared>>, %arg20: memref<10240x16xf32, #tpu.memory_space<vmem_shared>>, %arg21: memref<!tpu.dma_semaphore, #tpu.memory_space<semaphore_mem>>) attributes {dimension_semantics = [#tpu.dimension_semantics<core_parallel>, #tpu.dimension_semantics<subcore_parallel>], iteration_bounds = array<i64: 2, 16>, scalar_prefetch = 0 : i64, scratch_operands = 11 : i64, tpu.core_type = #tpu.core_type<sc_vector_subcore>, window_params = [{transform_indices = #map}, {transform_indices = #map1}, {transform_indices = #map1}, {transform_indices = #map1}, {transform_indices = #map1}, {transform_indices = #map1}, {transform_indices = #map1}, {transform_indices = #map}, {transform_indices = #map1}]} {
    %mul3A = arith.constant 640 : i32
    %mul3A_0 = arith.muli %arg1, %mul3A : i32
    %scan3A = arith.constant 0 : i32
    %scan3A_1 = arith.constant 0 : i32
    %scan3A_2 = arith.constant 128 : i32
    %scan3A_3 = arith.addi %scan3A_1, %scan3A_2 : i32
    %scan3A_4 = arith.constant 1 : i32
    %scan3A_5 = scf.for %scan3A_14 = %scan3A_1 to %scan3A_3 step %scan3A_4 iter_args(%scan3A_15 = %scan3A) -> (i32)  : i32 {
      %broadcast_in_dim3A = arith.constant 0.000000e+00 : f32
      %broadcast_in_dim3A_16 = vector.broadcast %broadcast_in_dim3A : f32 to vector<16xf32>
      %swap3A = arith.index_cast %scan3A_14 : i32 to index
      %swap3A_17 = arith.constant 0 : index
      %swap3A_18 = tpu.vector_load %arg17[%swap3A, %swap3A_17] {strides = array<i32>} : memref<128x64xf32, #tpu.memory_space<vmem>>, vector<1x16xf32>,
      %swap3A_19 = vector.shape_cast %swap3A_18 : vector<1x16xf32> to vector<16xf32>
      %swap3A_20 = vector.shape_cast %broadcast_in_dim3A_16 : vector<16xf32> to vector<1x16xf32>
      tpu.vector_store %arg17[%swap3A, %swap3A_17], %swap3A_20 {strides = array<i32>} : memref<128x64xf32, #tpu.memory_space<vmem>>, vector<1x16xf32>,
      %swap3A_21 = arith.index_cast %scan3A_14 : i32 to index
      %swap3A_22 = arith.constant 16 : index
      %swap3A_23 = tpu.vector_load %arg17[%swap3A_21, %swap3A_22] {strides = array<i32>} : memref<128x64xf32, #tpu.memory_space<vmem>>, vector<1x16xf32>,
      %swap3A_24 = vector.shape_cast %swap3A_23 : vector<1x16xf32> to vector<16xf32>
      %swap3A_25 = vector.shape_cast %broadcast_in_dim3A_16 : vector<16xf32> to vector<1x16xf32>
      tpu.vector_store %arg17[%swap3A_21, %swap3A_22], %swap3A_25 {strides = array<i32>} : memref<128x64xf32, #tpu.memory_space<vmem>>, vector<1x16xf32>,
      %swap3A_26 = arith.index_cast %scan3A_14 : i32 to index
      %swap3A_27 = arith.constant 32 : index
      %swap3A_28 = tpu.vector_load %arg17[%swap3A_26, %swap3A_27] {strides = array<i32>} : memref<128x64xf32, #tpu.memory_space<vmem>>, vector<1x16xf32>,
      %swap3A_29 = vector.shape_cast %swap3A_28 : vector<1x16xf32> to vector<16xf32>
      %swap3A_30 = vector.shape_cast %broadcast_in_dim3A_16 : vector<16xf32> to vector<1x16xf32>
      tpu.vector_store %arg17[%swap3A_26, %swap3A_27], %swap3A_30 {strides = array<i32>} : memref<128x64xf32, #tpu.memory_space<vmem>>, vector<1x16xf32>,
      %swap3A_31 = arith.index_cast %scan3A_14 : i32 to index
      %swap3A_32 = arith.constant 48 : index
      %swap3A_33 = tpu.vector_load %arg17[%swap3A_31, %swap3A_32] {strides = array<i32>} : memref<128x64xf32, #tpu.memory_space<vmem>>, vector<1x16xf32>,
      %swap3A_34 = vector.shape_cast %swap3A_33 : vector<1x16xf32> to vector<16xf32>
      %swap3A_35 = vector.shape_cast %broadcast_in_dim3A_16 : vector<16xf32> to vector<1x16xf32>
      tpu.vector_store %arg17[%swap3A_31, %swap3A_32], %swap3A_35 {strides = array<i32>} : memref<128x64xf32, #tpu.memory_space<vmem>>, vector<1x16xf32>,
      %swap3A_36 = arith.index_cast %scan3A_14 : i32 to index
      %swap3A_37 = arith.constant 0 : index
      %swap3A_38 = tpu.vector_load %arg18[%swap3A_36, %swap3A_37] {strides = array<i32>} : memref<128x16xf32, #tpu.memory_space<vmem>>, vector<1x16xf32>,
      %swap3A_39 = vector.shape_cast %swap3A_38 : vector<1x16xf32> to vector<16xf32>
      %swap3A_40 = vector.shape_cast %broadcast_in_dim3A_16 : vector<16xf32> to vector<1x16xf32>
      tpu.vector_store %arg18[%swap3A_36, %swap3A_37], %swap3A_40 {strides = array<i32>} : memref<128x16xf32, #tpu.memory_space<vmem>>, vector<1x16xf32>,
      %scan3A_41 = arith.constant 0 : i32
      scf.yield %scan3A_41 : i32
    }
    %scan3A_6 = arith.constant 128 : i32
    %eq3A = arith.constant 0 : i32
    %eq3A_7 = arith.cmpi eq, %arg0, %eq3A : i32
    %convert_element_type3A = arith.extui %eq3A_7 : i1 to i32
    %cond3A = arith.constant 0 : i32
    %cond3A_8 = arith.cmpi ne, %convert_element_type3A, %cond3A : i32
    scf.if %cond3A_8 {
      "tpu.region"() ({
        %run_scoped3A_72 = tpu.sem_alloc : memref<!tpu.dma_semaphore, #tpu.memory_space<semaphore_mem>>
        %dma_start3A = arith.constant 0 : i32
        %dma_start3A_73 = arith.constant 0 : i32
        %dma_start3A_74 = tpu.memref_slice %arg5[%arg1, %dma_start3A, %dma_start3A_73] : memref<16x157x128xi32, #tpu.memory_space<hbm>> -> memref<1x157x128xi32, #tpu.memory_space<hbm>>
        %dma_start3A_75 = tpu.memref_squeeze %dma_start3A_74 : memref<1x157x128xi32, #tpu.memory_space<hbm>> -> memref<157x128xi32, #tpu.memory_space<hbm>>
        %dma_start3A_76 = arith.constant 0 : i32
        %dma_start3A_77 = arith.constant 0 : i32
        %dma_start3A_78 = tpu.memref_slice %arg5[%arg1, %dma_start3A_76, %dma_start3A_77] : memref<16x157x128xi32, #tpu.memory_space<hbm>> -> memref<1x157x128xi32, #tpu.memory_space<hbm>>
        %dma_start3A_79 = tpu.memref_squeeze %dma_start3A_78 : memref<1x157x128xi32, #tpu.memory_space<hbm>> -> memref<157x128xi32, #tpu.memory_space<hbm>>
        tpu.enqueue_dma source(%dma_start3A_79 : memref<157x128xi32, #tpu.memory_space<hbm>>) target(%arg11 : memref<157x128xi32, #tpu.memory_space<vmem>>) target_semaphore(%run_scoped3A_72 : memref<!tpu.dma_semaphore, #tpu.memory_space<semaphore_mem>>)
        %dma_wait3A = arith.constant 0 : i32
        %dma_wait3A_80 = arith.constant 0 : i32
        %dma_wait3A_81 = tpu.memref_slice %arg5[%arg1, %dma_wait3A, %dma_wait3A_80] : memref<16x157x128xi32, #tpu.memory_space<hbm>> -> memref<1x157x128xi32, #tpu.memory_space<hbm>>
        %dma_wait3A_82 = tpu.memref_squeeze %dma_wait3A_81 : memref<1x157x128xi32, #tpu.memory_space<hbm>> -> memref<157x128xi32, #tpu.memory_space<hbm>>
        %dma_wait3A_83 = arith.constant 0 : i32
        %dma_wait3A_84 = arith.constant 0 : i32
        %dma_wait3A_85 = tpu.memref_slice %arg5[%arg1, %dma_wait3A_83, %dma_wait3A_84] : memref<16x157x128xi32, #tpu.memory_space<hbm>> -> memref<1x157x128xi32, #tpu.memory_space<hbm>>
        %dma_wait3A_86 = tpu.memref_squeeze %dma_wait3A_85 : memref<1x157x128xi32, #tpu.memory_space<hbm>> -> memref<157x128xi32, #tpu.memory_space<hbm>>
        tpu.wait_dma2 semaphore(%run_scoped3A_72 : memref<!tpu.dma_semaphore, #tpu.memory_space<semaphore_mem>>) src(%dma_wait3A_86 : memref<157x128xi32, #tpu.memory_space<hbm>>) dst(%arg11 : memref<157x128xi32, #tpu.memory_space<vmem>>)
        tpu.yield
      }) : () -> ()
      "tpu.region"() ({
        %run_scoped3A_72 = tpu.sem_alloc : memref<!tpu.dma_semaphore, #tpu.memory_space<semaphore_mem>>
        %dma_start3A = arith.constant 0 : i32
        %dma_start3A_73 = arith.constant 0 : i32
        %dma_start3A_74 = tpu.memref_slice %arg6[%arg1, %dma_start3A, %dma_start3A_73] : memref<16x157x128xi32, #tpu.memory_space<hbm>> -> memref<1x157x128xi32, #tpu.memory_space<hbm>>
        %dma_start3A_75 = tpu.memref_squeeze %dma_start3A_74 : memref<1x157x128xi32, #tpu.memory_space<hbm>> -> memref<157x128xi32, #tpu.memory_space<hbm>>
        %dma_start3A_76 = arith.constant 0 : i32
        %dma_start3A_77 = arith.constant 0 : i32
        %dma_start3A_78 = tpu.memref_slice %arg6[%arg1, %dma_start3A_76, %dma_start3A_77] : memref<16x157x128xi32, #tpu.memory_space<hbm>> -> memref<1x157x128xi32, #tpu.memory_space<hbm>>
        %dma_start3A_79 = tpu.memref_squeeze %dma_start3A_78 : memref<1x157x128xi32, #tpu.memory_space<hbm>> -> memref<157x128xi32, #tpu.memory_space<hbm>>
        tpu.enqueue_dma source(%dma_start3A_79 : memref<157x128xi32, #tpu.memory_space<hbm>>) target(%arg12 : memref<157x128xi32, #tpu.memory_space<vmem>>) target_semaphore(%run_scoped3A_72 : memref<!tpu.dma_semaphore, #tpu.memory_space<semaphore_mem>>)
        %dma_wait3A = arith.constant 0 : i32
        %dma_wait3A_80 = arith.constant 0 : i32
        %dma_wait3A_81 = tpu.memref_slice %arg6[%arg1, %dma_wait3A, %dma_wait3A_80] : memref<16x157x128xi32, #tpu.memory_space<hbm>> -> memref<1x157x128xi32, #tpu.memory_space<hbm>>
        %dma_wait3A_82 = tpu.memref_squeeze %dma_wait3A_81 : memref<1x157x128xi32, #tpu.memory_space<hbm>> -> memref<157x128xi32, #tpu.memory_space<hbm>>
        %dma_wait3A_83 = arith.constant 0 : i32
        %dma_wait3A_84 = arith.constant 0 : i32
        %dma_wait3A_85 = tpu.memref_slice %arg6[%arg1, %dma_wait3A_83, %dma_wait3A_84] : memref<16x157x128xi32, #tpu.memory_space<hbm>> -> memref<1x157x128xi32, #tpu.memory_space<hbm>>
        %dma_wait3A_86 = tpu.memref_squeeze %dma_wait3A_85 : memref<1x157x128xi32, #tpu.memory_space<hbm>> -> memref<157x128xi32, #tpu.memory_space<hbm>>
        tpu.wait_dma2 semaphore(%run_scoped3A_72 : memref<!tpu.dma_semaphore, #tpu.memory_space<semaphore_mem>>) src(%dma_wait3A_86 : memref<157x128xi32, #tpu.memory_space<hbm>>) dst(%arg12 : memref<157x128xi32, #tpu.memory_space<vmem>>)
        tpu.yield
      }) : () -> ()
      %add3A = arith.constant 0 : i32
      %add3A_14 = arith.addi %mul3A_0, %add3A : i32
      "tpu.region"() ({
        %run_scoped3A_72 = tpu.sem_alloc : memref<!tpu.dma_semaphore, #tpu.memory_space<semaphore_mem>>
        %dma_start3A = arith.constant 0 : i32
        %dma_start3A_73 = tpu.memref_slice %arg19[%add3A_14, %dma_start3A] : memref<10240x64xf32, #tpu.memory_space<vmem_shared>> -> memref<128x64xf32, #tpu.memory_space<vmem_shared>>
        %dma_start3A_74 = arith.constant 0 : i32
        %dma_start3A_75 = tpu.memref_slice %arg19[%add3A_14, %dma_start3A_74] : memref<10240x64xf32, #tpu.memory_space<vmem_shared>> -> memref<128x64xf32, #tpu.memory_space<vmem_shared>>
        tpu.enqueue_dma source(%arg17 : memref<128x64xf32, #tpu.memory_space<vmem>>) target(%dma_start3A_75 : memref<128x64xf32, #tpu.memory_space<vmem_shared>>) target_semaphore(%run_scoped3A_72 : memref<!tpu.dma_semaphore, #tpu.memory_space<semaphore_mem>>)
        %dma_wait3A = arith.constant 0 : i32
        %dma_wait3A_76 = tpu.memref_slice %arg19[%add3A_14, %dma_wait3A] : memref<10240x64xf32, #tpu.memory_space<vmem_shared>> -> memref<128x64xf32, #tpu.memory_space<vmem_shared>>
        %dma_wait3A_77 = arith.constant 0 : i32
        %dma_wait3A_78 = tpu.memref_slice %arg19[%add3A_14, %dma_wait3A_77] : memref<10240x64xf32, #tpu.memory_space<vmem_shared>> -> memref<128x64xf32, #tpu.memory_space<vmem_shared>>
        tpu.wait_dma2 semaphore(%run_scoped3A_72 : memref<!tpu.dma_semaphore, #tpu.memory_space<semaphore_mem>>) src(%arg17 : memref<128x64xf32, #tpu.memory_space<vmem>>) dst(%dma_wait3A_78 : memref<128x64xf32, #tpu.memory_space<vmem_shared>>)
        tpu.yield
      }) : () -> ()
      %add3A_15 = arith.constant 0 : i32
      %add3A_16 = arith.addi %mul3A_0, %add3A_15 : i32
      "tpu.region"() ({
        %run_scoped3A_72 = tpu.sem_alloc : memref<!tpu.dma_semaphore, #tpu.memory_space<semaphore_mem>>
        %dma_start3A = arith.constant 0 : i32
        %dma_start3A_73 = tpu.memref_slice %arg20[%add3A_16, %dma_start3A] : memref<10240x16xf32, #tpu.memory_space<vmem_shared>> -> memref<128x16xf32, #tpu.memory_space<vmem_shared>>
        %dma_start3A_74 = arith.constant 0 : i32
        %dma_start3A_75 = tpu.memref_slice %arg20[%add3A_16, %dma_start3A_74] : memref<10240x16xf32, #tpu.memory_space<vmem_shared>> -> memref<128x16xf32, #tpu.memory_space<vmem_shared>>
        tpu.enqueue_dma source(%arg18 : memref<128x16xf32, #tpu.memory_space<vmem>>) target(%dma_start3A_75 : memref<128x16xf32, #tpu.memory_space<vmem_shared>>) target_semaphore(%run_scoped3A_72 : memref<!tpu.dma_semaphore, #tpu.memory_space<semaphore_mem>>)
        %dma_wait3A = arith.constant 0 : i32
        %dma_wait3A_76 = tpu.memref_slice %arg20[%add3A_16, %dma_wait3A] : memref<10240x16xf32, #tpu.memory_space<vmem_shared>> -> memref<128x16xf32, #tpu.memory_space<vmem_shared>>
        %dma_wait3A_77 = arith.constant 0 : i32
        %dma_wait3A_78 = tpu.memref_slice %arg20[%add3A_16, %dma_wait3A_77] : memref<10240x16xf32, #tpu.memory_space<vmem_shared>> -> memref<128x16xf32, #tpu.memory_space<vmem_shared>>
        tpu.wait_dma2 semaphore(%run_scoped3A_72 : memref<!tpu.dma_semaphore, #tpu.memory_space<semaphore_mem>>) src(%arg18 : memref<128x16xf32, #tpu.memory_space<vmem>>) dst(%dma_wait3A_78 : memref<128x16xf32, #tpu.memory_space<vmem_shared>>)
        tpu.yield
      }) : () -> ()
      %add3A_17 = arith.constant 128 : i32
      %add3A_18 = arith.addi %mul3A_0, %add3A_17 : i32
      "tpu.region"() ({
        %run_scoped3A_72 = tpu.sem_alloc : memref<!tpu.dma_semaphore, #tpu.memory_space<semaphore_mem>>
        %dma_start3A = arith.constant 0 : i32
        %dma_start3A_73 = tpu.memref_slice %arg19[%add3A_18, %dma_start3A] : memref<10240x64xf32, #tpu.memory_space<vmem_shared>> -> memref<128x64xf32, #tpu.memory_space<vmem_shared>>
        %dma_start3A_74 = arith.constant 0 : i32
        %dma_start3A_75 = tpu.memref_slice %arg19[%add3A_18, %dma_start3A_74] : memref<10240x64xf32, #tpu.memory_space<vmem_shared>> -> memref<128x64xf32, #tpu.memory_space<vmem_shared>>
        tpu.enqueue_dma source(%arg17 : memref<128x64xf32, #tpu.memory_space<vmem>>) target(%dma_start3A_75 : memref<128x64xf32, #tpu.memory_space<vmem_shared>>) target_semaphore(%run_scoped3A_72 : memref<!tpu.dma_semaphore, #tpu.memory_space<semaphore_mem>>)
        %dma_wait3A = arith.constant 0 : i32
        %dma_wait3A_76 = tpu.memref_slice %arg19[%add3A_18, %dma_wait3A] : memref<10240x64xf32, #tpu.memory_space<vmem_shared>> -> memref<128x64xf32, #tpu.memory_space<vmem_shared>>
        %dma_wait3A_77 = arith.constant 0 : i32
        %dma_wait3A_78 = tpu.memref_slice %arg19[%add3A_18, %dma_wait3A_77] : memref<10240x64xf32, #tpu.memory_space<vmem_shared>> -> memref<128x64xf32, #tpu.memory_space<vmem_shared>>
        tpu.wait_dma2 semaphore(%run_scoped3A_72 : memref<!tpu.dma_semaphore, #tpu.memory_space<semaphore_mem>>) src(%arg17 : memref<128x64xf32, #tpu.memory_space<vmem>>) dst(%dma_wait3A_78 : memref<128x64xf32, #tpu.memory_space<vmem_shared>>)
        tpu.yield
      }) : () -> ()
      %add3A_19 = arith.constant 128 : i32
      %add3A_20 = arith.addi %mul3A_0, %add3A_19 : i32
      "tpu.region"() ({
        %run_scoped3A_72 = tpu.sem_alloc : memref<!tpu.dma_semaphore, #tpu.memory_space<semaphore_mem>>
        %dma_start3A = arith.constant 0 : i32
        %dma_start3A_73 = tpu.memref_slice %arg20[%add3A_20, %dma_start3A] : memref<10240x16xf32, #tpu.memory_space<vmem_shared>> -> memref<128x16xf32, #tpu.memory_space<vmem_shared>>
        %dma_start3A_74 = arith.constant 0 : i32
        %dma_start3A_75 = tpu.memref_slice %arg20[%add3A_20, %dma_start3A_74] : memref<10240x16xf32, #tpu.memory_space<vmem_shared>> -> memref<128x16xf32, #tpu.memory_space<vmem_shared>>
        tpu.enqueue_dma source(%arg18 : memref<128x16xf32, #tpu.memory_space<vmem>>) target(%dma_start3A_75 : memref<128x16xf32, #tpu.memory_space<vmem_shared>>) target_semaphore(%run_scoped3A_72 : memref<!tpu.dma_semaphore, #tpu.memory_space<semaphore_mem>>)
        %dma_wait3A = arith.constant 0 : i32
        %dma_wait3A_76 = tpu.memref_slice %arg20[%add3A_20, %dma_wait3A] : memref<10240x16xf32, #tpu.memory_space<vmem_shared>> -> memref<128x16xf32, #tpu.memory_space<vmem_shared>>
        %dma_wait3A_77 = arith.constant 0 : i32
        %dma_wait3A_78 = tpu.memref_slice %arg20[%add3A_20, %dma_wait3A_77] : memref<10240x16xf32, #tpu.memory_space<vmem_shared>> -> memref<128x16xf32, #tpu.memory_space<vmem_shared>>
        tpu.wait_dma2 semaphore(%run_scoped3A_72 : memref<!tpu.dma_semaphore, #tpu.memory_space<semaphore_mem>>) src(%arg18 : memref<128x16xf32, #tpu.memory_space<vmem>>) dst(%dma_wait3A_78 : memref<128x16xf32, #tpu.memory_space<vmem_shared>>)
        tpu.yield
      }) : () -> ()
      %add3A_21 = arith.constant 256 : i32
      %add3A_22 = arith.addi %mul3A_0, %add3A_21 : i32
      "tpu.region"() ({
        %run_scoped3A_72 = tpu.sem_alloc : memref<!tpu.dma_semaphore, #tpu.memory_space<semaphore_mem>>
        %dma_start3A = arith.constant 0 : i32
        %dma_start3A_73 = tpu.memref_slice %arg19[%add3A_22, %dma_start3A] : memref<10240x64xf32, #tpu.memory_space<vmem_shared>> -> memref<128x64xf32, #tpu.memory_space<vmem_shared>>
        %dma_start3A_74 = arith.constant 0 : i32
        %dma_start3A_75 = tpu.memref_slice %arg19[%add3A_22, %dma_start3A_74] : memref<10240x64xf32, #tpu.memory_space<vmem_shared>> -> memref<128x64xf32, #tpu.memory_space<vmem_shared>>
        tpu.enqueue_dma source(%arg17 : memref<128x64xf32, #tpu.memory_space<vmem>>) target(%dma_start3A_75 : memref<128x64xf32, #tpu.memory_space<vmem_shared>>) target_semaphore(%run_scoped3A_72 : memref<!tpu.dma_semaphore, #tpu.memory_space<semaphore_mem>>)
        %dma_wait3A = arith.constant 0 : i32
        %dma_wait3A_76 = tpu.memref_slice %arg19[%add3A_22, %dma_wait3A] : memref<10240x64xf32, #tpu.memory_space<vmem_shared>> -> memref<128x64xf32, #tpu.memory_space<vmem_shared>>
        %dma_wait3A_77 = arith.constant 0 : i32
        %dma_wait3A_78 = tpu.memref_slice %arg19[%add3A_22, %dma_wait3A_77] : memref<10240x64xf32, #tpu.memory_space<vmem_shared>> -> memref<128x64xf32, #tpu.memory_space<vmem_shared>>
        tpu.wait_dma2 semaphore(%run_scoped3A_72 : memref<!tpu.dma_semaphore, #tpu.memory_space<semaphore_mem>>) src(%arg17 : memref<128x64xf32, #tpu.memory_space<vmem>>) dst(%dma_wait3A_78 : memref<128x64xf32, #tpu.memory_space<vmem_shared>>)
        tpu.yield
      }) : () -> ()
      %add3A_23 = arith.constant 256 : i32
      %add3A_24 = arith.addi %mul3A_0, %add3A_23 : i32
      "tpu.region"() ({
        %run_scoped3A_72 = tpu.sem_alloc : memref<!tpu.dma_semaphore, #tpu.memory_space<semaphore_mem>>
        %dma_start3A = arith.constant 0 : i32
        %dma_start3A_73 = tpu.memref_slice %arg20[%add3A_24, %dma_start3A] : memref<10240x16xf32, #tpu.memory_space<vmem_shared>> -> memref<128x16xf32, #tpu.memory_space<vmem_shared>>
        %dma_start3A_74 = arith.constant 0 : i32
        %dma_start3A_75 = tpu.memref_slice %arg20[%add3A_24, %dma_start3A_74] : memref<10240x16xf32, #tpu.memory_space<vmem_shared>> -> memref<128x16xf32, #tpu.memory_space<vmem_shared>>
        tpu.enqueue_dma source(%arg18 : memref<128x16xf32, #tpu.memory_space<vmem>>) target(%dma_start3A_75 : memref<128x16xf32, #tpu.memory_space<vmem_shared>>) target_semaphore(%run_scoped3A_72 : memref<!tpu.dma_semaphore, #tpu.memory_space<semaphore_mem>>)
        %dma_wait3A = arith.constant 0 : i32
        %dma_wait3A_76 = tpu.memref_slice %arg20[%add3A_24, %dma_wait3A] : memref<10240x16xf32, #tpu.memory_space<vmem_shared>> -> memref<128x16xf32, #tpu.memory_space<vmem_shared>>
        %dma_wait3A_77 = arith.constant 0 : i32
        %dma_wait3A_78 = tpu.memref_slice %arg20[%add3A_24, %dma_wait3A_77] : memref<10240x16xf32, #tpu.memory_space<vmem_shared>> -> memref<128x16xf32, #tpu.memory_space<vmem_shared>>
        tpu.wait_dma2 semaphore(%run_scoped3A_72 : memref<!tpu.dma_semaphore, #tpu.memory_space<semaphore_mem>>) src(%arg18 : memref<128x16xf32, #tpu.memory_space<vmem>>) dst(%dma_wait3A_78 : memref<128x16xf32, #tpu.memory_space<vmem_shared>>)
        tpu.yield
      }) : () -> ()
      %add3A_25 = arith.constant 384 : i32
      %add3A_26 = arith.addi %mul3A_0, %add3A_25 : i32
      "tpu.region"() ({
        %run_scoped3A_72 = tpu.sem_alloc : memref<!tpu.dma_semaphore, #tpu.memory_space<semaphore_mem>>
        %dma_start3A = arith.constant 0 : i32
        %dma_start3A_73 = tpu.memref_slice %arg19[%add3A_26, %dma_start3A] : memref<10240x64xf32, #tpu.memory_space<vmem_shared>> -> memref<128x64xf32, #tpu.memory_space<vmem_shared>>
        %dma_start3A_74 = arith.constant 0 : i32
        %dma_start3A_75 = tpu.memref_slice %arg19[%add3A_26, %dma_start3A_74] : memref<10240x64xf32, #tpu.memory_space<vmem_shared>> -> memref<128x64xf32, #tpu.memory_space<vmem_shared>>
        tpu.enqueue_dma source(%arg17 : memref<128x64xf32, #tpu.memory_space<vmem>>) target(%dma_start3A_75 : memref<128x64xf32, #tpu.memory_space<vmem_shared>>) target_semaphore(%run_scoped3A_72 : memref<!tpu.dma_semaphore, #tpu.memory_space<semaphore_mem>>)
        %dma_wait3A = arith.constant 0 : i32
        %dma_wait3A_76 = tpu.memref_slice %arg19[%add3A_26, %dma_wait3A] : memref<10240x64xf32, #tpu.memory_space<vmem_shared>> -> memref<128x64xf32, #tpu.memory_space<vmem_shared>>
        %dma_wait3A_77 = arith.constant 0 : i32
        %dma_wait3A_78 = tpu.memref_slice %arg19[%add3A_26, %dma_wait3A_77] : memref<10240x64xf32, #tpu.memory_space<vmem_shared>> -> memref<128x64xf32, #tpu.memory_space<vmem_shared>>
        tpu.wait_dma2 semaphore(%run_scoped3A_72 : memref<!tpu.dma_semaphore, #tpu.memory_space<semaphore_mem>>) src(%arg17 : memref<128x64xf32, #tpu.memory_space<vmem>>) dst(%dma_wait3A_78 : memref<128x64xf32, #tpu.memory_space<vmem_shared>>)
        tpu.yield
      }) : () -> ()
      %add3A_27 = arith.constant 384 : i32
      %add3A_28 = arith.addi %mul3A_0, %add3A_27 : i32
      "tpu.region"() ({
        %run_scoped3A_72 = tpu.sem_alloc : memref<!tpu.dma_semaphore, #tpu.memory_space<semaphore_mem>>
        %dma_start3A = arith.constant 0 : i32
        %dma_start3A_73 = tpu.memref_slice %arg20[%add3A_28, %dma_start3A] : memref<10240x16xf32, #tpu.memory_space<vmem_shared>> -> memref<128x16xf32, #tpu.memory_space<vmem_shared>>
        %dma_start3A_74 = arith.constant 0 : i32
        %dma_start3A_75 = tpu.memref_slice %arg20[%add3A_28, %dma_start3A_74] : memref<10240x16xf32, #tpu.memory_space<vmem_shared>> -> memref<128x16xf32, #tpu.memory_space<vmem_shared>>
        tpu.enqueue_dma source(%arg18 : memref<128x16xf32, #tpu.memory_space<vmem>>) target(%dma_start3A_75 : memref<128x16xf32, #tpu.memory_space<vmem_shared>>) target_semaphore(%run_scoped3A_72 : memref<!tpu.dma_semaphore, #tpu.memory_space<semaphore_mem>>)
        %dma_wait3A = arith.constant 0 : i32
        %dma_wait3A_76 = tpu.memref_slice %arg20[%add3A_28, %dma_wait3A] : memref<10240x16xf32, #tpu.memory_space<vmem_shared>> -> memref<128x16xf32, #tpu.memory_space<vmem_shared>>
        %dma_wait3A_77 = arith.constant 0 : i32
        %dma_wait3A_78 = tpu.memref_slice %arg20[%add3A_28, %dma_wait3A_77] : memref<10240x16xf32, #tpu.memory_space<vmem_shared>> -> memref<128x16xf32, #tpu.memory_space<vmem_shared>>
        tpu.wait_dma2 semaphore(%run_scoped3A_72 : memref<!tpu.dma_semaphore, #tpu.memory_space<semaphore_mem>>) src(%arg18 : memref<128x16xf32, #tpu.memory_space<vmem>>) dst(%dma_wait3A_78 : memref<128x16xf32, #tpu.memory_space<vmem_shared>>)
        tpu.yield
      }) : () -> ()
      %add3A_29 = arith.constant 512 : i32
      %add3A_30 = arith.addi %mul3A_0, %add3A_29 : i32
      "tpu.region"() ({
        %run_scoped3A_72 = tpu.sem_alloc : memref<!tpu.dma_semaphore, #tpu.memory_space<semaphore_mem>>
        %dma_start3A = arith.constant 0 : i32
        %dma_start3A_73 = tpu.memref_slice %arg19[%add3A_30, %dma_start3A] : memref<10240x64xf32, #tpu.memory_space<vmem_shared>> -> memref<128x64xf32, #tpu.memory_space<vmem_shared>>
        %dma_start3A_74 = arith.constant 0 : i32
        %dma_start3A_75 = tpu.memref_slice %arg19[%add3A_30, %dma_start3A_74] : memref<10240x64xf32, #tpu.memory_space<vmem_shared>> -> memref<128x64xf32, #tpu.memory_space<vmem_shared>>
        tpu.enqueue_dma source(%arg17 : memref<128x64xf32, #tpu.memory_space<vmem>>) target(%dma_start3A_75 : memref<128x64xf32, #tpu.memory_space<vmem_shared>>) target_semaphore(%run_scoped3A_72 : memref<!tpu.dma_semaphore, #tpu.memory_space<semaphore_mem>>)
        %dma_wait3A = arith.constant 0 : i32
        %dma_wait3A_76 = tpu.memref_slice %arg19[%add3A_30, %dma_wait3A] : memref<10240x64xf32, #tpu.memory_space<vmem_shared>> -> memref<128x64xf32, #tpu.memory_space<vmem_shared>>
        %dma_wait3A_77 = arith.constant 0 : i32
        %dma_wait3A_78 = tpu.memref_slice %arg19[%add3A_30, %dma_wait3A_77] : memref<10240x64xf32, #tpu.memory_space<vmem_shared>> -> memref<128x64xf32, #tpu.memory_space<vmem_shared>>
        tpu.wait_dma2 semaphore(%run_scoped3A_72 : memref<!tpu.dma_semaphore, #tpu.memory_space<semaphore_mem>>) src(%arg17 : memref<128x64xf32, #tpu.memory_space<vmem>>) dst(%dma_wait3A_78 : memref<128x64xf32, #tpu.memory_space<vmem_shared>>)
        tpu.yield
      }) : () -> ()
      %add3A_31 = arith.constant 512 : i32
      %add3A_32 = arith.addi %mul3A_0, %add3A_31 : i32
      "tpu.region"() ({
        %run_scoped3A_72 = tpu.sem_alloc : memref<!tpu.dma_semaphore, #tpu.memory_space<semaphore_mem>>
        %dma_start3A = arith.constant 0 : i32
        %dma_start3A_73 = tpu.memref_slice %arg20[%add3A_32, %dma_start3A] : memref<10240x16xf32, #tpu.memory_space<vmem_shared>> -> memref<128x16xf32, #tpu.memory_space<vmem_shared>>
        %dma_start3A_74 = arith.constant 0 : i32
        %dma_start3A_75 = tpu.memref_slice %arg20[%add3A_32, %dma_start3A_74] : memref<10240x16xf32, #tpu.memory_space<vmem_shared>> -> memref<128x16xf32, #tpu.memory_space<vmem_shared>>
        tpu.enqueue_dma source(%arg18 : memref<128x16xf32, #tpu.memory_space<vmem>>) target(%dma_start3A_75 : memref<128x16xf32, #tpu.memory_space<vmem_shared>>) target_semaphore(%run_scoped3A_72 : memref<!tpu.dma_semaphore, #tpu.memory_space<semaphore_mem>>)
        %dma_wait3A = arith.constant 0 : i32
        %dma_wait3A_76 = tpu.memref_slice %arg20[%add3A_32, %dma_wait3A] : memref<10240x16xf32, #tpu.memory_space<vmem_shared>> -> memref<128x16xf32, #tpu.memory_space<vmem_shared>>
        %dma_wait3A_77 = arith.constant 0 : i32
        %dma_wait3A_78 = tpu.memref_slice %arg20[%add3A_32, %dma_wait3A_77] : memref<10240x16xf32, #tpu.memory_space<vmem_shared>> -> memref<128x16xf32, #tpu.memory_space<vmem_shared>>
        tpu.wait_dma2 semaphore(%run_scoped3A_72 : memref<!tpu.dma_semaphore, #tpu.memory_space<semaphore_mem>>) src(%arg18 : memref<128x16xf32, #tpu.memory_space<vmem>>) dst(%dma_wait3A_78 : memref<128x16xf32, #tpu.memory_space<vmem_shared>>)
        tpu.yield
      }) : () -> ()
      %barrier3A = arith.constant 0 : index
      tpu.barrier barrier_id(%barrier3A)
      %scan3A_33 = arith.constant 0 : i32
      %scan3A_34 = arith.constant 1 : i32
      %scan3A_35 = arith.constant 0 : i32
      %scan3A_36 = arith.constant 0 : i32
      %scan3A_37 = arith.constant 0 : i32
      %scan3A_38 = arith.constant 157 : i32
      %scan3A_39 = arith.addi %scan3A_37, %scan3A_38 : i32
      %scan3A_40 = arith.constant 1 : i32
      %scan3A_41 = scf.for %scan3A_72 = %scan3A_37 to %scan3A_39 step %scan3A_40 iter_args(%scan3A_73 = %scan3A_36) -> (i32)  : i32 {
        %dma_start3A = arith.constant 0 : i32
        %dma_start3A_74 = tpu.memref_slice %arg11[%scan3A_72, %dma_start3A] : memref<157x128xi32, #tpu.memory_space<vmem>> -> memref<1x128xi32, #tpu.memory_space<vmem>>
        %dma_start3A_75 = tpu.memref_squeeze %dma_start3A_74 : memref<1x128xi32, #tpu.memory_space<vmem>> -> memref<128xi32, #tpu.memory_space<vmem>>
        %dma_start3A_76 = arith.constant 0 : i32
        %dma_start3A_77 = arith.constant 0 : i32
        %dma_start3A_78 = tpu.memref_slice %arg3[%scan3A_33, %dma_start3A_76, %dma_start3A_77] : memref<2x10240x16xf32, #tpu.memory_space<hbm>> -> memref<1x10240x16xf32, #tpu.memory_space<hbm>>
        %dma_start3A_79 = tpu.memref_squeeze %dma_start3A_78 : memref<1x10240x16xf32, #tpu.memory_space<hbm>> -> memref<10240x16xf32, #tpu.memory_space<hbm>>
        %dma_start3A_80 = arith.constant 0 : i32
        %dma_start3A_81 = arith.constant 0 : i32
        %dma_start3A_82 = tpu.memref_slice %dma_start3A_79[%dma_start3A_80, %dma_start3A_81] : memref<10240x16xf32, #tpu.memory_space<hbm>> -> memref<10240x16xf32, #tpu.memory_space<hbm>>
        tpu.enqueue_indirect_dma source(%dma_start3A_82 : memref<10240x16xf32, #tpu.memory_space<hbm>>) target(%arg13 : memref<128x16xf32, #tpu.memory_space<vmem>>) offsets(%dma_start3A_75 : memref<128xi32, #tpu.memory_space<vmem>>) semaphore(%arg21 : memref<!tpu.dma_semaphore, #tpu.memory_space<semaphore_mem>>)
        %dma_start3A_83 = arith.constant 0 : i32
        %dma_start3A_84 = tpu.memref_slice %arg12[%scan3A_72, %dma_start3A_83] : memref<157x128xi32, #tpu.memory_space<vmem>> -> memref<1x128xi32, #tpu.memory_space<vmem>>
        %dma_start3A_85 = tpu.memref_squeeze %dma_start3A_84 : memref<1x128xi32, #tpu.memory_space<vmem>> -> memref<128xi32, #tpu.memory_space<vmem>>
        %dma_start3A_86 = arith.constant 0 : i32
        %dma_start3A_87 = arith.constant 0 : i32
        %dma_start3A_88 = tpu.memref_slice %arg4[%scan3A_34, %dma_start3A_86, %dma_start3A_87] : memref<2x10240x16xf32, #tpu.memory_space<hbm>> -> memref<1x10240x16xf32, #tpu.memory_space<hbm>>
        %dma_start3A_89 = tpu.memref_squeeze %dma_start3A_88 : memref<1x10240x16xf32, #tpu.memory_space<hbm>> -> memref<10240x16xf32, #tpu.memory_space<hbm>>
        %dma_start3A_90 = arith.constant 0 : i32
        %dma_start3A_91 = arith.constant 0 : i32
        %dma_start3A_92 = tpu.memref_slice %dma_start3A_89[%dma_start3A_90, %dma_start3A_91] : memref<10240x16xf32, #tpu.memory_space<hbm>> -> memref<10240x16xf32, #tpu.memory_space<hbm>>
        tpu.enqueue_indirect_dma source(%dma_start3A_92 : memref<10240x16xf32, #tpu.memory_space<hbm>>) target(%arg14 : memref<128x16xf32, #tpu.memory_space<vmem>>) offsets(%dma_start3A_85 : memref<128xi32, #tpu.memory_space<vmem>>) semaphore(%arg21 : memref<!tpu.dma_semaphore, #tpu.memory_space<semaphore_mem>>)
        %dma_start3A_93 = arith.constant 0 : i32
        %dma_start3A_94 = arith.constant 0 : i32
        %dma_start3A_95 = tpu.memref_slice %arg11[%scan3A_72, %dma_start3A_94] : memref<157x128xi32, #tpu.memory_space<vmem>> -> memref<1x128xi32, #tpu.memory_space<vmem>>
        %dma_start3A_96 = tpu.memref_squeeze %dma_start3A_95 : memref<1x128xi32, #tpu.memory_space<vmem>> -> memref<128xi32, #tpu.memory_space<vmem>>
        %dma_start3A_97 = arith.constant 0 : i32
        %dma_start3A_98 = arith.constant 0 : i32
        %dma_start3A_99 = arith.constant 0 : i32
        %dma_start3A_100 = tpu.memref_slice %arg2[%scan3A_35, %dma_start3A_97, %dma_start3A_98, %dma_start3A_99] : memref<2x2x10240x64xf32, #tpu.memory_space<hbm>> -> memref<1x2x10240x64xf32, #tpu.memory_space<hbm>>
        %dma_start3A_101 = tpu.memref_squeeze %dma_start3A_100 : memref<1x2x10240x64xf32, #tpu.memory_space<hbm>> -> memref<2x10240x64xf32, #tpu.memory_space<hbm>>
        %dma_start3A_102 = arith.constant 0 : i32
        %dma_start3A_103 = arith.constant 0 : i32
        %dma_start3A_104 = tpu.memref_slice %dma_start3A_101[%dma_start3A_93, %dma_start3A_102, %dma_start3A_103] : memref<2x10240x64xf32, #tpu.memory_space<hbm>> -> memref<1x10240x64xf32, #tpu.memory_space<hbm>>
        %dma_start3A_105 = tpu.memref_squeeze %dma_start3A_104 : memref<1x10240x64xf32, #tpu.memory_space<hbm>> -> memref<10240x64xf32, #tpu.memory_space<hbm>>
        %dma_start3A_106 = arith.constant 0 : i32
        %dma_start3A_107 = arith.constant 0 : i32
        %dma_start3A_108 = tpu.memref_slice %dma_start3A_105[%dma_start3A_106, %dma_start3A_107] : memref<10240x64xf32, #tpu.memory_space<hbm>> -> memref<10240x64xf32, #tpu.memory_space<hbm>>
        tpu.enqueue_indirect_dma source(%dma_start3A_108 : memref<10240x64xf32, #tpu.memory_space<hbm>>) target(%arg15 : memref<128x64xf32, #tpu.memory_space<vmem>>) offsets(%dma_start3A_96 : memref<128xi32, #tpu.memory_space<vmem>>) semaphore(%arg21 : memref<!tpu.dma_semaphore, #tpu.memory_space<semaphore_mem>>)
        %dma_wait3A = arith.constant 0 : i32
        %dma_wait3A_109 = tpu.memref_slice %arg11[%scan3A_72, %dma_wait3A] : memref<157x128xi32, #tpu.memory_space<vmem>> -> memref<1x128xi32, #tpu.memory_space<vmem>>
        %dma_wait3A_110 = tpu.memref_squeeze %dma_wait3A_109 : memref<1x128xi32, #tpu.memory_space<vmem>> -> memref<128xi32, #tpu.memory_space<vmem>>
        %dma_wait3A_111 = arith.constant 0 : i32
        %dma_wait3A_112 = arith.constant 0 : i32
        %dma_wait3A_113 = tpu.memref_slice %arg3[%scan3A_33, %dma_wait3A_111, %dma_wait3A_112] : memref<2x10240x16xf32, #tpu.memory_space<hbm>> -> memref<1x10240x16xf32, #tpu.memory_space<hbm>>
        %dma_wait3A_114 = tpu.memref_squeeze %dma_wait3A_113 : memref<1x10240x16xf32, #tpu.memory_space<hbm>> -> memref<10240x16xf32, #tpu.memory_space<hbm>>
        %dma_wait3A_115 = arith.constant 0 : i32
        %dma_wait3A_116 = arith.constant 0 : i32
        %dma_wait3A_117 = tpu.memref_slice %dma_wait3A_114[%dma_wait3A_115, %dma_wait3A_116] : memref<10240x16xf32, #tpu.memory_space<hbm>> -> memref<10240x16xf32, #tpu.memory_space<hbm>>
        tpu.wait_indirect_dma semaphore(%arg21 : memref<!tpu.dma_semaphore, #tpu.memory_space<semaphore_mem>>) src(%dma_wait3A_117 : memref<10240x16xf32, #tpu.memory_space<hbm>>) dst(%arg13 : memref<128x16xf32, #tpu.memory_space<vmem>>)
        %dma_wait3A_118 = arith.constant 0 : i32
        %dma_wait3A_119 = tpu.memref_slice %arg12[%scan3A_72, %dma_wait3A_118] : memref<157x128xi32, #tpu.memory_space<vmem>> -> memref<1x128xi32, #tpu.memory_space<vmem>>
        %dma_wait3A_120 = tpu.memref_squeeze %dma_wait3A_119 : memref<1x128xi32, #tpu.memory_space<vmem>> -> memref<128xi32, #tpu.memory_space<vmem>>
        %dma_wait3A_121 = arith.constant 0 : i32
        %dma_wait3A_122 = arith.constant 0 : i32
        %dma_wait3A_123 = tpu.memref_slice %arg4[%scan3A_34, %dma_wait3A_121, %dma_wait3A_122] : memref<2x10240x16xf32, #tpu.memory_space<hbm>> -> memref<1x10240x16xf32, #tpu.memory_space<hbm>>
        %dma_wait3A_124 = tpu.memref_squeeze %dma_wait3A_123 : memref<1x10240x16xf32, #tpu.memory_space<hbm>> -> memref<10240x16xf32, #tpu.memory_space<hbm>>
        %dma_wait3A_125 = arith.constant 0 : i32
        %dma_wait3A_126 = arith.constant 0 : i32
        %dma_wait3A_127 = tpu.memref_slice %dma_wait3A_124[%dma_wait3A_125, %dma_wait3A_126] : memref<10240x16xf32, #tpu.memory_space<hbm>> -> memref<10240x16xf32, #tpu.memory_space<hbm>>
        tpu.wait_indirect_dma semaphore(%arg21 : memref<!tpu.dma_semaphore, #tpu.memory_space<semaphore_mem>>) src(%dma_wait3A_127 : memref<10240x16xf32, #tpu.memory_space<hbm>>) dst(%arg14 : memref<128x16xf32, #tpu.memory_space<vmem>>)
        %dma_wait3A_128 = arith.constant 0 : i32
        %dma_wait3A_129 = arith.constant 0 : i32
        %dma_wait3A_130 = tpu.memref_slice %arg11[%scan3A_72, %dma_wait3A_129] : memref<157x128xi32, #tpu.memory_space<vmem>> -> memref<1x128xi32, #tpu.memory_space<vmem>>
        %dma_wait3A_131 = tpu.memref_squeeze %dma_wait3A_130 : memref<1x128xi32, #tpu.memory_space<vmem>> -> memref<128xi32, #tpu.memory_space<vmem>>
        %dma_wait3A_132 = arith.constant 0 : i32
        %dma_wait3A_133 = arith.constant 0 : i32
        %dma_wait3A_134 = arith.constant 0 : i32
        %dma_wait3A_135 = tpu.memref_slice %arg2[%scan3A_35, %dma_wait3A_132, %dma_wait3A_133, %dma_wait3A_134] : memref<2x2x10240x64xf32, #tpu.memory_space<hbm>> -> memref<1x2x10240x64xf32, #tpu.memory_space<hbm>>
        %dma_wait3A_136 = tpu.memref_squeeze %dma_wait3A_135 : memref<1x2x10240x64xf32, #tpu.memory_space<hbm>> -> memref<2x10240x64xf32, #tpu.memory_space<hbm>>
        %dma_wait3A_137 = arith.constant 0 : i32
        %dma_wait3A_138 = arith.constant 0 : i32
        %dma_wait3A_139 = tpu.memref_slice %dma_wait3A_136[%dma_wait3A_128, %dma_wait3A_137, %dma_wait3A_138] : memref<2x10240x64xf32, #tpu.memory_space<hbm>> -> memref<1x10240x64xf32, #tpu.memory_space<hbm>>
        %dma_wait3A_140 = tpu.memref_squeeze %dma_wait3A_139 : memref<1x10240x64xf32, #tpu.memory_space<hbm>> -> memref<10240x64xf32, #tpu.memory_space<hbm>>
        %dma_wait3A_141 = arith.constant 0 : i32
        %dma_wait3A_142 = arith.constant 0 : i32
        %dma_wait3A_143 = tpu.memref_slice %dma_wait3A_140[%dma_wait3A_141, %dma_wait3A_142] : memref<10240x64xf32, #tpu.memory_space<hbm>> -> memref<10240x64xf32, #tpu.memory_space<hbm>>
        tpu.wait_indirect_dma semaphore(%arg21 : memref<!tpu.dma_semaphore, #tpu.memory_space<semaphore_mem>>) src(%dma_wait3A_143 : memref<10240x64xf32, #tpu.memory_space<hbm>>) dst(%arg15 : memref<128x64xf32, #tpu.memory_space<vmem>>)
        %scan3A_144 = arith.constant 0 : i32
        %scan3A_145 = arith.constant 0 : i32
        %scan3A_146 = arith.constant 128 : i32
        %scan3A_147 = arith.addi %scan3A_145, %scan3A_146 : i32
        %scan3A_148 = arith.constant 1 : i32
        %scan3A_149 = scf.for %scan3A_152 = %scan3A_145 to %scan3A_147 step %scan3A_148 iter_args(%scan3A_153 = %scan3A_144) -> (i32)  : i32 {
          %get3A = arith.index_cast %scan3A_152 : i32 to index
          %get3A_154 = arith.constant 0 : index
          %get3A_155 = tpu.vector_load %arg13[%get3A, %get3A_154] {strides = array<i32>} : memref<128x16xf32, #tpu.memory_space<vmem>>, vector<1x16xf32>,
          %get3A_156 = vector.shape_cast %get3A_155 : vector<1x16xf32> to vector<16xf32>
          %get3A_157 = arith.index_cast %scan3A_152 : i32 to index
          %get3A_158 = arith.constant 0 : index
          %get3A_159 = tpu.vector_load %arg14[%get3A_157, %get3A_158] {strides = array<i32>} : memref<128x16xf32, #tpu.memory_space<vmem>>, vector<1x16xf32>,
          %get3A_160 = vector.shape_cast %get3A_159 : vector<1x16xf32> to vector<16xf32>
          %add3A_161 = arith.addf %get3A_156, %get3A_160 : vector<16xf32>
          %mul3A_162 = arith.constant 2.000000e-01 : f32
          %mul3A_163 = vector.broadcast %mul3A_162 : f32 to vector<16xf32>
          %mul3A_164 = arith.mulf %mul3A_163, %add3A_161 : vector<16xf32>
          %max3A = arith.maximumf %add3A_161, %mul3A_164 : vector<16xf32>
          %exp3A = math.exp %max3A : vector<16xf32>
          %swap3A = arith.index_cast %scan3A_152 : i32 to index
          %swap3A_165 = arith.constant 0 : index
          %swap3A_166 = tpu.vector_load %arg16[%swap3A, %swap3A_165] {strides = array<i32>} : memref<128x16xf32, #tpu.memory_space<vmem>>, vector<1x16xf32>,
          %swap3A_167 = vector.shape_cast %swap3A_166 : vector<1x16xf32> to vector<16xf32>
          %swap3A_168 = vector.shape_cast %exp3A : vector<16xf32> to vector<1x16xf32>
          tpu.vector_store %arg16[%swap3A, %swap3A_165], %swap3A_168 {strides = array<i32>} : memref<128x16xf32, #tpu.memory_space<vmem>>, vector<1x16xf32>,
          %get3A_169 = arith.index_cast %scan3A_152 : i32 to index
          %get3A_170 = arith.constant 0 : index
          %get3A_171 = tpu.vector_load %arg15[%get3A_169, %get3A_170] {strides = array<i32>} : memref<128x64xf32, #tpu.memory_space<vmem>>, vector<1x16xf32>,
          %get3A_172 = vector.shape_cast %get3A_171 : vector<1x16xf32> to vector<16xf32>
          %slice3A = vector.extract_strided_slice %exp3A {offsets = [0], sizes = [1], strides = [1]} : vector<16xf32> to vector<1xf32>
          %squeeze3A = vector.extract %slice3A[0] : f32 from vector<1xf32>
          %mul3A_173 = vector.broadcast %squeeze3A : f32 to vector<16xf32>
          %mul3A_174 = arith.mulf %get3A_172, %mul3A_173 : vector<16xf32>
          %swap3A_175 = arith.index_cast %scan3A_152 : i32 to index
          %swap3A_176 = arith.constant 0 : index
          %swap3A_177 = tpu.vector_load %arg15[%swap3A_175, %swap3A_176] {strides = array<i32>} : memref<128x64xf32, #tpu.memory_space<vmem>>, vector<1x16xf32>,
          %swap3A_178 = vector.shape_cast %swap3A_177 : vector<1x16xf32> to vector<16xf32>
          %swap3A_179 = vector.shape_cast %mul3A_174 : vector<16xf32> to vector<1x16xf32>
          tpu.vector_store %arg15[%swap3A_175, %swap3A_176], %swap3A_179 {strides = array<i32>} : memref<128x64xf32, #tpu.memory_space<vmem>>, vector<1x16xf32>,
          %get3A_180 = arith.index_cast %scan3A_152 : i32 to index
          %get3A_181 = arith.constant 16 : index
          %get3A_182 = tpu.vector_load %arg15[%get3A_180, %get3A_181] {strides = array<i32>} : memref<128x64xf32, #tpu.memory_space<vmem>>, vector<1x16xf32>,
          %get3A_183 = vector.shape_cast %get3A_182 : vector<1x16xf32> to vector<16xf32>
          %slice3A_184 = vector.extract_strided_slice %exp3A {offsets = [1], sizes = [1], strides = [1]} : vector<16xf32> to vector<1xf32>
          %squeeze3A_185 = vector.extract %slice3A_184[0] : f32 from vector<1xf32>
          %mul3A_186 = vector.broadcast %squeeze3A_185 : f32 to vector<16xf32>
          %mul3A_187 = arith.mulf %get3A_183, %mul3A_186 : vector<16xf32>
          %swap3A_188 = arith.index_cast %scan3A_152 : i32 to index
          %swap3A_189 = arith.constant 16 : index
          %swap3A_190 = tpu.vector_load %arg15[%swap3A_188, %swap3A_189] {strides = array<i32>} : memref<128x64xf32, #tpu.memory_space<vmem>>, vector<1x16xf32>,
          %swap3A_191 = vector.shape_cast %swap3A_190 : vector<1x16xf32> to vector<16xf32>
          %swap3A_192 = vector.shape_cast %mul3A_187 : vector<16xf32> to vector<1x16xf32>
          tpu.vector_store %arg15[%swap3A_188, %swap3A_189], %swap3A_192 {strides = array<i32>} : memref<128x64xf32, #tpu.memory_space<vmem>>, vector<1x16xf32>,
          %get3A_193 = arith.index_cast %scan3A_152 : i32 to index
          %get3A_194 = arith.constant 32 : index
          %get3A_195 = tpu.vector_load %arg15[%get3A_193, %get3A_194] {strides = array<i32>} : memref<128x64xf32, #tpu.memory_space<vmem>>, vector<1x16xf32>,
          %get3A_196 = vector.shape_cast %get3A_195 : vector<1x16xf32> to vector<16xf32>
          %slice3A_197 = vector.extract_strided_slice %exp3A {offsets = [2], sizes = [1], strides = [1]} : vector<16xf32> to vector<1xf32>
          %squeeze3A_198 = vector.extract %slice3A_197[0] : f32 from vector<1xf32>
          %mul3A_199 = vector.broadcast %squeeze3A_198 : f32 to vector<16xf32>
          %mul3A_200 = arith.mulf %get3A_196, %mul3A_199 : vector<16xf32>
          %swap3A_201 = arith.index_cast %scan3A_152 : i32 to index
          %swap3A_202 = arith.constant 32 : index
          %swap3A_203 = tpu.vector_load %arg15[%swap3A_201, %swap3A_202] {strides = array<i32>} : memref<128x64xf32, #tpu.memory_space<vmem>>, vector<1x16xf32>,
          %swap3A_204 = vector.shape_cast %swap3A_203 : vector<1x16xf32> to vector<16xf32>
          %swap3A_205 = vector.shape_cast %mul3A_200 : vector<16xf32> to vector<1x16xf32>
          tpu.vector_store %arg15[%swap3A_201, %swap3A_202], %swap3A_205 {strides = array<i32>} : memref<128x64xf32, #tpu.memory_space<vmem>>, vector<1x16xf32>,
          %get3A_206 = arith.index_cast %scan3A_152 : i32 to index
          %get3A_207 = arith.constant 48 : index
          %get3A_208 = tpu.vector_load %arg15[%get3A_206, %get3A_207] {strides = array<i32>} : memref<128x64xf32, #tpu.memory_space<vmem>>, vector<1x16xf32>,
          %get3A_209 = vector.shape_cast %get3A_208 : vector<1x16xf32> to vector<16xf32>
          %slice3A_210 = vector.extract_strided_slice %exp3A {offsets = [3], sizes = [1], strides = [1]} : vector<16xf32> to vector<1xf32>
          %squeeze3A_211 = vector.extract %slice3A_210[0] : f32 from vector<1xf32>
          %mul3A_212 = vector.broadcast %squeeze3A_211 : f32 to vector<16xf32>
          %mul3A_213 = arith.mulf %get3A_209, %mul3A_212 : vector<16xf32>
          %swap3A_214 = arith.index_cast %scan3A_152 : i32 to index
          %swap3A_215 = arith.constant 48 : index
          %swap3A_216 = tpu.vector_load %arg15[%swap3A_214, %swap3A_215] {strides = array<i32>} : memref<128x64xf32, #tpu.memory_space<vmem>>, vector<1x16xf32>,
          %swap3A_217 = vector.shape_cast %swap3A_216 : vector<1x16xf32> to vector<16xf32>
          %swap3A_218 = vector.shape_cast %mul3A_213 : vector<16xf32> to vector<1x16xf32>
          tpu.vector_store %arg15[%swap3A_214, %swap3A_215], %swap3A_218 {strides = array<i32>} : memref<128x64xf32, #tpu.memory_space<vmem>>, vector<1x16xf32>,
          %scan3A_219 = arith.constant 0 : i32
          scf.yield %scan3A_219 : i32
        }
        %scan3A_150 = arith.constant 128 : i32
        "tpu.region"() ({
          %run_scoped3A_152 = tpu.sem_alloc : memref<!tpu.dma_semaphore, #tpu.memory_space<semaphore_mem>>
          %dma_start3A_153 = arith.constant 0 : i32
          %dma_start3A_154 = tpu.memref_slice %arg12[%scan3A_72, %dma_start3A_153] : memref<157x128xi32, #tpu.memory_space<vmem>> -> memref<1x128xi32, #tpu.memory_space<vmem>>
          %dma_start3A_155 = tpu.memref_squeeze %dma_start3A_154 : memref<1x128xi32, #tpu.memory_space<vmem>> -> memref<128xi32, #tpu.memory_space<vmem>>
          %dma_start3A_156 = arith.constant 0 : i32
          %dma_start3A_157 = arith.constant 0 : i32
          %dma_start3A_158 = tpu.memref_slice %arg20[%dma_start3A_156, %dma_start3A_157] : memref<10240x16xf32, #tpu.memory_space<vmem_shared>> -> memref<10240x16xf32, #tpu.memory_space<vmem_shared>>
          tpu.enqueue_indirect_dma source(%arg16 : memref<128x16xf32, #tpu.memory_space<vmem>>) target(%dma_start3A_158 : memref<10240x16xf32, #tpu.memory_space<vmem_shared>>) offsets(%dma_start3A_155 : memref<128xi32, #tpu.memory_space<vmem>>) semaphore(%run_scoped3A_152 : memref<!tpu.dma_semaphore, #tpu.memory_space<semaphore_mem>>) {add = true}
          %dma_wait3A_159 = arith.constant 0 : i32
          %dma_wait3A_160 = tpu.memref_slice %arg12[%scan3A_72, %dma_wait3A_159] : memref<157x128xi32, #tpu.memory_space<vmem>> -> memref<1x128xi32, #tpu.memory_space<vmem>>
          %dma_wait3A_161 = tpu.memref_squeeze %dma_wait3A_160 : memref<1x128xi32, #tpu.memory_space<vmem>> -> memref<128xi32, #tpu.memory_space<vmem>>
          %dma_wait3A_162 = arith.constant 0 : i32
          %dma_wait3A_163 = arith.constant 0 : i32
          %dma_wait3A_164 = tpu.memref_slice %arg20[%dma_wait3A_162, %dma_wait3A_163] : memref<10240x16xf32, #tpu.memory_space<vmem_shared>> -> memref<10240x16xf32, #tpu.memory_space<vmem_shared>>
          tpu.wait_indirect_dma semaphore(%run_scoped3A_152 : memref<!tpu.dma_semaphore, #tpu.memory_space<semaphore_mem>>) src(%arg16 : memref<128x16xf32, #tpu.memory_space<vmem>>) dst(%dma_wait3A_164 : memref<10240x16xf32, #tpu.memory_space<vmem_shared>>)
          tpu.yield
        }) : () -> ()
        "tpu.region"() ({
          %run_scoped3A_152 = tpu.sem_alloc : memref<!tpu.dma_semaphore, #tpu.memory_space<semaphore_mem>>
          %dma_start3A_153 = arith.constant 0 : i32
          %dma_start3A_154 = tpu.memref_slice %arg12[%scan3A_72, %dma_start3A_153] : memref<157x128xi32, #tpu.memory_space<vmem>> -> memref<1x128xi32, #tpu.memory_space<vmem>>
          %dma_start3A_155 = tpu.memref_squeeze %dma_start3A_154 : memref<1x128xi32, #tpu.memory_space<vmem>> -> memref<128xi32, #tpu.memory_space<vmem>>
          %dma_start3A_156 = arith.constant 0 : i32
          %dma_start3A_157 = arith.constant 0 : i32
          %dma_start3A_158 = tpu.memref_slice %arg19[%dma_start3A_156, %dma_start3A_157] : memref<10240x64xf32, #tpu.memory_space<vmem_shared>> -> memref<10240x64xf32, #tpu.memory_space<vmem_shared>>
          tpu.enqueue_indirect_dma source(%arg15 : memref<128x64xf32, #tpu.memory_space<vmem>>) target(%dma_start3A_158 : memref<10240x64xf32, #tpu.memory_space<vmem_shared>>) offsets(%dma_start3A_155 : memref<128xi32, #tpu.memory_space<vmem>>) semaphore(%run_scoped3A_152 : memref<!tpu.dma_semaphore, #tpu.memory_space<semaphore_mem>>) {add = true}
          %dma_wait3A_159 = arith.constant 0 : i32
          %dma_wait3A_160 = tpu.memref_slice %arg12[%scan3A_72, %dma_wait3A_159] : memref<157x128xi32, #tpu.memory_space<vmem>> -> memref<1x128xi32, #tpu.memory_space<vmem>>
          %dma_wait3A_161 = tpu.memref_squeeze %dma_wait3A_160 : memref<1x128xi32, #tpu.memory_space<vmem>> -> memref<128xi32, #tpu.memory_space<vmem>>
          %dma_wait3A_162 = arith.constant 0 : i32
          %dma_wait3A_163 = arith.constant 0 : i32
          %dma_wait3A_164 = tpu.memref_slice %arg19[%dma_wait3A_162, %dma_wait3A_163] : memref<10240x64xf32, #tpu.memory_space<vmem_shared>> -> memref<10240x64xf32, #tpu.memory_space<vmem_shared>>
          tpu.wait_indirect_dma semaphore(%run_scoped3A_152 : memref<!tpu.dma_semaphore, #tpu.memory_space<semaphore_mem>>) src(%arg15 : memref<128x64xf32, #tpu.memory_space<vmem>>) dst(%dma_wait3A_164 : memref<10240x64xf32, #tpu.memory_space<vmem_shared>>)
          tpu.yield
        }) : () -> ()
        %scan3A_151 = arith.constant 0 : i32
        scf.yield %scan3A_151 : i32
      }
      %scan3A_42 = arith.constant 157 : i32
      %barrier3A_43 = arith.constant 0 : index
      tpu.barrier barrier_id(%barrier3A_43)
      %run_scoped3A = arith.constant 0 : i32
      %run_scoped3A_44 = arith.constant 0 : i32
      "tpu.region"() ({
        %run_scoped3A_72 = tpu.sem_alloc : memref<!tpu.dma_semaphore, #tpu.memory_space<semaphore_mem>>
        %dma_start3A = arith.constant 0 : i32
        %dma_start3A_73 = arith.constant 0 : i32
        %dma_start3A_74 = arith.constant 0 : i32
        %dma_start3A_75 = tpu.memref_slice %arg9[%run_scoped3A, %dma_start3A, %dma_start3A_73, %dma_start3A_74] : memref<2x2x10240x64xf32, #tpu.memory_space<hbm>> -> memref<1x2x10240x64xf32, #tpu.memory_space<hbm>>
        %dma_start3A_76 = tpu.memref_squeeze %dma_start3A_75 : memref<1x2x10240x64xf32, #tpu.memory_space<hbm>> -> memref<2x10240x64xf32, #tpu.memory_space<hbm>>
        %dma_start3A_77 = arith.constant 0 : i32
        %dma_start3A_78 = arith.constant 0 : i32
        %dma_start3A_79 = tpu.memref_slice %dma_start3A_76[%run_scoped3A_44, %dma_start3A_77, %dma_start3A_78] : memref<2x10240x64xf32, #tpu.memory_space<hbm>> -> memref<1x10240x64xf32, #tpu.memory_space<hbm>>
        %dma_start3A_80 = tpu.memref_squeeze %dma_start3A_79 : memref<1x10240x64xf32, #tpu.memory_space<hbm>> -> memref<10240x64xf32, #tpu.memory_space<hbm>>
        %dma_start3A_81 = arith.constant 0 : i32
        %dma_start3A_82 = tpu.memref_slice %dma_start3A_80[%mul3A_0, %dma_start3A_81] : memref<10240x64xf32, #tpu.memory_space<hbm>> -> memref<640x64xf32, #tpu.memory_space<hbm>>
        %dma_start3A_83 = arith.constant 0 : i32
        %dma_start3A_84 = tpu.memref_slice %arg19[%mul3A_0, %dma_start3A_83] : memref<10240x64xf32, #tpu.memory_space<vmem_shared>> -> memref<640x64xf32, #tpu.memory_space<vmem_shared>>
        tpu.enqueue_dma source(%dma_start3A_84 : memref<640x64xf32, #tpu.memory_space<vmem_shared>>) target(%dma_start3A_82 : memref<640x64xf32, #tpu.memory_space<hbm>>) target_semaphore(%run_scoped3A_72 : memref<!tpu.dma_semaphore, #tpu.memory_space<semaphore_mem>>)
        %dma_wait3A = arith.constant 0 : i32
        %dma_wait3A_85 = arith.constant 0 : i32
        %dma_wait3A_86 = arith.constant 0 : i32
        %dma_wait3A_87 = tpu.memref_slice %arg9[%run_scoped3A, %dma_wait3A, %dma_wait3A_85, %dma_wait3A_86] : memref<2x2x10240x64xf32, #tpu.memory_space<hbm>> -> memref<1x2x10240x64xf32, #tpu.memory_space<hbm>>
        %dma_wait3A_88 = tpu.memref_squeeze %dma_wait3A_87 : memref<1x2x10240x64xf32, #tpu.memory_space<hbm>> -> memref<2x10240x64xf32, #tpu.memory_space<hbm>>
        %dma_wait3A_89 = arith.constant 0 : i32
        %dma_wait3A_90 = arith.constant 0 : i32
        %dma_wait3A_91 = tpu.memref_slice %dma_wait3A_88[%run_scoped3A_44, %dma_wait3A_89, %dma_wait3A_90] : memref<2x10240x64xf32, #tpu.memory_space<hbm>> -> memref<1x10240x64xf32, #tpu.memory_space<hbm>>
        %dma_wait3A_92 = tpu.memref_squeeze %dma_wait3A_91 : memref<1x10240x64xf32, #tpu.memory_space<hbm>> -> memref<10240x64xf32, #tpu.memory_space<hbm>>
        %dma_wait3A_93 = arith.constant 0 : i32
        %dma_wait3A_94 = tpu.memref_slice %dma_wait3A_92[%mul3A_0, %dma_wait3A_93] : memref<10240x64xf32, #tpu.memory_space<hbm>> -> memref<640x64xf32, #tpu.memory_space<hbm>>
        %dma_wait3A_95 = arith.constant 0 : i32
        %dma_wait3A_96 = tpu.memref_slice %arg19[%mul3A_0, %dma_wait3A_95] : memref<10240x64xf32, #tpu.memory_space<vmem_shared>> -> memref<640x64xf32, #tpu.memory_space<vmem_shared>>
        tpu.wait_dma2 semaphore(%run_scoped3A_72 : memref<!tpu.dma_semaphore, #tpu.memory_space<semaphore_mem>>) src(%dma_wait3A_96 : memref<640x64xf32, #tpu.memory_space<vmem_shared>>) dst(%dma_wait3A_94 : memref<640x64xf32, #tpu.memory_space<hbm>>)
        tpu.yield
      }) : () -> ()
      %run_scoped3A_45 = arith.constant 0 : i32
      "tpu.region"() ({
        %run_scoped3A_72 = tpu.sem_alloc : memref<!tpu.dma_semaphore, #tpu.memory_space<semaphore_mem>>
        %dma_start3A = arith.constant 0 : i32
        %dma_start3A_73 = arith.constant 0 : i32
        %dma_start3A_74 = tpu.memref_slice %arg10[%run_scoped3A_45, %dma_start3A, %dma_start3A_73] : memref<2x10240x16xf32, #tpu.memory_space<hbm>> -> memref<1x10240x16xf32, #tpu.memory_space<hbm>>
        %dma_start3A_75 = tpu.memref_squeeze %dma_start3A_74 : memref<1x10240x16xf32, #tpu.memory_space<hbm>> -> memref<10240x16xf32, #tpu.memory_space<hbm>>
        %dma_start3A_76 = arith.constant 0 : i32
        %dma_start3A_77 = tpu.memref_slice %dma_start3A_75[%mul3A_0, %dma_start3A_76] : memref<10240x16xf32, #tpu.memory_space<hbm>> -> memref<640x16xf32, #tpu.memory_space<hbm>>
        %dma_start3A_78 = arith.constant 0 : i32
        %dma_start3A_79 = tpu.memref_slice %arg20[%mul3A_0, %dma_start3A_78] : memref<10240x16xf32, #tpu.memory_space<vmem_shared>> -> memref<640x16xf32, #tpu.memory_space<vmem_shared>>
        tpu.enqueue_dma source(%dma_start3A_79 : memref<640x16xf32, #tpu.memory_space<vmem_shared>>) target(%dma_start3A_77 : memref<640x16xf32, #tpu.memory_space<hbm>>) target_semaphore(%run_scoped3A_72 : memref<!tpu.dma_semaphore, #tpu.memory_space<semaphore_mem>>)
        %dma_wait3A = arith.constant 0 : i32
        %dma_wait3A_80 = arith.constant 0 : i32
        %dma_wait3A_81 = tpu.memref_slice %arg10[%run_scoped3A_45, %dma_wait3A, %dma_wait3A_80] : memref<2x10240x16xf32, #tpu.memory_space<hbm>> -> memref<1x10240x16xf32, #tpu.memory_space<hbm>>
        %dma_wait3A_82 = tpu.memref_squeeze %dma_wait3A_81 : memref<1x10240x16xf32, #tpu.memory_space<hbm>> -> memref<10240x16xf32, #tpu.memory_space<hbm>>
        %dma_wait3A_83 = arith.constant 0 : i32
        %dma_wait3A_84 = tpu.memref_slice %dma_wait3A_82[%mul3A_0, %dma_wait3A_83] : memref<10240x16xf32, #tpu.memory_space<hbm>> -> memref<640x16xf32, #tpu.memory_space<hbm>>
        %dma_wait3A_85 = arith.constant 0 : i32
        %dma_wait3A_86 = tpu.memref_slice %arg20[%mul3A_0, %dma_wait3A_85] : memref<10240x16xf32, #tpu.memory_space<vmem_shared>> -> memref<640x16xf32, #tpu.memory_space<vmem_shared>>
        tpu.wait_dma2 semaphore(%run_scoped3A_72 : memref<!tpu.dma_semaphore, #tpu.memory_space<semaphore_mem>>) src(%dma_wait3A_86 : memref<640x16xf32, #tpu.memory_space<vmem_shared>>) dst(%dma_wait3A_84 : memref<640x16xf32, #tpu.memory_space<hbm>>)
        tpu.yield
      }) : () -> ()
      %barrier3A_46 = arith.constant 0 : index
      tpu.barrier barrier_id(%barrier3A_46)
      %add3A_47 = arith.constant 0 : i32
      %add3A_48 = arith.addi %mul3A_0, %add3A_47 : i32
      "tpu.region"() ({
        %run_scoped3A_72 = tpu.sem_alloc : memref<!tpu.dma_semaphore, #tpu.memory_space<semaphore_mem>>
        %dma_start3A = arith.constant 0 : i32
        %dma_start3A_73 = tpu.memref_slice %arg19[%add3A_48, %dma_start3A] : memref<10240x64xf32, #tpu.memory_space<vmem_shared>> -> memref<128x64xf32, #tpu.memory_space<vmem_shared>>
        %dma_start3A_74 = arith.constant 0 : i32
        %dma_start3A_75 = tpu.memref_slice %arg19[%add3A_48, %dma_start3A_74] : memref<10240x64xf32, #tpu.memory_space<vmem_shared>> -> memref<128x64xf32, #tpu.memory_space<vmem_shared>>
        tpu.enqueue_dma source(%arg17 : memref<128x64xf32, #tpu.memory_space<vmem>>) target(%dma_start3A_75 : memref<128x64xf32, #tpu.memory_space<vmem_shared>>) target_semaphore(%run_scoped3A_72 : memref<!tpu.dma_semaphore, #tpu.memory_space<semaphore_mem>>)
        %dma_wait3A = arith.constant 0 : i32
        %dma_wait3A_76 = tpu.memref_slice %arg19[%add3A_48, %dma_wait3A] : memref<10240x64xf32, #tpu.memory_space<vmem_shared>> -> memref<128x64xf32, #tpu.memory_space<vmem_shared>>
        %dma_wait3A_77 = arith.constant 0 : i32
        %dma_wait3A_78 = tpu.memref_slice %arg19[%add3A_48, %dma_wait3A_77] : memref<10240x64xf32, #tpu.memory_space<vmem_shared>> -> memref<128x64xf32, #tpu.memory_space<vmem_shared>>
        tpu.wait_dma2 semaphore(%run_scoped3A_72 : memref<!tpu.dma_semaphore, #tpu.memory_space<semaphore_mem>>) src(%arg17 : memref<128x64xf32, #tpu.memory_space<vmem>>) dst(%dma_wait3A_78 : memref<128x64xf32, #tpu.memory_space<vmem_shared>>)
        tpu.yield
      }) : () -> ()
      %add3A_49 = arith.constant 128 : i32
      %add3A_50 = arith.addi %mul3A_0, %add3A_49 : i32
      "tpu.region"() ({
        %run_scoped3A_72 = tpu.sem_alloc : memref<!tpu.dma_semaphore, #tpu.memory_space<semaphore_mem>>
        %dma_start3A = arith.constant 0 : i32
        %dma_start3A_73 = tpu.memref_slice %arg19[%add3A_50, %dma_start3A] : memref<10240x64xf32, #tpu.memory_space<vmem_shared>> -> memref<128x64xf32, #tpu.memory_space<vmem_shared>>
        %dma_start3A_74 = arith.constant 0 : i32
        %dma_start3A_75 = tpu.memref_slice %arg19[%add3A_50, %dma_start3A_74] : memref<10240x64xf32, #tpu.memory_space<vmem_shared>> -> memref<128x64xf32, #tpu.memory_space<vmem_shared>>
        tpu.enqueue_dma source(%arg17 : memref<128x64xf32, #tpu.memory_space<vmem>>) target(%dma_start3A_75 : memref<128x64xf32, #tpu.memory_space<vmem_shared>>) target_semaphore(%run_scoped3A_72 : memref<!tpu.dma_semaphore, #tpu.memory_space<semaphore_mem>>)
        %dma_wait3A = arith.constant 0 : i32
        %dma_wait3A_76 = tpu.memref_slice %arg19[%add3A_50, %dma_wait3A] : memref<10240x64xf32, #tpu.memory_space<vmem_shared>> -> memref<128x64xf32, #tpu.memory_space<vmem_shared>>
        %dma_wait3A_77 = arith.constant 0 : i32
        %dma_wait3A_78 = tpu.memref_slice %arg19[%add3A_50, %dma_wait3A_77] : memref<10240x64xf32, #tpu.memory_space<vmem_shared>> -> memref<128x64xf32, #tpu.memory_space<vmem_shared>>
        tpu.wait_dma2 semaphore(%run_scoped3A_72 : memref<!tpu.dma_semaphore, #tpu.memory_space<semaphore_mem>>) src(%arg17 : memref<128x64xf32, #tpu.memory_space<vmem>>) dst(%dma_wait3A_78 : memref<128x64xf32, #tpu.memory_space<vmem_shared>>)
        tpu.yield
      }) : () -> ()
      %add3A_51 = arith.constant 256 : i32
      %add3A_52 = arith.addi %mul3A_0, %add3A_51 : i32
      "tpu.region"() ({
        %run_scoped3A_72 = tpu.sem_alloc : memref<!tpu.dma_semaphore, #tpu.memory_space<semaphore_mem>>
        %dma_start3A = arith.constant 0 : i32
        %dma_start3A_73 = tpu.memref_slice %arg19[%add3A_52, %dma_start3A] : memref<10240x64xf32, #tpu.memory_space<vmem_shared>> -> memref<128x64xf32, #tpu.memory_space<vmem_shared>>
        %dma_start3A_74 = arith.constant 0 : i32
        %dma_start3A_75 = tpu.memref_slice %arg19[%add3A_52, %dma_start3A_74] : memref<10240x64xf32, #tpu.memory_space<vmem_shared>> -> memref<128x64xf32, #tpu.memory_space<vmem_shared>>
        tpu.enqueue_dma source(%arg17 : memref<128x64xf32, #tpu.memory_space<vmem>>) target(%dma_start3A_75 : memref<128x64xf32, #tpu.memory_space<vmem_shared>>) target_semaphore(%run_scoped3A_72 : memref<!tpu.dma_semaphore, #tpu.memory_space<semaphore_mem>>)
        %dma_wait3A = arith.constant 0 : i32
        %dma_wait3A_76 = tpu.memref_slice %arg19[%add3A_52, %dma_wait3A] : memref<10240x64xf32, #tpu.memory_space<vmem_shared>> -> memref<128x64xf32, #tpu.memory_space<vmem_shared>>
        %dma_wait3A_77 = arith.constant 0 : i32
        %dma_wait3A_78 = tpu.memref_slice %arg19[%add3A_52, %dma_wait3A_77] : memref<10240x64xf32, #tpu.memory_space<vmem_shared>> -> memref<128x64xf32, #tpu.memory_space<vmem_shared>>
        tpu.wait_dma2 semaphore(%run_scoped3A_72 : memref<!tpu.dma_semaphore, #tpu.memory_space<semaphore_mem>>) src(%arg17 : memref<128x64xf32, #tpu.memory_space<vmem>>) dst(%dma_wait3A_78 : memref<128x64xf32, #tpu.memory_space<vmem_shared>>)
        tpu.yield
      }) : () -> ()
      %add3A_53 = arith.constant 384 : i32
      %add3A_54 = arith.addi %mul3A_0, %add3A_53 : i32
      "tpu.region"() ({
        %run_scoped3A_72 = tpu.sem_alloc : memref<!tpu.dma_semaphore, #tpu.memory_space<semaphore_mem>>
        %dma_start3A = arith.constant 0 : i32
        %dma_start3A_73 = tpu.memref_slice %arg19[%add3A_54, %dma_start3A] : memref<10240x64xf32, #tpu.memory_space<vmem_shared>> -> memref<128x64xf32, #tpu.memory_space<vmem_shared>>
        %dma_start3A_74 = arith.constant 0 : i32
        %dma_start3A_75 = tpu.memref_slice %arg19[%add3A_54, %dma_start3A_74] : memref<10240x64xf32, #tpu.memory_space<vmem_shared>> -> memref<128x64xf32, #tpu.memory_space<vmem_shared>>
        tpu.enqueue_dma source(%arg17 : memref<128x64xf32, #tpu.memory_space<vmem>>) target(%dma_start3A_75 : memref<128x64xf32, #tpu.memory_space<vmem_shared>>) target_semaphore(%run_scoped3A_72 : memref<!tpu.dma_semaphore, #tpu.memory_space<semaphore_mem>>)
        %dma_wait3A = arith.constant 0 : i32
        %dma_wait3A_76 = tpu.memref_slice %arg19[%add3A_54, %dma_wait3A] : memref<10240x64xf32, #tpu.memory_space<vmem_shared>> -> memref<128x64xf32, #tpu.memory_space<vmem_shared>>
        %dma_wait3A_77 = arith.constant 0 : i32
        %dma_wait3A_78 = tpu.memref_slice %arg19[%add3A_54, %dma_wait3A_77] : memref<10240x64xf32, #tpu.memory_space<vmem_shared>> -> memref<128x64xf32, #tpu.memory_space<vmem_shared>>
        tpu.wait_dma2 semaphore(%run_scoped3A_72 : memref<!tpu.dma_semaphore, #tpu.memory_space<semaphore_mem>>) src(%arg17 : memref<128x64xf32, #tpu.memory_space<vmem>>) dst(%dma_wait3A_78 : memref<128x64xf32, #tpu.memory_space<vmem_shared>>)
        tpu.yield
      }) : () -> ()
      %add3A_55 = arith.constant 512 : i32
      %add3A_56 = arith.addi %mul3A_0, %add3A_55 : i32
      "tpu.region"() ({
        %run_scoped3A_72 = tpu.sem_alloc : memref<!tpu.dma_semaphore, #tpu.memory_space<semaphore_mem>>
        %dma_start3A = arith.constant 0 : i32
        %dma_start3A_73 = tpu.memref_slice %arg19[%add3A_56, %dma_start3A] : memref<10240x64xf32, #tpu.memory_space<vmem_shared>> -> memref<128x64xf32, #tpu.memory_space<vmem_shared>>
        %dma_start3A_74 = arith.constant 0 : i32
        %dma_start3A_75 = tpu.memref_slice %arg19[%add3A_56, %dma_start3A_74] : memref<10240x64xf32, #tpu.memory_space<vmem_shared>> -> memref<128x64xf32, #tpu.memory_space<vmem_shared>>
        tpu.enqueue_dma source(%arg17 : memref<128x64xf32, #tpu.memory_space<vmem>>) target(%dma_start3A_75 : memref<128x64xf32, #tpu.memory_space<vmem_shared>>) target_semaphore(%run_scoped3A_72 : memref<!tpu.dma_semaphore, #tpu.memory_space<semaphore_mem>>)
        %dma_wait3A = arith.constant 0 : i32
        %dma_wait3A_76 = tpu.memref_slice %arg19[%add3A_56, %dma_wait3A] : memref<10240x64xf32, #tpu.memory_space<vmem_shared>> -> memref<128x64xf32, #tpu.memory_space<vmem_shared>>
        %dma_wait3A_77 = arith.constant 0 : i32
        %dma_wait3A_78 = tpu.memref_slice %arg19[%add3A_56, %dma_wait3A_77] : memref<10240x64xf32, #tpu.memory_space<vmem_shared>> -> memref<128x64xf32, #tpu.memory_space<vmem_shared>>
        tpu.wait_dma2 semaphore(%run_scoped3A_72 : memref<!tpu.dma_semaphore, #tpu.memory_space<semaphore_mem>>) src(%arg17 : memref<128x64xf32, #tpu.memory_space<vmem>>) dst(%dma_wait3A_78 : memref<128x64xf32, #tpu.memory_space<vmem_shared>>)
        tpu.yield
      }) : () -> ()
      %barrier3A_57 = arith.constant 0 : index
      tpu.barrier barrier_id(%barrier3A_57)
      %scan3A_58 = arith.constant 0 : i32
      %scan3A_59 = arith.constant 1 : i32
      %scan3A_60 = arith.constant 0 : i32
      %scan3A_61 = arith.constant 0 : i32
      %scan3A_62 = arith.constant 0 : i32
      %scan3A_63 = arith.constant 157 : i32
      %scan3A_64 = arith.addi %scan3A_62, %scan3A_63 : i32
      %scan3A_65 = arith.constant 1 : i32
      %scan3A_66 = scf.for %scan3A_72 = %scan3A_62 to %scan3A_64 step %scan3A_65 iter_args(%scan3A_73 = %scan3A_61) -> (i32)  : i32 {
        %dma_start3A = arith.constant 0 : i32
        %dma_start3A_74 = tpu.memref_slice %arg11[%scan3A_72, %dma_start3A] : memref<157x128xi32, #tpu.memory_space<vmem>> -> memref<1x128xi32, #tpu.memory_space<vmem>>
        %dma_start3A_75 = tpu.memref_squeeze %dma_start3A_74 : memref<1x128xi32, #tpu.memory_space<vmem>> -> memref<128xi32, #tpu.memory_space<vmem>>
        %dma_start3A_76 = arith.constant 0 : i32
        %dma_start3A_77 = arith.constant 0 : i32
        %dma_start3A_78 = tpu.memref_slice %arg3[%scan3A_58, %dma_start3A_76, %dma_start3A_77] : memref<2x10240x16xf32, #tpu.memory_space<hbm>> -> memref<1x10240x16xf32, #tpu.memory_space<hbm>>
        %dma_start3A_79 = tpu.memref_squeeze %dma_start3A_78 : memref<1x10240x16xf32, #tpu.memory_space<hbm>> -> memref<10240x16xf32, #tpu.memory_space<hbm>>
        %dma_start3A_80 = arith.constant 0 : i32
        %dma_start3A_81 = arith.constant 0 : i32
        %dma_start3A_82 = tpu.memref_slice %dma_start3A_79[%dma_start3A_80, %dma_start3A_81] : memref<10240x16xf32, #tpu.memory_space<hbm>> -> memref<10240x16xf32, #tpu.memory_space<hbm>>
        tpu.enqueue_indirect_dma source(%dma_start3A_82 : memref<10240x16xf32, #tpu.memory_space<hbm>>) target(%arg13 : memref<128x16xf32, #tpu.memory_space<vmem>>) offsets(%dma_start3A_75 : memref<128xi32, #tpu.memory_space<vmem>>) semaphore(%arg21 : memref<!tpu.dma_semaphore, #tpu.memory_space<semaphore_mem>>)
        %dma_start3A_83 = arith.constant 0 : i32
        %dma_start3A_84 = tpu.memref_slice %arg12[%scan3A_72, %dma_start3A_83] : memref<157x128xi32, #tpu.memory_space<vmem>> -> memref<1x128xi32, #tpu.memory_space<vmem>>
        %dma_start3A_85 = tpu.memref_squeeze %dma_start3A_84 : memref<1x128xi32, #tpu.memory_space<vmem>> -> memref<128xi32, #tpu.memory_space<vmem>>
        %dma_start3A_86 = arith.constant 0 : i32
        %dma_start3A_87 = arith.constant 0 : i32
        %dma_start3A_88 = tpu.memref_slice %arg4[%scan3A_59, %dma_start3A_86, %dma_start3A_87] : memref<2x10240x16xf32, #tpu.memory_space<hbm>> -> memref<1x10240x16xf32, #tpu.memory_space<hbm>>
        %dma_start3A_89 = tpu.memref_squeeze %dma_start3A_88 : memref<1x10240x16xf32, #tpu.memory_space<hbm>> -> memref<10240x16xf32, #tpu.memory_space<hbm>>
        %dma_start3A_90 = arith.constant 0 : i32
        %dma_start3A_91 = arith.constant 0 : i32
        %dma_start3A_92 = tpu.memref_slice %dma_start3A_89[%dma_start3A_90, %dma_start3A_91] : memref<10240x16xf32, #tpu.memory_space<hbm>> -> memref<10240x16xf32, #tpu.memory_space<hbm>>
        tpu.enqueue_indirect_dma source(%dma_start3A_92 : memref<10240x16xf32, #tpu.memory_space<hbm>>) target(%arg14 : memref<128x16xf32, #tpu.memory_space<vmem>>) offsets(%dma_start3A_85 : memref<128xi32, #tpu.memory_space<vmem>>) semaphore(%arg21 : memref<!tpu.dma_semaphore, #tpu.memory_space<semaphore_mem>>)
        %dma_start3A_93 = arith.constant 1 : i32
        %dma_start3A_94 = arith.constant 0 : i32
        %dma_start3A_95 = tpu.memref_slice %arg11[%scan3A_72, %dma_start3A_94] : memref<157x128xi32, #tpu.memory_space<vmem>> -> memref<1x128xi32, #tpu.memory_space<vmem>>
        %dma_start3A_96 = tpu.memref_squeeze %dma_start3A_95 : memref<1x128xi32, #tpu.memory_space<vmem>> -> memref<128xi32, #tpu.memory_space<vmem>>
        %dma_start3A_97 = arith.constant 0 : i32
        %dma_start3A_98 = arith.constant 0 : i32
        %dma_start3A_99 = arith.constant 0 : i32
        %dma_start3A_100 = tpu.memref_slice %arg2[%scan3A_60, %dma_start3A_97, %dma_start3A_98, %dma_start3A_99] : memref<2x2x10240x64xf32, #tpu.memory_space<hbm>> -> memref<1x2x10240x64xf32, #tpu.memory_space<hbm>>
        %dma_start3A_101 = tpu.memref_squeeze %dma_start3A_100 : memref<1x2x10240x64xf32, #tpu.memory_space<hbm>> -> memref<2x10240x64xf32, #tpu.memory_space<hbm>>
        %dma_start3A_102 = arith.constant 0 : i32
        %dma_start3A_103 = arith.constant 0 : i32
        %dma_start3A_104 = tpu.memref_slice %dma_start3A_101[%dma_start3A_93, %dma_start3A_102, %dma_start3A_103] : memref<2x10240x64xf32, #tpu.memory_space<hbm>> -> memref<1x10240x64xf32, #tpu.memory_space<hbm>>
        %dma_start3A_105 = tpu.memref_squeeze %dma_start3A_104 : memref<1x10240x64xf32, #tpu.memory_space<hbm>> -> memref<10240x64xf32, #tpu.memory_space<hbm>>
        %dma_start3A_106 = arith.constant 0 : i32
        %dma_start3A_107 = arith.constant 0 : i32
        %dma_start3A_108 = tpu.memref_slice %dma_start3A_105[%dma_start3A_106, %dma_start3A_107] : memref<10240x64xf32, #tpu.memory_space<hbm>> -> memref<10240x64xf32, #tpu.memory_space<hbm>>
        tpu.enqueue_indirect_dma source(%dma_start3A_108 : memref<10240x64xf32, #tpu.memory_space<hbm>>) target(%arg15 : memref<128x64xf32, #tpu.memory_space<vmem>>) offsets(%dma_start3A_96 : memref<128xi32, #tpu.memory_space<vmem>>) semaphore(%arg21 : memref<!tpu.dma_semaphore, #tpu.memory_space<semaphore_mem>>)
        %dma_wait3A = arith.constant 0 : i32
        %dma_wait3A_109 = tpu.memref_slice %arg11[%scan3A_72, %dma_wait3A] : memref<157x128xi32, #tpu.memory_space<vmem>> -> memref<1x128xi32, #tpu.memory_space<vmem>>
        %dma_wait3A_110 = tpu.memref_squeeze %dma_wait3A_109 : memref<1x128xi32, #tpu.memory_space<vmem>> -> memref<128xi32, #tpu.memory_space<vmem>>
        %dma_wait3A_111 = arith.constant 0 : i32
        %dma_wait3A_112 = arith.constant 0 : i32
        %dma_wait3A_113 = tpu.memref_slice %arg3[%scan3A_58, %dma_wait3A_111, %dma_wait3A_112] : memref<2x10240x16xf32, #tpu.memory_space<hbm>> -> memref<1x10240x16xf32, #tpu.memory_space<hbm>>
        %dma_wait3A_114 = tpu.memref_squeeze %dma_wait3A_113 : memref<1x10240x16xf32, #tpu.memory_space<hbm>> -> memref<10240x16xf32, #tpu.memory_space<hbm>>
        %dma_wait3A_115 = arith.constant 0 : i32
        %dma_wait3A_116 = arith.constant 0 : i32
        %dma_wait3A_117 = tpu.memref_slice %dma_wait3A_114[%dma_wait3A_115, %dma_wait3A_116] : memref<10240x16xf32, #tpu.memory_space<hbm>> -> memref<10240x16xf32, #tpu.memory_space<hbm>>
        tpu.wait_indirect_dma semaphore(%arg21 : memref<!tpu.dma_semaphore, #tpu.memory_space<semaphore_mem>>) src(%dma_wait3A_117 : memref<10240x16xf32, #tpu.memory_space<hbm>>) dst(%arg13 : memref<128x16xf32, #tpu.memory_space<vmem>>)
        %dma_wait3A_118 = arith.constant 0 : i32
        %dma_wait3A_119 = tpu.memref_slice %arg12[%scan3A_72, %dma_wait3A_118] : memref<157x128xi32, #tpu.memory_space<vmem>> -> memref<1x128xi32, #tpu.memory_space<vmem>>
        %dma_wait3A_120 = tpu.memref_squeeze %dma_wait3A_119 : memref<1x128xi32, #tpu.memory_space<vmem>> -> memref<128xi32, #tpu.memory_space<vmem>>
        %dma_wait3A_121 = arith.constant 0 : i32
        %dma_wait3A_122 = arith.constant 0 : i32
        %dma_wait3A_123 = tpu.memref_slice %arg4[%scan3A_59, %dma_wait3A_121, %dma_wait3A_122] : memref<2x10240x16xf32, #tpu.memory_space<hbm>> -> memref<1x10240x16xf32, #tpu.memory_space<hbm>>
        %dma_wait3A_124 = tpu.memref_squeeze %dma_wait3A_123 : memref<1x10240x16xf32, #tpu.memory_space<hbm>> -> memref<10240x16xf32, #tpu.memory_space<hbm>>
        %dma_wait3A_125 = arith.constant 0 : i32
        %dma_wait3A_126 = arith.constant 0 : i32
        %dma_wait3A_127 = tpu.memref_slice %dma_wait3A_124[%dma_wait3A_125, %dma_wait3A_126] : memref<10240x16xf32, #tpu.memory_space<hbm>> -> memref<10240x16xf32, #tpu.memory_space<hbm>>
        tpu.wait_indirect_dma semaphore(%arg21 : memref<!tpu.dma_semaphore, #tpu.memory_space<semaphore_mem>>) src(%dma_wait3A_127 : memref<10240x16xf32, #tpu.memory_space<hbm>>) dst(%arg14 : memref<128x16xf32, #tpu.memory_space<vmem>>)
        %dma_wait3A_128 = arith.constant 1 : i32
        %dma_wait3A_129 = arith.constant 0 : i32
        %dma_wait3A_130 = tpu.memref_slice %arg11[%scan3A_72, %dma_wait3A_129] : memref<157x128xi32, #tpu.memory_space<vmem>> -> memref<1x128xi32, #tpu.memory_space<vmem>>
        %dma_wait3A_131 = tpu.memref_squeeze %dma_wait3A_130 : memref<1x128xi32, #tpu.memory_space<vmem>> -> memref<128xi32, #tpu.memory_space<vmem>>
        %dma_wait3A_132 = arith.constant 0 : i32
        %dma_wait3A_133 = arith.constant 0 : i32
        %dma_wait3A_134 = arith.constant 0 : i32
        %dma_wait3A_135 = tpu.memref_slice %arg2[%scan3A_60, %dma_wait3A_132, %dma_wait3A_133, %dma_wait3A_134] : memref<2x2x10240x64xf32, #tpu.memory_space<hbm>> -> memref<1x2x10240x64xf32, #tpu.memory_space<hbm>>
        %dma_wait3A_136 = tpu.memref_squeeze %dma_wait3A_135 : memref<1x2x10240x64xf32, #tpu.memory_space<hbm>> -> memref<2x10240x64xf32, #tpu.memory_space<hbm>>
        %dma_wait3A_137 = arith.constant 0 : i32
        %dma_wait3A_138 = arith.constant 0 : i32
        %dma_wait3A_139 = tpu.memref_slice %dma_wait3A_136[%dma_wait3A_128, %dma_wait3A_137, %dma_wait3A_138] : memref<2x10240x64xf32, #tpu.memory_space<hbm>> -> memref<1x10240x64xf32, #tpu.memory_space<hbm>>
        %dma_wait3A_140 = tpu.memref_squeeze %dma_wait3A_139 : memref<1x10240x64xf32, #tpu.memory_space<hbm>> -> memref<10240x64xf32, #tpu.memory_space<hbm>>
        %dma_wait3A_141 = arith.constant 0 : i32
        %dma_wait3A_142 = arith.constant 0 : i32
        %dma_wait3A_143 = tpu.memref_slice %dma_wait3A_140[%dma_wait3A_141, %dma_wait3A_142] : memref<10240x64xf32, #tpu.memory_space<hbm>> -> memref<10240x64xf32, #tpu.memory_space<hbm>>
        tpu.wait_indirect_dma semaphore(%arg21 : memref<!tpu.dma_semaphore, #tpu.memory_space<semaphore_mem>>) src(%dma_wait3A_143 : memref<10240x64xf32, #tpu.memory_space<hbm>>) dst(%arg15 : memref<128x64xf32, #tpu.memory_space<vmem>>)
        %scan3A_144 = arith.constant 0 : i32
        %scan3A_145 = arith.constant 0 : i32
        %scan3A_146 = arith.constant 128 : i32
        %scan3A_147 = arith.addi %scan3A_145, %scan3A_146 : i32
        %scan3A_148 = arith.constant 1 : i32
        %scan3A_149 = scf.for %scan3A_152 = %scan3A_145 to %scan3A_147 step %scan3A_148 iter_args(%scan3A_153 = %scan3A_144) -> (i32)  : i32 {
          %get3A = arith.index_cast %scan3A_152 : i32 to index
          %get3A_154 = arith.constant 0 : index
          %get3A_155 = tpu.vector_load %arg13[%get3A, %get3A_154] {strides = array<i32>} : memref<128x16xf32, #tpu.memory_space<vmem>>, vector<1x16xf32>,
          %get3A_156 = vector.shape_cast %get3A_155 : vector<1x16xf32> to vector<16xf32>
          %get3A_157 = arith.index_cast %scan3A_152 : i32 to index
          %get3A_158 = arith.constant 0 : index
          %get3A_159 = tpu.vector_load %arg14[%get3A_157, %get3A_158] {strides = array<i32>} : memref<128x16xf32, #tpu.memory_space<vmem>>, vector<1x16xf32>,
          %get3A_160 = vector.shape_cast %get3A_159 : vector<1x16xf32> to vector<16xf32>
          %add3A_161 = arith.addf %get3A_156, %get3A_160 : vector<16xf32>
          %mul3A_162 = arith.constant 2.000000e-01 : f32
          %mul3A_163 = vector.broadcast %mul3A_162 : f32 to vector<16xf32>
          %mul3A_164 = arith.mulf %mul3A_163, %add3A_161 : vector<16xf32>
          %max3A = arith.maximumf %add3A_161, %mul3A_164 : vector<16xf32>
          %exp3A = math.exp %max3A : vector<16xf32>
          %get3A_165 = arith.index_cast %scan3A_152 : i32 to index
          %get3A_166 = arith.constant 0 : index
          %get3A_167 = tpu.vector_load %arg15[%get3A_165, %get3A_166] {strides = array<i32>} : memref<128x64xf32, #tpu.memory_space<vmem>>, vector<1x16xf32>,
          %get3A_168 = vector.shape_cast %get3A_167 : vector<1x16xf32> to vector<16xf32>
          %slice3A = vector.extract_strided_slice %exp3A {offsets = [4], sizes = [1], strides = [1]} : vector<16xf32> to vector<1xf32>
          %squeeze3A = vector.extract %slice3A[0] : f32 from vector<1xf32>
          %mul3A_169 = vector.broadcast %squeeze3A : f32 to vector<16xf32>
          %mul3A_170 = arith.mulf %get3A_168, %mul3A_169 : vector<16xf32>
          %swap3A = arith.index_cast %scan3A_152 : i32 to index
          %swap3A_171 = arith.constant 0 : index
          %swap3A_172 = tpu.vector_load %arg15[%swap3A, %swap3A_171] {strides = array<i32>} : memref<128x64xf32, #tpu.memory_space<vmem>>, vector<1x16xf32>,
          %swap3A_173 = vector.shape_cast %swap3A_172 : vector<1x16xf32> to vector<16xf32>
          %swap3A_174 = vector.shape_cast %mul3A_170 : vector<16xf32> to vector<1x16xf32>
          tpu.vector_store %arg15[%swap3A, %swap3A_171], %swap3A_174 {strides = array<i32>} : memref<128x64xf32, #tpu.memory_space<vmem>>, vector<1x16xf32>,
          %get3A_175 = arith.index_cast %scan3A_152 : i32 to index
          %get3A_176 = arith.constant 16 : index
          %get3A_177 = tpu.vector_load %arg15[%get3A_175, %get3A_176] {strides = array<i32>} : memref<128x64xf32, #tpu.memory_space<vmem>>, vector<1x16xf32>,
          %get3A_178 = vector.shape_cast %get3A_177 : vector<1x16xf32> to vector<16xf32>
          %slice3A_179 = vector.extract_strided_slice %exp3A {offsets = [5], sizes = [1], strides = [1]} : vector<16xf32> to vector<1xf32>
          %squeeze3A_180 = vector.extract %slice3A_179[0] : f32 from vector<1xf32>
          %mul3A_181 = vector.broadcast %squeeze3A_180 : f32 to vector<16xf32>
          %mul3A_182 = arith.mulf %get3A_178, %mul3A_181 : vector<16xf32>
          %swap3A_183 = arith.index_cast %scan3A_152 : i32 to index
          %swap3A_184 = arith.constant 16 : index
          %swap3A_185 = tpu.vector_load %arg15[%swap3A_183, %swap3A_184] {strides = array<i32>} : memref<128x64xf32, #tpu.memory_space<vmem>>, vector<1x16xf32>,
          %swap3A_186 = vector.shape_cast %swap3A_185 : vector<1x16xf32> to vector<16xf32>
          %swap3A_187 = vector.shape_cast %mul3A_182 : vector<16xf32> to vector<1x16xf32>
          tpu.vector_store %arg15[%swap3A_183, %swap3A_184], %swap3A_187 {strides = array<i32>} : memref<128x64xf32, #tpu.memory_space<vmem>>, vector<1x16xf32>,
          %get3A_188 = arith.index_cast %scan3A_152 : i32 to index
          %get3A_189 = arith.constant 32 : index
          %get3A_190 = tpu.vector_load %arg15[%get3A_188, %get3A_189] {strides = array<i32>} : memref<128x64xf32, #tpu.memory_space<vmem>>, vector<1x16xf32>,
          %get3A_191 = vector.shape_cast %get3A_190 : vector<1x16xf32> to vector<16xf32>
          %slice3A_192 = vector.extract_strided_slice %exp3A {offsets = [6], sizes = [1], strides = [1]} : vector<16xf32> to vector<1xf32>
          %squeeze3A_193 = vector.extract %slice3A_192[0] : f32 from vector<1xf32>
          %mul3A_194 = vector.broadcast %squeeze3A_193 : f32 to vector<16xf32>
          %mul3A_195 = arith.mulf %get3A_191, %mul3A_194 : vector<16xf32>
          %swap3A_196 = arith.index_cast %scan3A_152 : i32 to index
          %swap3A_197 = arith.constant 32 : index
          %swap3A_198 = tpu.vector_load %arg15[%swap3A_196, %swap3A_197] {strides = array<i32>} : memref<128x64xf32, #tpu.memory_space<vmem>>, vector<1x16xf32>,
          %swap3A_199 = vector.shape_cast %swap3A_198 : vector<1x16xf32> to vector<16xf32>
          %swap3A_200 = vector.shape_cast %mul3A_195 : vector<16xf32> to vector<1x16xf32>
          tpu.vector_store %arg15[%swap3A_196, %swap3A_197], %swap3A_200 {strides = array<i32>} : memref<128x64xf32, #tpu.memory_space<vmem>>, vector<1x16xf32>,
          %get3A_201 = arith.index_cast %scan3A_152 : i32 to index
          %get3A_202 = arith.constant 48 : index
          %get3A_203 = tpu.vector_load %arg15[%get3A_201, %get3A_202] {strides = array<i32>} : memref<128x64xf32, #tpu.memory_space<vmem>>, vector<1x16xf32>,
          %get3A_204 = vector.shape_cast %get3A_203 : vector<1x16xf32> to vector<16xf32>
          %slice3A_205 = vector.extract_strided_slice %exp3A {offsets = [7], sizes = [1], strides = [1]} : vector<16xf32> to vector<1xf32>
          %squeeze3A_206 = vector.extract %slice3A_205[0] : f32 from vector<1xf32>
          %mul3A_207 = vector.broadcast %squeeze3A_206 : f32 to vector<16xf32>
          %mul3A_208 = arith.mulf %get3A_204, %mul3A_207 : vector<16xf32>
          %swap3A_209 = arith.index_cast %scan3A_152 : i32 to index
          %swap3A_210 = arith.constant 48 : index
          %swap3A_211 = tpu.vector_load %arg15[%swap3A_209, %swap3A_210] {strides = array<i32>} : memref<128x64xf32, #tpu.memory_space<vmem>>, vector<1x16xf32>,
          %swap3A_212 = vector.shape_cast %swap3A_211 : vector<1x16xf32> to vector<16xf32>
          %swap3A_213 = vector.shape_cast %mul3A_208 : vector<16xf32> to vector<1x16xf32>
          tpu.vector_store %arg15[%swap3A_209, %swap3A_210], %swap3A_213 {strides = array<i32>} : memref<128x64xf32, #tpu.memory_space<vmem>>, vector<1x16xf32>,
          %scan3A_214 = arith.constant 0 : i32
          scf.yield %scan3A_214 : i32
        }
        %scan3A_150 = arith.constant 128 : i32
        "tpu.region"() ({
          %run_scoped3A_152 = tpu.sem_alloc : memref<!tpu.dma_semaphore, #tpu.memory_space<semaphore_mem>>
          %dma_start3A_153 = arith.constant 0 : i32
          %dma_start3A_154 = tpu.memref_slice %arg12[%scan3A_72, %dma_start3A_153] : memref<157x128xi32, #tpu.memory_space<vmem>> -> memref<1x128xi32, #tpu.memory_space<vmem>>
          %dma_start3A_155 = tpu.memref_squeeze %dma_start3A_154 : memref<1x128xi32, #tpu.memory_space<vmem>> -> memref<128xi32, #tpu.memory_space<vmem>>
          %dma_start3A_156 = arith.constant 0 : i32
          %dma_start3A_157 = arith.constant 0 : i32
          %dma_start3A_158 = tpu.memref_slice %arg19[%dma_start3A_156, %dma_start3A_157] : memref<10240x64xf32, #tpu.memory_space<vmem_shared>> -> memref<10240x64xf32, #tpu.memory_space<vmem_shared>>
          tpu.enqueue_indirect_dma source(%arg15 : memref<128x64xf32, #tpu.memory_space<vmem>>) target(%dma_start3A_158 : memref<10240x64xf32, #tpu.memory_space<vmem_shared>>) offsets(%dma_start3A_155 : memref<128xi32, #tpu.memory_space<vmem>>) semaphore(%run_scoped3A_152 : memref<!tpu.dma_semaphore, #tpu.memory_space<semaphore_mem>>) {add = true}
          %dma_wait3A_159 = arith.constant 0 : i32
          %dma_wait3A_160 = tpu.memref_slice %arg12[%scan3A_72, %dma_wait3A_159] : memref<157x128xi32, #tpu.memory_space<vmem>> -> memref<1x128xi32, #tpu.memory_space<vmem>>
          %dma_wait3A_161 = tpu.memref_squeeze %dma_wait3A_160 : memref<1x128xi32, #tpu.memory_space<vmem>> -> memref<128xi32, #tpu.memory_space<vmem>>
          %dma_wait3A_162 = arith.constant 0 : i32
          %dma_wait3A_163 = arith.constant 0 : i32
          %dma_wait3A_164 = tpu.memref_slice %arg19[%dma_wait3A_162, %dma_wait3A_163] : memref<10240x64xf32, #tpu.memory_space<vmem_shared>> -> memref<10240x64xf32, #tpu.memory_space<vmem_shared>>
          tpu.wait_indirect_dma semaphore(%run_scoped3A_152 : memref<!tpu.dma_semaphore, #tpu.memory_space<semaphore_mem>>) src(%arg15 : memref<128x64xf32, #tpu.memory_space<vmem>>) dst(%dma_wait3A_164 : memref<10240x64xf32, #tpu.memory_space<vmem_shared>>)
          tpu.yield
        }) : () -> ()
        %scan3A_151 = arith.constant 0 : i32
        scf.yield %scan3A_151 : i32
      }
      %scan3A_67 = arith.constant 157 : i32
      %barrier3A_68 = arith.constant 0 : index
      tpu.barrier barrier_id(%barrier3A_68)
      %run_scoped3A_69 = arith.constant 0 : i32
      %run_scoped3A_70 = arith.constant 1 : i32
      "tpu.region"() ({
        %run_scoped3A_72 = tpu.sem_alloc : memref<!tpu.dma_semaphore, #tpu.memory_space<semaphore_mem>>
        %dma_start3A = arith.constant 0 : i32
        %dma_start3A_73 = arith.constant 0 : i32
        %dma_start3A_74 = arith.constant 0 : i32
        %dma_start3A_75 = tpu.memref_slice %arg9[%run_scoped3A_69, %dma_start3A, %dma_start3A_73, %dma_start3A_74] : memref<2x2x10240x64xf32, #tpu.memory_space<hbm>> -> memref<1x2x10240x64xf32, #tpu.memory_space<hbm>>
        %dma_start3A_76 = tpu.memref_squeeze %dma_start3A_75 : memref<1x2x10240x64xf32, #tpu.memory_space<hbm>> -> memref<2x10240x64xf32, #tpu.memory_space<hbm>>
        %dma_start3A_77 = arith.constant 0 : i32
        %dma_start3A_78 = arith.constant 0 : i32
        %dma_start3A_79 = tpu.memref_slice %dma_start3A_76[%run_scoped3A_70, %dma_start3A_77, %dma_start3A_78] : memref<2x10240x64xf32, #tpu.memory_space<hbm>> -> memref<1x10240x64xf32, #tpu.memory_space<hbm>>
        %dma_start3A_80 = tpu.memref_squeeze %dma_start3A_79 : memref<1x10240x64xf32, #tpu.memory_space<hbm>> -> memref<10240x64xf32, #tpu.memory_space<hbm>>
        %dma_start3A_81 = arith.constant 0 : i32
        %dma_start3A_82 = tpu.memref_slice %dma_start3A_80[%mul3A_0, %dma_start3A_81] : memref<10240x64xf32, #tpu.memory_space<hbm>> -> memref<640x64xf32, #tpu.memory_space<hbm>>
        %dma_start3A_83 = arith.constant 0 : i32
        %dma_start3A_84 = tpu.memref_slice %arg19[%mul3A_0, %dma_start3A_83] : memref<10240x64xf32, #tpu.memory_space<vmem_shared>> -> memref<640x64xf32, #tpu.memory_space<vmem_shared>>
        tpu.enqueue_dma source(%dma_start3A_84 : memref<640x64xf32, #tpu.memory_space<vmem_shared>>) target(%dma_start3A_82 : memref<640x64xf32, #tpu.memory_space<hbm>>) target_semaphore(%run_scoped3A_72 : memref<!tpu.dma_semaphore, #tpu.memory_space<semaphore_mem>>)
        %dma_wait3A = arith.constant 0 : i32
        %dma_wait3A_85 = arith.constant 0 : i32
        %dma_wait3A_86 = arith.constant 0 : i32
        %dma_wait3A_87 = tpu.memref_slice %arg9[%run_scoped3A_69, %dma_wait3A, %dma_wait3A_85, %dma_wait3A_86] : memref<2x2x10240x64xf32, #tpu.memory_space<hbm>> -> memref<1x2x10240x64xf32, #tpu.memory_space<hbm>>
        %dma_wait3A_88 = tpu.memref_squeeze %dma_wait3A_87 : memref<1x2x10240x64xf32, #tpu.memory_space<hbm>> -> memref<2x10240x64xf32, #tpu.memory_space<hbm>>
        %dma_wait3A_89 = arith.constant 0 : i32
        %dma_wait3A_90 = arith.constant 0 : i32
        %dma_wait3A_91 = tpu.memref_slice %dma_wait3A_88[%run_scoped3A_70, %dma_wait3A_89, %dma_wait3A_90] : memref<2x10240x64xf32, #tpu.memory_space<hbm>> -> memref<1x10240x64xf32, #tpu.memory_space<hbm>>
        %dma_wait3A_92 = tpu.memref_squeeze %dma_wait3A_91 : memref<1x10240x64xf32, #tpu.memory_space<hbm>> -> memref<10240x64xf32, #tpu.memory_space<hbm>>
        %dma_wait3A_93 = arith.constant 0 : i32
        %dma_wait3A_94 = tpu.memref_slice %dma_wait3A_92[%mul3A_0, %dma_wait3A_93] : memref<10240x64xf32, #tpu.memory_space<hbm>> -> memref<640x64xf32, #tpu.memory_space<hbm>>
        %dma_wait3A_95 = arith.constant 0 : i32
        %dma_wait3A_96 = tpu.memref_slice %arg19[%mul3A_0, %dma_wait3A_95] : memref<10240x64xf32, #tpu.memory_space<vmem_shared>> -> memref<640x64xf32, #tpu.memory_space<vmem_shared>>
        tpu.wait_dma2 semaphore(%run_scoped3A_72 : memref<!tpu.dma_semaphore, #tpu.memory_space<semaphore_mem>>) src(%dma_wait3A_96 : memref<640x64xf32, #tpu.memory_space<vmem_shared>>) dst(%dma_wait3A_94 : memref<640x64xf32, #tpu.memory_space<hbm>>)
        tpu.yield
      }) : () -> ()
      %barrier3A_71 = arith.constant 0 : index
      tpu.barrier barrier_id(%barrier3A_71)
    } else {
    }
    %eq3A_9 = arith.constant 1 : i32
    %eq3A_10 = arith.cmpi eq, %arg0, %eq3A_9 : i32
    %convert_element_type3A_11 = arith.extui %eq3A_10 : i1 to i32
    %cond3A_12 = arith.constant 0 : i32
    %cond3A_13 = arith.cmpi ne, %convert_element_type3A_11, %cond3A_12 : i32
    scf.if %cond3A_13 {
      "tpu.region"() ({
        %run_scoped3A_72 = tpu.sem_alloc : memref<!tpu.dma_semaphore, #tpu.memory_space<semaphore_mem>>
        %dma_start3A = arith.constant 0 : i32
        %dma_start3A_73 = arith.constant 0 : i32
        %dma_start3A_74 = tpu.memref_slice %arg7[%arg1, %dma_start3A, %dma_start3A_73] : memref<16x157x128xi32, #tpu.memory_space<hbm>> -> memref<1x157x128xi32, #tpu.memory_space<hbm>>
        %dma_start3A_75 = tpu.memref_squeeze %dma_start3A_74 : memref<1x157x128xi32, #tpu.memory_space<hbm>> -> memref<157x128xi32, #tpu.memory_space<hbm>>
        %dma_start3A_76 = arith.constant 0 : i32
        %dma_start3A_77 = arith.constant 0 : i32
        %dma_start3A_78 = tpu.memref_slice %arg7[%arg1, %dma_start3A_76, %dma_start3A_77] : memref<16x157x128xi32, #tpu.memory_space<hbm>> -> memref<1x157x128xi32, #tpu.memory_space<hbm>>
        %dma_start3A_79 = tpu.memref_squeeze %dma_start3A_78 : memref<1x157x128xi32, #tpu.memory_space<hbm>> -> memref<157x128xi32, #tpu.memory_space<hbm>>
        tpu.enqueue_dma source(%dma_start3A_79 : memref<157x128xi32, #tpu.memory_space<hbm>>) target(%arg11 : memref<157x128xi32, #tpu.memory_space<vmem>>) target_semaphore(%run_scoped3A_72 : memref<!tpu.dma_semaphore, #tpu.memory_space<semaphore_mem>>)
        %dma_wait3A = arith.constant 0 : i32
        %dma_wait3A_80 = arith.constant 0 : i32
        %dma_wait3A_81 = tpu.memref_slice %arg7[%arg1, %dma_wait3A, %dma_wait3A_80] : memref<16x157x128xi32, #tpu.memory_space<hbm>> -> memref<1x157x128xi32, #tpu.memory_space<hbm>>
        %dma_wait3A_82 = tpu.memref_squeeze %dma_wait3A_81 : memref<1x157x128xi32, #tpu.memory_space<hbm>> -> memref<157x128xi32, #tpu.memory_space<hbm>>
        %dma_wait3A_83 = arith.constant 0 : i32
        %dma_wait3A_84 = arith.constant 0 : i32
        %dma_wait3A_85 = tpu.memref_slice %arg7[%arg1, %dma_wait3A_83, %dma_wait3A_84] : memref<16x157x128xi32, #tpu.memory_space<hbm>> -> memref<1x157x128xi32, #tpu.memory_space<hbm>>
        %dma_wait3A_86 = tpu.memref_squeeze %dma_wait3A_85 : memref<1x157x128xi32, #tpu.memory_space<hbm>> -> memref<157x128xi32, #tpu.memory_space<hbm>>
        tpu.wait_dma2 semaphore(%run_scoped3A_72 : memref<!tpu.dma_semaphore, #tpu.memory_space<semaphore_mem>>) src(%dma_wait3A_86 : memref<157x128xi32, #tpu.memory_space<hbm>>) dst(%arg11 : memref<157x128xi32, #tpu.memory_space<vmem>>)
        tpu.yield
      }) : () -> ()
      "tpu.region"() ({
        %run_scoped3A_72 = tpu.sem_alloc : memref<!tpu.dma_semaphore, #tpu.memory_space<semaphore_mem>>
        %dma_start3A = arith.constant 0 : i32
        %dma_start3A_73 = arith.constant 0 : i32
        %dma_start3A_74 = tpu.memref_slice %arg8[%arg1, %dma_start3A, %dma_start3A_73] : memref<16x157x128xi32, #tpu.memory_space<hbm>> -> memref<1x157x128xi32, #tpu.memory_space<hbm>>
        %dma_start3A_75 = tpu.memref_squeeze %dma_start3A_74 : memref<1x157x128xi32, #tpu.memory_space<hbm>> -> memref<157x128xi32, #tpu.memory_space<hbm>>
        %dma_start3A_76 = arith.constant 0 : i32
        %dma_start3A_77 = arith.constant 0 : i32
        %dma_start3A_78 = tpu.memref_slice %arg8[%arg1, %dma_start3A_76, %dma_start3A_77] : memref<16x157x128xi32, #tpu.memory_space<hbm>> -> memref<1x157x128xi32, #tpu.memory_space<hbm>>
        %dma_start3A_79 = tpu.memref_squeeze %dma_start3A_78 : memref<1x157x128xi32, #tpu.memory_space<hbm>> -> memref<157x128xi32, #tpu.memory_space<hbm>>
        tpu.enqueue_dma source(%dma_start3A_79 : memref<157x128xi32, #tpu.memory_space<hbm>>) target(%arg12 : memref<157x128xi32, #tpu.memory_space<vmem>>) target_semaphore(%run_scoped3A_72 : memref<!tpu.dma_semaphore, #tpu.memory_space<semaphore_mem>>)
        %dma_wait3A = arith.constant 0 : i32
        %dma_wait3A_80 = arith.constant 0 : i32
        %dma_wait3A_81 = tpu.memref_slice %arg8[%arg1, %dma_wait3A, %dma_wait3A_80] : memref<16x157x128xi32, #tpu.memory_space<hbm>> -> memref<1x157x128xi32, #tpu.memory_space<hbm>>
        %dma_wait3A_82 = tpu.memref_squeeze %dma_wait3A_81 : memref<1x157x128xi32, #tpu.memory_space<hbm>> -> memref<157x128xi32, #tpu.memory_space<hbm>>
        %dma_wait3A_83 = arith.constant 0 : i32
        %dma_wait3A_84 = arith.constant 0 : i32
        %dma_wait3A_85 = tpu.memref_slice %arg8[%arg1, %dma_wait3A_83, %dma_wait3A_84] : memref<16x157x128xi32, #tpu.memory_space<hbm>> -> memref<1x157x128xi32, #tpu.memory_space<hbm>>
        %dma_wait3A_86 = tpu.memref_squeeze %dma_wait3A_85 : memref<1x157x128xi32, #tpu.memory_space<hbm>> -> memref<157x128xi32, #tpu.memory_space<hbm>>
        tpu.wait_dma2 semaphore(%run_scoped3A_72 : memref<!tpu.dma_semaphore, #tpu.memory_space<semaphore_mem>>) src(%dma_wait3A_86 : memref<157x128xi32, #tpu.memory_space<hbm>>) dst(%arg12 : memref<157x128xi32, #tpu.memory_space<vmem>>)
        tpu.yield
      }) : () -> ()
      %add3A = arith.constant 0 : i32
      %add3A_14 = arith.addi %mul3A_0, %add3A : i32
      "tpu.region"() ({
        %run_scoped3A_72 = tpu.sem_alloc : memref<!tpu.dma_semaphore, #tpu.memory_space<semaphore_mem>>
        %dma_start3A = arith.constant 0 : i32
        %dma_start3A_73 = tpu.memref_slice %arg19[%add3A_14, %dma_start3A] : memref<10240x64xf32, #tpu.memory_space<vmem_shared>> -> memref<128x64xf32, #tpu.memory_space<vmem_shared>>
        %dma_start3A_74 = arith.constant 0 : i32
        %dma_start3A_75 = tpu.memref_slice %arg19[%add3A_14, %dma_start3A_74] : memref<10240x64xf32, #tpu.memory_space<vmem_shared>> -> memref<128x64xf32, #tpu.memory_space<vmem_shared>>
        tpu.enqueue_dma source(%arg17 : memref<128x64xf32, #tpu.memory_space<vmem>>) target(%dma_start3A_75 : memref<128x64xf32, #tpu.memory_space<vmem_shared>>) target_semaphore(%run_scoped3A_72 : memref<!tpu.dma_semaphore, #tpu.memory_space<semaphore_mem>>)
        %dma_wait3A = arith.constant 0 : i32
        %dma_wait3A_76 = tpu.memref_slice %arg19[%add3A_14, %dma_wait3A] : memref<10240x64xf32, #tpu.memory_space<vmem_shared>> -> memref<128x64xf32, #tpu.memory_space<vmem_shared>>
        %dma_wait3A_77 = arith.constant 0 : i32
        %dma_wait3A_78 = tpu.memref_slice %arg19[%add3A_14, %dma_wait3A_77] : memref<10240x64xf32, #tpu.memory_space<vmem_shared>> -> memref<128x64xf32, #tpu.memory_space<vmem_shared>>
        tpu.wait_dma2 semaphore(%run_scoped3A_72 : memref<!tpu.dma_semaphore, #tpu.memory_space<semaphore_mem>>) src(%arg17 : memref<128x64xf32, #tpu.memory_space<vmem>>) dst(%dma_wait3A_78 : memref<128x64xf32, #tpu.memory_space<vmem_shared>>)
        tpu.yield
      }) : () -> ()
      %add3A_15 = arith.constant 0 : i32
      %add3A_16 = arith.addi %mul3A_0, %add3A_15 : i32
      "tpu.region"() ({
        %run_scoped3A_72 = tpu.sem_alloc : memref<!tpu.dma_semaphore, #tpu.memory_space<semaphore_mem>>
        %dma_start3A = arith.constant 0 : i32
        %dma_start3A_73 = tpu.memref_slice %arg20[%add3A_16, %dma_start3A] : memref<10240x16xf32, #tpu.memory_space<vmem_shared>> -> memref<128x16xf32, #tpu.memory_space<vmem_shared>>
        %dma_start3A_74 = arith.constant 0 : i32
        %dma_start3A_75 = tpu.memref_slice %arg20[%add3A_16, %dma_start3A_74] : memref<10240x16xf32, #tpu.memory_space<vmem_shared>> -> memref<128x16xf32, #tpu.memory_space<vmem_shared>>
        tpu.enqueue_dma source(%arg18 : memref<128x16xf32, #tpu.memory_space<vmem>>) target(%dma_start3A_75 : memref<128x16xf32, #tpu.memory_space<vmem_shared>>) target_semaphore(%run_scoped3A_72 : memref<!tpu.dma_semaphore, #tpu.memory_space<semaphore_mem>>)
        %dma_wait3A = arith.constant 0 : i32
        %dma_wait3A_76 = tpu.memref_slice %arg20[%add3A_16, %dma_wait3A] : memref<10240x16xf32, #tpu.memory_space<vmem_shared>> -> memref<128x16xf32, #tpu.memory_space<vmem_shared>>
        %dma_wait3A_77 = arith.constant 0 : i32
        %dma_wait3A_78 = tpu.memref_slice %arg20[%add3A_16, %dma_wait3A_77] : memref<10240x16xf32, #tpu.memory_space<vmem_shared>> -> memref<128x16xf32, #tpu.memory_space<vmem_shared>>
        tpu.wait_dma2 semaphore(%run_scoped3A_72 : memref<!tpu.dma_semaphore, #tpu.memory_space<semaphore_mem>>) src(%arg18 : memref<128x16xf32, #tpu.memory_space<vmem>>) dst(%dma_wait3A_78 : memref<128x16xf32, #tpu.memory_space<vmem_shared>>)
        tpu.yield
      }) : () -> ()
      %add3A_17 = arith.constant 128 : i32
      %add3A_18 = arith.addi %mul3A_0, %add3A_17 : i32
      "tpu.region"() ({
        %run_scoped3A_72 = tpu.sem_alloc : memref<!tpu.dma_semaphore, #tpu.memory_space<semaphore_mem>>
        %dma_start3A = arith.constant 0 : i32
        %dma_start3A_73 = tpu.memref_slice %arg19[%add3A_18, %dma_start3A] : memref<10240x64xf32, #tpu.memory_space<vmem_shared>> -> memref<128x64xf32, #tpu.memory_space<vmem_shared>>
        %dma_start3A_74 = arith.constant 0 : i32
        %dma_start3A_75 = tpu.memref_slice %arg19[%add3A_18, %dma_start3A_74] : memref<10240x64xf32, #tpu.memory_space<vmem_shared>> -> memref<128x64xf32, #tpu.memory_space<vmem_shared>>
        tpu.enqueue_dma source(%arg17 : memref<128x64xf32, #tpu.memory_space<vmem>>) target(%dma_start3A_75 : memref<128x64xf32, #tpu.memory_space<vmem_shared>>) target_semaphore(%run_scoped3A_72 : memref<!tpu.dma_semaphore, #tpu.memory_space<semaphore_mem>>)
        %dma_wait3A = arith.constant 0 : i32
        %dma_wait3A_76 = tpu.memref_slice %arg19[%add3A_18, %dma_wait3A] : memref<10240x64xf32, #tpu.memory_space<vmem_shared>> -> memref<128x64xf32, #tpu.memory_space<vmem_shared>>
        %dma_wait3A_77 = arith.constant 0 : i32
        %dma_wait3A_78 = tpu.memref_slice %arg19[%add3A_18, %dma_wait3A_77] : memref<10240x64xf32, #tpu.memory_space<vmem_shared>> -> memref<128x64xf32, #tpu.memory_space<vmem_shared>>
        tpu.wait_dma2 semaphore(%run_scoped3A_72 : memref<!tpu.dma_semaphore, #tpu.memory_space<semaphore_mem>>) src(%arg17 : memref<128x64xf32, #tpu.memory_space<vmem>>) dst(%dma_wait3A_78 : memref<128x64xf32, #tpu.memory_space<vmem_shared>>)
        tpu.yield
      }) : () -> ()
      %add3A_19 = arith.constant 128 : i32
      %add3A_20 = arith.addi %mul3A_0, %add3A_19 : i32
      "tpu.region"() ({
        %run_scoped3A_72 = tpu.sem_alloc : memref<!tpu.dma_semaphore, #tpu.memory_space<semaphore_mem>>
        %dma_start3A = arith.constant 0 : i32
        %dma_start3A_73 = tpu.memref_slice %arg20[%add3A_20, %dma_start3A] : memref<10240x16xf32, #tpu.memory_space<vmem_shared>> -> memref<128x16xf32, #tpu.memory_space<vmem_shared>>
        %dma_start3A_74 = arith.constant 0 : i32
        %dma_start3A_75 = tpu.memref_slice %arg20[%add3A_20, %dma_start3A_74] : memref<10240x16xf32, #tpu.memory_space<vmem_shared>> -> memref<128x16xf32, #tpu.memory_space<vmem_shared>>
        tpu.enqueue_dma source(%arg18 : memref<128x16xf32, #tpu.memory_space<vmem>>) target(%dma_start3A_75 : memref<128x16xf32, #tpu.memory_space<vmem_shared>>) target_semaphore(%run_scoped3A_72 : memref<!tpu.dma_semaphore, #tpu.memory_space<semaphore_mem>>)
        %dma_wait3A = arith.constant 0 : i32
        %dma_wait3A_76 = tpu.memref_slice %arg20[%add3A_20, %dma_wait3A] : memref<10240x16xf32, #tpu.memory_space<vmem_shared>> -> memref<128x16xf32, #tpu.memory_space<vmem_shared>>
        %dma_wait3A_77 = arith.constant 0 : i32
        %dma_wait3A_78 = tpu.memref_slice %arg20[%add3A_20, %dma_wait3A_77] : memref<10240x16xf32, #tpu.memory_space<vmem_shared>> -> memref<128x16xf32, #tpu.memory_space<vmem_shared>>
        tpu.wait_dma2 semaphore(%run_scoped3A_72 : memref<!tpu.dma_semaphore, #tpu.memory_space<semaphore_mem>>) src(%arg18 : memref<128x16xf32, #tpu.memory_space<vmem>>) dst(%dma_wait3A_78 : memref<128x16xf32, #tpu.memory_space<vmem_shared>>)
        tpu.yield
      }) : () -> ()
      %add3A_21 = arith.constant 256 : i32
      %add3A_22 = arith.addi %mul3A_0, %add3A_21 : i32
      "tpu.region"() ({
        %run_scoped3A_72 = tpu.sem_alloc : memref<!tpu.dma_semaphore, #tpu.memory_space<semaphore_mem>>
        %dma_start3A = arith.constant 0 : i32
        %dma_start3A_73 = tpu.memref_slice %arg19[%add3A_22, %dma_start3A] : memref<10240x64xf32, #tpu.memory_space<vmem_shared>> -> memref<128x64xf32, #tpu.memory_space<vmem_shared>>
        %dma_start3A_74 = arith.constant 0 : i32
        %dma_start3A_75 = tpu.memref_slice %arg19[%add3A_22, %dma_start3A_74] : memref<10240x64xf32, #tpu.memory_space<vmem_shared>> -> memref<128x64xf32, #tpu.memory_space<vmem_shared>>
        tpu.enqueue_dma source(%arg17 : memref<128x64xf32, #tpu.memory_space<vmem>>) target(%dma_start3A_75 : memref<128x64xf32, #tpu.memory_space<vmem_shared>>) target_semaphore(%run_scoped3A_72 : memref<!tpu.dma_semaphore, #tpu.memory_space<semaphore_mem>>)
        %dma_wait3A = arith.constant 0 : i32
        %dma_wait3A_76 = tpu.memref_slice %arg19[%add3A_22, %dma_wait3A] : memref<10240x64xf32, #tpu.memory_space<vmem_shared>> -> memref<128x64xf32, #tpu.memory_space<vmem_shared>>
        %dma_wait3A_77 = arith.constant 0 : i32
        %dma_wait3A_78 = tpu.memref_slice %arg19[%add3A_22, %dma_wait3A_77] : memref<10240x64xf32, #tpu.memory_space<vmem_shared>> -> memref<128x64xf32, #tpu.memory_space<vmem_shared>>
        tpu.wait_dma2 semaphore(%run_scoped3A_72 : memref<!tpu.dma_semaphore, #tpu.memory_space<semaphore_mem>>) src(%arg17 : memref<128x64xf32, #tpu.memory_space<vmem>>) dst(%dma_wait3A_78 : memref<128x64xf32, #tpu.memory_space<vmem_shared>>)
        tpu.yield
      }) : () -> ()
      %add3A_23 = arith.constant 256 : i32
      %add3A_24 = arith.addi %mul3A_0, %add3A_23 : i32
      "tpu.region"() ({
        %run_scoped3A_72 = tpu.sem_alloc : memref<!tpu.dma_semaphore, #tpu.memory_space<semaphore_mem>>
        %dma_start3A = arith.constant 0 : i32
        %dma_start3A_73 = tpu.memref_slice %arg20[%add3A_24, %dma_start3A] : memref<10240x16xf32, #tpu.memory_space<vmem_shared>> -> memref<128x16xf32, #tpu.memory_space<vmem_shared>>
        %dma_start3A_74 = arith.constant 0 : i32
        %dma_start3A_75 = tpu.memref_slice %arg20[%add3A_24, %dma_start3A_74] : memref<10240x16xf32, #tpu.memory_space<vmem_shared>> -> memref<128x16xf32, #tpu.memory_space<vmem_shared>>
        tpu.enqueue_dma source(%arg18 : memref<128x16xf32, #tpu.memory_space<vmem>>) target(%dma_start3A_75 : memref<128x16xf32, #tpu.memory_space<vmem_shared>>) target_semaphore(%run_scoped3A_72 : memref<!tpu.dma_semaphore, #tpu.memory_space<semaphore_mem>>)
        %dma_wait3A = arith.constant 0 : i32
        %dma_wait3A_76 = tpu.memref_slice %arg20[%add3A_24, %dma_wait3A] : memref<10240x16xf32, #tpu.memory_space<vmem_shared>> -> memref<128x16xf32, #tpu.memory_space<vmem_shared>>
        %dma_wait3A_77 = arith.constant 0 : i32
        %dma_wait3A_78 = tpu.memref_slice %arg20[%add3A_24, %dma_wait3A_77] : memref<10240x16xf32, #tpu.memory_space<vmem_shared>> -> memref<128x16xf32, #tpu.memory_space<vmem_shared>>
        tpu.wait_dma2 semaphore(%run_scoped3A_72 : memref<!tpu.dma_semaphore, #tpu.memory_space<semaphore_mem>>) src(%arg18 : memref<128x16xf32, #tpu.memory_space<vmem>>) dst(%dma_wait3A_78 : memref<128x16xf32, #tpu.memory_space<vmem_shared>>)
        tpu.yield
      }) : () -> ()
      %add3A_25 = arith.constant 384 : i32
      %add3A_26 = arith.addi %mul3A_0, %add3A_25 : i32
      "tpu.region"() ({
        %run_scoped3A_72 = tpu.sem_alloc : memref<!tpu.dma_semaphore, #tpu.memory_space<semaphore_mem>>
        %dma_start3A = arith.constant 0 : i32
        %dma_start3A_73 = tpu.memref_slice %arg19[%add3A_26, %dma_start3A] : memref<10240x64xf32, #tpu.memory_space<vmem_shared>> -> memref<128x64xf32, #tpu.memory_space<vmem_shared>>
        %dma_start3A_74 = arith.constant 0 : i32
        %dma_start3A_75 = tpu.memref_slice %arg19[%add3A_26, %dma_start3A_74] : memref<10240x64xf32, #tpu.memory_space<vmem_shared>> -> memref<128x64xf32, #tpu.memory_space<vmem_shared>>
        tpu.enqueue_dma source(%arg17 : memref<128x64xf32, #tpu.memory_space<vmem>>) target(%dma_start3A_75 : memref<128x64xf32, #tpu.memory_space<vmem_shared>>) target_semaphore(%run_scoped3A_72 : memref<!tpu.dma_semaphore, #tpu.memory_space<semaphore_mem>>)
        %dma_wait3A = arith.constant 0 : i32
        %dma_wait3A_76 = tpu.memref_slice %arg19[%add3A_26, %dma_wait3A] : memref<10240x64xf32, #tpu.memory_space<vmem_shared>> -> memref<128x64xf32, #tpu.memory_space<vmem_shared>>
        %dma_wait3A_77 = arith.constant 0 : i32
        %dma_wait3A_78 = tpu.memref_slice %arg19[%add3A_26, %dma_wait3A_77] : memref<10240x64xf32, #tpu.memory_space<vmem_shared>> -> memref<128x64xf32, #tpu.memory_space<vmem_shared>>
        tpu.wait_dma2 semaphore(%run_scoped3A_72 : memref<!tpu.dma_semaphore, #tpu.memory_space<semaphore_mem>>) src(%arg17 : memref<128x64xf32, #tpu.memory_space<vmem>>) dst(%dma_wait3A_78 : memref<128x64xf32, #tpu.memory_space<vmem_shared>>)
        tpu.yield
      }) : () -> ()
      %add3A_27 = arith.constant 384 : i32
      %add3A_28 = arith.addi %mul3A_0, %add3A_27 : i32
      "tpu.region"() ({
        %run_scoped3A_72 = tpu.sem_alloc : memref<!tpu.dma_semaphore, #tpu.memory_space<semaphore_mem>>
        %dma_start3A = arith.constant 0 : i32
        %dma_start3A_73 = tpu.memref_slice %arg20[%add3A_28, %dma_start3A] : memref<10240x16xf32, #tpu.memory_space<vmem_shared>> -> memref<128x16xf32, #tpu.memory_space<vmem_shared>>
        %dma_start3A_74 = arith.constant 0 : i32
        %dma_start3A_75 = tpu.memref_slice %arg20[%add3A_28, %dma_start3A_74] : memref<10240x16xf32, #tpu.memory_space<vmem_shared>> -> memref<128x16xf32, #tpu.memory_space<vmem_shared>>
        tpu.enqueue_dma source(%arg18 : memref<128x16xf32, #tpu.memory_space<vmem>>) target(%dma_start3A_75 : memref<128x16xf32, #tpu.memory_space<vmem_shared>>) target_semaphore(%run_scoped3A_72 : memref<!tpu.dma_semaphore, #tpu.memory_space<semaphore_mem>>)
        %dma_wait3A = arith.constant 0 : i32
        %dma_wait3A_76 = tpu.memref_slice %arg20[%add3A_28, %dma_wait3A] : memref<10240x16xf32, #tpu.memory_space<vmem_shared>> -> memref<128x16xf32, #tpu.memory_space<vmem_shared>>
        %dma_wait3A_77 = arith.constant 0 : i32
        %dma_wait3A_78 = tpu.memref_slice %arg20[%add3A_28, %dma_wait3A_77] : memref<10240x16xf32, #tpu.memory_space<vmem_shared>> -> memref<128x16xf32, #tpu.memory_space<vmem_shared>>
        tpu.wait_dma2 semaphore(%run_scoped3A_72 : memref<!tpu.dma_semaphore, #tpu.memory_space<semaphore_mem>>) src(%arg18 : memref<128x16xf32, #tpu.memory_space<vmem>>) dst(%dma_wait3A_78 : memref<128x16xf32, #tpu.memory_space<vmem_shared>>)
        tpu.yield
      }) : () -> ()
      %add3A_29 = arith.constant 512 : i32
      %add3A_30 = arith.addi %mul3A_0, %add3A_29 : i32
      "tpu.region"() ({
        %run_scoped3A_72 = tpu.sem_alloc : memref<!tpu.dma_semaphore, #tpu.memory_space<semaphore_mem>>
        %dma_start3A = arith.constant 0 : i32
        %dma_start3A_73 = tpu.memref_slice %arg19[%add3A_30, %dma_start3A] : memref<10240x64xf32, #tpu.memory_space<vmem_shared>> -> memref<128x64xf32, #tpu.memory_space<vmem_shared>>
        %dma_start3A_74 = arith.constant 0 : i32
        %dma_start3A_75 = tpu.memref_slice %arg19[%add3A_30, %dma_start3A_74] : memref<10240x64xf32, #tpu.memory_space<vmem_shared>> -> memref<128x64xf32, #tpu.memory_space<vmem_shared>>
        tpu.enqueue_dma source(%arg17 : memref<128x64xf32, #tpu.memory_space<vmem>>) target(%dma_start3A_75 : memref<128x64xf32, #tpu.memory_space<vmem_shared>>) target_semaphore(%run_scoped3A_72 : memref<!tpu.dma_semaphore, #tpu.memory_space<semaphore_mem>>)
        %dma_wait3A = arith.constant 0 : i32
        %dma_wait3A_76 = tpu.memref_slice %arg19[%add3A_30, %dma_wait3A] : memref<10240x64xf32, #tpu.memory_space<vmem_shared>> -> memref<128x64xf32, #tpu.memory_space<vmem_shared>>
        %dma_wait3A_77 = arith.constant 0 : i32
        %dma_wait3A_78 = tpu.memref_slice %arg19[%add3A_30, %dma_wait3A_77] : memref<10240x64xf32, #tpu.memory_space<vmem_shared>> -> memref<128x64xf32, #tpu.memory_space<vmem_shared>>
        tpu.wait_dma2 semaphore(%run_scoped3A_72 : memref<!tpu.dma_semaphore, #tpu.memory_space<semaphore_mem>>) src(%arg17 : memref<128x64xf32, #tpu.memory_space<vmem>>) dst(%dma_wait3A_78 : memref<128x64xf32, #tpu.memory_space<vmem_shared>>)
        tpu.yield
      }) : () -> ()
      %add3A_31 = arith.constant 512 : i32
      %add3A_32 = arith.addi %mul3A_0, %add3A_31 : i32
      "tpu.region"() ({
        %run_scoped3A_72 = tpu.sem_alloc : memref<!tpu.dma_semaphore, #tpu.memory_space<semaphore_mem>>
        %dma_start3A = arith.constant 0 : i32
        %dma_start3A_73 = tpu.memref_slice %arg20[%add3A_32, %dma_start3A] : memref<10240x16xf32, #tpu.memory_space<vmem_shared>> -> memref<128x16xf32, #tpu.memory_space<vmem_shared>>
        %dma_start3A_74 = arith.constant 0 : i32
        %dma_start3A_75 = tpu.memref_slice %arg20[%add3A_32, %dma_start3A_74] : memref<10240x16xf32, #tpu.memory_space<vmem_shared>> -> memref<128x16xf32, #tpu.memory_space<vmem_shared>>
        tpu.enqueue_dma source(%arg18 : memref<128x16xf32, #tpu.memory_space<vmem>>) target(%dma_start3A_75 : memref<128x16xf32, #tpu.memory_space<vmem_shared>>) target_semaphore(%run_scoped3A_72 : memref<!tpu.dma_semaphore, #tpu.memory_space<semaphore_mem>>)
        %dma_wait3A = arith.constant 0 : i32
        %dma_wait3A_76 = tpu.memref_slice %arg20[%add3A_32, %dma_wait3A] : memref<10240x16xf32, #tpu.memory_space<vmem_shared>> -> memref<128x16xf32, #tpu.memory_space<vmem_shared>>
        %dma_wait3A_77 = arith.constant 0 : i32
        %dma_wait3A_78 = tpu.memref_slice %arg20[%add3A_32, %dma_wait3A_77] : memref<10240x16xf32, #tpu.memory_space<vmem_shared>> -> memref<128x16xf32, #tpu.memory_space<vmem_shared>>
        tpu.wait_dma2 semaphore(%run_scoped3A_72 : memref<!tpu.dma_semaphore, #tpu.memory_space<semaphore_mem>>) src(%arg18 : memref<128x16xf32, #tpu.memory_space<vmem>>) dst(%dma_wait3A_78 : memref<128x16xf32, #tpu.memory_space<vmem_shared>>)
        tpu.yield
      }) : () -> ()
      %barrier3A = arith.constant 0 : index
      tpu.barrier barrier_id(%barrier3A)
      %scan3A_33 = arith.constant 1 : i32
      %scan3A_34 = arith.constant 0 : i32
      %scan3A_35 = arith.constant 1 : i32
      %scan3A_36 = arith.constant 0 : i32
      %scan3A_37 = arith.constant 0 : i32
      %scan3A_38 = arith.constant 157 : i32
      %scan3A_39 = arith.addi %scan3A_37, %scan3A_38 : i32
      %scan3A_40 = arith.constant 1 : i32
      %scan3A_41 = scf.for %scan3A_72 = %scan3A_37 to %scan3A_39 step %scan3A_40 iter_args(%scan3A_73 = %scan3A_36) -> (i32)  : i32 {
        %dma_start3A = arith.constant 0 : i32
        %dma_start3A_74 = tpu.memref_slice %arg11[%scan3A_72, %dma_start3A] : memref<157x128xi32, #tpu.memory_space<vmem>> -> memref<1x128xi32, #tpu.memory_space<vmem>>
        %dma_start3A_75 = tpu.memref_squeeze %dma_start3A_74 : memref<1x128xi32, #tpu.memory_space<vmem>> -> memref<128xi32, #tpu.memory_space<vmem>>
        %dma_start3A_76 = arith.constant 0 : i32
        %dma_start3A_77 = arith.constant 0 : i32
        %dma_start3A_78 = tpu.memref_slice %arg3[%scan3A_33, %dma_start3A_76, %dma_start3A_77] : memref<2x10240x16xf32, #tpu.memory_space<hbm>> -> memref<1x10240x16xf32, #tpu.memory_space<hbm>>
        %dma_start3A_79 = tpu.memref_squeeze %dma_start3A_78 : memref<1x10240x16xf32, #tpu.memory_space<hbm>> -> memref<10240x16xf32, #tpu.memory_space<hbm>>
        %dma_start3A_80 = arith.constant 0 : i32
        %dma_start3A_81 = arith.constant 0 : i32
        %dma_start3A_82 = tpu.memref_slice %dma_start3A_79[%dma_start3A_80, %dma_start3A_81] : memref<10240x16xf32, #tpu.memory_space<hbm>> -> memref<10240x16xf32, #tpu.memory_space<hbm>>
        tpu.enqueue_indirect_dma source(%dma_start3A_82 : memref<10240x16xf32, #tpu.memory_space<hbm>>) target(%arg13 : memref<128x16xf32, #tpu.memory_space<vmem>>) offsets(%dma_start3A_75 : memref<128xi32, #tpu.memory_space<vmem>>) semaphore(%arg21 : memref<!tpu.dma_semaphore, #tpu.memory_space<semaphore_mem>>)
        %dma_start3A_83 = arith.constant 0 : i32
        %dma_start3A_84 = tpu.memref_slice %arg12[%scan3A_72, %dma_start3A_83] : memref<157x128xi32, #tpu.memory_space<vmem>> -> memref<1x128xi32, #tpu.memory_space<vmem>>
        %dma_start3A_85 = tpu.memref_squeeze %dma_start3A_84 : memref<1x128xi32, #tpu.memory_space<vmem>> -> memref<128xi32, #tpu.memory_space<vmem>>
        %dma_start3A_86 = arith.constant 0 : i32
        %dma_start3A_87 = arith.constant 0 : i32
        %dma_start3A_88 = tpu.memref_slice %arg4[%scan3A_34, %dma_start3A_86, %dma_start3A_87] : memref<2x10240x16xf32, #tpu.memory_space<hbm>> -> memref<1x10240x16xf32, #tpu.memory_space<hbm>>
        %dma_start3A_89 = tpu.memref_squeeze %dma_start3A_88 : memref<1x10240x16xf32, #tpu.memory_space<hbm>> -> memref<10240x16xf32, #tpu.memory_space<hbm>>
        %dma_start3A_90 = arith.constant 0 : i32
        %dma_start3A_91 = arith.constant 0 : i32
        %dma_start3A_92 = tpu.memref_slice %dma_start3A_89[%dma_start3A_90, %dma_start3A_91] : memref<10240x16xf32, #tpu.memory_space<hbm>> -> memref<10240x16xf32, #tpu.memory_space<hbm>>
        tpu.enqueue_indirect_dma source(%dma_start3A_92 : memref<10240x16xf32, #tpu.memory_space<hbm>>) target(%arg14 : memref<128x16xf32, #tpu.memory_space<vmem>>) offsets(%dma_start3A_85 : memref<128xi32, #tpu.memory_space<vmem>>) semaphore(%arg21 : memref<!tpu.dma_semaphore, #tpu.memory_space<semaphore_mem>>)
        %dma_start3A_93 = arith.constant 0 : i32
        %dma_start3A_94 = arith.constant 0 : i32
        %dma_start3A_95 = tpu.memref_slice %arg11[%scan3A_72, %dma_start3A_94] : memref<157x128xi32, #tpu.memory_space<vmem>> -> memref<1x128xi32, #tpu.memory_space<vmem>>
        %dma_start3A_96 = tpu.memref_squeeze %dma_start3A_95 : memref<1x128xi32, #tpu.memory_space<vmem>> -> memref<128xi32, #tpu.memory_space<vmem>>
        %dma_start3A_97 = arith.constant 0 : i32
        %dma_start3A_98 = arith.constant 0 : i32
        %dma_start3A_99 = arith.constant 0 : i32
        %dma_start3A_100 = tpu.memref_slice %arg2[%scan3A_35, %dma_start3A_97, %dma_start3A_98, %dma_start3A_99] : memref<2x2x10240x64xf32, #tpu.memory_space<hbm>> -> memref<1x2x10240x64xf32, #tpu.memory_space<hbm>>
        %dma_start3A_101 = tpu.memref_squeeze %dma_start3A_100 : memref<1x2x10240x64xf32, #tpu.memory_space<hbm>> -> memref<2x10240x64xf32, #tpu.memory_space<hbm>>
        %dma_start3A_102 = arith.constant 0 : i32
        %dma_start3A_103 = arith.constant 0 : i32
        %dma_start3A_104 = tpu.memref_slice %dma_start3A_101[%dma_start3A_93, %dma_start3A_102, %dma_start3A_103] : memref<2x10240x64xf32, #tpu.memory_space<hbm>> -> memref<1x10240x64xf32, #tpu.memory_space<hbm>>
        %dma_start3A_105 = tpu.memref_squeeze %dma_start3A_104 : memref<1x10240x64xf32, #tpu.memory_space<hbm>> -> memref<10240x64xf32, #tpu.memory_space<hbm>>
        %dma_start3A_106 = arith.constant 0 : i32
        %dma_start3A_107 = arith.constant 0 : i32
        %dma_start3A_108 = tpu.memref_slice %dma_start3A_105[%dma_start3A_106, %dma_start3A_107] : memref<10240x64xf32, #tpu.memory_space<hbm>> -> memref<10240x64xf32, #tpu.memory_space<hbm>>
        tpu.enqueue_indirect_dma source(%dma_start3A_108 : memref<10240x64xf32, #tpu.memory_space<hbm>>) target(%arg15 : memref<128x64xf32, #tpu.memory_space<vmem>>) offsets(%dma_start3A_96 : memref<128xi32, #tpu.memory_space<vmem>>) semaphore(%arg21 : memref<!tpu.dma_semaphore, #tpu.memory_space<semaphore_mem>>)
        %dma_wait3A = arith.constant 0 : i32
        %dma_wait3A_109 = tpu.memref_slice %arg11[%scan3A_72, %dma_wait3A] : memref<157x128xi32, #tpu.memory_space<vmem>> -> memref<1x128xi32, #tpu.memory_space<vmem>>
        %dma_wait3A_110 = tpu.memref_squeeze %dma_wait3A_109 : memref<1x128xi32, #tpu.memory_space<vmem>> -> memref<128xi32, #tpu.memory_space<vmem>>
        %dma_wait3A_111 = arith.constant 0 : i32
        %dma_wait3A_112 = arith.constant 0 : i32
        %dma_wait3A_113 = tpu.memref_slice %arg3[%scan3A_33, %dma_wait3A_111, %dma_wait3A_112] : memref<2x10240x16xf32, #tpu.memory_space<hbm>> -> memref<1x10240x16xf32, #tpu.memory_space<hbm>>
        %dma_wait3A_114 = tpu.memref_squeeze %dma_wait3A_113 : memref<1x10240x16xf32, #tpu.memory_space<hbm>> -> memref<10240x16xf32, #tpu.memory_space<hbm>>
        %dma_wait3A_115 = arith.constant 0 : i32
        %dma_wait3A_116 = arith.constant 0 : i32
        %dma_wait3A_117 = tpu.memref_slice %dma_wait3A_114[%dma_wait3A_115, %dma_wait3A_116] : memref<10240x16xf32, #tpu.memory_space<hbm>> -> memref<10240x16xf32, #tpu.memory_space<hbm>>
        tpu.wait_indirect_dma semaphore(%arg21 : memref<!tpu.dma_semaphore, #tpu.memory_space<semaphore_mem>>) src(%dma_wait3A_117 : memref<10240x16xf32, #tpu.memory_space<hbm>>) dst(%arg13 : memref<128x16xf32, #tpu.memory_space<vmem>>)
        %dma_wait3A_118 = arith.constant 0 : i32
        %dma_wait3A_119 = tpu.memref_slice %arg12[%scan3A_72, %dma_wait3A_118] : memref<157x128xi32, #tpu.memory_space<vmem>> -> memref<1x128xi32, #tpu.memory_space<vmem>>
        %dma_wait3A_120 = tpu.memref_squeeze %dma_wait3A_119 : memref<1x128xi32, #tpu.memory_space<vmem>> -> memref<128xi32, #tpu.memory_space<vmem>>
        %dma_wait3A_121 = arith.constant 0 : i32
        %dma_wait3A_122 = arith.constant 0 : i32
        %dma_wait3A_123 = tpu.memref_slice %arg4[%scan3A_34, %dma_wait3A_121, %dma_wait3A_122] : memref<2x10240x16xf32, #tpu.memory_space<hbm>> -> memref<1x10240x16xf32, #tpu.memory_space<hbm>>
        %dma_wait3A_124 = tpu.memref_squeeze %dma_wait3A_123 : memref<1x10240x16xf32, #tpu.memory_space<hbm>> -> memref<10240x16xf32, #tpu.memory_space<hbm>>
        %dma_wait3A_125 = arith.constant 0 : i32
        %dma_wait3A_126 = arith.constant 0 : i32
        %dma_wait3A_127 = tpu.memref_slice %dma_wait3A_124[%dma_wait3A_125, %dma_wait3A_126] : memref<10240x16xf32, #tpu.memory_space<hbm>> -> memref<10240x16xf32, #tpu.memory_space<hbm>>
        tpu.wait_indirect_dma semaphore(%arg21 : memref<!tpu.dma_semaphore, #tpu.memory_space<semaphore_mem>>) src(%dma_wait3A_127 : memref<10240x16xf32, #tpu.memory_space<hbm>>) dst(%arg14 : memref<128x16xf32, #tpu.memory_space<vmem>>)
        %dma_wait3A_128 = arith.constant 0 : i32
        %dma_wait3A_129 = arith.constant 0 : i32
        %dma_wait3A_130 = tpu.memref_slice %arg11[%scan3A_72, %dma_wait3A_129] : memref<157x128xi32, #tpu.memory_space<vmem>> -> memref<1x128xi32, #tpu.memory_space<vmem>>
        %dma_wait3A_131 = tpu.memref_squeeze %dma_wait3A_130 : memref<1x128xi32, #tpu.memory_space<vmem>> -> memref<128xi32, #tpu.memory_space<vmem>>
        %dma_wait3A_132 = arith.constant 0 : i32
        %dma_wait3A_133 = arith.constant 0 : i32
        %dma_wait3A_134 = arith.constant 0 : i32
        %dma_wait3A_135 = tpu.memref_slice %arg2[%scan3A_35, %dma_wait3A_132, %dma_wait3A_133, %dma_wait3A_134] : memref<2x2x10240x64xf32, #tpu.memory_space<hbm>> -> memref<1x2x10240x64xf32, #tpu.memory_space<hbm>>
        %dma_wait3A_136 = tpu.memref_squeeze %dma_wait3A_135 : memref<1x2x10240x64xf32, #tpu.memory_space<hbm>> -> memref<2x10240x64xf32, #tpu.memory_space<hbm>>
        %dma_wait3A_137 = arith.constant 0 : i32
        %dma_wait3A_138 = arith.constant 0 : i32
        %dma_wait3A_139 = tpu.memref_slice %dma_wait3A_136[%dma_wait3A_128, %dma_wait3A_137, %dma_wait3A_138] : memref<2x10240x64xf32, #tpu.memory_space<hbm>> -> memref<1x10240x64xf32, #tpu.memory_space<hbm>>
        %dma_wait3A_140 = tpu.memref_squeeze %dma_wait3A_139 : memref<1x10240x64xf32, #tpu.memory_space<hbm>> -> memref<10240x64xf32, #tpu.memory_space<hbm>>
        %dma_wait3A_141 = arith.constant 0 : i32
        %dma_wait3A_142 = arith.constant 0 : i32
        %dma_wait3A_143 = tpu.memref_slice %dma_wait3A_140[%dma_wait3A_141, %dma_wait3A_142] : memref<10240x64xf32, #tpu.memory_space<hbm>> -> memref<10240x64xf32, #tpu.memory_space<hbm>>
        tpu.wait_indirect_dma semaphore(%arg21 : memref<!tpu.dma_semaphore, #tpu.memory_space<semaphore_mem>>) src(%dma_wait3A_143 : memref<10240x64xf32, #tpu.memory_space<hbm>>) dst(%arg15 : memref<128x64xf32, #tpu.memory_space<vmem>>)
        %scan3A_144 = arith.constant 0 : i32
        %scan3A_145 = arith.constant 0 : i32
        %scan3A_146 = arith.constant 128 : i32
        %scan3A_147 = arith.addi %scan3A_145, %scan3A_146 : i32
        %scan3A_148 = arith.constant 1 : i32
        %scan3A_149 = scf.for %scan3A_152 = %scan3A_145 to %scan3A_147 step %scan3A_148 iter_args(%scan3A_153 = %scan3A_144) -> (i32)  : i32 {
          %get3A = arith.index_cast %scan3A_152 : i32 to index
          %get3A_154 = arith.constant 0 : index
          %get3A_155 = tpu.vector_load %arg13[%get3A, %get3A_154] {strides = array<i32>} : memref<128x16xf32, #tpu.memory_space<vmem>>, vector<1x16xf32>,
          %get3A_156 = vector.shape_cast %get3A_155 : vector<1x16xf32> to vector<16xf32>
          %get3A_157 = arith.index_cast %scan3A_152 : i32 to index
          %get3A_158 = arith.constant 0 : index
          %get3A_159 = tpu.vector_load %arg14[%get3A_157, %get3A_158] {strides = array<i32>} : memref<128x16xf32, #tpu.memory_space<vmem>>, vector<1x16xf32>,
          %get3A_160 = vector.shape_cast %get3A_159 : vector<1x16xf32> to vector<16xf32>
          %add3A_161 = arith.addf %get3A_156, %get3A_160 : vector<16xf32>
          %mul3A_162 = arith.constant 2.000000e-01 : f32
          %mul3A_163 = vector.broadcast %mul3A_162 : f32 to vector<16xf32>
          %mul3A_164 = arith.mulf %mul3A_163, %add3A_161 : vector<16xf32>
          %max3A = arith.maximumf %add3A_161, %mul3A_164 : vector<16xf32>
          %exp3A = math.exp %max3A : vector<16xf32>
          %swap3A = arith.index_cast %scan3A_152 : i32 to index
          %swap3A_165 = arith.constant 0 : index
          %swap3A_166 = tpu.vector_load %arg16[%swap3A, %swap3A_165] {strides = array<i32>} : memref<128x16xf32, #tpu.memory_space<vmem>>, vector<1x16xf32>,
          %swap3A_167 = vector.shape_cast %swap3A_166 : vector<1x16xf32> to vector<16xf32>
          %swap3A_168 = vector.shape_cast %exp3A : vector<16xf32> to vector<1x16xf32>
          tpu.vector_store %arg16[%swap3A, %swap3A_165], %swap3A_168 {strides = array<i32>} : memref<128x16xf32, #tpu.memory_space<vmem>>, vector<1x16xf32>,
          %get3A_169 = arith.index_cast %scan3A_152 : i32 to index
          %get3A_170 = arith.constant 0 : index
          %get3A_171 = tpu.vector_load %arg15[%get3A_169, %get3A_170] {strides = array<i32>} : memref<128x64xf32, #tpu.memory_space<vmem>>, vector<1x16xf32>,
          %get3A_172 = vector.shape_cast %get3A_171 : vector<1x16xf32> to vector<16xf32>
          %slice3A = vector.extract_strided_slice %exp3A {offsets = [0], sizes = [1], strides = [1]} : vector<16xf32> to vector<1xf32>
          %squeeze3A = vector.extract %slice3A[0] : f32 from vector<1xf32>
          %mul3A_173 = vector.broadcast %squeeze3A : f32 to vector<16xf32>
          %mul3A_174 = arith.mulf %get3A_172, %mul3A_173 : vector<16xf32>
          %swap3A_175 = arith.index_cast %scan3A_152 : i32 to index
          %swap3A_176 = arith.constant 0 : index
          %swap3A_177 = tpu.vector_load %arg15[%swap3A_175, %swap3A_176] {strides = array<i32>} : memref<128x64xf32, #tpu.memory_space<vmem>>, vector<1x16xf32>,
          %swap3A_178 = vector.shape_cast %swap3A_177 : vector<1x16xf32> to vector<16xf32>
          %swap3A_179 = vector.shape_cast %mul3A_174 : vector<16xf32> to vector<1x16xf32>
          tpu.vector_store %arg15[%swap3A_175, %swap3A_176], %swap3A_179 {strides = array<i32>} : memref<128x64xf32, #tpu.memory_space<vmem>>, vector<1x16xf32>,
          %get3A_180 = arith.index_cast %scan3A_152 : i32 to index
          %get3A_181 = arith.constant 16 : index
          %get3A_182 = tpu.vector_load %arg15[%get3A_180, %get3A_181] {strides = array<i32>} : memref<128x64xf32, #tpu.memory_space<vmem>>, vector<1x16xf32>,
          %get3A_183 = vector.shape_cast %get3A_182 : vector<1x16xf32> to vector<16xf32>
          %slice3A_184 = vector.extract_strided_slice %exp3A {offsets = [1], sizes = [1], strides = [1]} : vector<16xf32> to vector<1xf32>
          %squeeze3A_185 = vector.extract %slice3A_184[0] : f32 from vector<1xf32>
          %mul3A_186 = vector.broadcast %squeeze3A_185 : f32 to vector<16xf32>
          %mul3A_187 = arith.mulf %get3A_183, %mul3A_186 : vector<16xf32>
          %swap3A_188 = arith.index_cast %scan3A_152 : i32 to index
          %swap3A_189 = arith.constant 16 : index
          %swap3A_190 = tpu.vector_load %arg15[%swap3A_188, %swap3A_189] {strides = array<i32>} : memref<128x64xf32, #tpu.memory_space<vmem>>, vector<1x16xf32>,
          %swap3A_191 = vector.shape_cast %swap3A_190 : vector<1x16xf32> to vector<16xf32>
          %swap3A_192 = vector.shape_cast %mul3A_187 : vector<16xf32> to vector<1x16xf32>
          tpu.vector_store %arg15[%swap3A_188, %swap3A_189], %swap3A_192 {strides = array<i32>} : memref<128x64xf32, #tpu.memory_space<vmem>>, vector<1x16xf32>,
          %get3A_193 = arith.index_cast %scan3A_152 : i32 to index
          %get3A_194 = arith.constant 32 : index
          %get3A_195 = tpu.vector_load %arg15[%get3A_193, %get3A_194] {strides = array<i32>} : memref<128x64xf32, #tpu.memory_space<vmem>>, vector<1x16xf32>,
          %get3A_196 = vector.shape_cast %get3A_195 : vector<1x16xf32> to vector<16xf32>
          %slice3A_197 = vector.extract_strided_slice %exp3A {offsets = [2], sizes = [1], strides = [1]} : vector<16xf32> to vector<1xf32>
          %squeeze3A_198 = vector.extract %slice3A_197[0] : f32 from vector<1xf32>
          %mul3A_199 = vector.broadcast %squeeze3A_198 : f32 to vector<16xf32>
          %mul3A_200 = arith.mulf %get3A_196, %mul3A_199 : vector<16xf32>
          %swap3A_201 = arith.index_cast %scan3A_152 : i32 to index
          %swap3A_202 = arith.constant 32 : index
          %swap3A_203 = tpu.vector_load %arg15[%swap3A_201, %swap3A_202] {strides = array<i32>} : memref<128x64xf32, #tpu.memory_space<vmem>>, vector<1x16xf32>,
          %swap3A_204 = vector.shape_cast %swap3A_203 : vector<1x16xf32> to vector<16xf32>
          %swap3A_205 = vector.shape_cast %mul3A_200 : vector<16xf32> to vector<1x16xf32>
          tpu.vector_store %arg15[%swap3A_201, %swap3A_202], %swap3A_205 {strides = array<i32>} : memref<128x64xf32, #tpu.memory_space<vmem>>, vector<1x16xf32>,
          %get3A_206 = arith.index_cast %scan3A_152 : i32 to index
          %get3A_207 = arith.constant 48 : index
          %get3A_208 = tpu.vector_load %arg15[%get3A_206, %get3A_207] {strides = array<i32>} : memref<128x64xf32, #tpu.memory_space<vmem>>, vector<1x16xf32>,
          %get3A_209 = vector.shape_cast %get3A_208 : vector<1x16xf32> to vector<16xf32>
          %slice3A_210 = vector.extract_strided_slice %exp3A {offsets = [3], sizes = [1], strides = [1]} : vector<16xf32> to vector<1xf32>
          %squeeze3A_211 = vector.extract %slice3A_210[0] : f32 from vector<1xf32>
          %mul3A_212 = vector.broadcast %squeeze3A_211 : f32 to vector<16xf32>
          %mul3A_213 = arith.mulf %get3A_209, %mul3A_212 : vector<16xf32>
          %swap3A_214 = arith.index_cast %scan3A_152 : i32 to index
          %swap3A_215 = arith.constant 48 : index
          %swap3A_216 = tpu.vector_load %arg15[%swap3A_214, %swap3A_215] {strides = array<i32>} : memref<128x64xf32, #tpu.memory_space<vmem>>, vector<1x16xf32>,
          %swap3A_217 = vector.shape_cast %swap3A_216 : vector<1x16xf32> to vector<16xf32>
          %swap3A_218 = vector.shape_cast %mul3A_213 : vector<16xf32> to vector<1x16xf32>
          tpu.vector_store %arg15[%swap3A_214, %swap3A_215], %swap3A_218 {strides = array<i32>} : memref<128x64xf32, #tpu.memory_space<vmem>>, vector<1x16xf32>,
          %scan3A_219 = arith.constant 0 : i32
          scf.yield %scan3A_219 : i32
        }
        %scan3A_150 = arith.constant 128 : i32
        "tpu.region"() ({
          %run_scoped3A_152 = tpu.sem_alloc : memref<!tpu.dma_semaphore, #tpu.memory_space<semaphore_mem>>
          %dma_start3A_153 = arith.constant 0 : i32
          %dma_start3A_154 = tpu.memref_slice %arg12[%scan3A_72, %dma_start3A_153] : memref<157x128xi32, #tpu.memory_space<vmem>> -> memref<1x128xi32, #tpu.memory_space<vmem>>
          %dma_start3A_155 = tpu.memref_squeeze %dma_start3A_154 : memref<1x128xi32, #tpu.memory_space<vmem>> -> memref<128xi32, #tpu.memory_space<vmem>>
          %dma_start3A_156 = arith.constant 0 : i32
          %dma_start3A_157 = arith.constant 0 : i32
          %dma_start3A_158 = tpu.memref_slice %arg20[%dma_start3A_156, %dma_start3A_157] : memref<10240x16xf32, #tpu.memory_space<vmem_shared>> -> memref<10240x16xf32, #tpu.memory_space<vmem_shared>>
          tpu.enqueue_indirect_dma source(%arg16 : memref<128x16xf32, #tpu.memory_space<vmem>>) target(%dma_start3A_158 : memref<10240x16xf32, #tpu.memory_space<vmem_shared>>) offsets(%dma_start3A_155 : memref<128xi32, #tpu.memory_space<vmem>>) semaphore(%run_scoped3A_152 : memref<!tpu.dma_semaphore, #tpu.memory_space<semaphore_mem>>) {add = true}
          %dma_wait3A_159 = arith.constant 0 : i32
          %dma_wait3A_160 = tpu.memref_slice %arg12[%scan3A_72, %dma_wait3A_159] : memref<157x128xi32, #tpu.memory_space<vmem>> -> memref<1x128xi32, #tpu.memory_space<vmem>>
          %dma_wait3A_161 = tpu.memref_squeeze %dma_wait3A_160 : memref<1x128xi32, #tpu.memory_space<vmem>> -> memref<128xi32, #tpu.memory_space<vmem>>
          %dma_wait3A_162 = arith.constant 0 : i32
          %dma_wait3A_163 = arith.constant 0 : i32
          %dma_wait3A_164 = tpu.memref_slice %arg20[%dma_wait3A_162, %dma_wait3A_163] : memref<10240x16xf32, #tpu.memory_space<vmem_shared>> -> memref<10240x16xf32, #tpu.memory_space<vmem_shared>>
          tpu.wait_indirect_dma semaphore(%run_scoped3A_152 : memref<!tpu.dma_semaphore, #tpu.memory_space<semaphore_mem>>) src(%arg16 : memref<128x16xf32, #tpu.memory_space<vmem>>) dst(%dma_wait3A_164 : memref<10240x16xf32, #tpu.memory_space<vmem_shared>>)
          tpu.yield
        }) : () -> ()
        "tpu.region"() ({
          %run_scoped3A_152 = tpu.sem_alloc : memref<!tpu.dma_semaphore, #tpu.memory_space<semaphore_mem>>
          %dma_start3A_153 = arith.constant 0 : i32
          %dma_start3A_154 = tpu.memref_slice %arg12[%scan3A_72, %dma_start3A_153] : memref<157x128xi32, #tpu.memory_space<vmem>> -> memref<1x128xi32, #tpu.memory_space<vmem>>
          %dma_start3A_155 = tpu.memref_squeeze %dma_start3A_154 : memref<1x128xi32, #tpu.memory_space<vmem>> -> memref<128xi32, #tpu.memory_space<vmem>>
          %dma_start3A_156 = arith.constant 0 : i32
          %dma_start3A_157 = arith.constant 0 : i32
          %dma_start3A_158 = tpu.memref_slice %arg19[%dma_start3A_156, %dma_start3A_157] : memref<10240x64xf32, #tpu.memory_space<vmem_shared>> -> memref<10240x64xf32, #tpu.memory_space<vmem_shared>>
          tpu.enqueue_indirect_dma source(%arg15 : memref<128x64xf32, #tpu.memory_space<vmem>>) target(%dma_start3A_158 : memref<10240x64xf32, #tpu.memory_space<vmem_shared>>) offsets(%dma_start3A_155 : memref<128xi32, #tpu.memory_space<vmem>>) semaphore(%run_scoped3A_152 : memref<!tpu.dma_semaphore, #tpu.memory_space<semaphore_mem>>) {add = true}
          %dma_wait3A_159 = arith.constant 0 : i32
          %dma_wait3A_160 = tpu.memref_slice %arg12[%scan3A_72, %dma_wait3A_159] : memref<157x128xi32, #tpu.memory_space<vmem>> -> memref<1x128xi32, #tpu.memory_space<vmem>>
          %dma_wait3A_161 = tpu.memref_squeeze %dma_wait3A_160 : memref<1x128xi32, #tpu.memory_space<vmem>> -> memref<128xi32, #tpu.memory_space<vmem>>
          %dma_wait3A_162 = arith.constant 0 : i32
          %dma_wait3A_163 = arith.constant 0 : i32
          %dma_wait3A_164 = tpu.memref_slice %arg19[%dma_wait3A_162, %dma_wait3A_163] : memref<10240x64xf32, #tpu.memory_space<vmem_shared>> -> memref<10240x64xf32, #tpu.memory_space<vmem_shared>>
          tpu.wait_indirect_dma semaphore(%run_scoped3A_152 : memref<!tpu.dma_semaphore, #tpu.memory_space<semaphore_mem>>) src(%arg15 : memref<128x64xf32, #tpu.memory_space<vmem>>) dst(%dma_wait3A_164 : memref<10240x64xf32, #tpu.memory_space<vmem_shared>>)
          tpu.yield
        }) : () -> ()
        %scan3A_151 = arith.constant 0 : i32
        scf.yield %scan3A_151 : i32
      }
      %scan3A_42 = arith.constant 157 : i32
      %barrier3A_43 = arith.constant 0 : index
      tpu.barrier barrier_id(%barrier3A_43)
      %run_scoped3A = arith.constant 1 : i32
      %run_scoped3A_44 = arith.constant 0 : i32
      "tpu.region"() ({
        %run_scoped3A_72 = tpu.sem_alloc : memref<!tpu.dma_semaphore, #tpu.memory_space<semaphore_mem>>
        %dma_start3A = arith.constant 0 : i32
        %dma_start3A_73 = arith.constant 0 : i32
        %dma_start3A_74 = arith.constant 0 : i32
        %dma_start3A_75 = tpu.memref_slice %arg9[%run_scoped3A, %dma_start3A, %dma_start3A_73, %dma_start3A_74] : memref<2x2x10240x64xf32, #tpu.memory_space<hbm>> -> memref<1x2x10240x64xf32, #tpu.memory_space<hbm>>
        %dma_start3A_76 = tpu.memref_squeeze %dma_start3A_75 : memref<1x2x10240x64xf32, #tpu.memory_space<hbm>> -> memref<2x10240x64xf32, #tpu.memory_space<hbm>>
        %dma_start3A_77 = arith.constant 0 : i32
        %dma_start3A_78 = arith.constant 0 : i32
        %dma_start3A_79 = tpu.memref_slice %dma_start3A_76[%run_scoped3A_44, %dma_start3A_77, %dma_start3A_78] : memref<2x10240x64xf32, #tpu.memory_space<hbm>> -> memref<1x10240x64xf32, #tpu.memory_space<hbm>>
        %dma_start3A_80 = tpu.memref_squeeze %dma_start3A_79 : memref<1x10240x64xf32, #tpu.memory_space<hbm>> -> memref<10240x64xf32, #tpu.memory_space<hbm>>
        %dma_start3A_81 = arith.constant 0 : i32
        %dma_start3A_82 = tpu.memref_slice %dma_start3A_80[%mul3A_0, %dma_start3A_81] : memref<10240x64xf32, #tpu.memory_space<hbm>> -> memref<640x64xf32, #tpu.memory_space<hbm>>
        %dma_start3A_83 = arith.constant 0 : i32
        %dma_start3A_84 = tpu.memref_slice %arg19[%mul3A_0, %dma_start3A_83] : memref<10240x64xf32, #tpu.memory_space<vmem_shared>> -> memref<640x64xf32, #tpu.memory_space<vmem_shared>>
        tpu.enqueue_dma source(%dma_start3A_84 : memref<640x64xf32, #tpu.memory_space<vmem_shared>>) target(%dma_start3A_82 : memref<640x64xf32, #tpu.memory_space<hbm>>) target_semaphore(%run_scoped3A_72 : memref<!tpu.dma_semaphore, #tpu.memory_space<semaphore_mem>>)
        %dma_wait3A = arith.constant 0 : i32
        %dma_wait3A_85 = arith.constant 0 : i32
        %dma_wait3A_86 = arith.constant 0 : i32
        %dma_wait3A_87 = tpu.memref_slice %arg9[%run_scoped3A, %dma_wait3A, %dma_wait3A_85, %dma_wait3A_86] : memref<2x2x10240x64xf32, #tpu.memory_space<hbm>> -> memref<1x2x10240x64xf32, #tpu.memory_space<hbm>>
        %dma_wait3A_88 = tpu.memref_squeeze %dma_wait3A_87 : memref<1x2x10240x64xf32, #tpu.memory_space<hbm>> -> memref<2x10240x64xf32, #tpu.memory_space<hbm>>
        %dma_wait3A_89 = arith.constant 0 : i32
        %dma_wait3A_90 = arith.constant 0 : i32
        %dma_wait3A_91 = tpu.memref_slice %dma_wait3A_88[%run_scoped3A_44, %dma_wait3A_89, %dma_wait3A_90] : memref<2x10240x64xf32, #tpu.memory_space<hbm>> -> memref<1x10240x64xf32, #tpu.memory_space<hbm>>
        %dma_wait3A_92 = tpu.memref_squeeze %dma_wait3A_91 : memref<1x10240x64xf32, #tpu.memory_space<hbm>> -> memref<10240x64xf32, #tpu.memory_space<hbm>>
        %dma_wait3A_93 = arith.constant 0 : i32
        %dma_wait3A_94 = tpu.memref_slice %dma_wait3A_92[%mul3A_0, %dma_wait3A_93] : memref<10240x64xf32, #tpu.memory_space<hbm>> -> memref<640x64xf32, #tpu.memory_space<hbm>>
        %dma_wait3A_95 = arith.constant 0 : i32
        %dma_wait3A_96 = tpu.memref_slice %arg19[%mul3A_0, %dma_wait3A_95] : memref<10240x64xf32, #tpu.memory_space<vmem_shared>> -> memref<640x64xf32, #tpu.memory_space<vmem_shared>>
        tpu.wait_dma2 semaphore(%run_scoped3A_72 : memref<!tpu.dma_semaphore, #tpu.memory_space<semaphore_mem>>) src(%dma_wait3A_96 : memref<640x64xf32, #tpu.memory_space<vmem_shared>>) dst(%dma_wait3A_94 : memref<640x64xf32, #tpu.memory_space<hbm>>)
        tpu.yield
      }) : () -> ()
      %run_scoped3A_45 = arith.constant 1 : i32
      "tpu.region"() ({
        %run_scoped3A_72 = tpu.sem_alloc : memref<!tpu.dma_semaphore, #tpu.memory_space<semaphore_mem>>
        %dma_start3A = arith.constant 0 : i32
        %dma_start3A_73 = arith.constant 0 : i32
        %dma_start3A_74 = tpu.memref_slice %arg10[%run_scoped3A_45, %dma_start3A, %dma_start3A_73] : memref<2x10240x16xf32, #tpu.memory_space<hbm>> -> memref<1x10240x16xf32, #tpu.memory_space<hbm>>
        %dma_start3A_75 = tpu.memref_squeeze %dma_start3A_74 : memref<1x10240x16xf32, #tpu.memory_space<hbm>> -> memref<10240x16xf32, #tpu.memory_space<hbm>>
        %dma_start3A_76 = arith.constant 0 : i32
        %dma_start3A_77 = tpu.memref_slice %dma_start3A_75[%mul3A_0, %dma_start3A_76] : memref<10240x16xf32, #tpu.memory_space<hbm>> -> memref<640x16xf32, #tpu.memory_space<hbm>>
        %dma_start3A_78 = arith.constant 0 : i32
        %dma_start3A_79 = tpu.memref_slice %arg20[%mul3A_0, %dma_start3A_78] : memref<10240x16xf32, #tpu.memory_space<vmem_shared>> -> memref<640x16xf32, #tpu.memory_space<vmem_shared>>
        tpu.enqueue_dma source(%dma_start3A_79 : memref<640x16xf32, #tpu.memory_space<vmem_shared>>) target(%dma_start3A_77 : memref<640x16xf32, #tpu.memory_space<hbm>>) target_semaphore(%run_scoped3A_72 : memref<!tpu.dma_semaphore, #tpu.memory_space<semaphore_mem>>)
        %dma_wait3A = arith.constant 0 : i32
        %dma_wait3A_80 = arith.constant 0 : i32
        %dma_wait3A_81 = tpu.memref_slice %arg10[%run_scoped3A_45, %dma_wait3A, %dma_wait3A_80] : memref<2x10240x16xf32, #tpu.memory_space<hbm>> -> memref<1x10240x16xf32, #tpu.memory_space<hbm>>
        %dma_wait3A_82 = tpu.memref_squeeze %dma_wait3A_81 : memref<1x10240x16xf32, #tpu.memory_space<hbm>> -> memref<10240x16xf32, #tpu.memory_space<hbm>>
        %dma_wait3A_83 = arith.constant 0 : i32
        %dma_wait3A_84 = tpu.memref_slice %dma_wait3A_82[%mul3A_0, %dma_wait3A_83] : memref<10240x16xf32, #tpu.memory_space<hbm>> -> memref<640x16xf32, #tpu.memory_space<hbm>>
        %dma_wait3A_85 = arith.constant 0 : i32
        %dma_wait3A_86 = tpu.memref_slice %arg20[%mul3A_0, %dma_wait3A_85] : memref<10240x16xf32, #tpu.memory_space<vmem_shared>> -> memref<640x16xf32, #tpu.memory_space<vmem_shared>>
        tpu.wait_dma2 semaphore(%run_scoped3A_72 : memref<!tpu.dma_semaphore, #tpu.memory_space<semaphore_mem>>) src(%dma_wait3A_86 : memref<640x16xf32, #tpu.memory_space<vmem_shared>>) dst(%dma_wait3A_84 : memref<640x16xf32, #tpu.memory_space<hbm>>)
        tpu.yield
      }) : () -> ()
      %barrier3A_46 = arith.constant 0 : index
      tpu.barrier barrier_id(%barrier3A_46)
      %add3A_47 = arith.constant 0 : i32
      %add3A_48 = arith.addi %mul3A_0, %add3A_47 : i32
      "tpu.region"() ({
        %run_scoped3A_72 = tpu.sem_alloc : memref<!tpu.dma_semaphore, #tpu.memory_space<semaphore_mem>>
        %dma_start3A = arith.constant 0 : i32
        %dma_start3A_73 = tpu.memref_slice %arg19[%add3A_48, %dma_start3A] : memref<10240x64xf32, #tpu.memory_space<vmem_shared>> -> memref<128x64xf32, #tpu.memory_space<vmem_shared>>
        %dma_start3A_74 = arith.constant 0 : i32
        %dma_start3A_75 = tpu.memref_slice %arg19[%add3A_48, %dma_start3A_74] : memref<10240x64xf32, #tpu.memory_space<vmem_shared>> -> memref<128x64xf32, #tpu.memory_space<vmem_shared>>
        tpu.enqueue_dma source(%arg17 : memref<128x64xf32, #tpu.memory_space<vmem>>) target(%dma_start3A_75 : memref<128x64xf32, #tpu.memory_space<vmem_shared>>) target_semaphore(%run_scoped3A_72 : memref<!tpu.dma_semaphore, #tpu.memory_space<semaphore_mem>>)
        %dma_wait3A = arith.constant 0 : i32
        %dma_wait3A_76 = tpu.memref_slice %arg19[%add3A_48, %dma_wait3A] : memref<10240x64xf32, #tpu.memory_space<vmem_shared>> -> memref<128x64xf32, #tpu.memory_space<vmem_shared>>
        %dma_wait3A_77 = arith.constant 0 : i32
        %dma_wait3A_78 = tpu.memref_slice %arg19[%add3A_48, %dma_wait3A_77] : memref<10240x64xf32, #tpu.memory_space<vmem_shared>> -> memref<128x64xf32, #tpu.memory_space<vmem_shared>>
        tpu.wait_dma2 semaphore(%run_scoped3A_72 : memref<!tpu.dma_semaphore, #tpu.memory_space<semaphore_mem>>) src(%arg17 : memref<128x64xf32, #tpu.memory_space<vmem>>) dst(%dma_wait3A_78 : memref<128x64xf32, #tpu.memory_space<vmem_shared>>)
        tpu.yield
      }) : () -> ()
      %add3A_49 = arith.constant 128 : i32
      %add3A_50 = arith.addi %mul3A_0, %add3A_49 : i32
      "tpu.region"() ({
        %run_scoped3A_72 = tpu.sem_alloc : memref<!tpu.dma_semaphore, #tpu.memory_space<semaphore_mem>>
        %dma_start3A = arith.constant 0 : i32
        %dma_start3A_73 = tpu.memref_slice %arg19[%add3A_50, %dma_start3A] : memref<10240x64xf32, #tpu.memory_space<vmem_shared>> -> memref<128x64xf32, #tpu.memory_space<vmem_shared>>
        %dma_start3A_74 = arith.constant 0 : i32
        %dma_start3A_75 = tpu.memref_slice %arg19[%add3A_50, %dma_start3A_74] : memref<10240x64xf32, #tpu.memory_space<vmem_shared>> -> memref<128x64xf32, #tpu.memory_space<vmem_shared>>
        tpu.enqueue_dma source(%arg17 : memref<128x64xf32, #tpu.memory_space<vmem>>) target(%dma_start3A_75 : memref<128x64xf32, #tpu.memory_space<vmem_shared>>) target_semaphore(%run_scoped3A_72 : memref<!tpu.dma_semaphore, #tpu.memory_space<semaphore_mem>>)
        %dma_wait3A = arith.constant 0 : i32
        %dma_wait3A_76 = tpu.memref_slice %arg19[%add3A_50, %dma_wait3A] : memref<10240x64xf32, #tpu.memory_space<vmem_shared>> -> memref<128x64xf32, #tpu.memory_space<vmem_shared>>
        %dma_wait3A_77 = arith.constant 0 : i32
        %dma_wait3A_78 = tpu.memref_slice %arg19[%add3A_50, %dma_wait3A_77] : memref<10240x64xf32, #tpu.memory_space<vmem_shared>> -> memref<128x64xf32, #tpu.memory_space<vmem_shared>>
        tpu.wait_dma2 semaphore(%run_scoped3A_72 : memref<!tpu.dma_semaphore, #tpu.memory_space<semaphore_mem>>) src(%arg17 : memref<128x64xf32, #tpu.memory_space<vmem>>) dst(%dma_wait3A_78 : memref<128x64xf32, #tpu.memory_space<vmem_shared>>)
        tpu.yield
      }) : () -> ()
      %add3A_51 = arith.constant 256 : i32
      %add3A_52 = arith.addi %mul3A_0, %add3A_51 : i32
      "tpu.region"() ({
        %run_scoped3A_72 = tpu.sem_alloc : memref<!tpu.dma_semaphore, #tpu.memory_space<semaphore_mem>>
        %dma_start3A = arith.constant 0 : i32
        %dma_start3A_73 = tpu.memref_slice %arg19[%add3A_52, %dma_start3A] : memref<10240x64xf32, #tpu.memory_space<vmem_shared>> -> memref<128x64xf32, #tpu.memory_space<vmem_shared>>
        %dma_start3A_74 = arith.constant 0 : i32
        %dma_start3A_75 = tpu.memref_slice %arg19[%add3A_52, %dma_start3A_74] : memref<10240x64xf32, #tpu.memory_space<vmem_shared>> -> memref<128x64xf32, #tpu.memory_space<vmem_shared>>
        tpu.enqueue_dma source(%arg17 : memref<128x64xf32, #tpu.memory_space<vmem>>) target(%dma_start3A_75 : memref<128x64xf32, #tpu.memory_space<vmem_shared>>) target_semaphore(%run_scoped3A_72 : memref<!tpu.dma_semaphore, #tpu.memory_space<semaphore_mem>>)
        %dma_wait3A = arith.constant 0 : i32
        %dma_wait3A_76 = tpu.memref_slice %arg19[%add3A_52, %dma_wait3A] : memref<10240x64xf32, #tpu.memory_space<vmem_shared>> -> memref<128x64xf32, #tpu.memory_space<vmem_shared>>
        %dma_wait3A_77 = arith.constant 0 : i32
        %dma_wait3A_78 = tpu.memref_slice %arg19[%add3A_52, %dma_wait3A_77] : memref<10240x64xf32, #tpu.memory_space<vmem_shared>> -> memref<128x64xf32, #tpu.memory_space<vmem_shared>>
        tpu.wait_dma2 semaphore(%run_scoped3A_72 : memref<!tpu.dma_semaphore, #tpu.memory_space<semaphore_mem>>) src(%arg17 : memref<128x64xf32, #tpu.memory_space<vmem>>) dst(%dma_wait3A_78 : memref<128x64xf32, #tpu.memory_space<vmem_shared>>)
        tpu.yield
      }) : () -> ()
      %add3A_53 = arith.constant 384 : i32
      %add3A_54 = arith.addi %mul3A_0, %add3A_53 : i32
      "tpu.region"() ({
        %run_scoped3A_72 = tpu.sem_alloc : memref<!tpu.dma_semaphore, #tpu.memory_space<semaphore_mem>>
        %dma_start3A = arith.constant 0 : i32
        %dma_start3A_73 = tpu.memref_slice %arg19[%add3A_54, %dma_start3A] : memref<10240x64xf32, #tpu.memory_space<vmem_shared>> -> memref<128x64xf32, #tpu.memory_space<vmem_shared>>
        %dma_start3A_74 = arith.constant 0 : i32
        %dma_start3A_75 = tpu.memref_slice %arg19[%add3A_54, %dma_start3A_74] : memref<10240x64xf32, #tpu.memory_space<vmem_shared>> -> memref<128x64xf32, #tpu.memory_space<vmem_shared>>
        tpu.enqueue_dma source(%arg17 : memref<128x64xf32, #tpu.memory_space<vmem>>) target(%dma_start3A_75 : memref<128x64xf32, #tpu.memory_space<vmem_shared>>) target_semaphore(%run_scoped3A_72 : memref<!tpu.dma_semaphore, #tpu.memory_space<semaphore_mem>>)
        %dma_wait3A = arith.constant 0 : i32
        %dma_wait3A_76 = tpu.memref_slice %arg19[%add3A_54, %dma_wait3A] : memref<10240x64xf32, #tpu.memory_space<vmem_shared>> -> memref<128x64xf32, #tpu.memory_space<vmem_shared>>
        %dma_wait3A_77 = arith.constant 0 : i32
        %dma_wait3A_78 = tpu.memref_slice %arg19[%add3A_54, %dma_wait3A_77] : memref<10240x64xf32, #tpu.memory_space<vmem_shared>> -> memref<128x64xf32, #tpu.memory_space<vmem_shared>>
        tpu.wait_dma2 semaphore(%run_scoped3A_72 : memref<!tpu.dma_semaphore, #tpu.memory_space<semaphore_mem>>) src(%arg17 : memref<128x64xf32, #tpu.memory_space<vmem>>) dst(%dma_wait3A_78 : memref<128x64xf32, #tpu.memory_space<vmem_shared>>)
        tpu.yield
      }) : () -> ()
      %add3A_55 = arith.constant 512 : i32
      %add3A_56 = arith.addi %mul3A_0, %add3A_55 : i32
      "tpu.region"() ({
        %run_scoped3A_72 = tpu.sem_alloc : memref<!tpu.dma_semaphore, #tpu.memory_space<semaphore_mem>>
        %dma_start3A = arith.constant 0 : i32
        %dma_start3A_73 = tpu.memref_slice %arg19[%add3A_56, %dma_start3A] : memref<10240x64xf32, #tpu.memory_space<vmem_shared>> -> memref<128x64xf32, #tpu.memory_space<vmem_shared>>
        %dma_start3A_74 = arith.constant 0 : i32
        %dma_start3A_75 = tpu.memref_slice %arg19[%add3A_56, %dma_start3A_74] : memref<10240x64xf32, #tpu.memory_space<vmem_shared>> -> memref<128x64xf32, #tpu.memory_space<vmem_shared>>
        tpu.enqueue_dma source(%arg17 : memref<128x64xf32, #tpu.memory_space<vmem>>) target(%dma_start3A_75 : memref<128x64xf32, #tpu.memory_space<vmem_shared>>) target_semaphore(%run_scoped3A_72 : memref<!tpu.dma_semaphore, #tpu.memory_space<semaphore_mem>>)
        %dma_wait3A = arith.constant 0 : i32
        %dma_wait3A_76 = tpu.memref_slice %arg19[%add3A_56, %dma_wait3A] : memref<10240x64xf32, #tpu.memory_space<vmem_shared>> -> memref<128x64xf32, #tpu.memory_space<vmem_shared>>
        %dma_wait3A_77 = arith.constant 0 : i32
        %dma_wait3A_78 = tpu.memref_slice %arg19[%add3A_56, %dma_wait3A_77] : memref<10240x64xf32, #tpu.memory_space<vmem_shared>> -> memref<128x64xf32, #tpu.memory_space<vmem_shared>>
        tpu.wait_dma2 semaphore(%run_scoped3A_72 : memref<!tpu.dma_semaphore, #tpu.memory_space<semaphore_mem>>) src(%arg17 : memref<128x64xf32, #tpu.memory_space<vmem>>) dst(%dma_wait3A_78 : memref<128x64xf32, #tpu.memory_space<vmem_shared>>)
        tpu.yield
      }) : () -> ()
      %barrier3A_57 = arith.constant 0 : index
      tpu.barrier barrier_id(%barrier3A_57)
      %scan3A_58 = arith.constant 1 : i32
      %scan3A_59 = arith.constant 0 : i32
      %scan3A_60 = arith.constant 1 : i32
      %scan3A_61 = arith.constant 0 : i32
      %scan3A_62 = arith.constant 0 : i32
      %scan3A_63 = arith.constant 157 : i32
      %scan3A_64 = arith.addi %scan3A_62, %scan3A_63 : i32
      %scan3A_65 = arith.constant 1 : i32
      %scan3A_66 = scf.for %scan3A_72 = %scan3A_62 to %scan3A_64 step %scan3A_65 iter_args(%scan3A_73 = %scan3A_61) -> (i32)  : i32 {
        %dma_start3A = arith.constant 0 : i32
        %dma_start3A_74 = tpu.memref_slice %arg11[%scan3A_72, %dma_start3A] : memref<157x128xi32, #tpu.memory_space<vmem>> -> memref<1x128xi32, #tpu.memory_space<vmem>>
        %dma_start3A_75 = tpu.memref_squeeze %dma_start3A_74 : memref<1x128xi32, #tpu.memory_space<vmem>> -> memref<128xi32, #tpu.memory_space<vmem>>
        %dma_start3A_76 = arith.constant 0 : i32
        %dma_start3A_77 = arith.constant 0 : i32
        %dma_start3A_78 = tpu.memref_slice %arg3[%scan3A_58, %dma_start3A_76, %dma_start3A_77] : memref<2x10240x16xf32, #tpu.memory_space<hbm>> -> memref<1x10240x16xf32, #tpu.memory_space<hbm>>
        %dma_start3A_79 = tpu.memref_squeeze %dma_start3A_78 : memref<1x10240x16xf32, #tpu.memory_space<hbm>> -> memref<10240x16xf32, #tpu.memory_space<hbm>>
        %dma_start3A_80 = arith.constant 0 : i32
        %dma_start3A_81 = arith.constant 0 : i32
        %dma_start3A_82 = tpu.memref_slice %dma_start3A_79[%dma_start3A_80, %dma_start3A_81] : memref<10240x16xf32, #tpu.memory_space<hbm>> -> memref<10240x16xf32, #tpu.memory_space<hbm>>
        tpu.enqueue_indirect_dma source(%dma_start3A_82 : memref<10240x16xf32, #tpu.memory_space<hbm>>) target(%arg13 : memref<128x16xf32, #tpu.memory_space<vmem>>) offsets(%dma_start3A_75 : memref<128xi32, #tpu.memory_space<vmem>>) semaphore(%arg21 : memref<!tpu.dma_semaphore, #tpu.memory_space<semaphore_mem>>)
        %dma_start3A_83 = arith.constant 0 : i32
        %dma_start3A_84 = tpu.memref_slice %arg12[%scan3A_72, %dma_start3A_83] : memref<157x128xi32, #tpu.memory_space<vmem>> -> memref<1x128xi32, #tpu.memory_space<vmem>>
        %dma_start3A_85 = tpu.memref_squeeze %dma_start3A_84 : memref<1x128xi32, #tpu.memory_space<vmem>> -> memref<128xi32, #tpu.memory_space<vmem>>
        %dma_start3A_86 = arith.constant 0 : i32
        %dma_start3A_87 = arith.constant 0 : i32
        %dma_start3A_88 = tpu.memref_slice %arg4[%scan3A_59, %dma_start3A_86, %dma_start3A_87] : memref<2x10240x16xf32, #tpu.memory_space<hbm>> -> memref<1x10240x16xf32, #tpu.memory_space<hbm>>
        %dma_start3A_89 = tpu.memref_squeeze %dma_start3A_88 : memref<1x10240x16xf32, #tpu.memory_space<hbm>> -> memref<10240x16xf32, #tpu.memory_space<hbm>>
        %dma_start3A_90 = arith.constant 0 : i32
        %dma_start3A_91 = arith.constant 0 : i32
        %dma_start3A_92 = tpu.memref_slice %dma_start3A_89[%dma_start3A_90, %dma_start3A_91] : memref<10240x16xf32, #tpu.memory_space<hbm>> -> memref<10240x16xf32, #tpu.memory_space<hbm>>
        tpu.enqueue_indirect_dma source(%dma_start3A_92 : memref<10240x16xf32, #tpu.memory_space<hbm>>) target(%arg14 : memref<128x16xf32, #tpu.memory_space<vmem>>) offsets(%dma_start3A_85 : memref<128xi32, #tpu.memory_space<vmem>>) semaphore(%arg21 : memref<!tpu.dma_semaphore, #tpu.memory_space<semaphore_mem>>)
        %dma_start3A_93 = arith.constant 1 : i32
        %dma_start3A_94 = arith.constant 0 : i32
        %dma_start3A_95 = tpu.memref_slice %arg11[%scan3A_72, %dma_start3A_94] : memref<157x128xi32, #tpu.memory_space<vmem>> -> memref<1x128xi32, #tpu.memory_space<vmem>>
        %dma_start3A_96 = tpu.memref_squeeze %dma_start3A_95 : memref<1x128xi32, #tpu.memory_space<vmem>> -> memref<128xi32, #tpu.memory_space<vmem>>
        %dma_start3A_97 = arith.constant 0 : i32
        %dma_start3A_98 = arith.constant 0 : i32
        %dma_start3A_99 = arith.constant 0 : i32
        %dma_start3A_100 = tpu.memref_slice %arg2[%scan3A_60, %dma_start3A_97, %dma_start3A_98, %dma_start3A_99] : memref<2x2x10240x64xf32, #tpu.memory_space<hbm>> -> memref<1x2x10240x64xf32, #tpu.memory_space<hbm>>
        %dma_start3A_101 = tpu.memref_squeeze %dma_start3A_100 : memref<1x2x10240x64xf32, #tpu.memory_space<hbm>> -> memref<2x10240x64xf32, #tpu.memory_space<hbm>>
        %dma_start3A_102 = arith.constant 0 : i32
        %dma_start3A_103 = arith.constant 0 : i32
        %dma_start3A_104 = tpu.memref_slice %dma_start3A_101[%dma_start3A_93, %dma_start3A_102, %dma_start3A_103] : memref<2x10240x64xf32, #tpu.memory_space<hbm>> -> memref<1x10240x64xf32, #tpu.memory_space<hbm>>
        %dma_start3A_105 = tpu.memref_squeeze %dma_start3A_104 : memref<1x10240x64xf32, #tpu.memory_space<hbm>> -> memref<10240x64xf32, #tpu.memory_space<hbm>>
        %dma_start3A_106 = arith.constant 0 : i32
        %dma_start3A_107 = arith.constant 0 : i32
        %dma_start3A_108 = tpu.memref_slice %dma_start3A_105[%dma_start3A_106, %dma_start3A_107] : memref<10240x64xf32, #tpu.memory_space<hbm>> -> memref<10240x64xf32, #tpu.memory_space<hbm>>
        tpu.enqueue_indirect_dma source(%dma_start3A_108 : memref<10240x64xf32, #tpu.memory_space<hbm>>) target(%arg15 : memref<128x64xf32, #tpu.memory_space<vmem>>) offsets(%dma_start3A_96 : memref<128xi32, #tpu.memory_space<vmem>>) semaphore(%arg21 : memref<!tpu.dma_semaphore, #tpu.memory_space<semaphore_mem>>)
        %dma_wait3A = arith.constant 0 : i32
        %dma_wait3A_109 = tpu.memref_slice %arg11[%scan3A_72, %dma_wait3A] : memref<157x128xi32, #tpu.memory_space<vmem>> -> memref<1x128xi32, #tpu.memory_space<vmem>>
        %dma_wait3A_110 = tpu.memref_squeeze %dma_wait3A_109 : memref<1x128xi32, #tpu.memory_space<vmem>> -> memref<128xi32, #tpu.memory_space<vmem>>
        %dma_wait3A_111 = arith.constant 0 : i32
        %dma_wait3A_112 = arith.constant 0 : i32
        %dma_wait3A_113 = tpu.memref_slice %arg3[%scan3A_58, %dma_wait3A_111, %dma_wait3A_112] : memref<2x10240x16xf32, #tpu.memory_space<hbm>> -> memref<1x10240x16xf32, #tpu.memory_space<hbm>>
        %dma_wait3A_114 = tpu.memref_squeeze %dma_wait3A_113 : memref<1x10240x16xf32, #tpu.memory_space<hbm>> -> memref<10240x16xf32, #tpu.memory_space<hbm>>
        %dma_wait3A_115 = arith.constant 0 : i32
        %dma_wait3A_116 = arith.constant 0 : i32
        %dma_wait3A_117 = tpu.memref_slice %dma_wait3A_114[%dma_wait3A_115, %dma_wait3A_116] : memref<10240x16xf32, #tpu.memory_space<hbm>> -> memref<10240x16xf32, #tpu.memory_space<hbm>>
        tpu.wait_indirect_dma semaphore(%arg21 : memref<!tpu.dma_semaphore, #tpu.memory_space<semaphore_mem>>) src(%dma_wait3A_117 : memref<10240x16xf32, #tpu.memory_space<hbm>>) dst(%arg13 : memref<128x16xf32, #tpu.memory_space<vmem>>)
        %dma_wait3A_118 = arith.constant 0 : i32
        %dma_wait3A_119 = tpu.memref_slice %arg12[%scan3A_72, %dma_wait3A_118] : memref<157x128xi32, #tpu.memory_space<vmem>> -> memref<1x128xi32, #tpu.memory_space<vmem>>
        %dma_wait3A_120 = tpu.memref_squeeze %dma_wait3A_119 : memref<1x128xi32, #tpu.memory_space<vmem>> -> memref<128xi32, #tpu.memory_space<vmem>>
        %dma_wait3A_121 = arith.constant 0 : i32
        %dma_wait3A_122 = arith.constant 0 : i32
        %dma_wait3A_123 = tpu.memref_slice %arg4[%scan3A_59, %dma_wait3A_121, %dma_wait3A_122] : memref<2x10240x16xf32, #tpu.memory_space<hbm>> -> memref<1x10240x16xf32, #tpu.memory_space<hbm>>
        %dma_wait3A_124 = tpu.memref_squeeze %dma_wait3A_123 : memref<1x10240x16xf32, #tpu.memory_space<hbm>> -> memref<10240x16xf32, #tpu.memory_space<hbm>>
        %dma_wait3A_125 = arith.constant 0 : i32
        %dma_wait3A_126 = arith.constant 0 : i32
        %dma_wait3A_127 = tpu.memref_slice %dma_wait3A_124[%dma_wait3A_125, %dma_wait3A_126] : memref<10240x16xf32, #tpu.memory_space<hbm>> -> memref<10240x16xf32, #tpu.memory_space<hbm>>
        tpu.wait_indirect_dma semaphore(%arg21 : memref<!tpu.dma_semaphore, #tpu.memory_space<semaphore_mem>>) src(%dma_wait3A_127 : memref<10240x16xf32, #tpu.memory_space<hbm>>) dst(%arg14 : memref<128x16xf32, #tpu.memory_space<vmem>>)
        %dma_wait3A_128 = arith.constant 1 : i32
        %dma_wait3A_129 = arith.constant 0 : i32
        %dma_wait3A_130 = tpu.memref_slice %arg11[%scan3A_72, %dma_wait3A_129] : memref<157x128xi32, #tpu.memory_space<vmem>> -> memref<1x128xi32, #tpu.memory_space<vmem>>
        %dma_wait3A_131 = tpu.memref_squeeze %dma_wait3A_130 : memref<1x128xi32, #tpu.memory_space<vmem>> -> memref<128xi32, #tpu.memory_space<vmem>>
        %dma_wait3A_132 = arith.constant 0 : i32
        %dma_wait3A_133 = arith.constant 0 : i32
        %dma_wait3A_134 = arith.constant 0 : i32
        %dma_wait3A_135 = tpu.memref_slice %arg2[%scan3A_60, %dma_wait3A_132, %dma_wait3A_133, %dma_wait3A_134] : memref<2x2x10240x64xf32, #tpu.memory_space<hbm>> -> memref<1x2x10240x64xf32, #tpu.memory_space<hbm>>
        %dma_wait3A_136 = tpu.memref_squeeze %dma_wait3A_135 : memref<1x2x10240x64xf32, #tpu.memory_space<hbm>> -> memref<2x10240x64xf32, #tpu.memory_space<hbm>>
        %dma_wait3A_137 = arith.constant 0 : i32
        %dma_wait3A_138 = arith.constant 0 : i32
        %dma_wait3A_139 = tpu.memref_slice %dma_wait3A_136[%dma_wait3A_128, %dma_wait3A_137, %dma_wait3A_138] : memref<2x10240x64xf32, #tpu.memory_space<hbm>> -> memref<1x10240x64xf32, #tpu.memory_space<hbm>>
        %dma_wait3A_140 = tpu.memref_squeeze %dma_wait3A_139 : memref<1x10240x64xf32, #tpu.memory_space<hbm>> -> memref<10240x64xf32, #tpu.memory_space<hbm>>
        %dma_wait3A_141 = arith.constant 0 : i32
        %dma_wait3A_142 = arith.constant 0 : i32
        %dma_wait3A_143 = tpu.memref_slice %dma_wait3A_140[%dma_wait3A_141, %dma_wait3A_142] : memref<10240x64xf32, #tpu.memory_space<hbm>> -> memref<10240x64xf32, #tpu.memory_space<hbm>>
        tpu.wait_indirect_dma semaphore(%arg21 : memref<!tpu.dma_semaphore, #tpu.memory_space<semaphore_mem>>) src(%dma_wait3A_143 : memref<10240x64xf32, #tpu.memory_space<hbm>>) dst(%arg15 : memref<128x64xf32, #tpu.memory_space<vmem>>)
        %scan3A_144 = arith.constant 0 : i32
        %scan3A_145 = arith.constant 0 : i32
        %scan3A_146 = arith.constant 128 : i32
        %scan3A_147 = arith.addi %scan3A_145, %scan3A_146 : i32
        %scan3A_148 = arith.constant 1 : i32
        %scan3A_149 = scf.for %scan3A_152 = %scan3A_145 to %scan3A_147 step %scan3A_148 iter_args(%scan3A_153 = %scan3A_144) -> (i32)  : i32 {
          %get3A = arith.index_cast %scan3A_152 : i32 to index
          %get3A_154 = arith.constant 0 : index
          %get3A_155 = tpu.vector_load %arg13[%get3A, %get3A_154] {strides = array<i32>} : memref<128x16xf32, #tpu.memory_space<vmem>>, vector<1x16xf32>,
          %get3A_156 = vector.shape_cast %get3A_155 : vector<1x16xf32> to vector<16xf32>
          %get3A_157 = arith.index_cast %scan3A_152 : i32 to index
          %get3A_158 = arith.constant 0 : index
          %get3A_159 = tpu.vector_load %arg14[%get3A_157, %get3A_158] {strides = array<i32>} : memref<128x16xf32, #tpu.memory_space<vmem>>, vector<1x16xf32>,
          %get3A_160 = vector.shape_cast %get3A_159 : vector<1x16xf32> to vector<16xf32>
          %add3A_161 = arith.addf %get3A_156, %get3A_160 : vector<16xf32>
          %mul3A_162 = arith.constant 2.000000e-01 : f32
          %mul3A_163 = vector.broadcast %mul3A_162 : f32 to vector<16xf32>
          %mul3A_164 = arith.mulf %mul3A_163, %add3A_161 : vector<16xf32>
          %max3A = arith.maximumf %add3A_161, %mul3A_164 : vector<16xf32>
          %exp3A = math.exp %max3A : vector<16xf32>
          %get3A_165 = arith.index_cast %scan3A_152 : i32 to index
          %get3A_166 = arith.constant 0 : index
          %get3A_167 = tpu.vector_load %arg15[%get3A_165, %get3A_166] {strides = array<i32>} : memref<128x64xf32, #tpu.memory_space<vmem>>, vector<1x16xf32>,
          %get3A_168 = vector.shape_cast %get3A_167 : vector<1x16xf32> to vector<16xf32>
          %slice3A = vector.extract_strided_slice %exp3A {offsets = [4], sizes = [1], strides = [1]} : vector<16xf32> to vector<1xf32>
          %squeeze3A = vector.extract %slice3A[0] : f32 from vector<1xf32>
          %mul3A_169 = vector.broadcast %squeeze3A : f32 to vector<16xf32>
          %mul3A_170 = arith.mulf %get3A_168, %mul3A_169 : vector<16xf32>
          %swap3A = arith.index_cast %scan3A_152 : i32 to index
          %swap3A_171 = arith.constant 0 : index
          %swap3A_172 = tpu.vector_load %arg15[%swap3A, %swap3A_171] {strides = array<i32>} : memref<128x64xf32, #tpu.memory_space<vmem>>, vector<1x16xf32>,
          %swap3A_173 = vector.shape_cast %swap3A_172 : vector<1x16xf32> to vector<16xf32>
          %swap3A_174 = vector.shape_cast %mul3A_170 : vector<16xf32> to vector<1x16xf32>
          tpu.vector_store %arg15[%swap3A, %swap3A_171], %swap3A_174 {strides = array<i32>} : memref<128x64xf32, #tpu.memory_space<vmem>>, vector<1x16xf32>,
          %get3A_175 = arith.index_cast %scan3A_152 : i32 to index
          %get3A_176 = arith.constant 16 : index
          %get3A_177 = tpu.vector_load %arg15[%get3A_175, %get3A_176] {strides = array<i32>} : memref<128x64xf32, #tpu.memory_space<vmem>>, vector<1x16xf32>,
          %get3A_178 = vector.shape_cast %get3A_177 : vector<1x16xf32> to vector<16xf32>
          %slice3A_179 = vector.extract_strided_slice %exp3A {offsets = [5], sizes = [1], strides = [1]} : vector<16xf32> to vector<1xf32>
          %squeeze3A_180 = vector.extract %slice3A_179[0] : f32 from vector<1xf32>
          %mul3A_181 = vector.broadcast %squeeze3A_180 : f32 to vector<16xf32>
          %mul3A_182 = arith.mulf %get3A_178, %mul3A_181 : vector<16xf32>
          %swap3A_183 = arith.index_cast %scan3A_152 : i32 to index
          %swap3A_184 = arith.constant 16 : index
          %swap3A_185 = tpu.vector_load %arg15[%swap3A_183, %swap3A_184] {strides = array<i32>} : memref<128x64xf32, #tpu.memory_space<vmem>>, vector<1x16xf32>,
          %swap3A_186 = vector.shape_cast %swap3A_185 : vector<1x16xf32> to vector<16xf32>
          %swap3A_187 = vector.shape_cast %mul3A_182 : vector<16xf32> to vector<1x16xf32>
          tpu.vector_store %arg15[%swap3A_183, %swap3A_184], %swap3A_187 {strides = array<i32>} : memref<128x64xf32, #tpu.memory_space<vmem>>, vector<1x16xf32>,
          %get3A_188 = arith.index_cast %scan3A_152 : i32 to index
          %get3A_189 = arith.constant 32 : index
          %get3A_190 = tpu.vector_load %arg15[%get3A_188, %get3A_189] {strides = array<i32>} : memref<128x64xf32, #tpu.memory_space<vmem>>, vector<1x16xf32>,
          %get3A_191 = vector.shape_cast %get3A_190 : vector<1x16xf32> to vector<16xf32>
          %slice3A_192 = vector.extract_strided_slice %exp3A {offsets = [6], sizes = [1], strides = [1]} : vector<16xf32> to vector<1xf32>
          %squeeze3A_193 = vector.extract %slice3A_192[0] : f32 from vector<1xf32>
          %mul3A_194 = vector.broadcast %squeeze3A_193 : f32 to vector<16xf32>
          %mul3A_195 = arith.mulf %get3A_191, %mul3A_194 : vector<16xf32>
          %swap3A_196 = arith.index_cast %scan3A_152 : i32 to index
          %swap3A_197 = arith.constant 32 : index
          %swap3A_198 = tpu.vector_load %arg15[%swap3A_196, %swap3A_197] {strides = array<i32>} : memref<128x64xf32, #tpu.memory_space<vmem>>, vector<1x16xf32>,
          %swap3A_199 = vector.shape_cast %swap3A_198 : vector<1x16xf32> to vector<16xf32>
          %swap3A_200 = vector.shape_cast %mul3A_195 : vector<16xf32> to vector<1x16xf32>
          tpu.vector_store %arg15[%swap3A_196, %swap3A_197], %swap3A_200 {strides = array<i32>} : memref<128x64xf32, #tpu.memory_space<vmem>>, vector<1x16xf32>,
          %get3A_201 = arith.index_cast %scan3A_152 : i32 to index
          %get3A_202 = arith.constant 48 : index
          %get3A_203 = tpu.vector_load %arg15[%get3A_201, %get3A_202] {strides = array<i32>} : memref<128x64xf32, #tpu.memory_space<vmem>>, vector<1x16xf32>,
          %get3A_204 = vector.shape_cast %get3A_203 : vector<1x16xf32> to vector<16xf32>
          %slice3A_205 = vector.extract_strided_slice %exp3A {offsets = [7], sizes = [1], strides = [1]} : vector<16xf32> to vector<1xf32>
          %squeeze3A_206 = vector.extract %slice3A_205[0] : f32 from vector<1xf32>
          %mul3A_207 = vector.broadcast %squeeze3A_206 : f32 to vector<16xf32>
          %mul3A_208 = arith.mulf %get3A_204, %mul3A_207 : vector<16xf32>
          %swap3A_209 = arith.index_cast %scan3A_152 : i32 to index
          %swap3A_210 = arith.constant 48 : index
          %swap3A_211 = tpu.vector_load %arg15[%swap3A_209, %swap3A_210] {strides = array<i32>} : memref<128x64xf32, #tpu.memory_space<vmem>>, vector<1x16xf32>,
          %swap3A_212 = vector.shape_cast %swap3A_211 : vector<1x16xf32> to vector<16xf32>
          %swap3A_213 = vector.shape_cast %mul3A_208 : vector<16xf32> to vector<1x16xf32>
          tpu.vector_store %arg15[%swap3A_209, %swap3A_210], %swap3A_213 {strides = array<i32>} : memref<128x64xf32, #tpu.memory_space<vmem>>, vector<1x16xf32>,
          %scan3A_214 = arith.constant 0 : i32
          scf.yield %scan3A_214 : i32
        }
        %scan3A_150 = arith.constant 128 : i32
        "tpu.region"() ({
          %run_scoped3A_152 = tpu.sem_alloc : memref<!tpu.dma_semaphore, #tpu.memory_space<semaphore_mem>>
          %dma_start3A_153 = arith.constant 0 : i32
          %dma_start3A_154 = tpu.memref_slice %arg12[%scan3A_72, %dma_start3A_153] : memref<157x128xi32, #tpu.memory_space<vmem>> -> memref<1x128xi32, #tpu.memory_space<vmem>>
          %dma_start3A_155 = tpu.memref_squeeze %dma_start3A_154 : memref<1x128xi32, #tpu.memory_space<vmem>> -> memref<128xi32, #tpu.memory_space<vmem>>
          %dma_start3A_156 = arith.constant 0 : i32
          %dma_start3A_157 = arith.constant 0 : i32
          %dma_start3A_158 = tpu.memref_slice %arg19[%dma_start3A_156, %dma_start3A_157] : memref<10240x64xf32, #tpu.memory_space<vmem_shared>> -> memref<10240x64xf32, #tpu.memory_space<vmem_shared>>
          tpu.enqueue_indirect_dma source(%arg15 : memref<128x64xf32, #tpu.memory_space<vmem>>) target(%dma_start3A_158 : memref<10240x64xf32, #tpu.memory_space<vmem_shared>>) offsets(%dma_start3A_155 : memref<128xi32, #tpu.memory_space<vmem>>) semaphore(%run_scoped3A_152 : memref<!tpu.dma_semaphore, #tpu.memory_space<semaphore_mem>>) {add = true}
          %dma_wait3A_159 = arith.constant 0 : i32
          %dma_wait3A_160 = tpu.memref_slice %arg12[%scan3A_72, %dma_wait3A_159] : memref<157x128xi32, #tpu.memory_space<vmem>> -> memref<1x128xi32, #tpu.memory_space<vmem>>
          %dma_wait3A_161 = tpu.memref_squeeze %dma_wait3A_160 : memref<1x128xi32, #tpu.memory_space<vmem>> -> memref<128xi32, #tpu.memory_space<vmem>>
          %dma_wait3A_162 = arith.constant 0 : i32
          %dma_wait3A_163 = arith.constant 0 : i32
          %dma_wait3A_164 = tpu.memref_slice %arg19[%dma_wait3A_162, %dma_wait3A_163] : memref<10240x64xf32, #tpu.memory_space<vmem_shared>> -> memref<10240x64xf32, #tpu.memory_space<vmem_shared>>
          tpu.wait_indirect_dma semaphore(%run_scoped3A_152 : memref<!tpu.dma_semaphore, #tpu.memory_space<semaphore_mem>>) src(%arg15 : memref<128x64xf32, #tpu.memory_space<vmem>>) dst(%dma_wait3A_164 : memref<10240x64xf32, #tpu.memory_space<vmem_shared>>)
          tpu.yield
        }) : () -> ()
        %scan3A_151 = arith.constant 0 : i32
        scf.yield %scan3A_151 : i32
      }
      %scan3A_67 = arith.constant 157 : i32
      %barrier3A_68 = arith.constant 0 : index
      tpu.barrier barrier_id(%barrier3A_68)
      %run_scoped3A_69 = arith.constant 1 : i32
      %run_scoped3A_70 = arith.constant 1 : i32
      "tpu.region"() ({
        %run_scoped3A_72 = tpu.sem_alloc : memref<!tpu.dma_semaphore, #tpu.memory_space<semaphore_mem>>
        %dma_start3A = arith.constant 0 : i32
        %dma_start3A_73 = arith.constant 0 : i32
        %dma_start3A_74 = arith.constant 0 : i32
        %dma_start3A_75 = tpu.memref_slice %arg9[%run_scoped3A_69, %dma_start3A, %dma_start3A_73, %dma_start3A_74] : memref<2x2x10240x64xf32, #tpu.memory_space<hbm>> -> memref<1x2x10240x64xf32, #tpu.memory_space<hbm>>
        %dma_start3A_76 = tpu.memref_squeeze %dma_start3A_75 : memref<1x2x10240x64xf32, #tpu.memory_space<hbm>> -> memref<2x10240x64xf32, #tpu.memory_space<hbm>>
        %dma_start3A_77 = arith.constant 0 : i32
        %dma_start3A_78 = arith.constant 0 : i32
        %dma_start3A_79 = tpu.memref_slice %dma_start3A_76[%run_scoped3A_70, %dma_start3A_77, %dma_start3A_78] : memref<2x10240x64xf32, #tpu.memory_space<hbm>> -> memref<1x10240x64xf32, #tpu.memory_space<hbm>>
        %dma_start3A_80 = tpu.memref_squeeze %dma_start3A_79 : memref<1x10240x64xf32, #tpu.memory_space<hbm>> -> memref<10240x64xf32, #tpu.memory_space<hbm>>
        %dma_start3A_81 = arith.constant 0 : i32
        %dma_start3A_82 = tpu.memref_slice %dma_start3A_80[%mul3A_0, %dma_start3A_81] : memref<10240x64xf32, #tpu.memory_space<hbm>> -> memref<640x64xf32, #tpu.memory_space<hbm>>
        %dma_start3A_83 = arith.constant 0 : i32
        %dma_start3A_84 = tpu.memref_slice %arg19[%mul3A_0, %dma_start3A_83] : memref<10240x64xf32, #tpu.memory_space<vmem_shared>> -> memref<640x64xf32, #tpu.memory_space<vmem_shared>>
        tpu.enqueue_dma source(%dma_start3A_84 : memref<640x64xf32, #tpu.memory_space<vmem_shared>>) target(%dma_start3A_82 : memref<640x64xf32, #tpu.memory_space<hbm>>) target_semaphore(%run_scoped3A_72 : memref<!tpu.dma_semaphore, #tpu.memory_space<semaphore_mem>>)
        %dma_wait3A = arith.constant 0 : i32
        %dma_wait3A_85 = arith.constant 0 : i32
        %dma_wait3A_86 = arith.constant 0 : i32
        %dma_wait3A_87 = tpu.memref_slice %arg9[%run_scoped3A_69, %dma_wait3A, %dma_wait3A_85, %dma_wait3A_86] : memref<2x2x10240x64xf32, #tpu.memory_space<hbm>> -> memref<1x2x10240x64xf32, #tpu.memory_space<hbm>>
        %dma_wait3A_88 = tpu.memref_squeeze %dma_wait3A_87 : memref<1x2x10240x64xf32, #tpu.memory_space<hbm>> -> memref<2x10240x64xf32, #tpu.memory_space<hbm>>
        %dma_wait3A_89 = arith.constant 0 : i32
        %dma_wait3A_90 = arith.constant 0 : i32
        %dma_wait3A_91 = tpu.memref_slice %dma_wait3A_88[%run_scoped3A_70, %dma_wait3A_89, %dma_wait3A_90] : memref<2x10240x64xf32, #tpu.memory_space<hbm>> -> memref<1x10240x64xf32, #tpu.memory_space<hbm>>
        %dma_wait3A_92 = tpu.memref_squeeze %dma_wait3A_91 : memref<1x10240x64xf32, #tpu.memory_space<hbm>> -> memref<10240x64xf32, #tpu.memory_space<hbm>>
        %dma_wait3A_93 = arith.constant 0 : i32
        %dma_wait3A_94 = tpu.memref_slice %dma_wait3A_92[%mul3A_0, %dma_wait3A_93] : memref<10240x64xf32, #tpu.memory_space<hbm>> -> memref<640x64xf32, #tpu.memory_space<hbm>>
        %dma_wait3A_95 = arith.constant 0 : i32
        %dma_wait3A_96 = tpu.memref_slice %arg19[%mul3A_0, %dma_wait3A_95] : memref<10240x64xf32, #tpu.memory_space<vmem_shared>> -> memref<640x64xf32, #tpu.memory_space<vmem_shared>>
        tpu.wait_dma2 semaphore(%run_scoped3A_72 : memref<!tpu.dma_semaphore, #tpu.memory_space<semaphore_mem>>) src(%dma_wait3A_96 : memref<640x64xf32, #tpu.memory_space<vmem_shared>>) dst(%dma_wait3A_94 : memref<640x64xf32, #tpu.memory_space<hbm>>)
        tpu.yield
      }) : () -> ()
      %barrier3A_71 = arith.constant 0 : index
      tpu.barrier barrier_id(%barrier3A_71)
    } else {
    }
    return
  }
}

module attributes {stable_mosaic.version = 14 : i64} {
  func.func @_proj_body(%arg0: i32, %arg1: i32, %arg2: memref<1x2x256x64xf32, #tpu.memory_space<vmem>>, %arg3: memref<1x256x16xf32, #tpu.memory_space<vmem>>, %arg4: memref<1x128x128xf32, #tpu.memory_space<vmem>>, %arg5: memref<1x1x128xf32, #tpu.memory_space<vmem>>, %arg6: memref<1x128x16xf32, #tpu.memory_space<vmem>>, %arg7: memref<1x128x16xf32, #tpu.memory_space<vmem>>, %arg8: memref<1x2x256x64xf32, #tpu.memory_space<vmem>>, %arg9: memref<1x256x16xf32, #tpu.memory_space<vmem>>, %arg10: memref<1x256x16xf32, #tpu.memory_space<vmem>>) attributes {dimension_semantics = [#tpu.dimension_semantics<arbitrary>, #tpu.dimension_semantics<arbitrary>], iteration_bounds = array<i64: 2, 40>, scalar_prefetch = 0 : i64, scratch_operands = 0 : i64, tpu.core_type = #tpu.core_type<tc>, window_params = [{transform_indices = @transform_0, window_bounds = array<i64: 1, 2, 256, 64>}, {transform_indices = @transform_1, window_bounds = array<i64: 1, 256, 16>}, {transform_indices = @transform_2, window_bounds = array<i64: 1, 128, 128>}, {transform_indices = @transform_3, window_bounds = array<i64: 1, 1, 128>}, {transform_indices = @transform_4, window_bounds = array<i64: 1, 128, 16>}, {transform_indices = @transform_5, window_bounds = array<i64: 1, 128, 16>}, {transform_indices = @transform_6, window_bounds = array<i64: 1, 2, 256, 64>}, {transform_indices = @transform_7, window_bounds = array<i64: 1, 256, 16>}, {transform_indices = @transform_8, window_bounds = array<i64: 1, 256, 16>}]} {
    %get3A = arith.constant 0 : index
    %get3A_0 = arith.constant 0 : index
    %get3A_1 = arith.constant 0 : index
    %get3A_2 = arith.constant 0 : index
    %get3A_3 = vector.load %arg2[%get3A, %get3A_0, %get3A_1, %get3A_2] : memref<1x2x256x64xf32, #tpu.memory_space<vmem>>, vector<1x1x256x64xf32>
    %get3A_4 = vector.shape_cast %get3A_3 : vector<1x1x256x64xf32> to vector<256x64xf32>
    %get3A_5 = arith.constant 0 : index
    %get3A_6 = arith.constant 1 : index
    %get3A_7 = arith.constant 0 : index
    %get3A_8 = arith.constant 0 : index
    %get3A_9 = vector.load %arg2[%get3A_5, %get3A_6, %get3A_7, %get3A_8] : memref<1x2x256x64xf32, #tpu.memory_space<vmem>>, vector<1x1x256x64xf32>
    %get3A_10 = vector.shape_cast %get3A_9 : vector<1x1x256x64xf32> to vector<256x64xf32>
    %concatenate3A = tpu.concatenate %get3A_4, %get3A_10 in 1 : vector<256x64xf32>, vector<256x64xf32> -> vector<256x128xf32>
    %get3A_11 = arith.constant 0 : index
    %get3A_12 = arith.constant 0 : index
    %get3A_13 = arith.constant 0 : index
    %get3A_14 = vector.load %arg4[%get3A_11, %get3A_12, %get3A_13] : memref<1x128x128xf32, #tpu.memory_space<vmem>>, vector<1x128x128xf32>
    %get3A_15 = vector.shape_cast %get3A_14 : vector<1x128x128xf32> to vector<128x128xf32>
    %dot_general3A = arith.constant dense<0.000000e+00> : vector<256x128xf32>
    %dot_general3A_16 = tpu.matmul %concatenate3A, %get3A_15, %dot_general3A {dimension_numbers = #tpu.dot_dimension_numbers<[1], [0], [0], [1], [0, 0, 1, 1], [], []>, transpose_lhs_hint = false} : vector<256x128xf32>, vector<128x128xf32>, vector<256x128xf32> -> vector<256x128xf32>
    %get3A_17 = arith.constant 0 : index
    %get3A_18 = arith.constant 0 : index
    %get3A_19 = arith.constant 0 : index
    %get3A_20 = vector.load %arg5[%get3A_17, %get3A_18, %get3A_19] : memref<1x1x128xf32, #tpu.memory_space<vmem>>, vector<1x1x128xf32>
    %get3A_21 = vector.shape_cast %get3A_20 : vector<1x1x128xf32> to vector<1x128xf32>
    %add3A = vector.broadcast %get3A_21 : vector<1x128xf32> to vector<256x128xf32>
    %add3A_22 = arith.addf %dot_general3A_16, %add3A : vector<256x128xf32>
    %slice3A = vector.extract_strided_slice %add3A_22 {offsets = [0, 0], sizes = [256, 64], strides = [1, 1]} : vector<256x128xf32> to vector<256x64xf32>
    %swap3A = arith.constant 0 : index
    %swap3A_23 = arith.constant 0 : index
    %swap3A_24 = arith.constant 0 : index
    %swap3A_25 = arith.constant 0 : index
    %swap3A_26 = vector.load %arg8[%swap3A, %swap3A_23, %swap3A_24, %swap3A_25] : memref<1x2x256x64xf32, #tpu.memory_space<vmem>>, vector<1x1x256x64xf32>
    %swap3A_27 = vector.shape_cast %swap3A_26 : vector<1x1x256x64xf32> to vector<256x64xf32>
    %swap3A_28 = vector.shape_cast %slice3A : vector<256x64xf32> to vector<1x1x256x64xf32>
    tpu.vector_store %arg8[%swap3A, %swap3A_23, %swap3A_24, %swap3A_25], %swap3A_28 {strides = array<i32>} : memref<1x2x256x64xf32, #tpu.memory_space<vmem>>, vector<1x1x256x64xf32>,
    %slice3A_29 = vector.extract_strided_slice %add3A_22 {offsets = [0, 64], sizes = [256, 64], strides = [1, 1]} : vector<256x128xf32> to vector<256x64xf32>
    %swap3A_30 = arith.constant 0 : index
    %swap3A_31 = arith.constant 1 : index
    %swap3A_32 = arith.constant 0 : index
    %swap3A_33 = arith.constant 0 : index
    %swap3A_34 = vector.load %arg8[%swap3A_30, %swap3A_31, %swap3A_32, %swap3A_33] : memref<1x2x256x64xf32, #tpu.memory_space<vmem>>, vector<1x1x256x64xf32>
    %swap3A_35 = vector.shape_cast %swap3A_34 : vector<1x1x256x64xf32> to vector<256x64xf32>
    %swap3A_36 = vector.shape_cast %slice3A_29 : vector<256x64xf32> to vector<1x1x256x64xf32>
    tpu.vector_store %arg8[%swap3A_30, %swap3A_31, %swap3A_32, %swap3A_33], %swap3A_36 {strides = array<i32>} : memref<1x2x256x64xf32, #tpu.memory_space<vmem>>, vector<1x1x256x64xf32>,
    %get3A_37 = arith.constant 0 : index
    %get3A_38 = arith.constant 0 : index
    %get3A_39 = arith.constant 0 : index
    %get3A_40 = vector.load %arg6[%get3A_37, %get3A_38, %get3A_39] : memref<1x128x16xf32, #tpu.memory_space<vmem>>, vector<1x128x16xf32>
    %get3A_41 = vector.shape_cast %get3A_40 : vector<1x128x16xf32> to vector<128x16xf32>
    %dot_general3A_42 = arith.constant dense<0.000000e+00> : vector<256x16xf32>
    %dot_general3A_43 = tpu.matmul %add3A_22, %get3A_41, %dot_general3A_42 {dimension_numbers = #tpu.dot_dimension_numbers<[1], [0], [0], [1], [0, 0, 1, 1], [], []>, transpose_lhs_hint = false} : vector<256x128xf32>, vector<128x16xf32>, vector<256x16xf32> -> vector<256x16xf32>
    %swap3A_44 = arith.constant 0 : index
    %swap3A_45 = arith.constant 0 : index
    %swap3A_46 = arith.constant 0 : index
    %swap3A_47 = vector.load %arg9[%swap3A_44, %swap3A_45, %swap3A_46] : memref<1x256x16xf32, #tpu.memory_space<vmem>>, vector<1x256x16xf32>
    %swap3A_48 = vector.shape_cast %swap3A_47 : vector<1x256x16xf32> to vector<256x16xf32>
    %swap3A_49 = vector.shape_cast %dot_general3A_43 : vector<256x16xf32> to vector<1x256x16xf32>
    tpu.vector_store %arg9[%swap3A_44, %swap3A_45, %swap3A_46], %swap3A_49 {strides = array<i32>} : memref<1x256x16xf32, #tpu.memory_space<vmem>>, vector<1x256x16xf32>,
    %get3A_50 = arith.constant 0 : index
    %get3A_51 = arith.constant 0 : index
    %get3A_52 = arith.constant 0 : index
    %get3A_53 = vector.load %arg7[%get3A_50, %get3A_51, %get3A_52] : memref<1x128x16xf32, #tpu.memory_space<vmem>>, vector<1x128x16xf32>
    %get3A_54 = vector.shape_cast %get3A_53 : vector<1x128x16xf32> to vector<128x16xf32>
    %dot_general3A_55 = arith.constant dense<0.000000e+00> : vector<256x16xf32>
    %dot_general3A_56 = tpu.matmul %add3A_22, %get3A_54, %dot_general3A_55 {dimension_numbers = #tpu.dot_dimension_numbers<[1], [0], [0], [1], [0, 0, 1, 1], [], []>, transpose_lhs_hint = false} : vector<256x128xf32>, vector<128x16xf32>, vector<256x16xf32> -> vector<256x16xf32>
    %swap3A_57 = arith.constant 0 : index
    %swap3A_58 = arith.constant 0 : index
    %swap3A_59 = arith.constant 0 : index
    %swap3A_60 = vector.load %arg10[%swap3A_57, %swap3A_58, %swap3A_59] : memref<1x256x16xf32, #tpu.memory_space<vmem>>, vector<1x256x16xf32>
    %swap3A_61 = vector.shape_cast %swap3A_60 : vector<1x256x16xf32> to vector<256x16xf32>
    %swap3A_62 = vector.shape_cast %dot_general3A_56 : vector<256x16xf32> to vector<1x256x16xf32>
    tpu.vector_store %arg10[%swap3A_57, %swap3A_58, %swap3A_59], %swap3A_62 {strides = array<i32>} : memref<1x256x16xf32, #tpu.memory_space<vmem>>, vector<1x256x16xf32>,
    return
  }
  func.func @transform_0(%arg0: i32, %arg1: i32) -> (i32, i32, i32, i32) {
    %c0_i32 = arith.constant 0 : i32
    %c0_i32_0 = arith.constant 0 : i32
    %c0_i32_1 = arith.constant 0 : i32
    return %arg0, %c0_i32, %arg1, %c0_i32_0 : i32, i32, i32, i32
  }
  func.func @transform_1(%arg0: i32, %arg1: i32) -> (i32, i32, i32) {
    %c0_i32 = arith.constant 0 : i32
    %c0_i32_0 = arith.constant 0 : i32
    return %arg0, %arg1, %c0_i32 : i32, i32, i32
  }
  func.func @transform_2(%arg0: i32, %arg1: i32) -> (i32, i32, i32) {
    %c0_i32 = arith.constant 0 : i32
    %c0_i32_0 = arith.constant 0 : i32
    %c0_i32_1 = arith.constant 0 : i32
    return %arg0, %c0_i32, %c0_i32_0 : i32, i32, i32
  }
  func.func @transform_3(%arg0: i32, %arg1: i32) -> (i32, i32, i32) {
    %c0_i32 = arith.constant 0 : i32
    %c0_i32_0 = arith.constant 0 : i32
    %c0_i32_1 = arith.constant 0 : i32
    return %arg0, %c0_i32, %c0_i32_0 : i32, i32, i32
  }
  func.func @transform_4(%arg0: i32, %arg1: i32) -> (i32, i32, i32) {
    %c0_i32 = arith.constant 0 : i32
    %c0_i32_0 = arith.constant 0 : i32
    %c0_i32_1 = arith.constant 0 : i32
    return %arg0, %c0_i32, %c0_i32_0 : i32, i32, i32
  }
  func.func @transform_5(%arg0: i32, %arg1: i32) -> (i32, i32, i32) {
    %c0_i32 = arith.constant 0 : i32
    %c0_i32_0 = arith.constant 0 : i32
    %c0_i32_1 = arith.constant 0 : i32
    return %arg0, %c0_i32, %c0_i32_0 : i32, i32, i32
  }
  func.func @transform_6(%arg0: i32, %arg1: i32) -> (i32, i32, i32, i32) {
    %c0_i32 = arith.constant 0 : i32
    %c0_i32_0 = arith.constant 0 : i32
    %c0_i32_1 = arith.constant 0 : i32
    return %arg0, %c0_i32, %arg1, %c0_i32_0 : i32, i32, i32, i32
  }
  func.func @transform_7(%arg0: i32, %arg1: i32) -> (i32, i32, i32) {
    %c0_i32 = arith.constant 0 : i32
    %c0_i32_0 = arith.constant 0 : i32
    return %arg0, %arg1, %c0_i32 : i32, i32, i32
  }
  func.func @transform_8(%arg0: i32, %arg1: i32) -> (i32, i32, i32) {
    %c0_i32 = arith.constant 0 : i32
    %c0_i32_0 = arith.constant 0 : i32
    return %arg0, %arg1, %c0_i32 : i32, i32, i32
  }
}

module attributes {stable_mosaic.version = 14 : i64} {
  func.func @_proj_body(%arg0: i32, %arg1: i32, %arg2: memref<1x2x256x64xf32, #tpu.memory_space<vmem>>, %arg3: memref<1x256x16xf32, #tpu.memory_space<vmem>>, %arg4: memref<1x128x128xf32, #tpu.memory_space<vmem>>, %arg5: memref<1x1x128xf32, #tpu.memory_space<vmem>>, %arg6: memref<1x128x16xf32, #tpu.memory_space<vmem>>, %arg7: memref<1x128x16xf32, #tpu.memory_space<vmem>>, %arg8: memref<1x2x256x64xf32, #tpu.memory_space<vmem>>, %arg9: memref<1x256x16xf32, #tpu.memory_space<vmem>>, %arg10: memref<1x256x16xf32, #tpu.memory_space<vmem>>) attributes {dimension_semantics = [#tpu.dimension_semantics<arbitrary>, #tpu.dimension_semantics<arbitrary>], iteration_bounds = array<i64: 2, 40>, scalar_prefetch = 0 : i64, scratch_operands = 0 : i64, tpu.core_type = #tpu.core_type<tc>, window_params = [{transform_indices = @transform_0, window_bounds = array<i64: 1, 2, 256, 64>}, {transform_indices = @transform_1, window_bounds = array<i64: 1, 256, 16>}, {transform_indices = @transform_2, window_bounds = array<i64: 1, 128, 128>}, {transform_indices = @transform_3, window_bounds = array<i64: 1, 1, 128>}, {transform_indices = @transform_4, window_bounds = array<i64: 1, 128, 16>}, {transform_indices = @transform_5, window_bounds = array<i64: 1, 128, 16>}, {transform_indices = @transform_6, window_bounds = array<i64: 1, 2, 256, 64>}, {transform_indices = @transform_7, window_bounds = array<i64: 1, 256, 16>}, {transform_indices = @transform_8, window_bounds = array<i64: 1, 256, 16>}]} {
    %get3A = arith.constant 0 : index
    %get3A_0 = arith.constant 0 : index
    %get3A_1 = arith.constant 0 : index
    %get3A_2 = arith.constant 0 : index
    %get3A_3 = vector.load %arg2[%get3A, %get3A_0, %get3A_1, %get3A_2] : memref<1x2x256x64xf32, #tpu.memory_space<vmem>>, vector<1x1x256x64xf32>
    %get3A_4 = vector.shape_cast %get3A_3 : vector<1x1x256x64xf32> to vector<256x64xf32>
    %get3A_5 = arith.constant 0 : index
    %get3A_6 = arith.constant 1 : index
    %get3A_7 = arith.constant 0 : index
    %get3A_8 = arith.constant 0 : index
    %get3A_9 = vector.load %arg2[%get3A_5, %get3A_6, %get3A_7, %get3A_8] : memref<1x2x256x64xf32, #tpu.memory_space<vmem>>, vector<1x1x256x64xf32>
    %get3A_10 = vector.shape_cast %get3A_9 : vector<1x1x256x64xf32> to vector<256x64xf32>
    %concatenate3A = tpu.concatenate %get3A_4, %get3A_10 in 1 : vector<256x64xf32>, vector<256x64xf32> -> vector<256x128xf32>
    %get3A_11 = arith.constant 0 : index
    %get3A_12 = arith.constant 0 : index
    %get3A_13 = arith.constant 0 : index
    %get3A_14 = vector.load %arg3[%get3A_11, %get3A_12, %get3A_13] : memref<1x256x16xf32, #tpu.memory_space<vmem>>, vector<1x256x16xf32>
    %get3A_15 = vector.shape_cast %get3A_14 : vector<1x256x16xf32> to vector<256x16xf32>
    %iota3A = tpu.iota {dimensions = array<i32: 1>} : vector<16x128xi32>
    %jit3A = arith.constant 16 : i32
    %div3A = vector.broadcast %jit3A : i32 to vector<16x128xi32>
    %div3A_16 = arith.divsi %iota3A, %div3A : vector<16x128xi32>
    %sign3A = arith.constant 0 : i32
    %sign3A_17 = vector.broadcast %sign3A : i32 to vector<16x128xi32>
    %sign3A_18 = arith.cmpi sgt, %iota3A, %sign3A_17 : vector<16x128xi32>
    %sign3A_19 = arith.extui %sign3A_18 : vector<16x128xi1> to vector<16x128xi32>
    %sign3A_20 = arith.constant 0 : i32
    %sign3A_21 = vector.broadcast %sign3A_20 : i32 to vector<16x128xi32>
    %sign3A_22 = arith.cmpi slt, %iota3A, %sign3A_21 : vector<16x128xi32>
    %sign3A_23 = arith.extui %sign3A_22 : vector<16x128xi1> to vector<16x128xi32>
    %sign3A_24 = arith.subi %sign3A_19, %sign3A_23 : vector<16x128xi32>
    %sign3A_25 = arith.constant 0 : i32
    %sign3A_26 = arith.cmpi sgt, %jit3A, %sign3A_25 : i32
    %sign3A_27 = arith.extui %sign3A_26 : i1 to i32
    %sign3A_28 = arith.constant 0 : i32
    %sign3A_29 = arith.cmpi slt, %jit3A, %sign3A_28 : i32
    %sign3A_30 = arith.extui %sign3A_29 : i1 to i32
    %sign3A_31 = arith.subi %sign3A_27, %sign3A_30 : i32
    %ne3A = vector.broadcast %sign3A_31 : i32 to vector<16x128xi32>
    %ne3A_32 = arith.cmpi ne, %sign3A_24, %ne3A : vector<16x128xi32>
    %rem3A = vector.broadcast %jit3A : i32 to vector<16x128xi32>
    %rem3A_33 = arith.remsi %iota3A, %rem3A : vector<16x128xi32>
    %ne3A_34 = arith.constant 0 : i32
    %ne3A_35 = vector.broadcast %ne3A_34 : i32 to vector<16x128xi32>
    %ne3A_36 = arith.cmpi ne, %rem3A_33, %ne3A_35 : vector<16x128xi32>
    %and3A = arith.andi %ne3A_32, %ne3A_36 : vector<16x128xi1>
    %sub3A = arith.constant 1 : i32
    %sub3A_37 = vector.broadcast %sub3A : i32 to vector<16x128xi32>
    %sub3A_38 = arith.subi %div3A_16, %sub3A_37 : vector<16x128xi32>
    %select_n3A = arith.select %and3A, %sub3A_38, %div3A_16 : vector<16x128xi1>, vector<16x128xi32>
    %iota3A_39 = tpu.iota {dimensions = array<i32: 0>} : vector<16x128xi32>
    %eq3A = arith.cmpi eq, %select_n3A, %iota3A_39 : vector<16x128xi32>
    %convert_element_type3A = arith.extui %eq3A : vector<16x128xi1> to vector<16x128xi32>
    %convert_element_type3A_40 = arith.sitofp %convert_element_type3A : vector<16x128xi32> to vector<16x128xf32>
    %dot_general3A = arith.constant dense<0.000000e+00> : vector<256x128xf32>
    %dot_general3A_41 = tpu.matmul %get3A_15, %convert_element_type3A_40, %dot_general3A {dimension_numbers = #tpu.dot_dimension_numbers<[1], [0], [0], [1], [0, 0, 1, 1], [], []>, transpose_lhs_hint = false} : vector<256x16xf32>, vector<16x128xf32>, vector<256x128xf32> -> vector<256x128xf32>
    %max3A = arith.constant 1.000000e-16 : f32
    %max3A_42 = vector.broadcast %max3A : f32 to vector<256x128xf32>
    %max3A_43 = arith.maximumf %dot_general3A_41, %max3A_42 : vector<256x128xf32>
    %div3A_44 = arith.divf %concatenate3A, %max3A_43 : vector<256x128xf32>
    %max3A_45 = arith.constant 0.000000e+00 : f32
    %max3A_46 = vector.broadcast %max3A_45 : f32 to vector<256x128xf32>
    %max3A_47 = arith.maximumf %div3A_44, %max3A_46 : vector<256x128xf32>
    %get3A_48 = arith.constant 0 : index
    %get3A_49 = arith.constant 0 : index
    %get3A_50 = arith.constant 0 : index
    %get3A_51 = vector.load %arg4[%get3A_48, %get3A_49, %get3A_50] : memref<1x128x128xf32, #tpu.memory_space<vmem>>, vector<1x128x128xf32>
    %get3A_52 = vector.shape_cast %get3A_51 : vector<1x128x128xf32> to vector<128x128xf32>
    %dot_general3A_53 = arith.constant dense<0.000000e+00> : vector<256x128xf32>
    %dot_general3A_54 = tpu.matmul %max3A_47, %get3A_52, %dot_general3A_53 {dimension_numbers = #tpu.dot_dimension_numbers<[1], [0], [0], [1], [0, 0, 1, 1], [], []>, transpose_lhs_hint = false} : vector<256x128xf32>, vector<128x128xf32>, vector<256x128xf32> -> vector<256x128xf32>
    %get3A_55 = arith.constant 0 : index
    %get3A_56 = arith.constant 0 : index
    %get3A_57 = arith.constant 0 : index
    %get3A_58 = vector.load %arg5[%get3A_55, %get3A_56, %get3A_57] : memref<1x1x128xf32, #tpu.memory_space<vmem>>, vector<1x1x128xf32>
    %get3A_59 = vector.shape_cast %get3A_58 : vector<1x1x128xf32> to vector<1x128xf32>
    %add3A = vector.broadcast %get3A_59 : vector<1x128xf32> to vector<256x128xf32>
    %add3A_60 = arith.addf %dot_general3A_54, %add3A : vector<256x128xf32>
    %slice3A = vector.extract_strided_slice %add3A_60 {offsets = [0, 0], sizes = [256, 64], strides = [1, 1]} : vector<256x128xf32> to vector<256x64xf32>
    %swap3A = arith.constant 0 : index
    %swap3A_61 = arith.constant 0 : index
    %swap3A_62 = arith.constant 0 : index
    %swap3A_63 = arith.constant 0 : index
    %swap3A_64 = vector.load %arg8[%swap3A, %swap3A_61, %swap3A_62, %swap3A_63] : memref<1x2x256x64xf32, #tpu.memory_space<vmem>>, vector<1x1x256x64xf32>
    %swap3A_65 = vector.shape_cast %swap3A_64 : vector<1x1x256x64xf32> to vector<256x64xf32>
    %swap3A_66 = vector.shape_cast %slice3A : vector<256x64xf32> to vector<1x1x256x64xf32>
    tpu.vector_store %arg8[%swap3A, %swap3A_61, %swap3A_62, %swap3A_63], %swap3A_66 {strides = array<i32>} : memref<1x2x256x64xf32, #tpu.memory_space<vmem>>, vector<1x1x256x64xf32>,
    %slice3A_67 = vector.extract_strided_slice %add3A_60 {offsets = [0, 64], sizes = [256, 64], strides = [1, 1]} : vector<256x128xf32> to vector<256x64xf32>
    %swap3A_68 = arith.constant 0 : index
    %swap3A_69 = arith.constant 1 : index
    %swap3A_70 = arith.constant 0 : index
    %swap3A_71 = arith.constant 0 : index
    %swap3A_72 = vector.load %arg8[%swap3A_68, %swap3A_69, %swap3A_70, %swap3A_71] : memref<1x2x256x64xf32, #tpu.memory_space<vmem>>, vector<1x1x256x64xf32>
    %swap3A_73 = vector.shape_cast %swap3A_72 : vector<1x1x256x64xf32> to vector<256x64xf32>
    %swap3A_74 = vector.shape_cast %slice3A_67 : vector<256x64xf32> to vector<1x1x256x64xf32>
    tpu.vector_store %arg8[%swap3A_68, %swap3A_69, %swap3A_70, %swap3A_71], %swap3A_74 {strides = array<i32>} : memref<1x2x256x64xf32, #tpu.memory_space<vmem>>, vector<1x1x256x64xf32>,
    %get3A_75 = arith.constant 0 : index
    %get3A_76 = arith.constant 0 : index
    %get3A_77 = arith.constant 0 : index
    %get3A_78 = vector.load %arg6[%get3A_75, %get3A_76, %get3A_77] : memref<1x128x16xf32, #tpu.memory_space<vmem>>, vector<1x128x16xf32>
    %get3A_79 = vector.shape_cast %get3A_78 : vector<1x128x16xf32> to vector<128x16xf32>
    %dot_general3A_80 = arith.constant dense<0.000000e+00> : vector<256x16xf32>
    %dot_general3A_81 = tpu.matmul %add3A_60, %get3A_79, %dot_general3A_80 {dimension_numbers = #tpu.dot_dimension_numbers<[1], [0], [0], [1], [0, 0, 1, 1], [], []>, transpose_lhs_hint = false} : vector<256x128xf32>, vector<128x16xf32>, vector<256x16xf32> -> vector<256x16xf32>
    %swap3A_82 = arith.constant 0 : index
    %swap3A_83 = arith.constant 0 : index
    %swap3A_84 = arith.constant 0 : index
    %swap3A_85 = vector.load %arg9[%swap3A_82, %swap3A_83, %swap3A_84] : memref<1x256x16xf32, #tpu.memory_space<vmem>>, vector<1x256x16xf32>
    %swap3A_86 = vector.shape_cast %swap3A_85 : vector<1x256x16xf32> to vector<256x16xf32>
    %swap3A_87 = vector.shape_cast %dot_general3A_81 : vector<256x16xf32> to vector<1x256x16xf32>
    tpu.vector_store %arg9[%swap3A_82, %swap3A_83, %swap3A_84], %swap3A_87 {strides = array<i32>} : memref<1x256x16xf32, #tpu.memory_space<vmem>>, vector<1x256x16xf32>,
    %get3A_88 = arith.constant 0 : index
    %get3A_89 = arith.constant 0 : index
    %get3A_90 = arith.constant 0 : index
    %get3A_91 = vector.load %arg7[%get3A_88, %get3A_89, %get3A_90] : memref<1x128x16xf32, #tpu.memory_space<vmem>>, vector<1x128x16xf32>
    %get3A_92 = vector.shape_cast %get3A_91 : vector<1x128x16xf32> to vector<128x16xf32>
    %dot_general3A_93 = arith.constant dense<0.000000e+00> : vector<256x16xf32>
    %dot_general3A_94 = tpu.matmul %add3A_60, %get3A_92, %dot_general3A_93 {dimension_numbers = #tpu.dot_dimension_numbers<[1], [0], [0], [1], [0, 0, 1, 1], [], []>, transpose_lhs_hint = false} : vector<256x128xf32>, vector<128x16xf32>, vector<256x16xf32> -> vector<256x16xf32>
    %swap3A_95 = arith.constant 0 : index
    %swap3A_96 = arith.constant 0 : index
    %swap3A_97 = arith.constant 0 : index
    %swap3A_98 = vector.load %arg10[%swap3A_95, %swap3A_96, %swap3A_97] : memref<1x256x16xf32, #tpu.memory_space<vmem>>, vector<1x256x16xf32>
    %swap3A_99 = vector.shape_cast %swap3A_98 : vector<1x256x16xf32> to vector<256x16xf32>
    %swap3A_100 = vector.shape_cast %dot_general3A_94 : vector<256x16xf32> to vector<1x256x16xf32>
    tpu.vector_store %arg10[%swap3A_95, %swap3A_96, %swap3A_97], %swap3A_100 {strides = array<i32>} : memref<1x256x16xf32, #tpu.memory_space<vmem>>, vector<1x256x16xf32>,
    return
  }
  func.func @transform_0(%arg0: i32, %arg1: i32) -> (i32, i32, i32, i32) {
    %sub3A = arith.constant 1 : i32
    %sub3A_0 = arith.subi %sub3A, %arg0 : i32
    %c0_i32 = arith.constant 0 : i32
    %c0_i32_1 = arith.constant 0 : i32
    %c0_i32_2 = arith.constant 0 : i32
    return %sub3A_0, %c0_i32, %arg1, %c0_i32_1 : i32, i32, i32, i32
  }
  func.func @transform_1(%arg0: i32, %arg1: i32) -> (i32, i32, i32) {
    %sub3A = arith.constant 1 : i32
    %sub3A_0 = arith.subi %sub3A, %arg0 : i32
    %c0_i32 = arith.constant 0 : i32
    %c0_i32_1 = arith.constant 0 : i32
    return %sub3A_0, %arg1, %c0_i32 : i32, i32, i32
  }
  func.func @transform_2(%arg0: i32, %arg1: i32) -> (i32, i32, i32) {
    %c0_i32 = arith.constant 0 : i32
    %c0_i32_0 = arith.constant 0 : i32
    %c0_i32_1 = arith.constant 0 : i32
    return %arg0, %c0_i32, %c0_i32_0 : i32, i32, i32
  }
  func.func @transform_3(%arg0: i32, %arg1: i32) -> (i32, i32, i32) {
    %c0_i32 = arith.constant 0 : i32
    %c0_i32_0 = arith.constant 0 : i32
    %c0_i32_1 = arith.constant 0 : i32
    return %arg0, %c0_i32, %c0_i32_0 : i32, i32, i32
  }
  func.func @transform_4(%arg0: i32, %arg1: i32) -> (i32, i32, i32) {
    %c0_i32 = arith.constant 0 : i32
    %c0_i32_0 = arith.constant 0 : i32
    %c0_i32_1 = arith.constant 0 : i32
    return %arg0, %c0_i32, %c0_i32_0 : i32, i32, i32
  }
  func.func @transform_5(%arg0: i32, %arg1: i32) -> (i32, i32, i32) {
    %c0_i32 = arith.constant 0 : i32
    %c0_i32_0 = arith.constant 0 : i32
    %c0_i32_1 = arith.constant 0 : i32
    return %arg0, %c0_i32, %c0_i32_0 : i32, i32, i32
  }
  func.func @transform_6(%arg0: i32, %arg1: i32) -> (i32, i32, i32, i32) {
    %c0_i32 = arith.constant 0 : i32
    %c0_i32_0 = arith.constant 0 : i32
    %c0_i32_1 = arith.constant 0 : i32
    return %arg0, %c0_i32, %arg1, %c0_i32_0 : i32, i32, i32, i32
  }
  func.func @transform_7(%arg0: i32, %arg1: i32) -> (i32, i32, i32) {
    %c0_i32 = arith.constant 0 : i32
    %c0_i32_0 = arith.constant 0 : i32
    return %arg0, %arg1, %c0_i32 : i32, i32, i32
  }
  func.func @transform_8(%arg0: i32, %arg1: i32) -> (i32, i32, i32) {
    %c0_i32 = arith.constant 0 : i32
    %c0_i32_0 = arith.constant 0 : i32
    return %arg0, %arg1, %c0_i32 : i32, i32, i32
  }
}

module attributes {stable_mosaic.version = 14 : i64} {
  func.func @_finalize_body(%arg0: i32, %arg1: i32, %arg2: memref<1x2x256x64xf32, #tpu.memory_space<vmem>>, %arg3: memref<1x256x16xf32, #tpu.memory_space<vmem>>, %arg4: memref<1x256x128xf32, #tpu.memory_space<vmem>>) attributes {dimension_semantics = [#tpu.dimension_semantics<arbitrary>, #tpu.dimension_semantics<arbitrary>], iteration_bounds = array<i64: 2, 40>, scalar_prefetch = 0 : i64, scratch_operands = 0 : i64, tpu.core_type = #tpu.core_type<tc>, window_params = [{transform_indices = @transform_0, window_bounds = array<i64: 1, 2, 256, 64>}, {transform_indices = @transform_1, window_bounds = array<i64: 1, 256, 16>}, {transform_indices = @transform_2, window_bounds = array<i64: 1, 256, 128>}]} {
    %get3A = arith.constant 0 : index
    %get3A_0 = arith.constant 0 : index
    %get3A_1 = arith.constant 0 : index
    %get3A_2 = arith.constant 0 : index
    %get3A_3 = vector.load %arg2[%get3A, %get3A_0, %get3A_1, %get3A_2] : memref<1x2x256x64xf32, #tpu.memory_space<vmem>>, vector<1x1x256x64xf32>
    %get3A_4 = vector.shape_cast %get3A_3 : vector<1x1x256x64xf32> to vector<256x64xf32>
    %get3A_5 = arith.constant 0 : index
    %get3A_6 = arith.constant 1 : index
    %get3A_7 = arith.constant 0 : index
    %get3A_8 = arith.constant 0 : index
    %get3A_9 = vector.load %arg2[%get3A_5, %get3A_6, %get3A_7, %get3A_8] : memref<1x2x256x64xf32, #tpu.memory_space<vmem>>, vector<1x1x256x64xf32>
    %get3A_10 = vector.shape_cast %get3A_9 : vector<1x1x256x64xf32> to vector<256x64xf32>
    %concatenate3A = tpu.concatenate %get3A_4, %get3A_10 in 1 : vector<256x64xf32>, vector<256x64xf32> -> vector<256x128xf32>
    %get3A_11 = arith.constant 0 : index
    %get3A_12 = arith.constant 0 : index
    %get3A_13 = arith.constant 0 : index
    %get3A_14 = vector.load %arg3[%get3A_11, %get3A_12, %get3A_13] : memref<1x256x16xf32, #tpu.memory_space<vmem>>, vector<1x256x16xf32>
    %get3A_15 = vector.shape_cast %get3A_14 : vector<1x256x16xf32> to vector<256x16xf32>
    %iota3A = tpu.iota {dimensions = array<i32: 1>} : vector<16x128xi32>
    %jit3A = arith.constant 16 : i32
    %div3A = vector.broadcast %jit3A : i32 to vector<16x128xi32>
    %div3A_16 = arith.divsi %iota3A, %div3A : vector<16x128xi32>
    %sign3A = arith.constant 0 : i32
    %sign3A_17 = vector.broadcast %sign3A : i32 to vector<16x128xi32>
    %sign3A_18 = arith.cmpi sgt, %iota3A, %sign3A_17 : vector<16x128xi32>
    %sign3A_19 = arith.extui %sign3A_18 : vector<16x128xi1> to vector<16x128xi32>
    %sign3A_20 = arith.constant 0 : i32
    %sign3A_21 = vector.broadcast %sign3A_20 : i32 to vector<16x128xi32>
    %sign3A_22 = arith.cmpi slt, %iota3A, %sign3A_21 : vector<16x128xi32>
    %sign3A_23 = arith.extui %sign3A_22 : vector<16x128xi1> to vector<16x128xi32>
    %sign3A_24 = arith.subi %sign3A_19, %sign3A_23 : vector<16x128xi32>
    %sign3A_25 = arith.constant 0 : i32
    %sign3A_26 = arith.cmpi sgt, %jit3A, %sign3A_25 : i32
    %sign3A_27 = arith.extui %sign3A_26 : i1 to i32
    %sign3A_28 = arith.constant 0 : i32
    %sign3A_29 = arith.cmpi slt, %jit3A, %sign3A_28 : i32
    %sign3A_30 = arith.extui %sign3A_29 : i1 to i32
    %sign3A_31 = arith.subi %sign3A_27, %sign3A_30 : i32
    %ne3A = vector.broadcast %sign3A_31 : i32 to vector<16x128xi32>
    %ne3A_32 = arith.cmpi ne, %sign3A_24, %ne3A : vector<16x128xi32>
    %rem3A = vector.broadcast %jit3A : i32 to vector<16x128xi32>
    %rem3A_33 = arith.remsi %iota3A, %rem3A : vector<16x128xi32>
    %ne3A_34 = arith.constant 0 : i32
    %ne3A_35 = vector.broadcast %ne3A_34 : i32 to vector<16x128xi32>
    %ne3A_36 = arith.cmpi ne, %rem3A_33, %ne3A_35 : vector<16x128xi32>
    %and3A = arith.andi %ne3A_32, %ne3A_36 : vector<16x128xi1>
    %sub3A = arith.constant 1 : i32
    %sub3A_37 = vector.broadcast %sub3A : i32 to vector<16x128xi32>
    %sub3A_38 = arith.subi %div3A_16, %sub3A_37 : vector<16x128xi32>
    %select_n3A = arith.select %and3A, %sub3A_38, %div3A_16 : vector<16x128xi1>, vector<16x128xi32>
    %iota3A_39 = tpu.iota {dimensions = array<i32: 0>} : vector<16x128xi32>
    %eq3A = arith.cmpi eq, %select_n3A, %iota3A_39 : vector<16x128xi32>
    %convert_element_type3A = arith.extui %eq3A : vector<16x128xi1> to vector<16x128xi32>
    %convert_element_type3A_40 = arith.sitofp %convert_element_type3A : vector<16x128xi32> to vector<16x128xf32>
    %dot_general3A = arith.constant dense<0.000000e+00> : vector<256x128xf32>
    %dot_general3A_41 = tpu.matmul %get3A_15, %convert_element_type3A_40, %dot_general3A {dimension_numbers = #tpu.dot_dimension_numbers<[1], [0], [0], [1], [0, 0, 1, 1], [], []>, transpose_lhs_hint = false} : vector<256x16xf32>, vector<16x128xf32>, vector<256x128xf32> -> vector<256x128xf32>
    %max3A = arith.constant 1.000000e-16 : f32
    %max3A_42 = vector.broadcast %max3A : f32 to vector<256x128xf32>
    %max3A_43 = arith.maximumf %dot_general3A_41, %max3A_42 : vector<256x128xf32>
    %div3A_44 = arith.divf %concatenate3A, %max3A_43 : vector<256x128xf32>
    %max3A_45 = arith.constant 0.000000e+00 : f32
    %max3A_46 = vector.broadcast %max3A_45 : f32 to vector<256x128xf32>
    %max3A_47 = arith.maximumf %div3A_44, %max3A_46 : vector<256x128xf32>
    %swap3A = arith.constant 0 : index
    %swap3A_48 = arith.constant 0 : index
    %swap3A_49 = arith.constant 0 : index
    %swap3A_50 = vector.load %arg4[%swap3A, %swap3A_48, %swap3A_49] : memref<1x256x128xf32, #tpu.memory_space<vmem>>, vector<1x256x128xf32>
    %swap3A_51 = vector.shape_cast %swap3A_50 : vector<1x256x128xf32> to vector<256x128xf32>
    %swap3A_52 = vector.shape_cast %max3A_47 : vector<256x128xf32> to vector<1x256x128xf32>
    tpu.vector_store %arg4[%swap3A, %swap3A_48, %swap3A_49], %swap3A_52 {strides = array<i32>} : memref<1x256x128xf32, #tpu.memory_space<vmem>>, vector<1x256x128xf32>,
    return
  }
  func.func @transform_0(%arg0: i32, %arg1: i32) -> (i32, i32, i32, i32) {
    %sub3A = arith.constant 1 : i32
    %sub3A_0 = arith.subi %sub3A, %arg0 : i32
    %c0_i32 = arith.constant 0 : i32
    %c0_i32_1 = arith.constant 0 : i32
    %c0_i32_2 = arith.constant 0 : i32
    return %sub3A_0, %c0_i32, %arg1, %c0_i32_1 : i32, i32, i32, i32
  }
  func.func @transform_1(%arg0: i32, %arg1: i32) -> (i32, i32, i32) {
    %sub3A = arith.constant 1 : i32
    %sub3A_0 = arith.subi %sub3A, %arg0 : i32
    %c0_i32 = arith.constant 0 : i32
    %c0_i32_1 = arith.constant 0 : i32
    return %sub3A_0, %arg1, %c0_i32 : i32, i32, i32
  }
  func.func @transform_2(%arg0: i32, %arg1: i32) -> (i32, i32, i32) {
    %c0_i32 = arith.constant 0 : i32
    %c0_i32_0 = arith.constant 0 : i32
    return %arg0, %arg1, %c0_i32 : i32, i32, i32
  }
}

</mosaic_0001>

<sc_bundles>
// kernel: kernel.10.cloned.1.call-start
scs
__scs_entry_jumppad:
0x0: {  	(pc) =	sbr.rel $0x88, $3  }
0x1: {  	(tag) =	ssettag $0x0;
	lr =	simm.s32 $0x1  }
0x2: {  	[smem:$0x3F8D] =	sst lr;
	_ =	strace $0xD0000000  }
0x3: {  	_ = 	snop  }
0x4: {  	_ = 	snop  }
0x5: {  	_ = 	snop  }
0x6: {  	_ = 	snop  }
0x7: {  	_ = 	snop  }
__scs_overlays_trampoline_lowered:
0x8: {  	[smem:$0x3F9C] =	sst s0  }
0x9: {  	[smem:$0x3F9D] =	sst s1  }
0xa: {  	[smem:$0x3F9E] =	sst s2  }
0xb: {  	[smem:$0x3F9F] =	sst s3  }
0xc: {  	[smem:$0x3FA0] =	sst s4  }
0xd: {  	[smem:$0x3FA1] =	sst s5  }
0xe: {  	[smem:$0x3FA2] =	sst s6  }
0xf: {  	[smem:$0x3FA3] =	sst s7  }
0x10: {  	[smem:$0x3FA4] =	sst s8  }
0x11: {  	[smem:$0x3FA5] =	sst s9;
	s0 =	simm.s32 @!p0 $0x0  }
0x12: {  	s1 =	sld [smem:$0x3F8B];
	s0 =	simm.s32 @p0 $0x1  }
0x13: {  	[smem:$0x3FA6] =	sst s0;
	s0 =	simm.s32 @!p1 $0x0  }
0x14: {  	s2 =	sld [smem:$0x3F8A];
	s0 =	simm.s32 @p1 $0x1  }
0x15: {  	[smem:$0x3FA7] =	sst s0;
	s0 =	simm.s32 @!p2 $0x0  }
0x16: {  	s3 =	sld [smem:$0x3FDB];
	s0 =	simm.s32 @p2 $0x1  }
0x17: {  	s4 =	simm.s32 $0x1BF5;
	[smem:$0x3FA9] =	sst s0  }
0x18: {  	s0 =	sld [smem:$0x3F8C];
	_ =	swait.ge [sflag:s4], $0x0  }
0x19: {  	s7 =	sld [smem:$0x3F8D]  }
0x1a: {  	s8 =	sadd.s32 $0xFFFFE003, lr  }
0x1b: {  	s9 =	sadd.s32 $0xFFFFFEF7, lr;
	s5 =	simm.s32 $0xFFFFFFFF;
	p2 =	slt.u32 s8, $0xFFFFF086  }
0x1c: {  	p1 =	slt.u32 s9, $0xF7A;
	s5 =	simm.s32 @!p2 $0x0  }
0x1d: {  	s5 =	simm.s32 @p1 $0x1;
	p0 =	seq.s32 s7, s2  }
0x1e: {  	s7 =	smul.u32 @!p0 $0xF7A, s2;
	p2 =	seq.s32 @!p0 s5, $0x0  }
0x1f: {  	s9 =	smul.u32 $0xF7A, s1;
	s8 =	simm.s32 @!p0 $0x1BF5;
	p2 =	por !p2, p0  }
0x20: {  	[sflag:s8] =	ssyncset.s32 @!p0 $0xFFFFF086;
	s6 =	sadd.s32 @!p0 s3, s7;
	s7 =	simm.s32 @!p0 $0x108  }
0x21: {  	s3 =	sadd.s32 s3, s9;
	s6 =	sadd.s32 @!p0 $0x88, s6;
	s7 =	simm.s32 @p2 $0x1082  }
0x22: {  	[simem:s7], [sflag:s8] =	dma.local @!p0 [hbm:s6], $0xF7A  }
0x23: {  	s9 =	sor.u32 $0xD0000000, s2;
	s6 =	simm.s32 $0x108;
	_ =	swait.ge @!p0 [sflag:s8], $0x0  }
0x24: {  	s3 =	sadd.s32 $0x88, s3;
	s6 =	simm.s32 @!p1 $0x1082;
	[sflag:s4] =	ssyncset.s32 $0xFFFFF086  }
0x25: {  	[simem:s6], [sflag:s4] =	dma.local [hbm:s3], $0xF7A  }
0x26: {  	[smem:$0x3F8D] =	sst s1;
	(tag) =	ssettag s2;
	_ =	strace s9  }
0x27: {  	s1 =	sld [smem:$0x3F9D]  }
0x28: {  	s2 =	sld [smem:$0x3F9E]  }
0x29: {  	s4 =	sld [smem:$0x3FA0]  }
0x2a: {  	p0 =	seq.s32 s5, $0x0;
	s5 =	sld [smem:$0x3FA1]  }
0x2b: {  	s6 =	sld [smem:$0x3FA2]  }
0x2c: {  	s7 =	sld [smem:$0x3FA3]  }
0x2d: {  	s3 =	simm.s32 $0x108;
	s8 =	sld [smem:$0x3FA4]  }
0x2e: {  	s3 =	simm.s32 @!p0 $0x1082;
	s9 =	sld [smem:$0x3FA5]  }
0x2f: {  	lr =	sadd.s32 s0, s3;
	s0 =	sld [smem:$0x3F9C]  }
0x30: {  	s3 =	sld [smem:$0x3F9F]  }
0x31: {  	[smem:$0x3FA8] =	sst s10  }
0x32: {  	s10 =	sld [smem:$0x3FA6];
	_ =	sdelay $0x3  }
0x33: {  	p0 =	seq.s32 s10, $0x1;
	s10 =	sld [smem:$0x3FA8];
	_ =	sdelay $0x3  }
0x34: {  	[smem:$0x3FA8] =	sst s10  }
0x35: {  	s10 =	sld [smem:$0x3FA7];
	_ =	sdelay $0x3  }
0x36: {  	p1 =	seq.s32 s10, $0x1;
	s10 =	sld [smem:$0x3FA8];
	_ =	sdelay $0x3  }
0x37: {  	[smem:$0x3FA8] =	sst s10  }
0x38: {  	s10 =	sld [smem:$0x3FA9]  }
0x39: {  	_ = 	snop;
	(pc) =	sbr.ind lr, $3  }
0x3a: {  	_ = 	snop  }
0x3b: {  	_ = 	snop  }
0x3c: {  	p2 =	seq.s32 s10, $0x1;
	s10 =	sld [smem:$0x3FA8]  }
0x3d: {  	_ =	shalt  }
0x3e: {  	_ =	shalt  }
0x3f: {  	_ =	shalt  }
0x40: {  	_ =	shalt  }
0x41: {  	_ =	shalt  }
0x42: {  	_ =	shalt  }
0x43: {  	_ =	shalt  }
0x44: {  	_ =	shalt  }
0x45: {  	_ =	shalt  }
0x46: {  	_ =	shalt  }
0x47: {  	_ =	shalt  }
0x48: {  	_ =	shalt  }
0x49: {  	_ =	shalt  }
0x4a: {  	_ =	shalt  }
0x4b: {  	_ =	shalt  }
0x4c: {  	_ =	shalt  }
0x4d: {  	_ =	shalt  }
0x4e: {  	_ =	shalt  }
0x4f: {  	_ =	shalt  }
0x50: {  	_ =	shalt  }
0x51: {  	_ =	shalt  }
0x52: {  	_ =	shalt  }
0x53: {  	_ =	shalt  }
0x54: {  	_ =	shalt  }
0x55: {  	_ =	shalt  }
0x56: {  	_ =	shalt  }
0x57: {  	_ =	shalt  }
0x58: {  	_ =	shalt  }
0x59: {  	_ =	shalt  }
0x5a: {  	_ =	shalt  }
0x5b: {  	_ =	shalt  }
0x5c: {  	_ =	shalt  }
0x5d: {  	_ =	shalt  }
0x5e: {  	_ =	shalt  }
0x5f: {  	_ =	shalt  }
0x60: {  	_ =	shalt  }
0x61: {  	_ =	shalt  }
0x62: {  	_ =	shalt  }
0x63: {  	_ =	shalt  }
0x64: {  	_ =	shalt  }
0x65: {  	_ =	shalt  }
0x66: {  	_ =	shalt  }
0x67: {  	_ =	shalt  }
0x68: {  	_ =	shalt  }
0x69: {  	_ =	shalt  }
0x6a: {  	_ =	shalt  }
0x6b: {  	_ =	shalt  }
0x6c: {  	_ =	shalt  }
0x6d: {  	_ =	shalt  }
0x6e: {  	_ =	shalt  }
0x6f: {  	_ =	shalt  }
0x70: {  	_ =	shalt  }
0x71: {  	_ =	shalt  }
0x72: {  	_ =	shalt  }
0x73: {  	_ =	shalt  }
0x74: {  	_ =	shalt  }
0x75: {  	_ =	shalt  }
0x76: {  	_ =	shalt  }
0x77: {  	_ =	shalt  }
0x78: {  	_ =	shalt  }
0x79: {  	_ =	shalt  }
0x7a: {  	_ =	shalt  }
0x7b: {  	_ =	shalt  }
0x7c: {  	_ =	shalt  }
0x7d: {  	_ =	shalt  }
0x7e: {  	_ =	shalt  }
0x7f: {  	_ =	shalt  }
0x80: {  	_ =	shalt  }
0x81: {  	_ =	shalt  }
0x82: {  	_ =	shalt  }
0x83: {  	_ =	shalt  }
0x84: {  	_ =	shalt  }
0x85: {  	_ =	shalt  }
0x86: {  	_ =	shalt  }
0x87: {  	_ =	shalt  }
.Lfunc_end0:
.L_simem_size_0:
called_computation.1_lowered:
.L_overlay_start_0:
0x88: {  	s2 =	sld [smem:$0x3FD9]  }
0x89: {  	s3 =	sld [smem:$0x3FFE];
	_ =	sdelay $0x1  }
0x8a: {  	s1 =	srdreg.scid  }
0x8b: {  	s0 =	sand.u32 $0x1, s1  }
0x8c: {  	s14 =	sshll.u32 s0, $0xA;
	s2 =	sadd.s32 s3, s2  }
0x8d: {  	s2 =	sadd.s32 s2, s14  }
0x8e: {  	[smem:$0x3FB4] =	sst s2  }
0x8f: {  	_ = 	snop  }
0x90: {  	s2 =	sld [smem:$0x3FD0];
	_ =	sdelay $0x2  }
0x91: {  	s15 =	simm.s32 $0xA;
	s4 =	simm.s32 $0x10  }
0x92: {  	[smem:s4], [sflag:s15] =	dma.local [hbm:s2], $0x1  }
0x93: {  	_ =	swait.eq [sflag:s15], $0x1  }
0x94: {  	[sflag:s15] =	ssyncset.done $0x0  }
0x95: {  	s16 =	sld [smem:$0x10];
	[sflag:s15] =	ssyncadd.s32 $0xFFFFFFFF  }
0x96: {  	s17 =	sld [smem:$0x11];
	(tm) =	ssettm $0x1  }
0x97: {  	s18 =	sld [smem:$0x3FFB];
	_ =	sdelay $0x3  }
0x98: {  	_ =	strace s18  }
0x99: {  	s4 =	sld [smem:$0x3FFC];
	_ =	sdelay $0x3  }
0x9a: {  	_ =	strace s4  }
0x9b: {  	s4 =	sld [smem:$0x3FFD];
	_ =	sdelay $0x3  }
0x9c: {  	_ =	strace s4  }
0x9d: {  	_ =	strace $0x8FFFFFFF  }
0x9e: {  	s19 =	sld [smem:$0x3FDB];
	_ =	sdelay $0x1  }
0x9f: {  	s5 =	simm.s32 $_scs_section_size  }
0xa0: {  	s6 =	simm.s32 $_size__tile_overlayer_lowered;
	s7 =	simm.s32 $_tile_overlayer_lowered  }
0xa1: {  	s22 =	simm.s32 $0x1BFF;
	s21 =	sshll.u32 s7, $0x1;
	s4 =	sadd.s32 s5, s19  }
0xa2: {  	s8 =	simm.s32 $0x0;
	s20 =	sshll.u32 s6, $0x1;
	s6 =	sadd.s32 s21, s4  }
0xa3: {  	[timem:s8], [sflag:s22] =	dma.local [hbm:s6], s20  }
0xa4: {  	_ =	swait.ge [sflag:s22], s20  }
0xa5: {  	s5 =	ssub.s32 $0x0, s20;
	[sflag:s22] =	ssyncset.done $0x0  }
0xa6: {  	[sflag:s22] =	ssyncadd.s32 s5;
	_ =	sdelay $0x1  }
0xa7: {  	s23 =	simm.s32 $0x1B8B  }
0xa8: {  	_ =	swait.ge [sflag:s23], $0x1  }
0xa9: {  	[sflag:s23] =	ssyncset.done $0x0  }
0xaa: {  	s25 =	simm.s32 $0x1B8E;
	s24 =	sld [smem:$0x3FFE];
	[sflag:s23] =	ssyncadd.s32 $0xFFFFFFFF  }
0xab: {  	s26 =	simm.s32 $execute0_lowered;
	[smem:$0x3FD2] =	sst s25  }
0xac: {  	s6 =	sshll.u32 s26, $0x1;
	_ =	strace $0x80000049;
	[dreg:$0x1] =	wrdreg $0xFFFFFFFF  }
0xad: {  	s28 =	simm.s32 $_size_execute0_lowered;
	s4 =	sadd.s32 s4, s6;
	[dreg:$0x0] =	wrdreg $0x0  }
0xae: {  	s6 =	sshll.u32 s28, $0x1;
	[dreg:$0x2] =	wrdreg s4  }
0xaf: {  	[dreg:$0x3] =	wrdreg s6  }
0xb0: {  	[dreg:$0x4] =	wrdreg $0xC0  }
0xb1: {  	_ =	task [dreg:s8], $0x5FFFF  }
0xb2: {  	[dreg:$0x1] =	wrdreg $0xFFFFFFFF  }
0xb3: {  	[dreg:$0x0] =	wrdreg $0x60  }
0xb4: {  	[dreg:$0x2] =	wrdreg s24  }
0xb5: {  	[dreg:$0x3] =	wrdreg s16  }
0xb6: {  	[dreg:$0x4] =	wrdreg s17  }
0xb7: {  	[dreg:$0x5] =	wrdreg $0xFD000  }
0xb8: {  	[dreg:$0x6] =	wrdreg $0x19D000  }
0xb9: {  	[dreg:$0x7] =	wrdreg $0x9  }
0xba: {  	_ =	task.clear_ibuf [dreg:s8], $0x8FFFF;
	_ =	strace $0x90000049  }
0xbb: {  	s29 =	simm.s32 $0x9;
	_ =	strace $0x8000004B  }
0xbc: {  	_ =	swait.ge [sflag:s29], $0x1  }
0xbd: {  	[sflag:s29] =	ssyncadd.s32 $0xFFFFFFFF  }
0xbe: {  	_ =	strace $0x9000004B  }
0xbf: {  	_ =	sfence  }
0xc0: {  	s30 =	sld [smem:$0x0];
	_ =	sdelay $0x2  }
0xc1: {  	s31 =	sshll.u32 s1, $0xD;
	s1 =	sshrl.u32 s1, $0x2  }
0xc2: {  	s3 =	sand.u32 $0x4000, s31;
	s1 =	sadd.s32 s1, s30  }
0xc3: {  	s0 =	sor.u32 s3, s0;
	s1 =	sshll.u32 s1, $0x11  }
0xc4: {  	s0 =	sor.u32 s1, s0  }
0xc5: {  	s0 =	sadd.s32 $0x8F2B, s0  }
0xc6: {  	[sflag:s0] =	ssyncadd.remote.s32 $0x1  }
0xc7: {  	_ =	sfence.sel $0xFFFF  }
0xc8: {  	[dreg:$0x0] =	wrdreg $0xFFFFFFFF;
	(pc) =	sbr.abs _section_cstart, $3  }
0xc9: {  	[dreg:$0x1] =	wrdreg $0xFFFFFFFF  }
0xca: {  	_ =	task.clear_ibuf [dreg:s8], $0x2FFFF;
	_ =	strace $0x9FFFFFFF  }
0xcb: {  	(tm) =	ssettm $0x7FFFFFFF  }
tec
execute0_lowered:
.L_overlay_start_1:
0x0: {  	(tag) =	ssettag $0x1  }
0x1: {  	s0 =	rddreg [dreg:$0x0]  }
0x2: {  	s1 =	rddreg [dreg:$0x1]  }
0x3: {  	s2 =	rddreg [dreg:$0x2]  }
0x4: {  	s4 =	rddreg [dreg:$0x3];
	s13 =	stileid.u32  }
0x5: {  	s5 =	rddreg [dreg:$0x4];
	s3 =	smul.u32 $0x9D0, s13  }
0x6: {  	s6 =	simm.s32 $0x0;
	s8 =	srdreg.scid;
	s7 =	smul.u32 $0x2800, s13  }
0x7: {  	[smem:$0x7FF] =	sst s6;
	s12 =	smul.u32 $0x280, s13  }
0x8: {  	s8 =	sand.u32 $0x1, s8;
	s16 =	smul.u32 $0xA000, s13;
	s28 =	sadd.s32 $0x28C00, s0  }
0x9: {  	s31 =	sadd.s32 $0x5000, s2;
	_ =	strace $0x8000004A;
	s9 =	ssub.s32 $0x2, s8  }
0xa: {  	p0 =	seq.s32 s8, $0x1;
	s3 =	sadd.s32 s3, s0;
	s10 =	sshrl.u32 s7, $0x3  }
0xb: {  	s11 =	sshrl.u32 s9, $0x1;
	s23 =	sadd.s32 $0x80, s12;
	s19 =	sadd.s32 s7, s5  }
0xc: {  	s26 =	sadd.s32 $0x100, s12;
	s17 =	sadd.s32 $0x180, s12;
	s12 =	sadd.s32 $0x200, s12  }
0xd: {  	s14 =	sadd.s32 s10, s0;
	s18 =	ssub.s32 s9, s11;
	s21 =	sadd.s32 $0x6E600, s3  }
0xe: {  	s22 =	sadd.s32 $0x5AA00, s3;
	s9 =	sadd.s32 s16, s4;
	s24 =	sshll.u32 s23, $0x6  }
0xf: {  	s8 =	sshll.u32 s23, $0x4;
	s29 =	sshll.u32 s26, $0x6;
	[dreg:$0x8] =	wrdreg s19  }
0x10: {  	s7 =	sshll.u32 s26, $0x4;
	s30 =	sshll.u32 s17, $0x6;
	[dreg:$0x6] =	wrdreg s21  }
0x11: {  	s26 =	sadd.s32 $0x14C00, s0;
	[dreg:$0x7] =	wrdreg s22;
	s11 =	sadd.s32 s24, s4  }
0x12: {  	s25 =	sadd.s32 s8, s5;
	s13 =	sadd.s32 s29, s4;
	s7 =	sadd.s32 s7, s5  }
0x13: {  	s15 =	sadd.s32 s30, s4;
	s8 =	sshll.u32 s17, $0x4;
	s17 =	sshll.u32 s12, $0x6  }
0x14: {  	s21 =	sadd.s32 $0xCD400, s0;
	s22 =	sshrl.u32 s16, $0x3;
	[dreg:$0x9] =	wrdreg s25  }
0x15: {  	s23 =	sadd.s32 $0xC8400, s14;
	s24 =	sadd.s32 $0x64800, s3;
	[dreg:$0xa] =	wrdreg s7  }
0x16: {  	s3 =	sadd.s32 $0x50C00, s3;
	s29 =	smax.u32 s18, $0x1;
	[dreg:$0xe] =	wrdreg s23  }
0x17: {  	s7 =	sadd.s32 s8, s5;
	s8 =	sshll.u32 s12, $0x4;
	[dreg:$0x10] =	wrdreg s24  }
0x18: {  	s17 =	sadd.s32 s17, s4;
	[dreg:$0x11] =	wrdreg s3;
	s24 =	sadd.s32 $0xC00, s0  }
0x19: {  	s25 =	sadd.s32 $0x78400, s0;
	s0 =	sadd.s32 $0xA0400, s0;
	[dreg:$0x14] =	wrdreg s29  }
0x1a: {  	[dreg:$0xd] =	wrdreg s22;
	s23 =	simm.s32 $0x9D00;
	s3 =	simm.s32 $0xAD00  }
0x1b: {  	s12 =	simm.s32 $0xCD00;
	[dreg:$0xb] =	wrdreg s7;
	s20 =	sadd.s32 s8, s5  }
.Ltmp0:
0x1c: {  	s7 =	sadd.s32 s10, s21;
	[dreg:$0x13] =	wrdreg s0;
	(pc) =	sbr.rel .LBB2_1-.Ltmp0, $4  }
0x1d: {  	[dreg:$0x12] =	wrdreg s25;
	s30 =	sadd.s32 s25, s22;
	s8 =	simm.s32 $0x2  }
0x1e: {  	s21 =	simm.s32 $0xF500;
	s22 =	simm.s32 $0x80;
	[dreg:$0xc] =	wrdreg s20  }
0x1f: {  	s0 =	simm.s32 $0xA500;
	s25 =	simm.s32 $0x1;
	[dreg:$0xf] =	wrdreg s7  }
0x20: {  	v0 =	vimm.f32 $0.0e+00;
	[dreg:$0x15] =	wrdreg s30;
	s7 =	sadd.s32 $0x5000, s1;
	s20 =	simm.s32 $0xD500  }
.LBB2_22:
0x21: {  	s16 =	rddreg [dreg:$0xd]  }
0x22: {  	s10 =	sadd.s32 s16, s10  }
0x23: {  	[bflag:$0x0] =	sbarrier.arrive $0xFFFF;
	s29 =	sshrl.u32 s9, $0x3;
	s10 =	sadd.s32 $0x14000, s10  }
0x24: {  	[hbm:s10], [sflag:s14] =	dma.local [spmem:s29], $0x1400  }
0x25: {  	_ =	swait.ge [sflag:s8], $0x1400  }
0x26: {  	s6 =	sadd.s32 $0x1, s6;
	s30 =	rddreg [dreg:$0x14]  }
0x27: {  	p1 =	sne.s32 s6, s30  }
.Ltmp1:
0x28: {  	_ = 	snop;
	(pc) =	sbr.rel @!p1 .LBB2_23-.Ltmp1, $4  }
0x29: {  	[sflag:s8] =	ssyncset.done $0x0  }
0x2a: {  	[sflag:s8] =	ssyncadd.s32 $0xFFFFEC00  }
0x2b: {  	[bflag:$0x0] =	sbarrier.arrive $0xFFFF  }
0x2c: {  	s19 =	rddreg [dreg:$0x8]  }
.LBB2_1:
0x2d: {  	s14 =	simm.s32 $0xD520  }
0x2e: {  	[tilespmem:s14+$0x0] =	vst v0  }
0x2f: {  	[tilespmem:s14+$0xFFFFFFE0] =	vst v0  }
0x30: {  	[tilespmem:s14+$0x10] =	vst v0  }
0x31: {  	s16 =	simm.s32 $0x40;
	s10 =	simm.s32 $0x0;
	[tilespmem:s14+$0xFFFFFFF0] =	vst v0  }
.LBB2_2:
0x32: {  	p1 =	sne.s32 s16, $0x1FC0  }
0x33: {  	[tilespmem:s10+$0xF500] =	vst v0;
	s14 =	sadd.s32 $0x40, s14;
	s10 =	smov.u32 s16;
	s16 =	sadd.s32 $0x40, s16  }
.Ltmp2:
0x34: {  	[tilespmem:s14+$0x0] =	vst v0;
	(pc) =	sbr.rel @p1 .LBB2_2-.Ltmp2, $4  }
0x35: {  	_ = 	snop  }
0x36: {  	[tilespmem:s14+$0xFFFFFFE0] =	vst v0  }
0x37: {  	[tilespmem:s14+$0x10] =	vst v0  }
0x38: {  	s10 =	sshra.s32 s10, $0x2;
	[tilespmem:s14+$0xFFFFFFF0] =	vst v0  }
.Ltmp3:
0x39: {  	(pc) =	sbr.rel @!p0 .LBB2_4-.Ltmp3, $2  }
0x3a: {  	_ =	sdelay $0x2  }
0x3b: {  	[tilespmem:s10+$0xF500] =	vst v0;
	s14 =	simm.s32 $0x0  }
0x3c: {  	s10 =	rddreg [dreg:$0x10]  }
0x3d: {  	[tilespmem:s14], [sflag:$0x2] =	stream.linear.gather [hbm4b:s10+s14], $0x4E80, $0x38;
	[tilespmem:$0x1C500] =	vst v63  }
0x3e: {  	_ =	swait.ge [sflag:s8], $0x4E80  }
0x3f: {  	[sflag:s8] =	ssyncset.done $0x0  }
0x40: {  	s16 =	simm.s32 $0x4E80;
	s30 =	rddreg [dreg:$0x11];
	[sflag:s8] =	ssyncadd.s32 $0xFFFFB180  }
0x41: {  	[tilespmem:s16], [sflag:$0x2] =	stream.linear.gather [hbm4b:s30+s14], $0x4E80, $0x38;
	[tilespmem:$0x1C500] =	vst v63  }
0x42: {  	_ =	swait.ge [sflag:s8], $0x4E80  }
0x43: {  	[sflag:s8] =	ssyncset.done $0x0  }
0x44: {  	[sflag:s8] =	ssyncadd.s32 $0xFFFFB180  }
0x45: {  	[spmem:s9] =	stream.linear.scatter [tilespmem:s20], [sflag:$0x2], $0x2000, $0x38;
	[tilespmem:$0x1C500] =	vst v63  }
0x46: {  	_ =	swait.ge [sflag:s8], $0x2000  }
0x47: {  	[sflag:s8] =	ssyncset.done $0x0  }
0x48: {  	[sflag:s8] =	ssyncadd.s32 $0xFFFFE000  }
0x49: {  	[spmem:s19] =	stream.linear.scatter [tilespmem:s21], [sflag:$0x2], $0x800, $0x38;
	[tilespmem:$0x1C500] =	vst v63  }
0x4a: {  	_ =	swait.ge [sflag:s8], $0x800  }
0x4b: {  	[sflag:s8] =	ssyncset.done $0x0  }
0x4c: {  	[sflag:s8] =	ssyncadd.s32 $0xFFFFF800  }
0x4d: {  	[spmem:s11] =	stream.linear.scatter [tilespmem:s20], [sflag:$0x2], $0x2000, $0x38;
	[tilespmem:$0x1C500] =	vst v63  }
0x4e: {  	_ =	swait.ge [sflag:s8], $0x2000  }
0x4f: {  	[sflag:s8] =	ssyncset.done $0x0  }
0x50: {  	s16 =	rddreg [dreg:$0x9];
	[sflag:s8] =	ssyncadd.s32 $0xFFFFE000  }
0x51: {  	[spmem:s16] =	stream.linear.scatter [tilespmem:s21], [sflag:$0x2], $0x800, $0x38;
	[tilespmem:$0x1C500] =	vst v63  }
0x52: {  	_ =	swait.ge [sflag:s8], $0x800  }
0x53: {  	[sflag:s8] =	ssyncset.done $0x0  }
0x54: {  	[sflag:s8] =	ssyncadd.s32 $0xFFFFF800  }
0x55: {  	[spmem:s13] =	stream.linear.scatter [tilespmem:s20], [sflag:$0x2], $0x2000, $0x38;
	[tilespmem:$0x1C500] =	vst v63  }
0x56: {  	_ =	swait.ge [sflag:s8], $0x2000  }
0x57: {  	[sflag:s8] =	ssyncset.done $0x0  }
0x58: {  	s18 =	rddreg [dreg:$0xa];
	[sflag:s8] =	ssyncadd.s32 $0xFFFFE000  }
0x59: {  	[spmem:s18] =	stream.linear.scatter [tilespmem:s21], [sflag:$0x2], $0x800, $0x38;
	[tilespmem:$0x1C500] =	vst v63  }
0x5a: {  	_ =	swait.ge [sflag:s8], $0x800  }
0x5b: {  	[sflag:s8] =	ssyncset.done $0x0  }
0x5c: {  	[sflag:s8] =	ssyncadd.s32 $0xFFFFF800  }
0x5d: {  	[spmem:s15] =	stream.linear.scatter [tilespmem:s20], [sflag:$0x2], $0x2000, $0x38;
	[tilespmem:$0x1C500] =	vst v63  }
0x5e: {  	_ =	swait.ge [sflag:s8], $0x2000  }
0x5f: {  	[sflag:s8] =	ssyncset.done $0x0  }
0x60: {  	s29 =	rddreg [dreg:$0xb];
	[sflag:s8] =	ssyncadd.s32 $0xFFFFE000  }
0x61: {  	[spmem:s29] =	stream.linear.scatter [tilespmem:s21], [sflag:$0x2], $0x800, $0x38;
	[tilespmem:$0x1C500] =	vst v63  }
0x62: {  	_ =	swait.ge [sflag:s8], $0x800  }
0x63: {  	[sflag:s8] =	ssyncset.done $0x0  }
0x64: {  	[sflag:s8] =	ssyncadd.s32 $0xFFFFF800  }
0x65: {  	[spmem:s17] =	stream.linear.scatter [tilespmem:s20], [sflag:$0x2], $0x2000, $0x38;
	[tilespmem:$0x1C500] =	vst v63  }
0x66: {  	_ =	swait.ge [sflag:s8], $0x2000  }
0x67: {  	[sflag:s8] =	ssyncset.done $0x0  }
0x68: {  	s30 =	rddreg [dreg:$0xc];
	[sflag:s8] =	ssyncadd.s32 $0xFFFFE000  }
0x69: {  	[spmem:s30] =	stream.linear.scatter [tilespmem:s21], [sflag:$0x2], $0x800, $0x38;
	[tilespmem:$0x1C500] =	vst v63  }
0x6a: {  	_ =	swait.ge [sflag:s8], $0x800  }
0x6b: {  	[sflag:s8] =	ssyncset.done $0x0  }
0x6c: {  	[sflag:s8] =	ssyncadd.s32 $0xFFFFF800  }
0x6d: {  	[bflag:$0x0] =	sbarrier.arrive $0xFFFF  }
.LBB2_14:
0x6e: {  	s10 =	sshll.u32 s14, $0x7  }
0x6f: {  	[tilespmem:s23], [sflag:$0x1] =	stream.indirect.gather [hbm4b:s7+s22], $0x10, s10, s22, $0xb8;
	[tilespmem:$0x1C500] =	vst v63  }
0x70: {  	s16 =	sadd.s32 $0x4E80, s10  }
0x71: {  	[tilespmem:s0], [sflag:$0x1] =	stream.indirect.gather [hbm4b:s2+s22], $0x10, s16, s22, $0xb8;
	[tilespmem:$0x1C500] =	vst v63  }
0x72: {  	_ = 	snop  }
0x73: {  	[tilespmem:s3], [sflag:$0x1] =	stream.indirect.gather [hbm4b:s28+s22], $0x40, s10, s22, $0xb8;
	[tilespmem:$0x1C500] =	vst v63  }
0x74: {  	_ =	swait.ge [sflag:s25], $0x800  }
0x75: {  	[sflag:s25] =	ssyncset.done $0x0  }
0x76: {  	[sflag:s25] =	ssyncadd.s32 $0xFFFFF800  }
0x77: {  	_ =	swait.ge [sflag:s25], $0x800  }
0x78: {  	[sflag:s25] =	ssyncset.done $0x0  }
0x79: {  	[sflag:s25] =	ssyncadd.s32 $0xFFFFF800  }
0x7a: {  	_ =	swait.ge [sflag:s25], $0x2000  }
0x7b: {  	[sflag:s25] =	ssyncset.done $0x0  }
0x7c: {  	s18 =	simm.s32 $0x0;
	[sflag:s25] =	ssyncadd.s32 $0xFFFFE000  }
0x7d: {  	v1 =	vld [tilespmem:s18+$0x9D00]  }
0x7e: {  	v2 =	vld [tilespmem:s18+$0xA500];
	_ =	sdelay $0x4  }
0x7f: {  	v1 =	vadd.f32 v2, v1;
	_ =	sdelay $0x1  }
0x80: {  	v2 =	vmul.f32 $2.000000030e-01, v1;
	_ =	sdelay $0x1  }
0x81: {  	v1 =	vmax.f32 v1, v2  }
0x82: {  	v1 =	vmul.f32 $1.442695020e+00, v1;
	_ =	sdelay $0x1  }
0x83: {  	(erf) = vpow2.f32 v1;
	_ =	sdelay $0x8  }
0x84: {  	v1 =	vpop (erf)  }
0x85: {  	s29 =	simm.s32 $0xAD20;
	[tilespmem:s18+$0xCD00] =	vst v1  }
0x86: {  	v6 =	vld [tilespmem:s29+$0xFFFFFFE0]  }
0x87: {  	v5 =	vld [tilespmem:s29+$0xFFFFFFF0]  }
0x88: {  	v2 =	vld [tilespmem:s29+$0x0]  }
0x89: {  	s30 =	simm.s32 $0x40;
	v4 =	vbroadcast v1, $0x1;
	v7 =	vbroadcast v1, $0x0;
	s18 =	simm.s32 $0xAD20;
	v3 =	vld [tilespmem:s29+$0x10]  }
.LBB2_15:
0x8a: {  	p1 =	sne.s32 s30, $0x1FC0  }
0x8b: {  	s29 =	sadd.s32 $0x40, s29;
	s10 =	smov.u32 s30;
	s30 =	sadd.s32 $0x40, s30  }
0x8c: {  	v6 =	vmul.f32 v7, v6;
	v7 =	vbroadcast v1, $0x2  }
0x8d: {  	v1 =	vbroadcast v1, $0x3;
	v4 =	vmul.f32 v4, v5  }
0x8e: {  	[tilespmem:s18+$0xFFFFFFE0] =	vst v6;
	v2 =	vmul.f32 v7, v2  }
0x8f: {  	s10 =	sshra.s32 s10, $0x2;
	[tilespmem:s18+$0xFFFFFFF0] =	vst v4;
	v1 =	vmul.f32 v3, v1  }
0x90: {  	[tilespmem:s18+$0x0] =	vst v2  }
0x91: {  	[tilespmem:s18+$0x10] =	vst v1;
	s18 =	smov.u32 s29  }
0x92: {  	v1 =	vld [tilespmem:s10+$0x9D00]  }
0x93: {  	v2 =	vld [tilespmem:s10+$0xA500];
	_ =	sdelay $0x4  }
0x94: {  	v1 =	vadd.f32 v2, v1;
	_ =	sdelay $0x1  }
0x95: {  	v2 =	vmul.f32 $2.000000030e-01, v1;
	_ =	sdelay $0x1  }
0x96: {  	v1 =	vmax.f32 v1, v2  }
0x97: {  	v1 =	vmul.f32 $1.442695020e+00, v1;
	_ =	sdelay $0x1  }
0x98: {  	(erf) = vpow2.f32 v1;
	_ =	sdelay $0x8  }
0x99: {  	v1 =	vpop (erf)  }
.Ltmp4:
0x9a: {  	[tilespmem:s10+$0xCD00] =	vst v1;
	v4 =	vbroadcast v1, $0x1;
	(pc) =	sbr.rel @p1 .LBB2_15-.Ltmp4, $4  }
0x9b: {  	v6 =	vld [tilespmem:s29+$0xFFFFFFE0]  }
0x9c: {  	v5 =	vld [tilespmem:s29+$0xFFFFFFF0]  }
0x9d: {  	v2 =	vld [tilespmem:s29+$0x0]  }
0x9e: {  	v7 =	vbroadcast v1, $0x0;
	v3 =	vld [tilespmem:s29+$0x10]  }
0x9f: {  	_ = 	snop  }
0xa0: {  	v63 =	vbroadcast v1, $0x2;
	v6 =	vmul.f32 v7, v6  }
0xa1: {  	v1 =	vbroadcast v1, $0x3;
	v4 =	vmul.f32 v4, v5  }
0xa2: {  	[tilespmem:s18+$0xFFFFFFE0] =	vst v6;
	v2 =	vmul.f32 v63, v2  }
0xa3: {  	[tilespmem:s18+$0xFFFFFFF0] =	vst v4;
	v1 =	vmul.f32 v3, v1  }
0xa4: {  	[tilespmem:s18+$0x0] =	vst v2  }
0xa5: {  	[tilespmem:s18+$0x10] =	vst v1  }
0xa6: {  	[spmem:s5] =	stream.indirect.scatter.add.f32 [tilespmem:s12], [sflag:$0x2], $0x10, s16, s22, $0xb8;
	[tilespmem:$0x1C500] =	vst v63  }
0xa7: {  	s14 =	sadd.s32 $0x1, s14;
	_ =	swait.ge [sflag:s8], $0x800  }
0xa8: {  	p1 =	sne.s32 s14, $0x9D;
	[sflag:s8] =	ssyncset.done $0x0  }
.Ltmp5:
0xa9: {  	[sflag:s8] =	ssyncadd.s32 $0xFFFFF800;
	(pc) =	sbr.rel @p1 .LBB2_14-.Ltmp5, $4  }
0xaa: {  	[spmem:s4] =	stream.indirect.scatter.add.f32 [tilespmem:s3], [sflag:$0x2], $0x40, s16, s22, $0xb8;
	[tilespmem:$0x1C500] =	vst v63  }
0xab: {  	_ =	swait.ge [sflag:s8], $0x2000  }
0xac: {  	[sflag:s8] =	ssyncset.done $0x0  }
0xad: {  	[sflag:s8] =	ssyncadd.s32 $0xFFFFE000  }
0xae: {  	[bflag:$0x0] =	sbarrier.arrive $0xFFFF  }
0xaf: {  	s10 =	stileid.u32;
	s14 =	rddreg [dreg:$0xd]  }
0xb0: {  	s10 =	sshll.u32 s10, $0x6;
	s16 =	rddreg [dreg:$0x13]  }
0xb1: {  	s18 =	sshrl.u32 s9, $0x3;
	s16 =	sadd.s32 s14, s16;
	s14 =	sor.u32 $0x1C02, s10  }
0xb2: {  	[hbm:s16], [sflag:s14] =	dma.local [spmem:s18], $0x1400  }
0xb3: {  	_ =	swait.ge [sflag:s8], $0x1400  }
0xb4: {  	[sflag:s8] =	ssyncset.done $0x0  }
0xb5: {  	s29 =	sshrl.u32 s19, $0x3;
	s30 =	rddreg [dreg:$0xf];
	[sflag:s8] =	ssyncadd.s32 $0xFFFFEC00  }
0xb6: {  	[hbm:s30], [sflag:s14] =	dma.local [spmem:s29], $0x500  }
0xb7: {  	_ =	swait.ge [sflag:s8], $0x500  }
0xb8: {  	[sflag:s8] =	ssyncset.done $0x0  }
0xb9: {  	[sflag:s8] =	ssyncadd.s32 $0xFFFFFB00  }
0xba: {  	[bflag:$0x0] =	sbarrier.arrive $0xFFFF  }
0xbb: {  	[spmem:s9] =	stream.linear.scatter [tilespmem:s20], [sflag:$0x2], $0x2000, $0x38;
	[tilespmem:$0x1C500] =	vst v63  }
0xbc: {  	_ =	swait.ge [sflag:s8], $0x2000  }
0xbd: {  	[sflag:s8] =	ssyncset.done $0x0  }
0xbe: {  	[sflag:s8] =	ssyncadd.s32 $0xFFFFE000  }
0xbf: {  	[spmem:s11] =	stream.linear.scatter [tilespmem:s20], [sflag:$0x2], $0x2000, $0x38;
	[tilespmem:$0x1C500] =	vst v63  }
0xc0: {  	_ =	swait.ge [sflag:s8], $0x2000  }
0xc1: {  	[sflag:s8] =	ssyncset.done $0x0  }
0xc2: {  	[sflag:s8] =	ssyncadd.s32 $0xFFFFE000  }
0xc3: {  	[spmem:s13] =	stream.linear.scatter [tilespmem:s20], [sflag:$0x2], $0x2000, $0x38;
	[tilespmem:$0x1C500] =	vst v63  }
0xc4: {  	_ =	swait.ge [sflag:s8], $0x2000  }
0xc5: {  	[sflag:s8] =	ssyncset.done $0x0  }
0xc6: {  	[sflag:s8] =	ssyncadd.s32 $0xFFFFE000  }
0xc7: {  	[spmem:s15] =	stream.linear.scatter [tilespmem:s20], [sflag:$0x2], $0x2000, $0x38;
	[tilespmem:$0x1C500] =	vst v63  }
0xc8: {  	_ =	swait.ge [sflag:s8], $0x2000  }
0xc9: {  	[sflag:s8] =	ssyncset.done $0x0  }
0xca: {  	[sflag:s8] =	ssyncadd.s32 $0xFFFFE000  }
0xcb: {  	[spmem:s17] =	stream.linear.scatter [tilespmem:s20], [sflag:$0x2], $0x2000, $0x38;
	[tilespmem:$0x1C500] =	vst v63  }
0xcc: {  	_ =	swait.ge [sflag:s8], $0x2000  }
0xcd: {  	[sflag:s8] =	ssyncset.done $0x0  }
0xce: {  	[sflag:s8] =	ssyncadd.s32 $0xFFFFE000  }
0xcf: {  	s16 =	sadd.s32 $0x14000, s28;
	s18 =	simm.s32 $0x0;
	[bflag:$0x0] =	sbarrier.arrive $0xFFFF  }
.LBB2_18:
0xd0: {  	s10 =	sshll.u32 s18, $0x7  }
0xd1: {  	[tilespmem:s23], [sflag:$0x1] =	stream.indirect.gather [hbm4b:s7+s22], $0x10, s10, s22, $0xb8;
	[tilespmem:$0x1C500] =	vst v63  }
0xd2: {  	s30 =	sadd.s32 $0x4E80, s10  }
0xd3: {  	[tilespmem:s0], [sflag:$0x1] =	stream.indirect.gather [hbm4b:s2+s22], $0x10, s30, s22, $0xb8;
	[tilespmem:$0x1C500] =	vst v63  }
0xd4: {  	_ = 	snop  }
0xd5: {  	[tilespmem:s3], [sflag:$0x1] =	stream.indirect.gather [hbm4b:s16+s22], $0x40, s10, s22, $0xb8;
	[tilespmem:$0x1C500] =	vst v63  }
0xd6: {  	_ =	swait.ge [sflag:s25], $0x800  }
0xd7: {  	[sflag:s25] =	ssyncset.done $0x0  }
0xd8: {  	[sflag:s25] =	ssyncadd.s32 $0xFFFFF800  }
0xd9: {  	_ =	swait.ge [sflag:s25], $0x800  }
0xda: {  	[sflag:s25] =	ssyncset.done $0x0  }
0xdb: {  	[sflag:s25] =	ssyncadd.s32 $0xFFFFF800  }
0xdc: {  	_ =	swait.ge [sflag:s25], $0x2000  }
0xdd: {  	[sflag:s25] =	ssyncset.done $0x0  }
0xde: {  	s19 =	simm.s32 $0x0;
	[sflag:s25] =	ssyncadd.s32 $0xFFFFE000  }
0xdf: {  	v1 =	vld [tilespmem:s19+$0xA500]  }
0xe0: {  	v2 =	vld [tilespmem:s19+$0x9D00];
	_ =	sdelay $0x4  }
0xe1: {  	v1 =	vadd.f32 v1, v2;
	_ =	sdelay $0x1  }
0xe2: {  	v2 =	vmul.f32 $2.000000030e-01, v1;
	_ =	sdelay $0x1  }
0xe3: {  	v1 =	vmax.f32 v1, v2  }
0xe4: {  	v1 =	vmul.f32 $1.442695020e+00, v1;
	_ =	sdelay $0x1  }
0xe5: {  	(erf) = vpow2.f32 v1;
	_ =	sdelay $0x5  }
0xe6: {  	s29 =	simm.s32 $0xAD20  }
0xe7: {  	v1 =	vld [tilespmem:s29+$0xFFFFFFE0]  }
0xe8: {  	v2 =	vld [tilespmem:s29+$0xFFFFFFF0]  }
0xe9: {  	v3 =	vld [tilespmem:s29+$0x0];
	v4 =	vpop (erf)  }
0xea: {  	v5 =	vld [tilespmem:s29+$0x10];
	v6 =	vbroadcast v4, $0x4  }
0xeb: {  	v7 =	vbroadcast v4, $0x5  }
0xec: {  	v8 =	vbroadcast v4, $0x6;
	v1 =	vmul.f32 v6, v1  }
0xed: {  	v4 =	vbroadcast v4, $0x7;
	v2 =	vmul.f32 v7, v2  }
0xee: {  	v3 =	vmul.f32 v8, v3;
	[tilespmem:s29+$0xFFFFFFE0] =	vst v1  }
0xef: {  	v1 =	vmul.f32 v5, v4;
	[tilespmem:s29+$0xFFFFFFF0] =	vst v2  }
0xf0: {  	[tilespmem:s29+$0x0] =	vst v3  }
0xf1: {  	s10 =	simm.s32 $0x10;
	[tilespmem:s29+$0x10] =	vst v1  }
0xf2: {  	s19 =	simm.s32 $0x80;
	v1 =	vld [tilespmem:s10+$0xA500]  }
.LBB2_19:
0xf3: {  	p1 =	sne.s32 s19, $0x1FC0;
	v2 =	vld [tilespmem:s10+$0x9D00];
	_ =	sdelay $0x4  }
0xf4: {  	v1 =	vadd.f32 v1, v2;
	_ =	sdelay $0x1  }
0xf5: {  	v2 =	vmul.f32 $2.000000030e-01, v1;
	_ =	sdelay $0x1  }
0xf6: {  	v1 =	vmax.f32 v1, v2  }
0xf7: {  	v1 =	vmul.f32 $1.442695020e+00, v1;
	_ =	sdelay $0x1  }
0xf8: {  	(erf) = vpow2.f32 v1;
	_ =	sdelay $0x3  }
0xf9: {  	s29 =	sadd.s32 $0x40, s29  }
0xfa: {  	v1 =	vld [tilespmem:s29+$0xFFFFFFF0]  }
0xfb: {  	v2 =	vld [tilespmem:s29+$0xFFFFFFE0]  }
0xfc: {  	v3 =	vld [tilespmem:s29+$0x10]  }
0xfd: {  	v4 =	vld [tilespmem:s29+$0x0]  }
0xfe: {  	v5 =	vpop (erf)  }
0xff: {  	v6 =	vbroadcast v5, $0x4;
	v7 =	vbroadcast v5, $0x5  }
0x100: {  	v8 =	vbroadcast v5, $0x6;
	v5 =	vbroadcast v5, $0x7  }
0x101: {  	v2 =	vmul.f32 v6, v2;
	v1 =	vmul.f32 v7, v1  }
0x102: {  	v3 =	vmul.f32 v3, v5;
	v4 =	vmul.f32 v8, v4  }
.Ltmp6:
0x103: {  	[tilespmem:s29+$0xFFFFFFE0] =	vst v2;
	(pc) =	sbr.rel @p1 .LBB2_19-.Ltmp6, $4  }
0x104: {  	[tilespmem:s29+$0xFFFFFFF0] =	vst v1  }
0x105: {  	[tilespmem:s29+$0x0] =	vst v4  }
0x106: {  	s10 =	sshra.s32 s19, $0x2;
	[tilespmem:s29+$0x10] =	vst v3  }
0x107: {  	s19 =	sadd.s32 $0x40, s19;
	v1 =	vld [tilespmem:s10+$0xA500]  }
0x108: {  	v2 =	vld [tilespmem:s10+$0x9D00];
	_ =	sdelay $0x4  }
0x109: {  	v1 =	vadd.f32 v1, v2;
	_ =	sdelay $0x1  }
0x10a: {  	v2 =	vmul.f32 $2.000000030e-01, v1;
	_ =	sdelay $0x1  }
0x10b: {  	v1 =	vmax.f32 v1, v2  }
0x10c: {  	v1 =	vmul.f32 $1.442695020e+00, v1;
	_ =	sdelay $0x1  }
0x10d: {  	(erf) = vpow2.f32 v1;
	_ =	sdelay $0x5  }
0x10e: {  	s29 =	sadd.s32 $0x40, s29  }
0x10f: {  	v1 =	vld [tilespmem:s29+$0xFFFFFFE0]  }
0x110: {  	v2 =	vld [tilespmem:s29+$0xFFFFFFF0]  }
0x111: {  	v3 =	vld [tilespmem:s29+$0x0];
	v4 =	vpop (erf)  }
0x112: {  	v5 =	vld [tilespmem:s29+$0x10];
	v6 =	vbroadcast v4, $0x4  }
0x113: {  	v7 =	vbroadcast v4, $0x5  }
0x114: {  	v8 =	vbroadcast v4, $0x6;
	v1 =	vmul.f32 v6, v1  }
0x115: {  	v4 =	vbroadcast v4, $0x7;
	v2 =	vmul.f32 v7, v2  }
0x116: {  	v3 =	vmul.f32 v8, v3;
	[tilespmem:s29+$0xFFFFFFE0] =	vst v1  }
0x117: {  	s18 =	sadd.s32 $0x1, s18;
	v1 =	vmul.f32 v5, v4;
	[tilespmem:s29+$0xFFFFFFF0] =	vst v2  }
0x118: {  	p1 =	sne.s32 s18, $0x9D;
	[tilespmem:s29+$0x0] =	vst v3  }
.Ltmp7:
0x119: {  	[tilespmem:s29+$0x10] =	vst v1;
	(pc) =	sbr.rel @p1 .LBB2_18-.Ltmp7, $4  }
0x11a: {  	[spmem:s4] =	stream.indirect.scatter.add.f32 [tilespmem:s3], [sflag:$0x2], $0x40, s30, s22, $0xb8;
	[tilespmem:$0x1C500] =	vst v63  }
0x11b: {  	_ =	swait.ge [sflag:s8], $0x2000  }
0x11c: {  	[sflag:s8] =	ssyncset.done $0x0  }
0x11d: {  	[sflag:s8] =	ssyncadd.s32 $0xFFFFE000  }
.Ltmp8:
0x11e: {  	(pc) =	sbr.rel .LBB2_22-.Ltmp8, $2  }
0x11f: {  	_ =	sdelay $0x2  }
0x120: {  	s10 =	rddreg [dreg:$0x13]  }
.LBB2_4:
0x121: {  	s10 =	rddreg [dreg:$0x6]  }
0x122: {  	[tilespmem:s14], [sflag:$0x2] =	stream.linear.gather [hbm4b:s10+s14], $0x4E80, $0x38;
	[tilespmem:$0x1C500] =	vst v63  }
0x123: {  	_ =	swait.ge [sflag:s8], $0x4E80  }
0x124: {  	[sflag:s8] =	ssyncset.done $0x0  }
0x125: {  	s16 =	simm.s32 $0x4E80;
	s30 =	rddreg [dreg:$0x7];
	[sflag:s8] =	ssyncadd.s32 $0xFFFFB180  }
0x126: {  	[tilespmem:s16], [sflag:$0x2] =	stream.linear.gather [hbm4b:s30+s14], $0x4E80, $0x38;
	[tilespmem:$0x1C500] =	vst v63  }
0x127: {  	_ =	swait.ge [sflag:s8], $0x4E80  }
0x128: {  	[sflag:s8] =	ssyncset.done $0x0  }
0x129: {  	[sflag:s8] =	ssyncadd.s32 $0xFFFFB180  }
0x12a: {  	[spmem:s9] =	stream.linear.scatter [tilespmem:s20], [sflag:$0x2], $0x2000, $0x38;
	[tilespmem:$0x1C500] =	vst v63  }
0x12b: {  	_ =	swait.ge [sflag:s8], $0x2000  }
0x12c: {  	[sflag:s8] =	ssyncset.done $0x0  }
0x12d: {  	[sflag:s8] =	ssyncadd.s32 $0xFFFFE000  }
0x12e: {  	[spmem:s19] =	stream.linear.scatter [tilespmem:s21], [sflag:$0x2], $0x800, $0x38;
	[tilespmem:$0x1C500] =	vst v63  }
0x12f: {  	_ =	swait.ge [sflag:s8], $0x800  }
0x130: {  	[sflag:s8] =	ssyncset.done $0x0  }
0x131: {  	[sflag:s8] =	ssyncadd.s32 $0xFFFFF800  }
0x132: {  	[spmem:s11] =	stream.linear.scatter [tilespmem:s20], [sflag:$0x2], $0x2000, $0x38;
	[tilespmem:$0x1C500] =	vst v63  }
0x133: {  	_ =	swait.ge [sflag:s8], $0x2000  }
0x134: {  	[sflag:s8] =	ssyncset.done $0x0  }
0x135: {  	s16 =	rddreg [dreg:$0x9];
	[sflag:s8] =	ssyncadd.s32 $0xFFFFE000  }
0x136: {  	[spmem:s16] =	stream.linear.scatter [tilespmem:s21], [sflag:$0x2], $0x800, $0x38;
	[tilespmem:$0x1C500] =	vst v63  }
0x137: {  	_ =	swait.ge [sflag:s8], $0x800  }
0x138: {  	[sflag:s8] =	ssyncset.done $0x0  }
0x139: {  	[sflag:s8] =	ssyncadd.s32 $0xFFFFF800  }
0x13a: {  	[spmem:s13] =	stream.linear.scatter [tilespmem:s20], [sflag:$0x2], $0x2000, $0x38;
	[tilespmem:$0x1C500] =	vst v63  }
0x13b: {  	_ =	swait.ge [sflag:s8], $0x2000  }
0x13c: {  	[sflag:s8] =	ssyncset.done $0x0  }
0x13d: {  	s18 =	rddreg [dreg:$0xa];
	[sflag:s8] =	ssyncadd.s32 $0xFFFFE000  }
0x13e: {  	[spmem:s18] =	stream.linear.scatter [tilespmem:s21], [sflag:$0x2], $0x800, $0x38;
	[tilespmem:$0x1C500] =	vst v63  }
0x13f: {  	_ =	swait.ge [sflag:s8], $0x800  }
0x140: {  	[sflag:s8] =	ssyncset.done $0x0  }
0x141: {  	[sflag:s8] =	ssyncadd.s32 $0xFFFFF800  }
0x142: {  	[spmem:s15] =	stream.linear.scatter [tilespmem:s20], [sflag:$0x2], $0x2000, $0x38;
	[tilespmem:$0x1C500] =	vst v63  }
0x143: {  	_ =	swait.ge [sflag:s8], $0x2000  }
0x144: {  	[sflag:s8] =	ssyncset.done $0x0  }
0x145: {  	s29 =	rddreg [dreg:$0xb];
	[sflag:s8] =	ssyncadd.s32 $0xFFFFE000  }
0x146: {  	[spmem:s29] =	stream.linear.scatter [tilespmem:s21], [sflag:$0x2], $0x800, $0x38;
	[tilespmem:$0x1C500] =	vst v63  }
0x147: {  	_ =	swait.ge [sflag:s8], $0x800  }
0x148: {  	[sflag:s8] =	ssyncset.done $0x0  }
0x149: {  	[sflag:s8] =	ssyncadd.s32 $0xFFFFF800  }
0x14a: {  	[spmem:s17] =	stream.linear.scatter [tilespmem:s20], [sflag:$0x2], $0x2000, $0x38;
	[tilespmem:$0x1C500] =	vst v63  }
0x14b: {  	_ =	swait.ge [sflag:s8], $0x2000  }
0x14c: {  	[sflag:s8] =	ssyncset.done $0x0  }
0x14d: {  	s30 =	rddreg [dreg:$0xc];
	[sflag:s8] =	ssyncadd.s32 $0xFFFFE000  }
0x14e: {  	[spmem:s30] =	stream.linear.scatter [tilespmem:s21], [sflag:$0x2], $0x800, $0x38;
	[tilespmem:$0x1C500] =	vst v63  }
0x14f: {  	_ =	swait.ge [sflag:s8], $0x800  }
0x150: {  	[sflag:s8] =	ssyncset.done $0x0  }
0x151: {  	[sflag:s8] =	ssyncadd.s32 $0xFFFFF800  }
0x152: {  	[bflag:$0x0] =	sbarrier.arrive $0xFFFF  }
.LBB2_5:
0x153: {  	s10 =	sshll.u32 s14, $0x7  }
0x154: {  	[tilespmem:s23], [sflag:$0x1] =	stream.indirect.gather [hbm4b:s1+s22], $0x10, s10, s22, $0xb8;
	[tilespmem:$0x1C500] =	vst v63  }
0x155: {  	s16 =	sadd.s32 $0x4E80, s10  }
0x156: {  	[tilespmem:s0], [sflag:$0x1] =	stream.indirect.gather [hbm4b:s31+s22], $0x10, s16, s22, $0xb8;
	[tilespmem:$0x1C500] =	vst v63  }
0x157: {  	_ = 	snop  }
0x158: {  	[tilespmem:s3], [sflag:$0x1] =	stream.indirect.gather [hbm4b:s24+s22], $0x40, s10, s22, $0xb8;
	[tilespmem:$0x1C500] =	vst v63  }
0x159: {  	_ =	swait.ge [sflag:s25], $0x800  }
0x15a: {  	[sflag:s25] =	ssyncset.done $0x0  }
0x15b: {  	[sflag:s25] =	ssyncadd.s32 $0xFFFFF800  }
0x15c: {  	_ =	swait.ge [sflag:s25], $0x800  }
0x15d: {  	[sflag:s25] =	ssyncset.done $0x0  }
0x15e: {  	[sflag:s25] =	ssyncadd.s32 $0xFFFFF800  }
0x15f: {  	_ =	swait.ge [sflag:s25], $0x2000  }
0x160: {  	[sflag:s25] =	ssyncset.done $0x0  }
0x161: {  	s18 =	simm.s32 $0x0;
	[sflag:s25] =	ssyncadd.s32 $0xFFFFE000  }
0x162: {  	v1 =	vld [tilespmem:s18+$0x9D00]  }
0x163: {  	v2 =	vld [tilespmem:s18+$0xA500];
	_ =	sdelay $0x4  }
0x164: {  	v1 =	vadd.f32 v2, v1;
	_ =	sdelay $0x1  }
0x165: {  	v2 =	vmul.f32 $2.000000030e-01, v1;
	_ =	sdelay $0x1  }
0x166: {  	v1 =	vmax.f32 v1, v2  }
0x167: {  	v1 =	vmul.f32 $1.442695020e+00, v1;
	_ =	sdelay $0x1  }
0x168: {  	(erf) = vpow2.f32 v1;
	_ =	sdelay $0x8  }
0x169: {  	v1 =	vpop (erf)  }
0x16a: {  	s29 =	simm.s32 $0xAD20;
	[tilespmem:s18+$0xCD00] =	vst v1  }
0x16b: {  	v6 =	vld [tilespmem:s29+$0xFFFFFFE0]  }
0x16c: {  	v5 =	vld [tilespmem:s29+$0xFFFFFFF0]  }
0x16d: {  	v2 =	vld [tilespmem:s29+$0x0]  }
0x16e: {  	s30 =	simm.s32 $0x40;
	v4 =	vbroadcast v1, $0x1;
	v7 =	vbroadcast v1, $0x0;
	s18 =	simm.s32 $0xAD20;
	v3 =	vld [tilespmem:s29+$0x10]  }
.LBB2_6:
0x16f: {  	p1 =	sne.s32 s30, $0x1FC0  }
0x170: {  	s29 =	sadd.s32 $0x40, s29;
	s10 =	smov.u32 s30;
	s30 =	sadd.s32 $0x40, s30  }
0x171: {  	v6 =	vmul.f32 v7, v6;
	v7 =	vbroadcast v1, $0x2  }
0x172: {  	v1 =	vbroadcast v1, $0x3;
	v4 =	vmul.f32 v4, v5  }
0x173: {  	[tilespmem:s18+$0xFFFFFFE0] =	vst v6;
	v2 =	vmul.f32 v7, v2  }
0x174: {  	s10 =	sshra.s32 s10, $0x2;
	[tilespmem:s18+$0xFFFFFFF0] =	vst v4;
	v1 =	vmul.f32 v3, v1  }
0x175: {  	[tilespmem:s18+$0x0] =	vst v2  }
0x176: {  	[tilespmem:s18+$0x10] =	vst v1;
	s18 =	smov.u32 s29  }
0x177: {  	v1 =	vld [tilespmem:s10+$0x9D00]  }
0x178: {  	v2 =	vld [tilespmem:s10+$0xA500];
	_ =	sdelay $0x4  }
0x179: {  	v1 =	vadd.f32 v2, v1;
	_ =	sdelay $0x1  }
0x17a: {  	v2 =	vmul.f32 $2.000000030e-01, v1;
	_ =	sdelay $0x1  }
0x17b: {  	v1 =	vmax.f32 v1, v2  }
0x17c: {  	v1 =	vmul.f32 $1.442695020e+00, v1;
	_ =	sdelay $0x1  }
0x17d: {  	(erf) = vpow2.f32 v1;
	_ =	sdelay $0x8  }
0x17e: {  	v1 =	vpop (erf)  }
.Ltmp9:
0x17f: {  	[tilespmem:s10+$0xCD00] =	vst v1;
	v4 =	vbroadcast v1, $0x1;
	(pc) =	sbr.rel @p1 .LBB2_6-.Ltmp9, $4  }
0x180: {  	v6 =	vld [tilespmem:s29+$0xFFFFFFE0]  }
0x181: {  	v5 =	vld [tilespmem:s29+$0xFFFFFFF0]  }
0x182: {  	v2 =	vld [tilespmem:s29+$0x0]  }
0x183: {  	v7 =	vbroadcast v1, $0x0;
	v3 =	vld [tilespmem:s29+$0x10]  }
0x184: {  	_ = 	snop  }
0x185: {  	v63 =	vbroadcast v1, $0x2;
	v6 =	vmul.f32 v7, v6  }
0x186: {  	v1 =	vbroadcast v1, $0x3;
	v4 =	vmul.f32 v4, v5  }
0x187: {  	[tilespmem:s18+$0xFFFFFFE0] =	vst v6;
	v2 =	vmul.f32 v63, v2  }
0x188: {  	[tilespmem:s18+$0xFFFFFFF0] =	vst v4;
	v1 =	vmul.f32 v3, v1  }
0x189: {  	[tilespmem:s18+$0x0] =	vst v2  }
0x18a: {  	[tilespmem:s18+$0x10] =	vst v1  }
0x18b: {  	[spmem:s5] =	stream.indirect.scatter.add.f32 [tilespmem:s12], [sflag:$0x2], $0x10, s16, s22, $0xb8;
	[tilespmem:$0x1C500] =	vst v63  }
0x18c: {  	s14 =	sadd.s32 $0x1, s14;
	_ =	swait.ge [sflag:s8], $0x800  }
0x18d: {  	p1 =	sne.s32 s14, $0x9D;
	[sflag:s8] =	ssyncset.done $0x0  }
.Ltmp10:
0x18e: {  	[sflag:s8] =	ssyncadd.s32 $0xFFFFF800;
	(pc) =	sbr.rel @p1 .LBB2_5-.Ltmp10, $4  }
0x18f: {  	[spmem:s4] =	stream.indirect.scatter.add.f32 [tilespmem:s3], [sflag:$0x2], $0x40, s16, s22, $0xb8;
	[tilespmem:$0x1C500] =	vst v63  }
0x190: {  	_ =	swait.ge [sflag:s8], $0x2000  }
0x191: {  	[sflag:s8] =	ssyncset.done $0x0  }
0x192: {  	[sflag:s8] =	ssyncadd.s32 $0xFFFFE000  }
0x193: {  	s10 =	stileid.u32  }
0x194: {  	[bflag:$0x0] =	sbarrier.arrive $0xFFFF;
	s10 =	sshll.u32 s10, $0x6  }
0x195: {  	s18 =	sshrl.u32 s9, $0x3;
	s16 =	rddreg [dreg:$0x15];
	s14 =	sor.u32 $0x1C02, s10  }
0x196: {  	[hbm:s16], [sflag:s14] =	dma.local [spmem:s18], $0x1400  }
0x197: {  	_ =	swait.ge [sflag:s8], $0x1400  }
0x198: {  	[sflag:s8] =	ssyncset.done $0x0  }
0x199: {  	s29 =	sshrl.u32 s19, $0x3;
	s30 =	rddreg [dreg:$0xe];
	[sflag:s8] =	ssyncadd.s32 $0xFFFFEC00  }
0x19a: {  	[hbm:s30], [sflag:s14] =	dma.local [spmem:s29], $0x500  }
0x19b: {  	_ =	swait.ge [sflag:s8], $0x500  }
0x19c: {  	[sflag:s8] =	ssyncset.done $0x0  }
0x19d: {  	[sflag:s8] =	ssyncadd.s32 $0xFFFFFB00  }
0x19e: {  	[bflag:$0x0] =	sbarrier.arrive $0xFFFF  }
0x19f: {  	[spmem:s9] =	stream.linear.scatter [tilespmem:s20], [sflag:$0x2], $0x2000, $0x38;
	[tilespmem:$0x1C500] =	vst v63  }
0x1a0: {  	_ =	swait.ge [sflag:s8], $0x2000  }
0x1a1: {  	[sflag:s8] =	ssyncset.done $0x0  }
0x1a2: {  	[sflag:s8] =	ssyncadd.s32 $0xFFFFE000  }
0x1a3: {  	[spmem:s11] =	stream.linear.scatter [tilespmem:s20], [sflag:$0x2], $0x2000, $0x38;
	[tilespmem:$0x1C500] =	vst v63  }
0x1a4: {  	_ =	swait.ge [sflag:s8], $0x2000  }
0x1a5: {  	[sflag:s8] =	ssyncset.done $0x0  }
0x1a6: {  	[sflag:s8] =	ssyncadd.s32 $0xFFFFE000  }
0x1a7: {  	[spmem:s13] =	stream.linear.scatter [tilespmem:s20], [sflag:$0x2], $0x2000, $0x38;
	[tilespmem:$0x1C500] =	vst v63  }
0x1a8: {  	_ =	swait.ge [sflag:s8], $0x2000  }
0x1a9: {  	[sflag:s8] =	ssyncset.done $0x0  }
0x1aa: {  	[sflag:s8] =	ssyncadd.s32 $0xFFFFE000  }
0x1ab: {  	[spmem:s15] =	stream.linear.scatter [tilespmem:s20], [sflag:$0x2], $0x2000, $0x38;
	[tilespmem:$0x1C500] =	vst v63  }
0x1ac: {  	_ =	swait.ge [sflag:s8], $0x2000  }
0x1ad: {  	[sflag:s8] =	ssyncset.done $0x0  }
0x1ae: {  	[sflag:s8] =	ssyncadd.s32 $0xFFFFE000  }
0x1af: {  	[spmem:s17] =	stream.linear.scatter [tilespmem:s20], [sflag:$0x2], $0x2000, $0x38;
	[tilespmem:$0x1C500] =	vst v63  }
0x1b0: {  	_ =	swait.ge [sflag:s8], $0x2000  }
0x1b1: {  	[sflag:s8] =	ssyncset.done $0x0  }
0x1b2: {  	[sflag:s8] =	ssyncadd.s32 $0xFFFFE000  }
0x1b3: {  	s16 =	simm.s32 $0x0;
	[bflag:$0x0] =	sbarrier.arrive $0xFFFF  }
.LBB2_9:
0x1b4: {  	s10 =	sshll.u32 s16, $0x7  }
0x1b5: {  	[tilespmem:s23], [sflag:$0x1] =	stream.indirect.gather [hbm4b:s1+s22], $0x10, s10, s22, $0xb8;
	[tilespmem:$0x1C500] =	vst v63  }
0x1b6: {  	s18 =	sadd.s32 $0x4E80, s10  }
0x1b7: {  	[tilespmem:s0], [sflag:$0x1] =	stream.indirect.gather [hbm4b:s31+s22], $0x10, s18, s22, $0xb8;
	[tilespmem:$0x1C500] =	vst v63  }
0x1b8: {  	_ = 	snop  }
0x1b9: {  	[tilespmem:s3], [sflag:$0x1] =	stream.indirect.gather [hbm4b:s26+s22], $0x40, s10, s22, $0xb8;
	[tilespmem:$0x1C500] =	vst v63  }
0x1ba: {  	_ =	swait.ge [sflag:s25], $0x800  }
0x1bb: {  	[sflag:s25] =	ssyncset.done $0x0  }
0x1bc: {  	[sflag:s25] =	ssyncadd.s32 $0xFFFFF800  }
0x1bd: {  	_ =	swait.ge [sflag:s25], $0x800  }
0x1be: {  	[sflag:s25] =	ssyncset.done $0x0  }
0x1bf: {  	[sflag:s25] =	ssyncadd.s32 $0xFFFFF800  }
0x1c0: {  	_ =	swait.ge [sflag:s25], $0x2000  }
0x1c1: {  	[sflag:s25] =	ssyncset.done $0x0  }
0x1c2: {  	s19 =	simm.s32 $0x0;
	[sflag:s25] =	ssyncadd.s32 $0xFFFFE000  }
0x1c3: {  	v1 =	vld [tilespmem:s19+$0xA500]  }
0x1c4: {  	v2 =	vld [tilespmem:s19+$0x9D00];
	_ =	sdelay $0x4  }
0x1c5: {  	v1 =	vadd.f32 v1, v2;
	_ =	sdelay $0x1  }
0x1c6: {  	v2 =	vmul.f32 $2.000000030e-01, v1;
	_ =	sdelay $0x1  }
0x1c7: {  	v1 =	vmax.f32 v1, v2  }
0x1c8: {  	v1 =	vmul.f32 $1.442695020e+00, v1;
	_ =	sdelay $0x1  }
0x1c9: {  	(erf) = vpow2.f32 v1;
	_ =	sdelay $0x5  }
0x1ca: {  	s30 =	simm.s32 $0xAD20  }
0x1cb: {  	v1 =	vld [tilespmem:s30+$0xFFFFFFE0]  }
0x1cc: {  	v2 =	vld [tilespmem:s30+$0xFFFFFFF0]  }
0x1cd: {  	v3 =	vld [tilespmem:s30+$0x0];
	v4 =	vpop (erf)  }
0x1ce: {  	v5 =	vld [tilespmem:s30+$0x10];
	v6 =	vbroadcast v4, $0x4  }
0x1cf: {  	v7 =	vbroadcast v4, $0x5  }
0x1d0: {  	v8 =	vbroadcast v4, $0x6;
	v1 =	vmul.f32 v6, v1  }
0x1d1: {  	v4 =	vbroadcast v4, $0x7;
	v2 =	vmul.f32 v7, v2  }
0x1d2: {  	v3 =	vmul.f32 v8, v3;
	[tilespmem:s30+$0xFFFFFFE0] =	vst v1  }
0x1d3: {  	v1 =	vmul.f32 v5, v4;
	[tilespmem:s30+$0xFFFFFFF0] =	vst v2  }
0x1d4: {  	[tilespmem:s30+$0x0] =	vst v3  }
0x1d5: {  	s19 =	simm.s32 $0x10;
	[tilespmem:s30+$0x10] =	vst v1  }
0x1d6: {  	s29 =	simm.s32 $0x80;
	v1 =	vld [tilespmem:s19+$0xA500]  }
.LBB2_10:
0x1d7: {  	p1 =	sne.s32 s29, $0x1FC0;
	v2 =	vld [tilespmem:s19+$0x9D00];
	_ =	sdelay $0x4  }
0x1d8: {  	v1 =	vadd.f32 v1, v2;
	_ =	sdelay $0x1  }
0x1d9: {  	v2 =	vmul.f32 $2.000000030e-01, v1;
	_ =	sdelay $0x1  }
0x1da: {  	v1 =	vmax.f32 v1, v2  }
0x1db: {  	v1 =	vmul.f32 $1.442695020e+00, v1;
	_ =	sdelay $0x1  }
0x1dc: {  	(erf) = vpow2.f32 v1;
	_ =	sdelay $0x3  }
0x1dd: {  	s30 =	sadd.s32 $0x40, s30  }
0x1de: {  	v1 =	vld [tilespmem:s30+$0xFFFFFFF0]  }
0x1df: {  	v2 =	vld [tilespmem:s30+$0xFFFFFFE0]  }
0x1e0: {  	v3 =	vld [tilespmem:s30+$0x10]  }
0x1e1: {  	v4 =	vld [tilespmem:s30+$0x0]  }
0x1e2: {  	v5 =	vpop (erf)  }
0x1e3: {  	v6 =	vbroadcast v5, $0x4;
	v7 =	vbroadcast v5, $0x5  }
0x1e4: {  	v8 =	vbroadcast v5, $0x6;
	v5 =	vbroadcast v5, $0x7  }
0x1e5: {  	v2 =	vmul.f32 v6, v2;
	v1 =	vmul.f32 v7, v1  }
0x1e6: {  	v3 =	vmul.f32 v3, v5;
	v4 =	vmul.f32 v8, v4  }
.Ltmp11:
0x1e7: {  	[tilespmem:s30+$0xFFFFFFE0] =	vst v2;
	(pc) =	sbr.rel @p1 .LBB2_10-.Ltmp11, $4  }
0x1e8: {  	[tilespmem:s30+$0xFFFFFFF0] =	vst v1  }
0x1e9: {  	[tilespmem:s30+$0x0] =	vst v4  }
0x1ea: {  	s19 =	sshra.s32 s29, $0x2;
	[tilespmem:s30+$0x10] =	vst v3  }
0x1eb: {  	s29 =	sadd.s32 $0x40, s29;
	v1 =	vld [tilespmem:s19+$0xA500]  }
0x1ec: {  	v2 =	vld [tilespmem:s19+$0x9D00];
	_ =	sdelay $0x4  }
0x1ed: {  	v1 =	vadd.f32 v1, v2;
	_ =	sdelay $0x1  }
0x1ee: {  	v2 =	vmul.f32 $2.000000030e-01, v1;
	_ =	sdelay $0x1  }
0x1ef: {  	v1 =	vmax.f32 v1, v2  }
0x1f0: {  	v1 =	vmul.f32 $1.442695020e+00, v1;
	_ =	sdelay $0x1  }
0x1f1: {  	(erf) = vpow2.f32 v1;
	_ =	sdelay $0x5  }
0x1f2: {  	s10 =	sadd.s32 $0x40, s30  }
0x1f3: {  	v1 =	vld [tilespmem:s10+$0xFFFFFFE0]  }
0x1f4: {  	v2 =	vld [tilespmem:s10+$0xFFFFFFF0]  }
0x1f5: {  	v3 =	vld [tilespmem:s10+$0x0];
	v4 =	vpop (erf)  }
0x1f6: {  	v5 =	vld [tilespmem:s10+$0x10];
	v6 =	vbroadcast v4, $0x4  }
0x1f7: {  	v7 =	vbroadcast v4, $0x5  }
0x1f8: {  	v8 =	vbroadcast v4, $0x6;
	v1 =	vmul.f32 v6, v1  }
0x1f9: {  	v4 =	vbroadcast v4, $0x7;
	v2 =	vmul.f32 v7, v2  }
0x1fa: {  	v3 =	vmul.f32 v8, v3;
	[tilespmem:s10+$0xFFFFFFE0] =	vst v1  }
0x1fb: {  	s16 =	sadd.s32 $0x1, s16;
	v1 =	vmul.f32 v5, v4;
	[tilespmem:s10+$0xFFFFFFF0] =	vst v2  }
0x1fc: {  	p1 =	seq.s32 s16, $0x9D;
	[tilespmem:s10+$0x0] =	vst v3  }
.Ltmp12:
0x1fd: {  	[tilespmem:s10+$0x10] =	vst v1;
	(pc) =	sbr.rel @!p1 .LBB2_9-.Ltmp12, $4  }
0x1fe: {  	[spmem:s4] =	stream.indirect.scatter.add.f32 [tilespmem:s3], [sflag:$0x2], $0x40, s18, s22, $0xb8;
	[tilespmem:$0x1C500] =	vst v63  }
0x1ff: {  	_ =	swait.ge [sflag:s8], $0x2000  }
0x200: {  	[sflag:s8] =	ssyncset.done $0x0  }
0x201: {  	[sflag:s8] =	ssyncadd.s32 $0xFFFFE000  }
.Ltmp13:
0x202: {  	(pc) =	sbr.rel .LBB2_22-.Ltmp13, $2  }
0x203: {  	_ =	sdelay $0x2  }
0x204: {  	s10 =	rddreg [dreg:$0x12]  }
.LBB2_23:
0x205: {  	_ =	sfence.sel $0x180000  }
0x206: {  	[bflag:$0x0] =	sbarrier.arrive $0xFFFF  }
0x207: {  	_ =	strace $0x9000004A  }
0x208: {  	s0 =	stileid.u32;
	[bflag:$0x2] =	sbarrier.arrive $0xFFFF  }
0x209: {  	p0 =	sne.s32 s0, $0x0;
	s0 =	rddreg [dreg:$0x5]  }
0x20a: {  	s0 =	sadd.s32 @!p0 $0x100000, s0  }
0x20b: {  	[sflag:s0] =	ssyncadd.tile.s32 @!p0 $0x1;
	_ =	shalt  }
.Lfunc_end2:
_tile_overlayer_lowered:
.L_overlay_start_2:
0x20c: {  	(tag) =	ssettag $0x2  }
0x20d: {  	s0 =	rddreg [dreg:$0x0];
	s2 =	stileid.u32  }
0x20e: {  	s1 =	rddreg [dreg:$0x1];
	p0 =	sne.s32 s2, $0x0  }
0x20f: {  	s3 =	rddreg [dreg:$0x2];
	[bflag:$0x3] =	sbarrier.arrive $0xFFFF;
	s2 =	simm.s32 @!p0 $0x1C02  }
0x210: {  	[timem:s3], [sflag:s2] =	dma.local @!p0 [hbm:s0], s1  }
0x211: {  	s0 =	simm.s32 @!p0 $0x2  }
0x212: {  	_ =	swait.ge @!p0 [sflag:s0], s1  }
0x213: {  	s1 =	ssub.s32 @!p0 $0x0, s1;
	[sflag:s0] =	ssyncset.done @!p0 $0x0  }
0x214: {  	[sflag:s0] =	ssyncadd.s32 @!p0 s1  }
0x215: {  	[bflag:$0x3] =	sbarrier.arrive $0xFFFF  }
0x216: {  	_ =	shalt  }

// kernel: kernel.7.cloned.1.call-start
scs
__scs_entry_jumppad:
0x0: {  	(pc) =	sbr.rel $0x88, $3  }
0x1: {  	(tag) =	ssettag $0x0;
	lr =	simm.s32 $0x1  }
0x2: {  	[smem:$0x3F8D] =	sst lr;
	_ =	strace $0xD0000000  }
0x3: {  	_ = 	snop  }
0x4: {  	_ = 	snop  }
0x5: {  	_ = 	snop  }
0x6: {  	_ = 	snop  }
0x7: {  	_ = 	snop  }
__scs_overlays_trampoline_lowered:
0x8: {  	[smem:$0x3F9C] =	sst s0  }
0x9: {  	[smem:$0x3F9D] =	sst s1  }
0xa: {  	[smem:$0x3F9E] =	sst s2  }
0xb: {  	[smem:$0x3F9F] =	sst s3  }
0xc: {  	[smem:$0x3FA0] =	sst s4  }
0xd: {  	[smem:$0x3FA1] =	sst s5  }
0xe: {  	[smem:$0x3FA2] =	sst s6  }
0xf: {  	[smem:$0x3FA3] =	sst s7  }
0x10: {  	[smem:$0x3FA4] =	sst s8  }
0x11: {  	[smem:$0x3FA5] =	sst s9;
	s0 =	simm.s32 @!p0 $0x0  }
0x12: {  	s1 =	sld [smem:$0x3F8B];
	s0 =	simm.s32 @p0 $0x1  }
0x13: {  	[smem:$0x3FA6] =	sst s0;
	s0 =	simm.s32 @!p1 $0x0  }
0x14: {  	s2 =	sld [smem:$0x3F8A];
	s0 =	simm.s32 @p1 $0x1  }
0x15: {  	[smem:$0x3FA7] =	sst s0;
	s0 =	simm.s32 @!p2 $0x0  }
0x16: {  	s3 =	sld [smem:$0x3FDB];
	s0 =	simm.s32 @p2 $0x1  }
0x17: {  	s4 =	simm.s32 $0x1BF5;
	[smem:$0x3FA9] =	sst s0  }
0x18: {  	s0 =	sld [smem:$0x3F8C];
	_ =	swait.ge [sflag:s4], $0x0  }
0x19: {  	s7 =	sld [smem:$0x3F8D]  }
0x1a: {  	s8 =	sadd.s32 $0xFFFFE003, lr  }
0x1b: {  	s9 =	sadd.s32 $0xFFFFFEF7, lr;
	s5 =	simm.s32 $0xFFFFFFFF;
	p2 =	slt.u32 s8, $0xFFFFF086  }
0x1c: {  	p1 =	slt.u32 s9, $0xF7A;
	s5 =	simm.s32 @!p2 $0x0  }
0x1d: {  	s5 =	simm.s32 @p1 $0x1;
	p0 =	seq.s32 s7, s2  }
0x1e: {  	s7 =	smul.u32 @!p0 $0xF7A, s2;
	p2 =	seq.s32 @!p0 s5, $0x0  }
0x1f: {  	s9 =	smul.u32 $0xF7A, s1;
	s8 =	simm.s32 @!p0 $0x1BF5;
	p2 =	por !p2, p0  }
0x20: {  	[sflag:s8] =	ssyncset.s32 @!p0 $0xFFFFF086;
	s6 =	sadd.s32 @!p0 s3, s7;
	s7 =	simm.s32 @!p0 $0x108  }
0x21: {  	s3 =	sadd.s32 s3, s9;
	s6 =	sadd.s32 @!p0 $0x88, s6;
	s7 =	simm.s32 @p2 $0x1082  }
0x22: {  	[simem:s7], [sflag:s8] =	dma.local @!p0 [hbm:s6], $0xF7A  }
0x23: {  	s9 =	sor.u32 $0xD0000000, s2;
	s6 =	simm.s32 $0x108;
	_ =	swait.ge @!p0 [sflag:s8], $0x0  }
0x24: {  	s3 =	sadd.s32 $0x88, s3;
	s6 =	simm.s32 @!p1 $0x1082;
	[sflag:s4] =	ssyncset.s32 $0xFFFFF086  }
0x25: {  	[simem:s6], [sflag:s4] =	dma.local [hbm:s3], $0xF7A  }
0x26: {  	[smem:$0x3F8D] =	sst s1;
	(tag) =	ssettag s2;
	_ =	strace s9  }
0x27: {  	s1 =	sld [smem:$0x3F9D]  }
0x28: {  	s2 =	sld [smem:$0x3F9E]  }
0x29: {  	s4 =	sld [smem:$0x3FA0]  }
0x2a: {  	p0 =	seq.s32 s5, $0x0;
	s5 =	sld [smem:$0x3FA1]  }
0x2b: {  	s6 =	sld [smem:$0x3FA2]  }
0x2c: {  	s7 =	sld [smem:$0x3FA3]  }
0x2d: {  	s3 =	simm.s32 $0x108;
	s8 =	sld [smem:$0x3FA4]  }
0x2e: {  	s3 =	simm.s32 @!p0 $0x1082;
	s9 =	sld [smem:$0x3FA5]  }
0x2f: {  	lr =	sadd.s32 s0, s3;
	s0 =	sld [smem:$0x3F9C]  }
0x30: {  	s3 =	sld [smem:$0x3F9F]  }
0x31: {  	[smem:$0x3FA8] =	sst s10  }
0x32: {  	s10 =	sld [smem:$0x3FA6];
	_ =	sdelay $0x3  }
0x33: {  	p0 =	seq.s32 s10, $0x1;
	s10 =	sld [smem:$0x3FA8];
	_ =	sdelay $0x3  }
0x34: {  	[smem:$0x3FA8] =	sst s10  }
0x35: {  	s10 =	sld [smem:$0x3FA7];
	_ =	sdelay $0x3  }
0x36: {  	p1 =	seq.s32 s10, $0x1;
	s10 =	sld [smem:$0x3FA8];
	_ =	sdelay $0x3  }
0x37: {  	[smem:$0x3FA8] =	sst s10  }
0x38: {  	s10 =	sld [smem:$0x3FA9]  }
0x39: {  	_ = 	snop;
	(pc) =	sbr.ind lr, $3  }
0x3a: {  	_ = 	snop  }
0x3b: {  	_ = 	snop  }
0x3c: {  	p2 =	seq.s32 s10, $0x1;
	s10 =	sld [smem:$0x3FA8]  }
0x3d: {  	_ =	shalt  }
0x3e: {  	_ =	shalt  }
0x3f: {  	_ =	shalt  }
0x40: {  	_ =	shalt  }
0x41: {  	_ =	shalt  }
0x42: {  	_ =	shalt  }
0x43: {  	_ =	shalt  }
0x44: {  	_ =	shalt  }
0x45: {  	_ =	shalt  }
0x46: {  	_ =	shalt  }
0x47: {  	_ =	shalt  }
0x48: {  	_ =	shalt  }
0x49: {  	_ =	shalt  }
0x4a: {  	_ =	shalt  }
0x4b: {  	_ =	shalt  }
0x4c: {  	_ =	shalt  }
0x4d: {  	_ =	shalt  }
0x4e: {  	_ =	shalt  }
0x4f: {  	_ =	shalt  }
0x50: {  	_ =	shalt  }
0x51: {  	_ =	shalt  }
0x52: {  	_ =	shalt  }
0x53: {  	_ =	shalt  }
0x54: {  	_ =	shalt  }
0x55: {  	_ =	shalt  }
0x56: {  	_ =	shalt  }
0x57: {  	_ =	shalt  }
0x58: {  	_ =	shalt  }
0x59: {  	_ =	shalt  }
0x5a: {  	_ =	shalt  }
0x5b: {  	_ =	shalt  }
0x5c: {  	_ =	shalt  }
0x5d: {  	_ =	shalt  }
0x5e: {  	_ =	shalt  }
0x5f: {  	_ =	shalt  }
0x60: {  	_ =	shalt  }
0x61: {  	_ =	shalt  }
0x62: {  	_ =	shalt  }
0x63: {  	_ =	shalt  }
0x64: {  	_ =	shalt  }
0x65: {  	_ =	shalt  }
0x66: {  	_ =	shalt  }
0x67: {  	_ =	shalt  }
0x68: {  	_ =	shalt  }
0x69: {  	_ =	shalt  }
0x6a: {  	_ =	shalt  }
0x6b: {  	_ =	shalt  }
0x6c: {  	_ =	shalt  }
0x6d: {  	_ =	shalt  }
0x6e: {  	_ =	shalt  }
0x6f: {  	_ =	shalt  }
0x70: {  	_ =	shalt  }
0x71: {  	_ =	shalt  }
0x72: {  	_ =	shalt  }
0x73: {  	_ =	shalt  }
0x74: {  	_ =	shalt  }
0x75: {  	_ =	shalt  }
0x76: {  	_ =	shalt  }
0x77: {  	_ =	shalt  }
0x78: {  	_ =	shalt  }
0x79: {  	_ =	shalt  }
0x7a: {  	_ =	shalt  }
0x7b: {  	_ =	shalt  }
0x7c: {  	_ =	shalt  }
0x7d: {  	_ =	shalt  }
0x7e: {  	_ =	shalt  }
0x7f: {  	_ =	shalt  }
0x80: {  	_ =	shalt  }
0x81: {  	_ =	shalt  }
0x82: {  	_ =	shalt  }
0x83: {  	_ =	shalt  }
0x84: {  	_ =	shalt  }
0x85: {  	_ =	shalt  }
0x86: {  	_ =	shalt  }
0x87: {  	_ =	shalt  }
.Lfunc_end0:
.L_simem_size_0:
called_computation_lowered:
.L_overlay_start_0:
0x88: {  	s2 =	sld [smem:$0x3FD9]  }
0x89: {  	s3 =	sld [smem:$0x3FFE];
	_ =	sdelay $0x1  }
0x8a: {  	s1 =	srdreg.scid  }
0x8b: {  	s0 =	sand.u32 $0x1, s1  }
0x8c: {  	s14 =	sshll.u32 s0, $0xA;
	s2 =	sadd.s32 s3, s2  }
0x8d: {  	s2 =	sadd.s32 s2, s14  }
0x8e: {  	[smem:$0x3FB4] =	sst s2  }
0x8f: {  	_ = 	snop  }
0x90: {  	s2 =	sld [smem:$0x3FD0];
	_ =	sdelay $0x2  }
0x91: {  	s15 =	simm.s32 $0xA;
	s4 =	simm.s32 $0x10  }
0x92: {  	[smem:s4], [sflag:s15] =	dma.local [hbm:s2], $0x1  }
0x93: {  	_ =	swait.eq [sflag:s15], $0x1  }
0x94: {  	[sflag:s15] =	ssyncset.done $0x0  }
0x95: {  	s16 =	sld [smem:$0x10];
	[sflag:s15] =	ssyncadd.s32 $0xFFFFFFFF  }
0x96: {  	s17 =	sld [smem:$0x11];
	(tm) =	ssettm $0x1  }
0x97: {  	s18 =	sld [smem:$0x3FFB];
	_ =	sdelay $0x3  }
0x98: {  	_ =	strace s18  }
0x99: {  	s4 =	sld [smem:$0x3FFC];
	_ =	sdelay $0x3  }
0x9a: {  	_ =	strace s4  }
0x9b: {  	s4 =	sld [smem:$0x3FFD];
	_ =	sdelay $0x3  }
0x9c: {  	_ =	strace s4  }
0x9d: {  	_ =	strace $0x8FFFFFFF  }
0x9e: {  	s19 =	sld [smem:$0x3FDB];
	_ =	sdelay $0x1  }
0x9f: {  	s5 =	simm.s32 $_scs_section_size  }
0xa0: {  	s6 =	simm.s32 $_size__tile_overlayer_lowered;
	s7 =	simm.s32 $_tile_overlayer_lowered  }
0xa1: {  	s22 =	simm.s32 $0x1BFF;
	s21 =	sshll.u32 s7, $0x1;
	s4 =	sadd.s32 s5, s19  }
0xa2: {  	s8 =	simm.s32 $0x0;
	s20 =	sshll.u32 s6, $0x1;
	s6 =	sadd.s32 s21, s4  }
0xa3: {  	[timem:s8], [sflag:s22] =	dma.local [hbm:s6], s20  }
0xa4: {  	_ =	swait.ge [sflag:s22], s20  }
0xa5: {  	s5 =	ssub.s32 $0x0, s20;
	[sflag:s22] =	ssyncset.done $0x0  }
0xa6: {  	[sflag:s22] =	ssyncadd.s32 s5;
	_ =	sdelay $0x1  }
0xa7: {  	s23 =	simm.s32 $0x1B8B  }
0xa8: {  	_ =	swait.ge [sflag:s23], $0x1  }
0xa9: {  	[sflag:s23] =	ssyncset.done $0x0  }
0xaa: {  	s25 =	simm.s32 $0x1B8E;
	s24 =	sld [smem:$0x3FFE];
	[sflag:s23] =	ssyncadd.s32 $0xFFFFFFFF  }
0xab: {  	s26 =	simm.s32 $execute0_lowered;
	[smem:$0x3FD2] =	sst s25  }
0xac: {  	s6 =	sshll.u32 s26, $0x1;
	_ =	strace $0x80000046;
	[dreg:$0x1] =	wrdreg $0xFFFFFFFF  }
0xad: {  	s28 =	simm.s32 $_size_execute0_lowered;
	s4 =	sadd.s32 s4, s6;
	[dreg:$0x0] =	wrdreg $0x0  }
0xae: {  	s6 =	sshll.u32 s28, $0x1;
	[dreg:$0x2] =	wrdreg s4  }
0xaf: {  	[dreg:$0x3] =	wrdreg s6  }
0xb0: {  	[dreg:$0x4] =	wrdreg $0xC0  }
0xb1: {  	_ =	task [dreg:s8], $0x5FFFF  }
0xb2: {  	[dreg:$0x1] =	wrdreg $0xFFFFFFFF  }
0xb3: {  	[dreg:$0x0] =	wrdreg $0x60  }
0xb4: {  	[dreg:$0x2] =	wrdreg s24  }
0xb5: {  	[dreg:$0x3] =	wrdreg s16  }
0xb6: {  	[dreg:$0x4] =	wrdreg s17  }
0xb7: {  	[dreg:$0x5] =	wrdreg $0xFD000  }
0xb8: {  	[dreg:$0x6] =	wrdreg $0x19D000  }
0xb9: {  	[dreg:$0x7] =	wrdreg $0x9  }
0xba: {  	_ =	task.clear_ibuf [dreg:s8], $0x8FFFF;
	_ =	strace $0x90000046  }
0xbb: {  	s29 =	simm.s32 $0x9;
	_ =	strace $0x80000048  }
0xbc: {  	_ =	swait.ge [sflag:s29], $0x1  }
0xbd: {  	[sflag:s29] =	ssyncadd.s32 $0xFFFFFFFF  }
0xbe: {  	_ =	strace $0x90000048  }
0xbf: {  	_ =	sfence  }
0xc0: {  	s30 =	sld [smem:$0x0];
	_ =	sdelay $0x2  }
0xc1: {  	s31 =	sshll.u32 s1, $0xD;
	s1 =	sshrl.u32 s1, $0x2  }
0xc2: {  	s3 =	sand.u32 $0x4000, s31;
	s1 =	sadd.s32 s1, s30  }
0xc3: {  	s0 =	sor.u32 s3, s0;
	s1 =	sshll.u32 s1, $0x11  }
0xc4: {  	s0 =	sor.u32 s1, s0  }
0xc5: {  	s0 =	sadd.s32 $0x8F2B, s0  }
0xc6: {  	[sflag:s0] =	ssyncadd.remote.s32 $0x1  }
0xc7: {  	_ =	sfence.sel $0xFFFF  }
0xc8: {  	[dreg:$0x0] =	wrdreg $0xFFFFFFFF;
	(pc) =	sbr.abs _section_cstart, $3  }
0xc9: {  	[dreg:$0x1] =	wrdreg $0xFFFFFFFF  }
0xca: {  	_ =	task.clear_ibuf [dreg:s8], $0x2FFFF;
	_ =	strace $0x9FFFFFFF  }
0xcb: {  	(tm) =	ssettm $0x7FFFFFFF  }
tec
execute0_lowered:
.L_overlay_start_1:
0x0: {  	(tag) =	ssettag $0x1  }
0x1: {  	s0 =	rddreg [dreg:$0x0]  }
0x2: {  	s1 =	rddreg [dreg:$0x1]  }
0x3: {  	s2 =	rddreg [dreg:$0x2]  }
0x4: {  	s4 =	rddreg [dreg:$0x3];
	s13 =	stileid.u32  }
0x5: {  	s5 =	rddreg [dreg:$0x4];
	s3 =	smul.u32 $0x9D0, s13  }
0x6: {  	s6 =	simm.s32 $0x0;
	s8 =	srdreg.scid;
	s7 =	smul.u32 $0x2800, s13  }
0x7: {  	[smem:$0x7FF] =	sst s6;
	s12 =	smul.u32 $0x280, s13  }
0x8: {  	s8 =	sand.u32 $0x1, s8;
	s16 =	smul.u32 $0xA000, s13;
	s28 =	sadd.s32 $0x28C00, s0  }
0x9: {  	s31 =	sadd.s32 $0x5000, s2;
	_ =	strace $0x80000047;
	s9 =	ssub.s32 $0x2, s8  }
0xa: {  	p0 =	seq.s32 s8, $0x1;
	s3 =	sadd.s32 s3, s0;
	s10 =	sshrl.u32 s7, $0x3  }
0xb: {  	s11 =	sshrl.u32 s9, $0x1;
	s23 =	sadd.s32 $0x80, s12;
	s19 =	sadd.s32 s7, s5  }
0xc: {  	s26 =	sadd.s32 $0x100, s12;
	s17 =	sadd.s32 $0x180, s12;
	s12 =	sadd.s32 $0x200, s12  }
0xd: {  	s14 =	sadd.s32 s10, s0;
	s18 =	ssub.s32 s9, s11;
	s21 =	sadd.s32 $0x6E600, s3  }
0xe: {  	s22 =	sadd.s32 $0x5AA00, s3;
	s9 =	sadd.s32 s16, s4;
	s24 =	sshll.u32 s23, $0x6  }
0xf: {  	s8 =	sshll.u32 s23, $0x4;
	s29 =	sshll.u32 s26, $0x6;
	[dreg:$0x8] =	wrdreg s19  }
0x10: {  	s7 =	sshll.u32 s26, $0x4;
	s30 =	sshll.u32 s17, $0x6;
	[dreg:$0x6] =	wrdreg s21  }
0x11: {  	s26 =	sadd.s32 $0x14C00, s0;
	[dreg:$0x7] =	wrdreg s22;
	s11 =	sadd.s32 s24, s4  }
0x12: {  	s25 =	sadd.s32 s8, s5;
	s13 =	sadd.s32 s29, s4;
	s7 =	sadd.s32 s7, s5  }
0x13: {  	s15 =	sadd.s32 s30, s4;
	s8 =	sshll.u32 s17, $0x4;
	s17 =	sshll.u32 s12, $0x6  }
0x14: {  	s21 =	sadd.s32 $0xCD400, s0;
	s22 =	sshrl.u32 s16, $0x3;
	[dreg:$0x9] =	wrdreg s25  }
0x15: {  	s23 =	sadd.s32 $0xC8400, s14;
	s24 =	sadd.s32 $0x64800, s3;
	[dreg:$0xa] =	wrdreg s7  }
0x16: {  	s3 =	sadd.s32 $0x50C00, s3;
	s29 =	smax.u32 s18, $0x1;
	[dreg:$0xe] =	wrdreg s23  }
0x17: {  	s7 =	sadd.s32 s8, s5;
	s8 =	sshll.u32 s12, $0x4;
	[dreg:$0x10] =	wrdreg s24  }
0x18: {  	s17 =	sadd.s32 s17, s4;
	[dreg:$0x11] =	wrdreg s3;
	s24 =	sadd.s32 $0xC00, s0  }
0x19: {  	s25 =	sadd.s32 $0x78400, s0;
	s0 =	sadd.s32 $0xA0400, s0;
	[dreg:$0x14] =	wrdreg s29  }
0x1a: {  	[dreg:$0xd] =	wrdreg s22;
	s23 =	simm.s32 $0x9D00;
	s3 =	simm.s32 $0xAD00  }
0x1b: {  	s12 =	simm.s32 $0xCD00;
	[dreg:$0xb] =	wrdreg s7;
	s20 =	sadd.s32 s8, s5  }
.Ltmp0:
0x1c: {  	s7 =	sadd.s32 s10, s21;
	[dreg:$0x13] =	wrdreg s0;
	(pc) =	sbr.rel .LBB2_1-.Ltmp0, $4  }
0x1d: {  	[dreg:$0x12] =	wrdreg s25;
	s30 =	sadd.s32 s25, s22;
	s8 =	simm.s32 $0x2  }
0x1e: {  	s21 =	simm.s32 $0xF500;
	s22 =	simm.s32 $0x80;
	[dreg:$0xc] =	wrdreg s20  }
0x1f: {  	s0 =	simm.s32 $0xA500;
	s25 =	simm.s32 $0x1;
	[dreg:$0xf] =	wrdreg s7  }
0x20: {  	v0 =	vimm.f32 $0.0e+00;
	[dreg:$0x15] =	wrdreg s30;
	s7 =	sadd.s32 $0x5000, s1;
	s20 =	simm.s32 $0xD500  }
.LBB2_22:
0x21: {  	s16 =	rddreg [dreg:$0xd]  }
0x22: {  	s10 =	sadd.s32 s16, s10  }
0x23: {  	[bflag:$0x0] =	sbarrier.arrive $0xFFFF;
	s29 =	sshrl.u32 s9, $0x3;
	s10 =	sadd.s32 $0x14000, s10  }
0x24: {  	[hbm:s10], [sflag:s14] =	dma.local [spmem:s29], $0x1400  }
0x25: {  	_ =	swait.ge [sflag:s8], $0x1400  }
0x26: {  	s6 =	sadd.s32 $0x1, s6;
	s30 =	rddreg [dreg:$0x14]  }
0x27: {  	p1 =	sne.s32 s6, s30  }
.Ltmp1:
0x28: {  	_ = 	snop;
	(pc) =	sbr.rel @!p1 .LBB2_23-.Ltmp1, $4  }
0x29: {  	[sflag:s8] =	ssyncset.done $0x0  }
0x2a: {  	[sflag:s8] =	ssyncadd.s32 $0xFFFFEC00  }
0x2b: {  	[bflag:$0x0] =	sbarrier.arrive $0xFFFF  }
0x2c: {  	s19 =	rddreg [dreg:$0x8]  }
.LBB2_1:
0x2d: {  	s14 =	simm.s32 $0xD520  }
0x2e: {  	[tilespmem:s14+$0x0] =	vst v0  }
0x2f: {  	[tilespmem:s14+$0xFFFFFFE0] =	vst v0  }
0x30: {  	[tilespmem:s14+$0x10] =	vst v0  }
0x31: {  	s16 =	simm.s32 $0x40;
	s10 =	simm.s32 $0x0;
	[tilespmem:s14+$0xFFFFFFF0] =	vst v0  }
.LBB2_2:
0x32: {  	p1 =	sne.s32 s16, $0x1FC0  }
0x33: {  	[tilespmem:s10+$0xF500] =	vst v0;
	s14 =	sadd.s32 $0x40, s14;
	s10 =	smov.u32 s16;
	s16 =	sadd.s32 $0x40, s16  }
.Ltmp2:
0x34: {  	[tilespmem:s14+$0x0] =	vst v0;
	(pc) =	sbr.rel @p1 .LBB2_2-.Ltmp2, $4  }
0x35: {  	_ = 	snop  }
0x36: {  	[tilespmem:s14+$0xFFFFFFE0] =	vst v0  }
0x37: {  	[tilespmem:s14+$0x10] =	vst v0  }
0x38: {  	s10 =	sshra.s32 s10, $0x2;
	[tilespmem:s14+$0xFFFFFFF0] =	vst v0  }
.Ltmp3:
0x39: {  	(pc) =	sbr.rel @!p0 .LBB2_4-.Ltmp3, $2  }
0x3a: {  	_ =	sdelay $0x2  }
0x3b: {  	[tilespmem:s10+$0xF500] =	vst v0;
	s14 =	simm.s32 $0x0  }
0x3c: {  	s10 =	rddreg [dreg:$0x10]  }
0x3d: {  	[tilespmem:s14], [sflag:$0x2] =	stream.linear.gather [hbm4b:s10+s14], $0x4E80, $0x38;
	[tilespmem:$0x1C500] =	vst v63  }
0x3e: {  	_ =	swait.ge [sflag:s8], $0x4E80  }
0x3f: {  	[sflag:s8] =	ssyncset.done $0x0  }
0x40: {  	s16 =	simm.s32 $0x4E80;
	s30 =	rddreg [dreg:$0x11];
	[sflag:s8] =	ssyncadd.s32 $0xFFFFB180  }
0x41: {  	[tilespmem:s16], [sflag:$0x2] =	stream.linear.gather [hbm4b:s30+s14], $0x4E80, $0x38;
	[tilespmem:$0x1C500] =	vst v63  }
0x42: {  	_ =	swait.ge [sflag:s8], $0x4E80  }
0x43: {  	[sflag:s8] =	ssyncset.done $0x0  }
0x44: {  	[sflag:s8] =	ssyncadd.s32 $0xFFFFB180  }
0x45: {  	[spmem:s9] =	stream.linear.scatter [tilespmem:s20], [sflag:$0x2], $0x2000, $0x38;
	[tilespmem:$0x1C500] =	vst v63  }
0x46: {  	_ =	swait.ge [sflag:s8], $0x2000  }
0x47: {  	[sflag:s8] =	ssyncset.done $0x0  }
0x48: {  	[sflag:s8] =	ssyncadd.s32 $0xFFFFE000  }
0x49: {  	[spmem:s19] =	stream.linear.scatter [tilespmem:s21], [sflag:$0x2], $0x800, $0x38;
	[tilespmem:$0x1C500] =	vst v63  }
0x4a: {  	_ =	swait.ge [sflag:s8], $0x800  }
0x4b: {  	[sflag:s8] =	ssyncset.done $0x0  }
0x4c: {  	[sflag:s8] =	ssyncadd.s32 $0xFFFFF800  }
0x4d: {  	[spmem:s11] =	stream.linear.scatter [tilespmem:s20], [sflag:$0x2], $0x2000, $0x38;
	[tilespmem:$0x1C500] =	vst v63  }
0x4e: {  	_ =	swait.ge [sflag:s8], $0x2000  }
0x4f: {  	[sflag:s8] =	ssyncset.done $0x0  }
0x50: {  	s16 =	rddreg [dreg:$0x9];
	[sflag:s8] =	ssyncadd.s32 $0xFFFFE000  }
0x51: {  	[spmem:s16] =	stream.linear.scatter [tilespmem:s21], [sflag:$0x2], $0x800, $0x38;
	[tilespmem:$0x1C500] =	vst v63  }
0x52: {  	_ =	swait.ge [sflag:s8], $0x800  }
0x53: {  	[sflag:s8] =	ssyncset.done $0x0  }
0x54: {  	[sflag:s8] =	ssyncadd.s32 $0xFFFFF800  }
0x55: {  	[spmem:s13] =	stream.linear.scatter [tilespmem:s20], [sflag:$0x2], $0x2000, $0x38;
	[tilespmem:$0x1C500] =	vst v63  }
0x56: {  	_ =	swait.ge [sflag:s8], $0x2000  }
0x57: {  	[sflag:s8] =	ssyncset.done $0x0  }
0x58: {  	s18 =	rddreg [dreg:$0xa];
	[sflag:s8] =	ssyncadd.s32 $0xFFFFE000  }
0x59: {  	[spmem:s18] =	stream.linear.scatter [tilespmem:s21], [sflag:$0x2], $0x800, $0x38;
	[tilespmem:$0x1C500] =	vst v63  }
0x5a: {  	_ =	swait.ge [sflag:s8], $0x800  }
0x5b: {  	[sflag:s8] =	ssyncset.done $0x0  }
0x5c: {  	[sflag:s8] =	ssyncadd.s32 $0xFFFFF800  }
0x5d: {  	[spmem:s15] =	stream.linear.scatter [tilespmem:s20], [sflag:$0x2], $0x2000, $0x38;
	[tilespmem:$0x1C500] =	vst v63  }
0x5e: {  	_ =	swait.ge [sflag:s8], $0x2000  }
0x5f: {  	[sflag:s8] =	ssyncset.done $0x0  }
0x60: {  	s29 =	rddreg [dreg:$0xb];
	[sflag:s8] =	ssyncadd.s32 $0xFFFFE000  }
0x61: {  	[spmem:s29] =	stream.linear.scatter [tilespmem:s21], [sflag:$0x2], $0x800, $0x38;
	[tilespmem:$0x1C500] =	vst v63  }
0x62: {  	_ =	swait.ge [sflag:s8], $0x800  }
0x63: {  	[sflag:s8] =	ssyncset.done $0x0  }
0x64: {  	[sflag:s8] =	ssyncadd.s32 $0xFFFFF800  }
0x65: {  	[spmem:s17] =	stream.linear.scatter [tilespmem:s20], [sflag:$0x2], $0x2000, $0x38;
	[tilespmem:$0x1C500] =	vst v63  }
0x66: {  	_ =	swait.ge [sflag:s8], $0x2000  }
0x67: {  	[sflag:s8] =	ssyncset.done $0x0  }
0x68: {  	s30 =	rddreg [dreg:$0xc];
	[sflag:s8] =	ssyncadd.s32 $0xFFFFE000  }
0x69: {  	[spmem:s30] =	stream.linear.scatter [tilespmem:s21], [sflag:$0x2], $0x800, $0x38;
	[tilespmem:$0x1C500] =	vst v63  }
0x6a: {  	_ =	swait.ge [sflag:s8], $0x800  }
0x6b: {  	[sflag:s8] =	ssyncset.done $0x0  }
0x6c: {  	[sflag:s8] =	ssyncadd.s32 $0xFFFFF800  }
0x6d: {  	[bflag:$0x0] =	sbarrier.arrive $0xFFFF  }
.LBB2_14:
0x6e: {  	s10 =	sshll.u32 s14, $0x7  }
0x6f: {  	[tilespmem:s23], [sflag:$0x1] =	stream.indirect.gather [hbm4b:s7+s22], $0x10, s10, s22, $0xb8;
	[tilespmem:$0x1C500] =	vst v63  }
0x70: {  	s16 =	sadd.s32 $0x4E80, s10  }
0x71: {  	[tilespmem:s0], [sflag:$0x1] =	stream.indirect.gather [hbm4b:s2+s22], $0x10, s16, s22, $0xb8;
	[tilespmem:$0x1C500] =	vst v63  }
0x72: {  	_ = 	snop  }
0x73: {  	[tilespmem:s3], [sflag:$0x1] =	stream.indirect.gather [hbm4b:s28+s22], $0x40, s10, s22, $0xb8;
	[tilespmem:$0x1C500] =	vst v63  }
0x74: {  	_ =	swait.ge [sflag:s25], $0x800  }
0x75: {  	[sflag:s25] =	ssyncset.done $0x0  }
0x76: {  	[sflag:s25] =	ssyncadd.s32 $0xFFFFF800  }
0x77: {  	_ =	swait.ge [sflag:s25], $0x800  }
0x78: {  	[sflag:s25] =	ssyncset.done $0x0  }
0x79: {  	[sflag:s25] =	ssyncadd.s32 $0xFFFFF800  }
0x7a: {  	_ =	swait.ge [sflag:s25], $0x2000  }
0x7b: {  	[sflag:s25] =	ssyncset.done $0x0  }
0x7c: {  	s18 =	simm.s32 $0x0;
	[sflag:s25] =	ssyncadd.s32 $0xFFFFE000  }
0x7d: {  	v1 =	vld [tilespmem:s18+$0x9D00]  }
0x7e: {  	v2 =	vld [tilespmem:s18+$0xA500];
	_ =	sdelay $0x4  }
0x7f: {  	v1 =	vadd.f32 v2, v1;
	_ =	sdelay $0x1  }
0x80: {  	v2 =	vmul.f32 $2.000000030e-01, v1;
	_ =	sdelay $0x1  }
0x81: {  	v1 =	vmax.f32 v1, v2  }
0x82: {  	v1 =	vmul.f32 $1.442695020e+00, v1;
	_ =	sdelay $0x1  }
0x83: {  	(erf) = vpow2.f32 v1;
	_ =	sdelay $0x8  }
0x84: {  	v1 =	vpop (erf)  }
0x85: {  	s29 =	simm.s32 $0xAD20;
	[tilespmem:s18+$0xCD00] =	vst v1  }
0x86: {  	v6 =	vld [tilespmem:s29+$0xFFFFFFE0]  }
0x87: {  	v5 =	vld [tilespmem:s29+$0xFFFFFFF0]  }
0x88: {  	v2 =	vld [tilespmem:s29+$0x0]  }
0x89: {  	s30 =	simm.s32 $0x40;
	v4 =	vbroadcast v1, $0x1;
	v7 =	vbroadcast v1, $0x0;
	s18 =	simm.s32 $0xAD20;
	v3 =	vld [tilespmem:s29+$0x10]  }
.LBB2_15:
0x8a: {  	p1 =	sne.s32 s30, $0x1FC0  }
0x8b: {  	s29 =	sadd.s32 $0x40, s29;
	s10 =	smov.u32 s30;
	s30 =	sadd.s32 $0x40, s30  }
0x8c: {  	v6 =	vmul.f32 v7, v6;
	v7 =	vbroadcast v1, $0x2  }
0x8d: {  	v1 =	vbroadcast v1, $0x3;
	v4 =	vmul.f32 v4, v5  }
0x8e: {  	[tilespmem:s18+$0xFFFFFFE0] =	vst v6;
	v2 =	vmul.f32 v7, v2  }
0x8f: {  	s10 =	sshra.s32 s10, $0x2;
	[tilespmem:s18+$0xFFFFFFF0] =	vst v4;
	v1 =	vmul.f32 v3, v1  }
0x90: {  	[tilespmem:s18+$0x0] =	vst v2  }
0x91: {  	[tilespmem:s18+$0x10] =	vst v1;
	s18 =	smov.u32 s29  }
0x92: {  	v1 =	vld [tilespmem:s10+$0x9D00]  }
0x93: {  	v2 =	vld [tilespmem:s10+$0xA500];
	_ =	sdelay $0x4  }
0x94: {  	v1 =	vadd.f32 v2, v1;
	_ =	sdelay $0x1  }
0x95: {  	v2 =	vmul.f32 $2.000000030e-01, v1;
	_ =	sdelay $0x1  }
0x96: {  	v1 =	vmax.f32 v1, v2  }
0x97: {  	v1 =	vmul.f32 $1.442695020e+00, v1;
	_ =	sdelay $0x1  }
0x98: {  	(erf) = vpow2.f32 v1;
	_ =	sdelay $0x8  }
0x99: {  	v1 =	vpop (erf)  }
.Ltmp4:
0x9a: {  	[tilespmem:s10+$0xCD00] =	vst v1;
	v4 =	vbroadcast v1, $0x1;
	(pc) =	sbr.rel @p1 .LBB2_15-.Ltmp4, $4  }
0x9b: {  	v6 =	vld [tilespmem:s29+$0xFFFFFFE0]  }
0x9c: {  	v5 =	vld [tilespmem:s29+$0xFFFFFFF0]  }
0x9d: {  	v2 =	vld [tilespmem:s29+$0x0]  }
0x9e: {  	v7 =	vbroadcast v1, $0x0;
	v3 =	vld [tilespmem:s29+$0x10]  }
0x9f: {  	_ = 	snop  }
0xa0: {  	v63 =	vbroadcast v1, $0x2;
	v6 =	vmul.f32 v7, v6  }
0xa1: {  	v1 =	vbroadcast v1, $0x3;
	v4 =	vmul.f32 v4, v5  }
0xa2: {  	[tilespmem:s18+$0xFFFFFFE0] =	vst v6;
	v2 =	vmul.f32 v63, v2  }
0xa3: {  	[tilespmem:s18+$0xFFFFFFF0] =	vst v4;
	v1 =	vmul.f32 v3, v1  }
0xa4: {  	[tilespmem:s18+$0x0] =	vst v2  }
0xa5: {  	[tilespmem:s18+$0x10] =	vst v1  }
0xa6: {  	[spmem:s5] =	stream.indirect.scatter.add.f32 [tilespmem:s12], [sflag:$0x2], $0x10, s16, s22, $0xb8;
	[tilespmem:$0x1C500] =	vst v63  }
0xa7: {  	s14 =	sadd.s32 $0x1, s14;
	_ =	swait.ge [sflag:s8], $0x800  }
0xa8: {  	p1 =	sne.s32 s14, $0x9D;
	[sflag:s8] =	ssyncset.done $0x0  }
.Ltmp5:
0xa9: {  	[sflag:s8] =	ssyncadd.s32 $0xFFFFF800;
	(pc) =	sbr.rel @p1 .LBB2_14-.Ltmp5, $4  }
0xaa: {  	[spmem:s4] =	stream.indirect.scatter.add.f32 [tilespmem:s3], [sflag:$0x2], $0x40, s16, s22, $0xb8;
	[tilespmem:$0x1C500] =	vst v63  }
0xab: {  	_ =	swait.ge [sflag:s8], $0x2000  }
0xac: {  	[sflag:s8] =	ssyncset.done $0x0  }
0xad: {  	[sflag:s8] =	ssyncadd.s32 $0xFFFFE000  }
0xae: {  	[bflag:$0x0] =	sbarrier.arrive $0xFFFF  }
0xaf: {  	s10 =	stileid.u32;
	s14 =	rddreg [dreg:$0xd]  }
0xb0: {  	s10 =	sshll.u32 s10, $0x6;
	s16 =	rddreg [dreg:$0x13]  }
0xb1: {  	s18 =	sshrl.u32 s9, $0x3;
	s16 =	sadd.s32 s14, s16;
	s14 =	sor.u32 $0x1C02, s10  }
0xb2: {  	[hbm:s16], [sflag:s14] =	dma.local [spmem:s18], $0x1400  }
0xb3: {  	_ =	swait.ge [sflag:s8], $0x1400  }
0xb4: {  	[sflag:s8] =	ssyncset.done $0x0  }
0xb5: {  	s29 =	sshrl.u32 s19, $0x3;
	s30 =	rddreg [dreg:$0xf];
	[sflag:s8] =	ssyncadd.s32 $0xFFFFEC00  }
0xb6: {  	[hbm:s30], [sflag:s14] =	dma.local [spmem:s29], $0x500  }
0xb7: {  	_ =	swait.ge [sflag:s8], $0x500  }
0xb8: {  	[sflag:s8] =	ssyncset.done $0x0  }
0xb9: {  	[sflag:s8] =	ssyncadd.s32 $0xFFFFFB00  }
0xba: {  	[bflag:$0x0] =	sbarrier.arrive $0xFFFF  }
0xbb: {  	[spmem:s9] =	stream.linear.scatter [tilespmem:s20], [sflag:$0x2], $0x2000, $0x38;
	[tilespmem:$0x1C500] =	vst v63  }
0xbc: {  	_ =	swait.ge [sflag:s8], $0x2000  }
0xbd: {  	[sflag:s8] =	ssyncset.done $0x0  }
0xbe: {  	[sflag:s8] =	ssyncadd.s32 $0xFFFFE000  }
0xbf: {  	[spmem:s11] =	stream.linear.scatter [tilespmem:s20], [sflag:$0x2], $0x2000, $0x38;
	[tilespmem:$0x1C500] =	vst v63  }
0xc0: {  	_ =	swait.ge [sflag:s8], $0x2000  }
0xc1: {  	[sflag:s8] =	ssyncset.done $0x0  }
0xc2: {  	[sflag:s8] =	ssyncadd.s32 $0xFFFFE000  }
0xc3: {  	[spmem:s13] =	stream.linear.scatter [tilespmem:s20], [sflag:$0x2], $0x2000, $0x38;
	[tilespmem:$0x1C500] =	vst v63  }
0xc4: {  	_ =	swait.ge [sflag:s8], $0x2000  }
0xc5: {  	[sflag:s8] =	ssyncset.done $0x0  }
0xc6: {  	[sflag:s8] =	ssyncadd.s32 $0xFFFFE000  }
0xc7: {  	[spmem:s15] =	stream.linear.scatter [tilespmem:s20], [sflag:$0x2], $0x2000, $0x38;
	[tilespmem:$0x1C500] =	vst v63  }
0xc8: {  	_ =	swait.ge [sflag:s8], $0x2000  }
0xc9: {  	[sflag:s8] =	ssyncset.done $0x0  }
0xca: {  	[sflag:s8] =	ssyncadd.s32 $0xFFFFE000  }
0xcb: {  	[spmem:s17] =	stream.linear.scatter [tilespmem:s20], [sflag:$0x2], $0x2000, $0x38;
	[tilespmem:$0x1C500] =	vst v63  }
0xcc: {  	_ =	swait.ge [sflag:s8], $0x2000  }
0xcd: {  	[sflag:s8] =	ssyncset.done $0x0  }
0xce: {  	[sflag:s8] =	ssyncadd.s32 $0xFFFFE000  }
0xcf: {  	s16 =	sadd.s32 $0x14000, s28;
	s18 =	simm.s32 $0x0;
	[bflag:$0x0] =	sbarrier.arrive $0xFFFF  }
.LBB2_18:
0xd0: {  	s10 =	sshll.u32 s18, $0x7  }
0xd1: {  	[tilespmem:s23], [sflag:$0x1] =	stream.indirect.gather [hbm4b:s7+s22], $0x10, s10, s22, $0xb8;
	[tilespmem:$0x1C500] =	vst v63  }
0xd2: {  	s30 =	sadd.s32 $0x4E80, s10  }
0xd3: {  	[tilespmem:s0], [sflag:$0x1] =	stream.indirect.gather [hbm4b:s2+s22], $0x10, s30, s22, $0xb8;
	[tilespmem:$0x1C500] =	vst v63  }
0xd4: {  	_ = 	snop  }
0xd5: {  	[tilespmem:s3], [sflag:$0x1] =	stream.indirect.gather [hbm4b:s16+s22], $0x40, s10, s22, $0xb8;
	[tilespmem:$0x1C500] =	vst v63  }
0xd6: {  	_ =	swait.ge [sflag:s25], $0x800  }
0xd7: {  	[sflag:s25] =	ssyncset.done $0x0  }
0xd8: {  	[sflag:s25] =	ssyncadd.s32 $0xFFFFF800  }
0xd9: {  	_ =	swait.ge [sflag:s25], $0x800  }
0xda: {  	[sflag:s25] =	ssyncset.done $0x0  }
0xdb: {  	[sflag:s25] =	ssyncadd.s32 $0xFFFFF800  }
0xdc: {  	_ =	swait.ge [sflag:s25], $0x2000  }
0xdd: {  	[sflag:s25] =	ssyncset.done $0x0  }
0xde: {  	s19 =	simm.s32 $0x0;
	[sflag:s25] =	ssyncadd.s32 $0xFFFFE000  }
0xdf: {  	v1 =	vld [tilespmem:s19+$0xA500]  }
0xe0: {  	v2 =	vld [tilespmem:s19+$0x9D00];
	_ =	sdelay $0x4  }
0xe1: {  	v1 =	vadd.f32 v1, v2;
	_ =	sdelay $0x1  }
0xe2: {  	v2 =	vmul.f32 $2.000000030e-01, v1;
	_ =	sdelay $0x1  }
0xe3: {  	v1 =	vmax.f32 v1, v2  }
0xe4: {  	v1 =	vmul.f32 $1.442695020e+00, v1;
	_ =	sdelay $0x1  }
0xe5: {  	(erf) = vpow2.f32 v1;
	_ =	sdelay $0x5  }
0xe6: {  	s29 =	simm.s32 $0xAD20  }
0xe7: {  	v1 =	vld [tilespmem:s29+$0xFFFFFFE0]  }
0xe8: {  	v2 =	vld [tilespmem:s29+$0xFFFFFFF0]  }
0xe9: {  	v3 =	vld [tilespmem:s29+$0x0];
	v4 =	vpop (erf)  }
0xea: {  	v5 =	vld [tilespmem:s29+$0x10];
	v6 =	vbroadcast v4, $0x4  }
0xeb: {  	v7 =	vbroadcast v4, $0x5  }
0xec: {  	v8 =	vbroadcast v4, $0x6;
	v1 =	vmul.f32 v6, v1  }
0xed: {  	v4 =	vbroadcast v4, $0x7;
	v2 =	vmul.f32 v7, v2  }
0xee: {  	v3 =	vmul.f32 v8, v3;
	[tilespmem:s29+$0xFFFFFFE0] =	vst v1  }
0xef: {  	v1 =	vmul.f32 v5, v4;
	[tilespmem:s29+$0xFFFFFFF0] =	vst v2  }
0xf0: {  	[tilespmem:s29+$0x0] =	vst v3  }
0xf1: {  	s10 =	simm.s32 $0x10;
	[tilespmem:s29+$0x10] =	vst v1  }
0xf2: {  	s19 =	simm.s32 $0x80;
	v1 =	vld [tilespmem:s10+$0xA500]  }
.LBB2_19:
0xf3: {  	p1 =	sne.s32 s19, $0x1FC0;
	v2 =	vld [tilespmem:s10+$0x9D00];
	_ =	sdelay $0x4  }
0xf4: {  	v1 =	vadd.f32 v1, v2;
	_ =	sdelay $0x1  }
0xf5: {  	v2 =	vmul.f32 $2.000000030e-01, v1;
	_ =	sdelay $0x1  }
0xf6: {  	v1 =	vmax.f32 v1, v2  }
0xf7: {  	v1 =	vmul.f32 $1.442695020e+00, v1;
	_ =	sdelay $0x1  }
0xf8: {  	(erf) = vpow2.f32 v1;
	_ =	sdelay $0x3  }
0xf9: {  	s29 =	sadd.s32 $0x40, s29  }
0xfa: {  	v1 =	vld [tilespmem:s29+$0xFFFFFFF0]  }
0xfb: {  	v2 =	vld [tilespmem:s29+$0xFFFFFFE0]  }
0xfc: {  	v3 =	vld [tilespmem:s29+$0x10]  }
0xfd: {  	v4 =	vld [tilespmem:s29+$0x0]  }
0xfe: {  	v5 =	vpop (erf)  }
0xff: {  	v6 =	vbroadcast v5, $0x4;
	v7 =	vbroadcast v5, $0x5  }
0x100: {  	v8 =	vbroadcast v5, $0x6;
	v5 =	vbroadcast v5, $0x7  }
0x101: {  	v2 =	vmul.f32 v6, v2;
	v1 =	vmul.f32 v7, v1  }
0x102: {  	v3 =	vmul.f32 v3, v5;
	v4 =	vmul.f32 v8, v4  }
.Ltmp6:
0x103: {  	[tilespmem:s29+$0xFFFFFFE0] =	vst v2;
	(pc) =	sbr.rel @p1 .LBB2_19-.Ltmp6, $4  }
0x104: {  	[tilespmem:s29+$0xFFFFFFF0] =	vst v1  }
0x105: {  	[tilespmem:s29+$0x0] =	vst v4  }
0x106: {  	s10 =	sshra.s32 s19, $0x2;
	[tilespmem:s29+$0x10] =	vst v3  }
0x107: {  	s19 =	sadd.s32 $0x40, s19;
	v1 =	vld [tilespmem:s10+$0xA500]  }
0x108: {  	v2 =	vld [tilespmem:s10+$0x9D00];
	_ =	sdelay $0x4  }
0x109: {  	v1 =	vadd.f32 v1, v2;
	_ =	sdelay $0x1  }
0x10a: {  	v2 =	vmul.f32 $2.000000030e-01, v1;
	_ =	sdelay $0x1  }
0x10b: {  	v1 =	vmax.f32 v1, v2  }
0x10c: {  	v1 =	vmul.f32 $1.442695020e+00, v1;
	_ =	sdelay $0x1  }
0x10d: {  	(erf) = vpow2.f32 v1;
	_ =	sdelay $0x5  }
0x10e: {  	s29 =	sadd.s32 $0x40, s29  }
0x10f: {  	v1 =	vld [tilespmem:s29+$0xFFFFFFE0]  }
0x110: {  	v2 =	vld [tilespmem:s29+$0xFFFFFFF0]  }
0x111: {  	v3 =	vld [tilespmem:s29+$0x0];
	v4 =	vpop (erf)  }
0x112: {  	v5 =	vld [tilespmem:s29+$0x10];
	v6 =	vbroadcast v4, $0x4  }
0x113: {  	v7 =	vbroadcast v4, $0x5  }
0x114: {  	v8 =	vbroadcast v4, $0x6;
	v1 =	vmul.f32 v6, v1  }
0x115: {  	v4 =	vbroadcast v4, $0x7;
	v2 =	vmul.f32 v7, v2  }
0x116: {  	v3 =	vmul.f32 v8, v3;
	[tilespmem:s29+$0xFFFFFFE0] =	vst v1  }
0x117: {  	s18 =	sadd.s32 $0x1, s18;
	v1 =	vmul.f32 v5, v4;
	[tilespmem:s29+$0xFFFFFFF0] =	vst v2  }
0x118: {  	p1 =	sne.s32 s18, $0x9D;
	[tilespmem:s29+$0x0] =	vst v3  }
.Ltmp7:
0x119: {  	[tilespmem:s29+$0x10] =	vst v1;
	(pc) =	sbr.rel @p1 .LBB2_18-.Ltmp7, $4  }
0x11a: {  	[spmem:s4] =	stream.indirect.scatter.add.f32 [tilespmem:s3], [sflag:$0x2], $0x40, s30, s22, $0xb8;
	[tilespmem:$0x1C500] =	vst v63  }
0x11b: {  	_ =	swait.ge [sflag:s8], $0x2000  }
0x11c: {  	[sflag:s8] =	ssyncset.done $0x0  }
0x11d: {  	[sflag:s8] =	ssyncadd.s32 $0xFFFFE000  }
.Ltmp8:
0x11e: {  	(pc) =	sbr.rel .LBB2_22-.Ltmp8, $2  }
0x11f: {  	_ =	sdelay $0x2  }
0x120: {  	s10 =	rddreg [dreg:$0x13]  }
.LBB2_4:
0x121: {  	s10 =	rddreg [dreg:$0x6]  }
0x122: {  	[tilespmem:s14], [sflag:$0x2] =	stream.linear.gather [hbm4b:s10+s14], $0x4E80, $0x38;
	[tilespmem:$0x1C500] =	vst v63  }
0x123: {  	_ =	swait.ge [sflag:s8], $0x4E80  }
0x124: {  	[sflag:s8] =	ssyncset.done $0x0  }
0x125: {  	s16 =	simm.s32 $0x4E80;
	s30 =	rddreg [dreg:$0x7];
	[sflag:s8] =	ssyncadd.s32 $0xFFFFB180  }
0x126: {  	[tilespmem:s16], [sflag:$0x2] =	stream.linear.gather [hbm4b:s30+s14], $0x4E80, $0x38;
	[tilespmem:$0x1C500] =	vst v63  }
0x127: {  	_ =	swait.ge [sflag:s8], $0x4E80  }
0x128: {  	[sflag:s8] =	ssyncset.done $0x0  }
0x129: {  	[sflag:s8] =	ssyncadd.s32 $0xFFFFB180  }
0x12a: {  	[spmem:s9] =	stream.linear.scatter [tilespmem:s20], [sflag:$0x2], $0x2000, $0x38;
	[tilespmem:$0x1C500] =	vst v63  }
0x12b: {  	_ =	swait.ge [sflag:s8], $0x2000  }
0x12c: {  	[sflag:s8] =	ssyncset.done $0x0  }
0x12d: {  	[sflag:s8] =	ssyncadd.s32 $0xFFFFE000  }
0x12e: {  	[spmem:s19] =	stream.linear.scatter [tilespmem:s21], [sflag:$0x2], $0x800, $0x38;
	[tilespmem:$0x1C500] =	vst v63  }
0x12f: {  	_ =	swait.ge [sflag:s8], $0x800  }
0x130: {  	[sflag:s8] =	ssyncset.done $0x0  }
0x131: {  	[sflag:s8] =	ssyncadd.s32 $0xFFFFF800  }
0x132: {  	[spmem:s11] =	stream.linear.scatter [tilespmem:s20], [sflag:$0x2], $0x2000, $0x38;
	[tilespmem:$0x1C500] =	vst v63  }
0x133: {  	_ =	swait.ge [sflag:s8], $0x2000  }
0x134: {  	[sflag:s8] =	ssyncset.done $0x0  }
0x135: {  	s16 =	rddreg [dreg:$0x9];
	[sflag:s8] =	ssyncadd.s32 $0xFFFFE000  }
0x136: {  	[spmem:s16] =	stream.linear.scatter [tilespmem:s21], [sflag:$0x2], $0x800, $0x38;
	[tilespmem:$0x1C500] =	vst v63  }
0x137: {  	_ =	swait.ge [sflag:s8], $0x800  }
0x138: {  	[sflag:s8] =	ssyncset.done $0x0  }
0x139: {  	[sflag:s8] =	ssyncadd.s32 $0xFFFFF800  }
0x13a: {  	[spmem:s13] =	stream.linear.scatter [tilespmem:s20], [sflag:$0x2], $0x2000, $0x38;
	[tilespmem:$0x1C500] =	vst v63  }
0x13b: {  	_ =	swait.ge [sflag:s8], $0x2000  }
0x13c: {  	[sflag:s8] =	ssyncset.done $0x0  }
0x13d: {  	s18 =	rddreg [dreg:$0xa];
	[sflag:s8] =	ssyncadd.s32 $0xFFFFE000  }
0x13e: {  	[spmem:s18] =	stream.linear.scatter [tilespmem:s21], [sflag:$0x2], $0x800, $0x38;
	[tilespmem:$0x1C500] =	vst v63  }
0x13f: {  	_ =	swait.ge [sflag:s8], $0x800  }
0x140: {  	[sflag:s8] =	ssyncset.done $0x0  }
0x141: {  	[sflag:s8] =	ssyncadd.s32 $0xFFFFF800  }
0x142: {  	[spmem:s15] =	stream.linear.scatter [tilespmem:s20], [sflag:$0x2], $0x2000, $0x38;
	[tilespmem:$0x1C500] =	vst v63  }
0x143: {  	_ =	swait.ge [sflag:s8], $0x2000  }
0x144: {  	[sflag:s8] =	ssyncset.done $0x0  }
0x145: {  	s29 =	rddreg [dreg:$0xb];
	[sflag:s8] =	ssyncadd.s32 $0xFFFFE000  }
0x146: {  	[spmem:s29] =	stream.linear.scatter [tilespmem:s21], [sflag:$0x2], $0x800, $0x38;
	[tilespmem:$0x1C500] =	vst v63  }
0x147: {  	_ =	swait.ge [sflag:s8], $0x800  }
0x148: {  	[sflag:s8] =	ssyncset.done $0x0  }
0x149: {  	[sflag:s8] =	ssyncadd.s32 $0xFFFFF800  }
0x14a: {  	[spmem:s17] =	stream.linear.scatter [tilespmem:s20], [sflag:$0x2], $0x2000, $0x38;
	[tilespmem:$0x1C500] =	vst v63  }
0x14b: {  	_ =	swait.ge [sflag:s8], $0x2000  }
0x14c: {  	[sflag:s8] =	ssyncset.done $0x0  }
0x14d: {  	s30 =	rddreg [dreg:$0xc];
	[sflag:s8] =	ssyncadd.s32 $0xFFFFE000  }
0x14e: {  	[spmem:s30] =	stream.linear.scatter [tilespmem:s21], [sflag:$0x2], $0x800, $0x38;
	[tilespmem:$0x1C500] =	vst v63  }
0x14f: {  	_ =	swait.ge [sflag:s8], $0x800  }
0x150: {  	[sflag:s8] =	ssyncset.done $0x0  }
0x151: {  	[sflag:s8] =	ssyncadd.s32 $0xFFFFF800  }
0x152: {  	[bflag:$0x0] =	sbarrier.arrive $0xFFFF  }
.LBB2_5:
0x153: {  	s10 =	sshll.u32 s14, $0x7  }
0x154: {  	[tilespmem:s23], [sflag:$0x1] =	stream.indirect.gather [hbm4b:s1+s22], $0x10, s10, s22, $0xb8;
	[tilespmem:$0x1C500] =	vst v63  }
0x155: {  	s16 =	sadd.s32 $0x4E80, s10  }
0x156: {  	[tilespmem:s0], [sflag:$0x1] =	stream.indirect.gather [hbm4b:s31+s22], $0x10, s16, s22, $0xb8;
	[tilespmem:$0x1C500] =	vst v63  }
0x157: {  	_ = 	snop  }
0x158: {  	[tilespmem:s3], [sflag:$0x1] =	stream.indirect.gather [hbm4b:s24+s22], $0x40, s10, s22, $0xb8;
	[tilespmem:$0x1C500] =	vst v63  }
0x159: {  	_ =	swait.ge [sflag:s25], $0x800  }
0x15a: {  	[sflag:s25] =	ssyncset.done $0x0  }
0x15b: {  	[sflag:s25] =	ssyncadd.s32 $0xFFFFF800  }
0x15c: {  	_ =	swait.ge [sflag:s25], $0x800  }
0x15d: {  	[sflag:s25] =	ssyncset.done $0x0  }
0x15e: {  	[sflag:s25] =	ssyncadd.s32 $0xFFFFF800  }
0x15f: {  	_ =	swait.ge [sflag:s25], $0x2000  }
0x160: {  	[sflag:s25] =	ssyncset.done $0x0  }
0x161: {  	s18 =	simm.s32 $0x0;
	[sflag:s25] =	ssyncadd.s32 $0xFFFFE000  }
0x162: {  	v1 =	vld [tilespmem:s18+$0x9D00]  }
0x163: {  	v2 =	vld [tilespmem:s18+$0xA500];
	_ =	sdelay $0x4  }
0x164: {  	v1 =	vadd.f32 v2, v1;
	_ =	sdelay $0x1  }
0x165: {  	v2 =	vmul.f32 $2.000000030e-01, v1;
	_ =	sdelay $0x1  }
0x166: {  	v1 =	vmax.f32 v1, v2  }
0x167: {  	v1 =	vmul.f32 $1.442695020e+00, v1;
	_ =	sdelay $0x1  }
0x168: {  	(erf) = vpow2.f32 v1;
	_ =	sdelay $0x8  }
0x169: {  	v1 =	vpop (erf)  }
0x16a: {  	s29 =	simm.s32 $0xAD20;
	[tilespmem:s18+$0xCD00] =	vst v1  }
0x16b: {  	v6 =	vld [tilespmem:s29+$0xFFFFFFE0]  }
0x16c: {  	v5 =	vld [tilespmem:s29+$0xFFFFFFF0]  }
0x16d: {  	v2 =	vld [tilespmem:s29+$0x0]  }
0x16e: {  	s30 =	simm.s32 $0x40;
	v4 =	vbroadcast v1, $0x1;
	v7 =	vbroadcast v1, $0x0;
	s18 =	simm.s32 $0xAD20;
	v3 =	vld [tilespmem:s29+$0x10]  }
.LBB2_6:
0x16f: {  	p1 =	sne.s32 s30, $0x1FC0  }
0x170: {  	s29 =	sadd.s32 $0x40, s29;
	s10 =	smov.u32 s30;
	s30 =	sadd.s32 $0x40, s30  }
0x171: {  	v6 =	vmul.f32 v7, v6;
	v7 =	vbroadcast v1, $0x2  }
0x172: {  	v1 =	vbroadcast v1, $0x3;
	v4 =	vmul.f32 v4, v5  }
0x173: {  	[tilespmem:s18+$0xFFFFFFE0] =	vst v6;
	v2 =	vmul.f32 v7, v2  }
0x174: {  	s10 =	sshra.s32 s10, $0x2;
	[tilespmem:s18+$0xFFFFFFF0] =	vst v4;
	v1 =	vmul.f32 v3, v1  }
0x175: {  	[tilespmem:s18+$0x0] =	vst v2  }
0x176: {  	[tilespmem:s18+$0x10] =	vst v1;
	s18 =	smov.u32 s29  }
0x177: {  	v1 =	vld [tilespmem:s10+$0x9D00]  }
0x178: {  	v2 =	vld [tilespmem:s10+$0xA500];
	_ =	sdelay $0x4  }
0x179: {  	v1 =	vadd.f32 v2, v1;
	_ =	sdelay $0x1  }
0x17a: {  	v2 =	vmul.f32 $2.000000030e-01, v1;
	_ =	sdelay $0x1  }
0x17b: {  	v1 =	vmax.f32 v1, v2  }
0x17c: {  	v1 =	vmul.f32 $1.442695020e+00, v1;
	_ =	sdelay $0x1  }
0x17d: {  	(erf) = vpow2.f32 v1;
	_ =	sdelay $0x8  }
0x17e: {  	v1 =	vpop (erf)  }
.Ltmp9:
0x17f: {  	[tilespmem:s10+$0xCD00] =	vst v1;
	v4 =	vbroadcast v1, $0x1;
	(pc) =	sbr.rel @p1 .LBB2_6-.Ltmp9, $4  }
0x180: {  	v6 =	vld [tilespmem:s29+$0xFFFFFFE0]  }
0x181: {  	v5 =	vld [tilespmem:s29+$0xFFFFFFF0]  }
0x182: {  	v2 =	vld [tilespmem:s29+$0x0]  }
0x183: {  	v7 =	vbroadcast v1, $0x0;
	v3 =	vld [tilespmem:s29+$0x10]  }
0x184: {  	_ = 	snop  }
0x185: {  	v63 =	vbroadcast v1, $0x2;
	v6 =	vmul.f32 v7, v6  }
0x186: {  	v1 =	vbroadcast v1, $0x3;
	v4 =	vmul.f32 v4, v5  }
0x187: {  	[tilespmem:s18+$0xFFFFFFE0] =	vst v6;
	v2 =	vmul.f32 v63, v2  }
0x188: {  	[tilespmem:s18+$0xFFFFFFF0] =	vst v4;
	v1 =	vmul.f32 v3, v1  }
0x189: {  	[tilespmem:s18+$0x0] =	vst v2  }
0x18a: {  	[tilespmem:s18+$0x10] =	vst v1  }
0x18b: {  	[spmem:s5] =	stream.indirect.scatter.add.f32 [tilespmem:s12], [sflag:$0x2], $0x10, s16, s22, $0xb8;
	[tilespmem:$0x1C500] =	vst v63  }
0x18c: {  	s14 =	sadd.s32 $0x1, s14;
	_ =	swait.ge [sflag:s8], $0x800  }
0x18d: {  	p1 =	sne.s32 s14, $0x9D;
	[sflag:s8] =	ssyncset.done $0x0  }
.Ltmp10:
0x18e: {  	[sflag:s8] =	ssyncadd.s32 $0xFFFFF800;
	(pc) =	sbr.rel @p1 .LBB2_5-.Ltmp10, $4  }
0x18f: {  	[spmem:s4] =	stream.indirect.scatter.add.f32 [tilespmem:s3], [sflag:$0x2], $0x40, s16, s22, $0xb8;
	[tilespmem:$0x1C500] =	vst v63  }
0x190: {  	_ =	swait.ge [sflag:s8], $0x2000  }
0x191: {  	[sflag:s8] =	ssyncset.done $0x0  }
0x192: {  	[sflag:s8] =	ssyncadd.s32 $0xFFFFE000  }
0x193: {  	s10 =	stileid.u32  }
0x194: {  	[bflag:$0x0] =	sbarrier.arrive $0xFFFF;
	s10 =	sshll.u32 s10, $0x6  }
0x195: {  	s18 =	sshrl.u32 s9, $0x3;
	s16 =	rddreg [dreg:$0x15];
	s14 =	sor.u32 $0x1C02, s10  }
0x196: {  	[hbm:s16], [sflag:s14] =	dma.local [spmem:s18], $0x1400  }
0x197: {  	_ =	swait.ge [sflag:s8], $0x1400  }
0x198: {  	[sflag:s8] =	ssyncset.done $0x0  }
0x199: {  	s29 =	sshrl.u32 s19, $0x3;
	s30 =	rddreg [dreg:$0xe];
	[sflag:s8] =	ssyncadd.s32 $0xFFFFEC00  }
0x19a: {  	[hbm:s30], [sflag:s14] =	dma.local [spmem:s29], $0x500  }
0x19b: {  	_ =	swait.ge [sflag:s8], $0x500  }
0x19c: {  	[sflag:s8] =	ssyncset.done $0x0  }
0x19d: {  	[sflag:s8] =	ssyncadd.s32 $0xFFFFFB00  }
0x19e: {  	[bflag:$0x0] =	sbarrier.arrive $0xFFFF  }
0x19f: {  	[spmem:s9] =	stream.linear.scatter [tilespmem:s20], [sflag:$0x2], $0x2000, $0x38;
	[tilespmem:$0x1C500] =	vst v63  }
0x1a0: {  	_ =	swait.ge [sflag:s8], $0x2000  }
0x1a1: {  	[sflag:s8] =	ssyncset.done $0x0  }
0x1a2: {  	[sflag:s8] =	ssyncadd.s32 $0xFFFFE000  }
0x1a3: {  	[spmem:s11] =	stream.linear.scatter [tilespmem:s20], [sflag:$0x2], $0x2000, $0x38;
	[tilespmem:$0x1C500] =	vst v63  }
0x1a4: {  	_ =	swait.ge [sflag:s8], $0x2000  }
0x1a5: {  	[sflag:s8] =	ssyncset.done $0x0  }
0x1a6: {  	[sflag:s8] =	ssyncadd.s32 $0xFFFFE000  }
0x1a7: {  	[spmem:s13] =	stream.linear.scatter [tilespmem:s20], [sflag:$0x2], $0x2000, $0x38;
	[tilespmem:$0x1C500] =	vst v63  }
0x1a8: {  	_ =	swait.ge [sflag:s8], $0x2000  }
0x1a9: {  	[sflag:s8] =	ssyncset.done $0x0  }
0x1aa: {  	[sflag:s8] =	ssyncadd.s32 $0xFFFFE000  }
0x1ab: {  	[spmem:s15] =	stream.linear.scatter [tilespmem:s20], [sflag:$0x2], $0x2000, $0x38;
	[tilespmem:$0x1C500] =	vst v63  }
0x1ac: {  	_ =	swait.ge [sflag:s8], $0x2000  }
0x1ad: {  	[sflag:s8] =	ssyncset.done $0x0  }
0x1ae: {  	[sflag:s8] =	ssyncadd.s32 $0xFFFFE000  }
0x1af: {  	[spmem:s17] =	stream.linear.scatter [tilespmem:s20], [sflag:$0x2], $0x2000, $0x38;
	[tilespmem:$0x1C500] =	vst v63  }
0x1b0: {  	_ =	swait.ge [sflag:s8], $0x2000  }
0x1b1: {  	[sflag:s8] =	ssyncset.done $0x0  }
0x1b2: {  	[sflag:s8] =	ssyncadd.s32 $0xFFFFE000  }
0x1b3: {  	s16 =	simm.s32 $0x0;
	[bflag:$0x0] =	sbarrier.arrive $0xFFFF  }
.LBB2_9:
0x1b4: {  	s10 =	sshll.u32 s16, $0x7  }
0x1b5: {  	[tilespmem:s23], [sflag:$0x1] =	stream.indirect.gather [hbm4b:s1+s22], $0x10, s10, s22, $0xb8;
	[tilespmem:$0x1C500] =	vst v63  }
0x1b6: {  	s18 =	sadd.s32 $0x4E80, s10  }
0x1b7: {  	[tilespmem:s0], [sflag:$0x1] =	stream.indirect.gather [hbm4b:s31+s22], $0x10, s18, s22, $0xb8;
	[tilespmem:$0x1C500] =	vst v63  }
0x1b8: {  	_ = 	snop  }
0x1b9: {  	[tilespmem:s3], [sflag:$0x1] =	stream.indirect.gather [hbm4b:s26+s22], $0x40, s10, s22, $0xb8;
	[tilespmem:$0x1C500] =	vst v63  }
0x1ba: {  	_ =	swait.ge [sflag:s25], $0x800  }
0x1bb: {  	[sflag:s25] =	ssyncset.done $0x0  }
0x1bc: {  	[sflag:s25] =	ssyncadd.s32 $0xFFFFF800  }
0x1bd: {  	_ =	swait.ge [sflag:s25], $0x800  }
0x1be: {  	[sflag:s25] =	ssyncset.done $0x0  }
0x1bf: {  	[sflag:s25] =	ssyncadd.s32 $0xFFFFF800  }
0x1c0: {  	_ =	swait.ge [sflag:s25], $0x2000  }
0x1c1: {  	[sflag:s25] =	ssyncset.done $0x0  }
0x1c2: {  	s19 =	simm.s32 $0x0;
	[sflag:s25] =	ssyncadd.s32 $0xFFFFE000  }
0x1c3: {  	v1 =	vld [tilespmem:s19+$0xA500]  }
0x1c4: {  	v2 =	vld [tilespmem:s19+$0x9D00];
	_ =	sdelay $0x4  }
0x1c5: {  	v1 =	vadd.f32 v1, v2;
	_ =	sdelay $0x1  }
0x1c6: {  	v2 =	vmul.f32 $2.000000030e-01, v1;
	_ =	sdelay $0x1  }
0x1c7: {  	v1 =	vmax.f32 v1, v2  }
0x1c8: {  	v1 =	vmul.f32 $1.442695020e+00, v1;
	_ =	sdelay $0x1  }
0x1c9: {  	(erf) = vpow2.f32 v1;
	_ =	sdelay $0x5  }
0x1ca: {  	s30 =	simm.s32 $0xAD20  }
0x1cb: {  	v1 =	vld [tilespmem:s30+$0xFFFFFFE0]  }
0x1cc: {  	v2 =	vld [tilespmem:s30+$0xFFFFFFF0]  }
0x1cd: {  	v3 =	vld [tilespmem:s30+$0x0];
	v4 =	vpop (erf)  }
0x1ce: {  	v5 =	vld [tilespmem:s30+$0x10];
	v6 =	vbroadcast v4, $0x4  }
0x1cf: {  	v7 =	vbroadcast v4, $0x5  }
0x1d0: {  	v8 =	vbroadcast v4, $0x6;
	v1 =	vmul.f32 v6, v1  }
0x1d1: {  	v4 =	vbroadcast v4, $0x7;
	v2 =	vmul.f32 v7, v2  }
0x1d2: {  	v3 =	vmul.f32 v8, v3;
	[tilespmem:s30+$0xFFFFFFE0] =	vst v1  }
0x1d3: {  	v1 =	vmul.f32 v5, v4;
	[tilespmem:s30+$0xFFFFFFF0] =	vst v2  }
0x1d4: {  	[tilespmem:s30+$0x0] =	vst v3  }
0x1d5: {  	s19 =	simm.s32 $0x10;
	[tilespmem:s30+$0x10] =	vst v1  }
0x1d6: {  	s29 =	simm.s32 $0x80;
	v1 =	vld [tilespmem:s19+$0xA500]  }
.LBB2_10:
0x1d7: {  	p1 =	sne.s32 s29, $0x1FC0;
	v2 =	vld [tilespmem:s19+$0x9D00];
	_ =	sdelay $0x4  }
0x1d8: {  	v1 =	vadd.f32 v1, v2;
	_ =	sdelay $0x1  }
0x1d9: {  	v2 =	vmul.f32 $2.000000030e-01, v1;
	_ =	sdelay $0x1  }
0x1da: {  	v1 =	vmax.f32 v1, v2  }
0x1db: {  	v1 =	vmul.f32 $1.442695020e+00, v1;
	_ =	sdelay $0x1  }
0x1dc: {  	(erf) = vpow2.f32 v1;
	_ =	sdelay $0x3  }
0x1dd: {  	s30 =	sadd.s32 $0x40, s30  }
0x1de: {  	v1 =	vld [tilespmem:s30+$0xFFFFFFF0]  }
0x1df: {  	v2 =	vld [tilespmem:s30+$0xFFFFFFE0]  }
0x1e0: {  	v3 =	vld [tilespmem:s30+$0x10]  }
0x1e1: {  	v4 =	vld [tilespmem:s30+$0x0]  }
0x1e2: {  	v5 =	vpop (erf)  }
0x1e3: {  	v6 =	vbroadcast v5, $0x4;
	v7 =	vbroadcast v5, $0x5  }
0x1e4: {  	v8 =	vbroadcast v5, $0x6;
	v5 =	vbroadcast v5, $0x7  }
0x1e5: {  	v2 =	vmul.f32 v6, v2;
	v1 =	vmul.f32 v7, v1  }
0x1e6: {  	v3 =	vmul.f32 v3, v5;
	v4 =	vmul.f32 v8, v4  }
.Ltmp11:
0x1e7: {  	[tilespmem:s30+$0xFFFFFFE0] =	vst v2;
	(pc) =	sbr.rel @p1 .LBB2_10-.Ltmp11, $4  }
0x1e8: {  	[tilespmem:s30+$0xFFFFFFF0] =	vst v1  }
0x1e9: {  	[tilespmem:s30+$0x0] =	vst v4  }
0x1ea: {  	s19 =	sshra.s32 s29, $0x2;
	[tilespmem:s30+$0x10] =	vst v3  }
0x1eb: {  	s29 =	sadd.s32 $0x40, s29;
	v1 =	vld [tilespmem:s19+$0xA500]  }
0x1ec: {  	v2 =	vld [tilespmem:s19+$0x9D00];
	_ =	sdelay $0x4  }
0x1ed: {  	v1 =	vadd.f32 v1, v2;
	_ =	sdelay $0x1  }
0x1ee: {  	v2 =	vmul.f32 $2.000000030e-01, v1;
	_ =	sdelay $0x1  }
0x1ef: {  	v1 =	vmax.f32 v1, v2  }
0x1f0: {  	v1 =	vmul.f32 $1.442695020e+00, v1;
	_ =	sdelay $0x1  }
0x1f1: {  	(erf) = vpow2.f32 v1;
	_ =	sdelay $0x5  }
0x1f2: {  	s10 =	sadd.s32 $0x40, s30  }
0x1f3: {  	v1 =	vld [tilespmem:s10+$0xFFFFFFE0]  }
0x1f4: {  	v2 =	vld [tilespmem:s10+$0xFFFFFFF0]  }
0x1f5: {  	v3 =	vld [tilespmem:s10+$0x0];
	v4 =	vpop (erf)  }
0x1f6: {  	v5 =	vld [tilespmem:s10+$0x10];
	v6 =	vbroadcast v4, $0x4  }
0x1f7: {  	v7 =	vbroadcast v4, $0x5  }
0x1f8: {  	v8 =	vbroadcast v4, $0x6;
	v1 =	vmul.f32 v6, v1  }
0x1f9: {  	v4 =	vbroadcast v4, $0x7;
	v2 =	vmul.f32 v7, v2  }
0x1fa: {  	v3 =	vmul.f32 v8, v3;
	[tilespmem:s10+$0xFFFFFFE0] =	vst v1  }
0x1fb: {  	s16 =	sadd.s32 $0x1, s16;
	v1 =	vmul.f32 v5, v4;
	[tilespmem:s10+$0xFFFFFFF0] =	vst v2  }
0x1fc: {  	p1 =	seq.s32 s16, $0x9D;
	[tilespmem:s10+$0x0] =	vst v3  }
.Ltmp12:
0x1fd: {  	[tilespmem:s10+$0x10] =	vst v1;
	(pc) =	sbr.rel @!p1 .LBB2_9-.Ltmp12, $4  }
0x1fe: {  	[spmem:s4] =	stream.indirect.scatter.add.f32 [tilespmem:s3], [sflag:$0x2], $0x40, s18, s22, $0xb8;
	[tilespmem:$0x1C500] =	vst v63  }
0x1ff: {  	_ =	swait.ge [sflag:s8], $0x2000  }
0x200: {  	[sflag:s8] =	ssyncset.done $0x0  }
0x201: {  	[sflag:s8] =	ssyncadd.s32 $0xFFFFE000  }
.Ltmp13:
0x202: {  	(pc) =	sbr.rel .LBB2_22-.Ltmp13, $2  }
0x203: {  	_ =	sdelay $0x2  }
0x204: {  	s10 =	rddreg [dreg:$0x12]  }
.LBB2_23:
0x205: {  	_ =	sfence.sel $0x180000  }
0x206: {  	[bflag:$0x0] =	sbarrier.arrive $0xFFFF  }
0x207: {  	_ =	strace $0x90000047  }
0x208: {  	s0 =	stileid.u32;
	[bflag:$0x2] =	sbarrier.arrive $0xFFFF  }
0x209: {  	p0 =	sne.s32 s0, $0x0;
	s0 =	rddreg [dreg:$0x5]  }
0x20a: {  	s0 =	sadd.s32 @!p0 $0x100000, s0  }
0x20b: {  	[sflag:s0] =	ssyncadd.tile.s32 @!p0 $0x1;
	_ =	shalt  }
.Lfunc_end2:
_tile_overlayer_lowered:
.L_overlay_start_2:
0x20c: {  	(tag) =	ssettag $0x2  }
0x20d: {  	s0 =	rddreg [dreg:$0x0];
	s2 =	stileid.u32  }
0x20e: {  	s1 =	rddreg [dreg:$0x1];
	p0 =	sne.s32 s2, $0x0  }
0x20f: {  	s3 =	rddreg [dreg:$0x2];
	[bflag:$0x3] =	sbarrier.arrive $0xFFFF;
	s2 =	simm.s32 @!p0 $0x1C02  }
0x210: {  	[timem:s3], [sflag:s2] =	dma.local @!p0 [hbm:s0], s1  }
0x211: {  	s0 =	simm.s32 @!p0 $0x2  }
0x212: {  	_ =	swait.ge @!p0 [sflag:s0], s1  }
0x213: {  	s1 =	ssub.s32 @!p0 $0x0, s1;
	[sflag:s0] =	ssyncset.done @!p0 $0x0  }
0x214: {  	[sflag:s0] =	ssyncadd.s32 @!p0 s1  }
0x215: {  	[bflag:$0x3] =	sbarrier.arrive $0xFFFF  }
0x216: {  	_ =	shalt  }

</sc_bundles>
